<compile_context>
chip_gen: v7x
topology: tpu7x:2x2x1
jax: 0.10.2.dev20260603
libtpu: 0.0.44.dev20260713+nightly
codegen_flags: <defaults>
</compile_context>

<pallas_src>
import functools

import jax
import jax.numpy as jnp
import numpy as np
from jax import lax
from jax.experimental import pallas as pl
from jax.experimental.pallas import tpu as pltpu
from jax.experimental.pallas import tpu_sc as plsc

_N = 100000
_E = 1600000
_NS = 16
_NP = 100096
_NPR = _NP * 16 // 128
_K = 6
_CHUNKS = 131
_EP = _NS * _K * 128 * _CHUNKS
_ROWS_PER_TILE = _NP // _NS
_INV_SQRT_BN = float(1.0 / np.sqrt(1.0 + 1e-5))
_BK = 4096
_BKR = _BK * 16 // 128


def _agg_body(T, srcR, dstR, zrows, out, sidx, didx, rows, acc, gsem, ssem):
    c = lax.axis_index("c")
    s = lax.axis_index("s")
    base = s * _ROWS_PER_TILE
    tab = T.at[c]

    pltpu.sync_copy(zrows, acc.at[pl.ds(base, _ROWS_PER_TILE)])
    plsc.subcore_barrier()

    ebase = s * (_EP // _NS // 128)

    def load_idx(slot, t):
        r0 = ebase + t * _K
        pltpu.sync_copy(srcR.at[pl.ds(r0, _K)], sidx.at[slot])
        pltpu.sync_copy(dstR.at[pl.ds(r0, _K)], didx.at[slot])

    def fire_gathers(slot):
        for j in range(_K):
            pltpu.async_copy(tab.at[sidx.at[slot, j]], rows.at[slot, j], gsem)

    def wait_gathers(slot):
        for j in range(_K):
            pltpu.make_async_copy(tab.at[sidx.at[slot, j]], rows.at[slot, j],
                                  gsem).wait()

    def fire_scatters(slot):
        for j in range(_K):
            pltpu.async_copy(rows.at[slot, j], acc.at[didx.at[slot, j]], ssem,
                             add=True)

    def wait_scatters(slot):
        for j in range(_K):
            pltpu.make_async_copy(rows.at[slot, j], acc.at[didx.at[slot, j]],
                                  ssem).wait()

    load_idx(0, 0)
    fire_gathers(0)

    def body(p, carry):
        @pl.when(p >= 1)
        def _():
            wait_scatters(1)

        load_idx(1, 2 * p + 1)
        fire_gathers(1)
        wait_gathers(0)
        fire_scatters(0)
        wait_scatters(0)
        load_idx(0, 2 * p + 2)
        fire_gathers(0)
        wait_gathers(1)
        fire_scatters(1)
        return carry

    lax.fori_loop(0, (_CHUNKS - 1) // 2, body, 0, unroll=False)

    wait_scatters(1)
    wait_gathers(0)
    fire_scatters(0)
    wait_scatters(0)

    plsc.subcore_barrier()

    pltpu.sync_copy(acc.at[pl.ds(base, _ROWS_PER_TILE)],
                    out.at[c, pl.ds(base, _ROWS_PER_TILE)])


@functools.cache
def _make_agg():
    return pl.kernel(
        _agg_body,
        out_type=jax.ShapeDtypeStruct((2, _NP, 16), jnp.float32),
        mesh=plsc.VectorSubcoreMesh(core_axis_name="c", subcore_axis_name="s"),
        compiler_params=pltpu.CompilerParams(use_tc_tiling_on_sc=False,
                                             disable_bounds_checks=True),
        scratch_types=[
            pltpu.VMEM((2, _K, 128), jnp.int32),
            pltpu.VMEM((2, _K, 128), jnp.int32),
            pltpu.VMEM((2, _K, 128, 16), jnp.float32),
            pltpu.VMEM_SHARED((_NP, 16), jnp.float32),
            pltpu.SemaphoreType.DMA,
            pltpu.SemaphoreType.DMA,
        ],
    )


def _agg(Tp, srcR, dstR, zrows):
    T = Tp.reshape(2, _NP, 16)
    s = _make_agg()(T, srcR, dstR, zrows)
    return s.reshape(2, _NPR, 128)


def _unpack(xp, w):
    return jnp.concatenate([xp[:, w * n:w * (n + 1)] for n in range(8)],
                           axis=0)


def _pack(x):
    r = x.shape[0] // 8
    return jnp.concatenate([x[n * r:(n + 1) * r] for n in range(8)], axis=1)


def _dense1_body(t1_ref, s1_ref, wl1aT, wl1bT, wr1aT, wr1bT, bl1, g1, b1,
                 wl2T, wr2T, bl2, t2_ref, r2_ref):
    sa = _unpack(s1_ref[0], 16)
    sb = _unpack(s1_ref[1], 16)
    xa = _unpack(t1_ref[0], 16)
    xb = _unpack(t1_ref[1], 16)
    dinv = 1.0 / jnp.maximum(sb[:, 4:5], 1.0)
    z = jnp.dot(sa * dinv, wl1aT[...], preferred_element_type=jnp.float32)
    z = z + jnp.dot(sb[:, 0:4] * dinv, wl1bT[...],
                    preferred_element_type=jnp.float32)
    z = z + jnp.dot(xa, wr1aT[...], preferred_element_type=jnp.float32)
    z = z + jnp.dot(xb[:, 0:4], wr1bT[...],
                    preferred_element_type=jnp.float32)
    z = z + bl1[...]
    h = jnp.maximum(z * (g1[...] * _INV_SQRT_BN) + b1[...], 0.0)
    y2 = jnp.dot(h, wl2T[...], preferred_element_type=jnp.float32)
    t2_ref[0] = _pack(y2[:, :16])
    t2_ref[1] = _pack(y2[:, 16:])
    r2 = jnp.dot(h, wr2T[...], preferred_element_type=jnp.float32) + bl2[...]
    r2_ref[...] = _pack(r2)


def _dense2_body(s2_ref, s1b_ref, r2_ref, g2, b2, wep, bep, wout, bout,
                 out_ref):
    sa = _unpack(s2_ref[0], 16)
    sb = _unpack(s2_ref[1], 16)
    sbd = _unpack(s1b_ref[0], 16)
    r2 = _unpack(r2_ref[...], 32)
    dinv = 1.0 / jnp.maximum(sbd[:, 4:5], 1.0)
    z2 = jnp.concatenate([sa, sb], axis=1) * dinv + r2
    h2 = jnp.maximum(z2 * (g2[...] * _INV_SQRT_BN) + b2[...], 0.0)
    logit = jnp.mean(h2, axis=1, keepdims=True)
    embed = jnp.maximum(logit * wep[...] + bep[...], 0.0)
    res = jnp.sum(embed * wout[...], axis=1, keepdims=True) + bout[...]
    out_ref[...] = _pack(res)


def _tab_spec():
    return pl.BlockSpec((2, _BKR, 128), lambda i: (0, i, 0))


def _full_spec(r, c):
    return pl.BlockSpec((r, c), lambda i: (0, 0))


_GRID = ((_N + _BK - 1) // _BK,)
_NOUT = _GRID[0] * _BKR


def _dense1(t1p, s1p, wl1aT, wl1bT, wr1aT, wr1bT, bl1, g1, b1, wl2T, wr2T,
            bl2):
    return pl.pallas_call(
        _dense1_body,
        grid=_GRID,
        in_specs=[
            _tab_spec(), _tab_spec(),
            _full_spec(16, 64), _full_spec(4, 64),
            _full_spec(16, 64), _full_spec(4, 64),
            _full_spec(1, 64), _full_spec(1, 64), _full_spec(1, 64),
            _full_spec(64, 32), _full_spec(64, 32), _full_spec(1, 32),
        ],
        out_specs=[_tab_spec(),
                   pl.BlockSpec((_BKR, 256), lambda i: (i, 0))],
        out_shape=[
            jax.ShapeDtypeStruct((2, _NPR, 128), jnp.float32),
            jax.ShapeDtypeStruct((_NOUT, 256), jnp.float32),
        ],
    )(t1p, s1p, wl1aT, wl1bT, wr1aT, wr1bT, bl1, g1, b1, wl2T, wr2T, bl2)


def _dense2(s2p, s1p, r2p, g2, b2, wepT, bep, wout, bout):
    return pl.pallas_call(
        _dense2_body,
        grid=_GRID,
        in_specs=[
            _tab_spec(),
            pl.BlockSpec((1, _BKR, 128), lambda i: (1, i, 0)),
            pl.BlockSpec((_BKR, 256), lambda i: (i, 0)),
            _full_spec(1, 32), _full_spec(1, 32), _full_spec(1, 32),
            _full_spec(1, 32), _full_spec(1, 32), _full_spec(1, 1),
        ],
        out_specs=[pl.BlockSpec((_BKR, 8), lambda i: (i, 0))],
        out_shape=[jax.ShapeDtypeStruct((_NOUT, 8), jnp.float32)],
    )(s2p, s1p, r2p, g2, b2, wepT, bep, wout, bout)[0]


def kernel(xs, xt, edge_index, Wl1, bl1, Wr1, Wl2, bl2, Wr2, g1, b1, g2, b2,
           Wep, bep, Wout, bout):
    src = edge_index[0]
    dst = edge_index[1]
    epad = _EP - _E
    pad1 = jnp.full((epad,), _N, jnp.int32)
    srcR = jnp.concatenate([src, pad1]).reshape(_EP // 128, 128)
    dstR = jnp.concatenate([dst, pad1]).reshape(_EP // 128, 128)
    zrows = jnp.zeros((_ROWS_PER_TILE, 16), jnp.float32)

    npad = ((0, _NP - _N), (0, 0))
    gA = jnp.pad(jnp.concatenate([xs, xt[:, :10]], axis=1), npad)
    gB = jnp.pad(jnp.concatenate(
        [xt[:, 10:14], jnp.ones((_N, 1), jnp.float32),
         jnp.zeros((_N, 11), jnp.float32)], axis=1), npad)
    T1p = jnp.stack([gA, gB]).reshape(2, _NPR, 128)
    s1p = _agg(T1p, srcR, dstR, zrows)

    T2p, r2p = _dense1(
        T1p, s1p,
        Wl1[:, :16].T, Wl1[:, 16:20].T, Wr1[:, :16].T, Wr1[:, 16:20].T,
        bl1.reshape(1, 64), g1.reshape(1, 64), b1.reshape(1, 64),
        Wl2.T, Wr2.T, bl2.reshape(1, 32))

    s2p = _agg(T2p, srcR, dstR, zrows)

    outp = _dense2(
        s2p, s1p, r2p,
        g2.reshape(1, 32), b2.reshape(1, 32),
        Wep.T, bep.reshape(1, 32), Wout, bout.reshape(1, 1))
    return outp.reshape(-1)[:_N]

# --- scband reference (transcript-rebuilt; emitter-appended) ---
"""Pipeline reference for scband-saidigraph-model-23570780520828 (READ-ONLY COPY).

The authoritative reference and input builder live on the scoring server;
editing this copy changes nothing except your own understanding.
"""

import jax, jax.numpy as jnp
import numpy as np

N = 100000
E = 1600000
IN_DIM = 20
HIDDEN = 64
H2 = 32

def setup_inputs(seed: int = 0):
    key = jax.random.key(seed)
    ks = jax.random.split(key, 20)
    xs = jax.random.normal(ks[0], (N, 6), dtype=jnp.float32)
    xt = jax.random.normal(ks[1], (N, 14), dtype=jnp.float32)
    edge_index = jax.random.randint(ks[2], (2, E), 0, N, dtype=jnp.int32)
    s = 0.1
    Wl1 = jax.random.normal(ks[3], (HIDDEN, IN_DIM), dtype=jnp.float32) * s
    bl1 = jnp.zeros((HIDDEN,), dtype=jnp.float32)
    Wr1 = jax.random.normal(ks[4], (HIDDEN, IN_DIM), dtype=jnp.float32) * s
    Wl2 = jax.random.normal(ks[5], (H2, HIDDEN), dtype=jnp.float32) * s
    bl2 = jnp.zeros((H2,), dtype=jnp.float32)
    Wr2 = jax.random.normal(ks[6], (H2, HIDDEN), dtype=jnp.float32) * s
    g1 = jnp.ones((HIDDEN,), dtype=jnp.float32)
    b1 = jnp.zeros((HIDDEN,), dtype=jnp.float32)
    g2 = jnp.ones((H2,), dtype=jnp.float32)
    b2 = jnp.zeros((H2,), dtype=jnp.float32)
    Wep = jax.random.normal(ks[7], (32, 1), dtype=jnp.float32) * s
    bep = jnp.zeros((32,), dtype=jnp.float32)
    Wout = jax.random.normal(ks[8], (1, 32), dtype=jnp.float32) * s
    bout = jnp.zeros((1,), dtype=jnp.float32)
    return {"xs": xs, "xt": xt, "edge_index": edge_index,
            "Wl1": Wl1, "bl1": bl1, "Wr1": Wr1,
            "Wl2": Wl2, "bl2": bl2, "Wr2": Wr2,
            "g1": g1, "b1": b1, "g2": g2, "b2": b2,
            "Wep": Wep, "bep": bep, "Wout": Wout, "bout": bout}

def _sage(x, edge_index, Wl, bl, Wr):
    # PyG SAGEConv: mean-aggregate source features at dst, lin_l(aggr)+lin_r(x)
    src = edge_index[0]
    dst = edge_index[1]
    msg_sum = jax.ops.segment_sum(x[src], dst, num_segments=N)
    deg = jax.ops.segment_sum(jnp.ones((edge_index.shape[1],), x.dtype), dst, num_segments=N)
    mean = msg_sum / jnp.maximum(deg, 1.0)[:, None]
    return mean @ Wl.T + bl + x @ Wr.T

def _bn_eval(x, g, b):
    # BatchNorm1d eval mode with init running stats (mean=0, var=1)
    return (x / jnp.sqrt(1.0 + 1e-5)) * g + b

def reference(xs, xt, edge_index, Wl1, bl1, Wr1, Wl2, bl2, Wr2, g1, b1, g2, b2, Wep, bep, Wout, bout):
    x = jnp.concatenate([xs, xt], axis=-1)
    h = jax.nn.relu(_bn_eval(_sage(x, edge_index, Wl1, bl1, Wr1), g1, b1))
    # dropout is identity in eval mode
    h = jax.nn.relu(_bn_eval(_sage(h, edge_index, Wl2, bl2, Wr2), g2, b2))
    logit_raw = h.mean(axis=-1, keepdims=True)
    embed = jax.nn.relu(logit_raw @ Wep.T + bep)
    outage_logit = (embed @ Wout.T + bout)[:, 0]
    return outage_logit

if __name__ == "__main__":
    import jax
    _d = setup_inputs()
    print(jax.jit(kernel)(*tuple(_d.values())))

</pallas_src>

<mosaic_0001>
#map = affine_map<(d0, d1) -> (0, 0, 0)>
#map1 = affine_map<(d0, d1) -> (0, 0)>
module attributes {stable_mosaic.version = 14 : i64} {
  func.func @_agg_body(%arg0: i32, %arg1: i32, %arg2: memref<2x100096x16xf32, #tpu.memory_space<hbm>>, %arg3: memref<12576x128xi32, #tpu.memory_space<hbm>>, %arg4: memref<12576x128xi32, #tpu.memory_space<hbm>>, %arg5: memref<6256x16xf32, #tpu.memory_space<hbm>>, %arg6: memref<2x100096x16xf32, #tpu.memory_space<hbm>>, %arg7: memref<2x6x128xi32, #tpu.memory_space<vmem>>, %arg8: memref<2x6x128xi32, #tpu.memory_space<vmem>>, %arg9: memref<2x6x128x16xf32, #tpu.memory_space<vmem>>, %arg10: memref<100096x16xf32, #tpu.memory_space<vmem_shared>>, %arg11: memref<!tpu.dma_semaphore, #tpu.memory_space<semaphore_mem>>, %arg12: memref<!tpu.dma_semaphore, #tpu.memory_space<semaphore_mem>>) attributes {dimension_semantics = [#tpu.dimension_semantics<core_parallel>, #tpu.dimension_semantics<subcore_parallel>], iteration_bounds = array<i64: 2, 16>, scalar_prefetch = 0 : i64, scratch_operands = 6 : i64, tpu.core_type = #tpu.core_type<sc_vector_subcore>, window_params = [{transform_indices = #map}, {transform_indices = #map1}, {transform_indices = #map1}, {transform_indices = #map1}, {transform_indices = #map}]} {
    %mul3A = arith.constant 6256 : i32
    %mul3A_0 = arith.muli %arg1, %mul3A : i32
    "tpu.region"() ({
      %run_scoped3A_477 = tpu.sem_alloc : memref<!tpu.dma_semaphore, #tpu.memory_space<semaphore_mem>>
      %dma_start3A_478 = arith.constant 0 : i32
      %dma_start3A_479 = tpu.memref_slice %arg10[%mul3A_0, %dma_start3A_478] : memref<100096x16xf32, #tpu.memory_space<vmem_shared>> -> memref<6256x16xf32, #tpu.memory_space<vmem_shared>>
      tpu.enqueue_dma source(%arg5 : memref<6256x16xf32, #tpu.memory_space<hbm>>) target(%dma_start3A_479 : memref<6256x16xf32, #tpu.memory_space<vmem_shared>>) target_semaphore(%run_scoped3A_477 : memref<!tpu.dma_semaphore, #tpu.memory_space<semaphore_mem>>)
      %dma_wait3A_480 = arith.constant 0 : i32
      %dma_wait3A_481 = tpu.memref_slice %arg10[%mul3A_0, %dma_wait3A_480] : memref<100096x16xf32, #tpu.memory_space<vmem_shared>> -> memref<6256x16xf32, #tpu.memory_space<vmem_shared>>
      tpu.wait_dma2 semaphore(%run_scoped3A_477 : memref<!tpu.dma_semaphore, #tpu.memory_space<semaphore_mem>>) src(%arg5 : memref<6256x16xf32, #tpu.memory_space<hbm>>) dst(%dma_wait3A_481 : memref<6256x16xf32, #tpu.memory_space<vmem_shared>>)
      tpu.yield
    }) : () -> ()
    %barrier3A = arith.constant 0 : index
    tpu.barrier barrier_id(%barrier3A)
    %mul3A_1 = arith.constant 786 : i32
    %mul3A_2 = arith.muli %arg1, %mul3A_1 : i32
    %add3A = arith.constant 0 : i32
    %add3A_3 = arith.addi %mul3A_2, %add3A : i32
    %run_scoped3A = arith.constant 0 : i32
    "tpu.region"() ({
      %run_scoped3A_477 = tpu.sem_alloc : memref<!tpu.dma_semaphore, #tpu.memory_space<semaphore_mem>>
      %dma_start3A_478 = arith.constant 0 : i32
      %dma_start3A_479 = arith.constant 0 : i32
      %dma_start3A_480 = tpu.memref_slice %arg7[%run_scoped3A, %dma_start3A_478, %dma_start3A_479] : memref<2x6x128xi32, #tpu.memory_space<vmem>> -> memref<1x6x128xi32, #tpu.memory_space<vmem>>
      %dma_start3A_481 = tpu.memref_squeeze %dma_start3A_480 : memref<1x6x128xi32, #tpu.memory_space<vmem>> -> memref<6x128xi32, #tpu.memory_space<vmem>>
      %dma_start3A_482 = arith.constant 0 : i32
      %dma_start3A_483 = tpu.memref_slice %arg3[%add3A_3, %dma_start3A_482] : memref<12576x128xi32, #tpu.memory_space<hbm>> -> memref<6x128xi32, #tpu.memory_space<hbm>>
      %dma_start3A_484 = arith.constant 0 : i32
      %dma_start3A_485 = arith.constant 0 : i32
      %dma_start3A_486 = tpu.memref_slice %arg7[%run_scoped3A, %dma_start3A_484, %dma_start3A_485] : memref<2x6x128xi32, #tpu.memory_space<vmem>> -> memref<1x6x128xi32, #tpu.memory_space<vmem>>
      %dma_start3A_487 = tpu.memref_squeeze %dma_start3A_486 : memref<1x6x128xi32, #tpu.memory_space<vmem>> -> memref<6x128xi32, #tpu.memory_space<vmem>>
      %dma_start3A_488 = arith.constant 0 : i32
      %dma_start3A_489 = tpu.memref_slice %arg3[%add3A_3, %dma_start3A_488] : memref<12576x128xi32, #tpu.memory_space<hbm>> -> memref<6x128xi32, #tpu.memory_space<hbm>>
      tpu.enqueue_dma source(%dma_start3A_489 : memref<6x128xi32, #tpu.memory_space<hbm>>) target(%dma_start3A_487 : memref<6x128xi32, #tpu.memory_space<vmem>>) target_semaphore(%run_scoped3A_477 : memref<!tpu.dma_semaphore, #tpu.memory_space<semaphore_mem>>)
      %dma_wait3A_490 = arith.constant 0 : i32
      %dma_wait3A_491 = arith.constant 0 : i32
      %dma_wait3A_492 = tpu.memref_slice %arg7[%run_scoped3A, %dma_wait3A_490, %dma_wait3A_491] : memref<2x6x128xi32, #tpu.memory_space<vmem>> -> memref<1x6x128xi32, #tpu.memory_space<vmem>>
      %dma_wait3A_493 = tpu.memref_squeeze %dma_wait3A_492 : memref<1x6x128xi32, #tpu.memory_space<vmem>> -> memref<6x128xi32, #tpu.memory_space<vmem>>
      %dma_wait3A_494 = arith.constant 0 : i32
      %dma_wait3A_495 = tpu.memref_slice %arg3[%add3A_3, %dma_wait3A_494] : memref<12576x128xi32, #tpu.memory_space<hbm>> -> memref<6x128xi32, #tpu.memory_space<hbm>>
      %dma_wait3A_496 = arith.constant 0 : i32
      %dma_wait3A_497 = arith.constant 0 : i32
      %dma_wait3A_498 = tpu.memref_slice %arg7[%run_scoped3A, %dma_wait3A_496, %dma_wait3A_497] : memref<2x6x128xi32, #tpu.memory_space<vmem>> -> memref<1x6x128xi32, #tpu.memory_space<vmem>>
      %dma_wait3A_499 = tpu.memref_squeeze %dma_wait3A_498 : memref<1x6x128xi32, #tpu.memory_space<vmem>> -> memref<6x128xi32, #tpu.memory_space<vmem>>
      %dma_wait3A_500 = arith.constant 0 : i32
      %dma_wait3A_501 = tpu.memref_slice %arg3[%add3A_3, %dma_wait3A_500] : memref<12576x128xi32, #tpu.memory_space<hbm>> -> memref<6x128xi32, #tpu.memory_space<hbm>>
      tpu.wait_dma2 semaphore(%run_scoped3A_477 : memref<!tpu.dma_semaphore, #tpu.memory_space<semaphore_mem>>) src(%dma_wait3A_501 : memref<6x128xi32, #tpu.memory_space<hbm>>) dst(%dma_wait3A_499 : memref<6x128xi32, #tpu.memory_space<vmem>>)
      tpu.yield
    }) : () -> ()
    %run_scoped3A_4 = arith.constant 0 : i32
    "tpu.region"() ({
      %run_scoped3A_477 = tpu.sem_alloc : memref<!tpu.dma_semaphore, #tpu.memory_space<semaphore_mem>>
      %dma_start3A_478 = arith.constant 0 : i32
      %dma_start3A_479 = arith.constant 0 : i32
      %dma_start3A_480 = tpu.memref_slice %arg8[%run_scoped3A_4, %dma_start3A_478, %dma_start3A_479] : memref<2x6x128xi32, #tpu.memory_space<vmem>> -> memref<1x6x128xi32, #tpu.memory_space<vmem>>
      %dma_start3A_481 = tpu.memref_squeeze %dma_start3A_480 : memref<1x6x128xi32, #tpu.memory_space<vmem>> -> memref<6x128xi32, #tpu.memory_space<vmem>>
      %dma_start3A_482 = arith.constant 0 : i32
      %dma_start3A_483 = tpu.memref_slice %arg4[%add3A_3, %dma_start3A_482] : memref<12576x128xi32, #tpu.memory_space<hbm>> -> memref<6x128xi32, #tpu.memory_space<hbm>>
      %dma_start3A_484 = arith.constant 0 : i32
      %dma_start3A_485 = arith.constant 0 : i32
      %dma_start3A_486 = tpu.memref_slice %arg8[%run_scoped3A_4, %dma_start3A_484, %dma_start3A_485] : memref<2x6x128xi32, #tpu.memory_space<vmem>> -> memref<1x6x128xi32, #tpu.memory_space<vmem>>
      %dma_start3A_487 = tpu.memref_squeeze %dma_start3A_486 : memref<1x6x128xi32, #tpu.memory_space<vmem>> -> memref<6x128xi32, #tpu.memory_space<vmem>>
      %dma_start3A_488 = arith.constant 0 : i32
      %dma_start3A_489 = tpu.memref_slice %arg4[%add3A_3, %dma_start3A_488] : memref<12576x128xi32, #tpu.memory_space<hbm>> -> memref<6x128xi32, #tpu.memory_space<hbm>>
      tpu.enqueue_dma source(%dma_start3A_489 : memref<6x128xi32, #tpu.memory_space<hbm>>) target(%dma_start3A_487 : memref<6x128xi32, #tpu.memory_space<vmem>>) target_semaphore(%run_scoped3A_477 : memref<!tpu.dma_semaphore, #tpu.memory_space<semaphore_mem>>)
      %dma_wait3A_490 = arith.constant 0 : i32
      %dma_wait3A_491 = arith.constant 0 : i32
      %dma_wait3A_492 = tpu.memref_slice %arg8[%run_scoped3A_4, %dma_wait3A_490, %dma_wait3A_491] : memref<2x6x128xi32, #tpu.memory_space<vmem>> -> memref<1x6x128xi32, #tpu.memory_space<vmem>>
      %dma_wait3A_493 = tpu.memref_squeeze %dma_wait3A_492 : memref<1x6x128xi32, #tpu.memory_space<vmem>> -> memref<6x128xi32, #tpu.memory_space<vmem>>
      %dma_wait3A_494 = arith.constant 0 : i32
      %dma_wait3A_495 = tpu.memref_slice %arg4[%add3A_3, %dma_wait3A_494] : memref<12576x128xi32, #tpu.memory_space<hbm>> -> memref<6x128xi32, #tpu.memory_space<hbm>>
      %dma_wait3A_496 = arith.constant 0 : i32
      %dma_wait3A_497 = arith.constant 0 : i32
      %dma_wait3A_498 = tpu.memref_slice %arg8[%run_scoped3A_4, %dma_wait3A_496, %dma_wait3A_497] : memref<2x6x128xi32, #tpu.memory_space<vmem>> -> memref<1x6x128xi32, #tpu.memory_space<vmem>>
      %dma_wait3A_499 = tpu.memref_squeeze %dma_wait3A_498 : memref<1x6x128xi32, #tpu.memory_space<vmem>> -> memref<6x128xi32, #tpu.memory_space<vmem>>
      %dma_wait3A_500 = arith.constant 0 : i32
      %dma_wait3A_501 = tpu.memref_slice %arg4[%add3A_3, %dma_wait3A_500] : memref<12576x128xi32, #tpu.memory_space<hbm>> -> memref<6x128xi32, #tpu.memory_space<hbm>>
      tpu.wait_dma2 semaphore(%run_scoped3A_477 : memref<!tpu.dma_semaphore, #tpu.memory_space<semaphore_mem>>) src(%dma_wait3A_501 : memref<6x128xi32, #tpu.memory_space<hbm>>) dst(%dma_wait3A_499 : memref<6x128xi32, #tpu.memory_space<vmem>>)
      tpu.yield
    }) : () -> ()
    %dma_start3A = arith.constant 0 : i32
    %dma_start3A_5 = arith.constant 0 : i32
    %dma_start3A_6 = arith.constant 0 : i32
    %dma_start3A_7 = arith.constant 0 : i32
    %dma_start3A_8 = arith.constant 0 : i32
    %dma_start3A_9 = arith.constant 0 : i32
    %dma_start3A_10 = tpu.memref_slice %arg9[%dma_start3A_6, %dma_start3A_7, %dma_start3A_8, %dma_start3A_9] : memref<2x6x128x16xf32, #tpu.memory_space<vmem>> -> memref<1x1x128x16xf32, #tpu.memory_space<vmem>>
    %dma_start3A_11 = tpu.memref_squeeze %dma_start3A_10 : memref<1x1x128x16xf32, #tpu.memory_space<vmem>> -> memref<128x16xf32, #tpu.memory_space<vmem>>
    %dma_start3A_12 = arith.constant 0 : i32
    %dma_start3A_13 = tpu.memref_slice %arg7[%dma_start3A, %dma_start3A_5, %dma_start3A_12] : memref<2x6x128xi32, #tpu.memory_space<vmem>> -> memref<1x1x128xi32, #tpu.memory_space<vmem>>
    %dma_start3A_14 = tpu.memref_squeeze %dma_start3A_13 : memref<1x1x128xi32, #tpu.memory_space<vmem>> -> memref<128xi32, #tpu.memory_space<vmem>>
    %dma_start3A_15 = arith.constant 0 : i32
    %dma_start3A_16 = arith.constant 0 : i32
    %dma_start3A_17 = tpu.memref_slice %arg2[%arg0, %dma_start3A_15, %dma_start3A_16] : memref<2x100096x16xf32, #tpu.memory_space<hbm>> -> memref<1x100096x16xf32, #tpu.memory_space<hbm>>
    %dma_start3A_18 = tpu.memref_squeeze %dma_start3A_17 : memref<1x100096x16xf32, #tpu.memory_space<hbm>> -> memref<100096x16xf32, #tpu.memory_space<hbm>>
    %dma_start3A_19 = arith.constant 0 : i32
    %dma_start3A_20 = arith.constant 0 : i32
    %dma_start3A_21 = tpu.memref_slice %dma_start3A_18[%dma_start3A_19, %dma_start3A_20] : memref<100096x16xf32, #tpu.memory_space<hbm>> -> memref<100096x16xf32, #tpu.memory_space<hbm>>
    tpu.enqueue_indirect_dma source(%dma_start3A_21 : memref<100096x16xf32, #tpu.memory_space<hbm>>) target(%dma_start3A_11 : memref<128x16xf32, #tpu.memory_space<vmem>>) offsets(%dma_start3A_14 : memref<128xi32, #tpu.memory_space<vmem>>) semaphore(%arg11 : memref<!tpu.dma_semaphore, #tpu.memory_space<semaphore_mem>>)
    %dma_start3A_22 = arith.constant 0 : i32
    %dma_start3A_23 = arith.constant 1 : i32
    %dma_start3A_24 = arith.constant 0 : i32
    %dma_start3A_25 = arith.constant 1 : i32
    %dma_start3A_26 = arith.constant 0 : i32
    %dma_start3A_27 = arith.constant 0 : i32
    %dma_start3A_28 = tpu.memref_slice %arg9[%dma_start3A_24, %dma_start3A_25, %dma_start3A_26, %dma_start3A_27] : memref<2x6x128x16xf32, #tpu.memory_space<vmem>> -> memref<1x1x128x16xf32, #tpu.memory_space<vmem>>
    %dma_start3A_29 = tpu.memref_squeeze %dma_start3A_28 : memref<1x1x128x16xf32, #tpu.memory_space<vmem>> -> memref<128x16xf32, #tpu.memory_space<vmem>>
    %dma_start3A_30 = arith.constant 0 : i32
    %dma_start3A_31 = tpu.memref_slice %arg7[%dma_start3A_22, %dma_start3A_23, %dma_start3A_30] : memref<2x6x128xi32, #tpu.memory_space<vmem>> -> memref<1x1x128xi32, #tpu.memory_space<vmem>>
    %dma_start3A_32 = tpu.memref_squeeze %dma_start3A_31 : memref<1x1x128xi32, #tpu.memory_space<vmem>> -> memref<128xi32, #tpu.memory_space<vmem>>
    %dma_start3A_33 = arith.constant 0 : i32
    %dma_start3A_34 = arith.constant 0 : i32
    %dma_start3A_35 = tpu.memref_slice %arg2[%arg0, %dma_start3A_33, %dma_start3A_34] : memref<2x100096x16xf32, #tpu.memory_space<hbm>> -> memref<1x100096x16xf32, #tpu.memory_space<hbm>>
    %dma_start3A_36 = tpu.memref_squeeze %dma_start3A_35 : memref<1x100096x16xf32, #tpu.memory_space<hbm>> -> memref<100096x16xf32, #tpu.memory_space<hbm>>
    %dma_start3A_37 = arith.constant 0 : i32
    %dma_start3A_38 = arith.constant 0 : i32
    %dma_start3A_39 = tpu.memref_slice %dma_start3A_36[%dma_start3A_37, %dma_start3A_38] : memref<100096x16xf32, #tpu.memory_space<hbm>> -> memref<100096x16xf32, #tpu.memory_space<hbm>>
    tpu.enqueue_indirect_dma source(%dma_start3A_39 : memref<100096x16xf32, #tpu.memory_space<hbm>>) target(%dma_start3A_29 : memref<128x16xf32, #tpu.memory_space<vmem>>) offsets(%dma_start3A_32 : memref<128xi32, #tpu.memory_space<vmem>>) semaphore(%arg11 : memref<!tpu.dma_semaphore, #tpu.memory_space<semaphore_mem>>)
    %dma_start3A_40 = arith.constant 0 : i32
    %dma_start3A_41 = arith.constant 2 : i32
    %dma_start3A_42 = arith.constant 0 : i32
    %dma_start3A_43 = arith.constant 2 : i32
    %dma_start3A_44 = arith.constant 0 : i32
    %dma_start3A_45 = arith.constant 0 : i32
    %dma_start3A_46 = tpu.memref_slice %arg9[%dma_start3A_42, %dma_start3A_43, %dma_start3A_44, %dma_start3A_45] : memref<2x6x128x16xf32, #tpu.memory_space<vmem>> -> memref<1x1x128x16xf32, #tpu.memory_space<vmem>>
    %dma_start3A_47 = tpu.memref_squeeze %dma_start3A_46 : memref<1x1x128x16xf32, #tpu.memory_space<vmem>> -> memref<128x16xf32, #tpu.memory_space<vmem>>
    %dma_start3A_48 = arith.constant 0 : i32
    %dma_start3A_49 = tpu.memref_slice %arg7[%dma_start3A_40, %dma_start3A_41, %dma_start3A_48] : memref<2x6x128xi32, #tpu.memory_space<vmem>> -> memref<1x1x128xi32, #tpu.memory_space<vmem>>
    %dma_start3A_50 = tpu.memref_squeeze %dma_start3A_49 : memref<1x1x128xi32, #tpu.memory_space<vmem>> -> memref<128xi32, #tpu.memory_space<vmem>>
    %dma_start3A_51 = arith.constant 0 : i32
    %dma_start3A_52 = arith.constant 0 : i32
    %dma_start3A_53 = tpu.memref_slice %arg2[%arg0, %dma_start3A_51, %dma_start3A_52] : memref<2x100096x16xf32, #tpu.memory_space<hbm>> -> memref<1x100096x16xf32, #tpu.memory_space<hbm>>
    %dma_start3A_54 = tpu.memref_squeeze %dma_start3A_53 : memref<1x100096x16xf32, #tpu.memory_space<hbm>> -> memref<100096x16xf32, #tpu.memory_space<hbm>>
    %dma_start3A_55 = arith.constant 0 : i32
    %dma_start3A_56 = arith.constant 0 : i32
    %dma_start3A_57 = tpu.memref_slice %dma_start3A_54[%dma_start3A_55, %dma_start3A_56] : memref<100096x16xf32, #tpu.memory_space<hbm>> -> memref<100096x16xf32, #tpu.memory_space<hbm>>
    tpu.enqueue_indirect_dma source(%dma_start3A_57 : memref<100096x16xf32, #tpu.memory_space<hbm>>) target(%dma_start3A_47 : memref<128x16xf32, #tpu.memory_space<vmem>>) offsets(%dma_start3A_50 : memref<128xi32, #tpu.memory_space<vmem>>) semaphore(%arg11 : memref<!tpu.dma_semaphore, #tpu.memory_space<semaphore_mem>>)
    %dma_start3A_58 = arith.constant 0 : i32
    %dma_start3A_59 = arith.constant 3 : i32
    %dma_start3A_60 = arith.constant 0 : i32
    %dma_start3A_61 = arith.constant 3 : i32
    %dma_start3A_62 = arith.constant 0 : i32
    %dma_start3A_63 = arith.constant 0 : i32
    %dma_start3A_64 = tpu.memref_slice %arg9[%dma_start3A_60, %dma_start3A_61, %dma_start3A_62, %dma_start3A_63] : memref<2x6x128x16xf32, #tpu.memory_space<vmem>> -> memref<1x1x128x16xf32, #tpu.memory_space<vmem>>
    %dma_start3A_65 = tpu.memref_squeeze %dma_start3A_64 : memref<1x1x128x16xf32, #tpu.memory_space<vmem>> -> memref<128x16xf32, #tpu.memory_space<vmem>>
    %dma_start3A_66 = arith.constant 0 : i32
    %dma_start3A_67 = tpu.memref_slice %arg7[%dma_start3A_58, %dma_start3A_59, %dma_start3A_66] : memref<2x6x128xi32, #tpu.memory_space<vmem>> -> memref<1x1x128xi32, #tpu.memory_space<vmem>>
    %dma_start3A_68 = tpu.memref_squeeze %dma_start3A_67 : memref<1x1x128xi32, #tpu.memory_space<vmem>> -> memref<128xi32, #tpu.memory_space<vmem>>
    %dma_start3A_69 = arith.constant 0 : i32
    %dma_start3A_70 = arith.constant 0 : i32
    %dma_start3A_71 = tpu.memref_slice %arg2[%arg0, %dma_start3A_69, %dma_start3A_70] : memref<2x100096x16xf32, #tpu.memory_space<hbm>> -> memref<1x100096x16xf32, #tpu.memory_space<hbm>>
    %dma_start3A_72 = tpu.memref_squeeze %dma_start3A_71 : memref<1x100096x16xf32, #tpu.memory_space<hbm>> -> memref<100096x16xf32, #tpu.memory_space<hbm>>
    %dma_start3A_73 = arith.constant 0 : i32
    %dma_start3A_74 = arith.constant 0 : i32
    %dma_start3A_75 = tpu.memref_slice %dma_start3A_72[%dma_start3A_73, %dma_start3A_74] : memref<100096x16xf32, #tpu.memory_space<hbm>> -> memref<100096x16xf32, #tpu.memory_space<hbm>>
    tpu.enqueue_indirect_dma source(%dma_start3A_75 : memref<100096x16xf32, #tpu.memory_space<hbm>>) target(%dma_start3A_65 : memref<128x16xf32, #tpu.memory_space<vmem>>) offsets(%dma_start3A_68 : memref<128xi32, #tpu.memory_space<vmem>>) semaphore(%arg11 : memref<!tpu.dma_semaphore, #tpu.memory_space<semaphore_mem>>)
    %dma_start3A_76 = arith.constant 0 : i32
    %dma_start3A_77 = arith.constant 4 : i32
    %dma_start3A_78 = arith.constant 0 : i32
    %dma_start3A_79 = arith.constant 4 : i32
    %dma_start3A_80 = arith.constant 0 : i32
    %dma_start3A_81 = arith.constant 0 : i32
    %dma_start3A_82 = tpu.memref_slice %arg9[%dma_start3A_78, %dma_start3A_79, %dma_start3A_80, %dma_start3A_81] : memref<2x6x128x16xf32, #tpu.memory_space<vmem>> -> memref<1x1x128x16xf32, #tpu.memory_space<vmem>>
    %dma_start3A_83 = tpu.memref_squeeze %dma_start3A_82 : memref<1x1x128x16xf32, #tpu.memory_space<vmem>> -> memref<128x16xf32, #tpu.memory_space<vmem>>
    %dma_start3A_84 = arith.constant 0 : i32
    %dma_start3A_85 = tpu.memref_slice %arg7[%dma_start3A_76, %dma_start3A_77, %dma_start3A_84] : memref<2x6x128xi32, #tpu.memory_space<vmem>> -> memref<1x1x128xi32, #tpu.memory_space<vmem>>
    %dma_start3A_86 = tpu.memref_squeeze %dma_start3A_85 : memref<1x1x128xi32, #tpu.memory_space<vmem>> -> memref<128xi32, #tpu.memory_space<vmem>>
    %dma_start3A_87 = arith.constant 0 : i32
    %dma_start3A_88 = arith.constant 0 : i32
    %dma_start3A_89 = tpu.memref_slice %arg2[%arg0, %dma_start3A_87, %dma_start3A_88] : memref<2x100096x16xf32, #tpu.memory_space<hbm>> -> memref<1x100096x16xf32, #tpu.memory_space<hbm>>
    %dma_start3A_90 = tpu.memref_squeeze %dma_start3A_89 : memref<1x100096x16xf32, #tpu.memory_space<hbm>> -> memref<100096x16xf32, #tpu.memory_space<hbm>>
    %dma_start3A_91 = arith.constant 0 : i32
    %dma_start3A_92 = arith.constant 0 : i32
    %dma_start3A_93 = tpu.memref_slice %dma_start3A_90[%dma_start3A_91, %dma_start3A_92] : memref<100096x16xf32, #tpu.memory_space<hbm>> -> memref<100096x16xf32, #tpu.memory_space<hbm>>
    tpu.enqueue_indirect_dma source(%dma_start3A_93 : memref<100096x16xf32, #tpu.memory_space<hbm>>) target(%dma_start3A_83 : memref<128x16xf32, #tpu.memory_space<vmem>>) offsets(%dma_start3A_86 : memref<128xi32, #tpu.memory_space<vmem>>) semaphore(%arg11 : memref<!tpu.dma_semaphore, #tpu.memory_space<semaphore_mem>>)
    %dma_start3A_94 = arith.constant 0 : i32
    %dma_start3A_95 = arith.constant 5 : i32
    %dma_start3A_96 = arith.constant 0 : i32
    %dma_start3A_97 = arith.constant 5 : i32
    %dma_start3A_98 = arith.constant 0 : i32
    %dma_start3A_99 = arith.constant 0 : i32
    %dma_start3A_100 = tpu.memref_slice %arg9[%dma_start3A_96, %dma_start3A_97, %dma_start3A_98, %dma_start3A_99] : memref<2x6x128x16xf32, #tpu.memory_space<vmem>> -> memref<1x1x128x16xf32, #tpu.memory_space<vmem>>
    %dma_start3A_101 = tpu.memref_squeeze %dma_start3A_100 : memref<1x1x128x16xf32, #tpu.memory_space<vmem>> -> memref<128x16xf32, #tpu.memory_space<vmem>>
    %dma_start3A_102 = arith.constant 0 : i32
    %dma_start3A_103 = tpu.memref_slice %arg7[%dma_start3A_94, %dma_start3A_95, %dma_start3A_102] : memref<2x6x128xi32, #tpu.memory_space<vmem>> -> memref<1x1x128xi32, #tpu.memory_space<vmem>>
    %dma_start3A_104 = tpu.memref_squeeze %dma_start3A_103 : memref<1x1x128xi32, #tpu.memory_space<vmem>> -> memref<128xi32, #tpu.memory_space<vmem>>
    %dma_start3A_105 = arith.constant 0 : i32
    %dma_start3A_106 = arith.constant 0 : i32
    %dma_start3A_107 = tpu.memref_slice %arg2[%arg0, %dma_start3A_105, %dma_start3A_106] : memref<2x100096x16xf32, #tpu.memory_space<hbm>> -> memref<1x100096x16xf32, #tpu.memory_space<hbm>>
    %dma_start3A_108 = tpu.memref_squeeze %dma_start3A_107 : memref<1x100096x16xf32, #tpu.memory_space<hbm>> -> memref<100096x16xf32, #tpu.memory_space<hbm>>
    %dma_start3A_109 = arith.constant 0 : i32
    %dma_start3A_110 = arith.constant 0 : i32
    %dma_start3A_111 = tpu.memref_slice %dma_start3A_108[%dma_start3A_109, %dma_start3A_110] : memref<100096x16xf32, #tpu.memory_space<hbm>> -> memref<100096x16xf32, #tpu.memory_space<hbm>>
    tpu.enqueue_indirect_dma source(%dma_start3A_111 : memref<100096x16xf32, #tpu.memory_space<hbm>>) target(%dma_start3A_101 : memref<128x16xf32, #tpu.memory_space<vmem>>) offsets(%dma_start3A_104 : memref<128xi32, #tpu.memory_space<vmem>>) semaphore(%arg11 : memref<!tpu.dma_semaphore, #tpu.memory_space<semaphore_mem>>)
    %scan3A = arith.constant 0 : i32
    %scan3A_112 = arith.constant 0 : i32
    %scan3A_113 = arith.constant 65 : i32
    %scan3A_114 = arith.addi %scan3A_112, %scan3A_113 : i32
    %scan3A_115 = arith.constant 1 : i32
    scf.for %scan3A_477 = %scan3A_112 to %scan3A_114 step %scan3A_115  : i32 {
      %ge3A = arith.constant 1 : i32
      %ge3A_478 = arith.cmpi sge, %scan3A_477, %ge3A : i32
      %convert_element_type3A = arith.extui %ge3A_478 : i1 to i32
      %cond3A = arith.constant 0 : i32
      %cond3A_479 = arith.cmpi ne, %convert_element_type3A, %cond3A : i32
      scf.if %cond3A_479 {
        %dma_wait3A_1182 = arith.constant 1 : i32
        %dma_wait3A_1183 = arith.constant 0 : i32
        %dma_wait3A_1184 = arith.constant 1 : i32
        %dma_wait3A_1185 = arith.constant 0 : i32
        %dma_wait3A_1186 = arith.constant 0 : i32
        %dma_wait3A_1187 = arith.constant 0 : i32
        %dma_wait3A_1188 = tpu.memref_slice %arg9[%dma_wait3A_1182, %dma_wait3A_1183, %dma_wait3A_1186, %dma_wait3A_1187] : memref<2x6x128x16xf32, #tpu.memory_space<vmem>> -> memref<1x1x128x16xf32, #tpu.memory_space<vmem>>
        %dma_wait3A_1189 = tpu.memref_squeeze %dma_wait3A_1188 : memref<1x1x128x16xf32, #tpu.memory_space<vmem>> -> memref<128x16xf32, #tpu.memory_space<vmem>>
        %dma_wait3A_1190 = arith.constant 0 : i32
        %dma_wait3A_1191 = tpu.memref_slice %arg8[%dma_wait3A_1184, %dma_wait3A_1185, %dma_wait3A_1190] : memref<2x6x128xi32, #tpu.memory_space<vmem>> -> memref<1x1x128xi32, #tpu.memory_space<vmem>>
        %dma_wait3A_1192 = tpu.memref_squeeze %dma_wait3A_1191 : memref<1x1x128xi32, #tpu.memory_space<vmem>> -> memref<128xi32, #tpu.memory_space<vmem>>
        %dma_wait3A_1193 = arith.constant 0 : i32
        %dma_wait3A_1194 = arith.constant 0 : i32
        %dma_wait3A_1195 = tpu.memref_slice %arg10[%dma_wait3A_1193, %dma_wait3A_1194] : memref<100096x16xf32, #tpu.memory_space<vmem_shared>> -> memref<100096x16xf32, #tpu.memory_space<vmem_shared>>
        tpu.wait_indirect_dma semaphore(%arg12 : memref<!tpu.dma_semaphore, #tpu.memory_space<semaphore_mem>>) src(%dma_wait3A_1189 : memref<128x16xf32, #tpu.memory_space<vmem>>) dst(%dma_wait3A_1195 : memref<100096x16xf32, #tpu.memory_space<vmem_shared>>)
        %dma_wait3A_1196 = arith.constant 1 : i32
        %dma_wait3A_1197 = arith.constant 1 : i32
        %dma_wait3A_1198 = arith.constant 1 : i32
        %dma_wait3A_1199 = arith.constant 1 : i32
        %dma_wait3A_1200 = arith.constant 0 : i32
        %dma_wait3A_1201 = arith.constant 0 : i32
        %dma_wait3A_1202 = tpu.memref_slice %arg9[%dma_wait3A_1196, %dma_wait3A_1197, %dma_wait3A_1200, %dma_wait3A_1201] : memref<2x6x128x16xf32, #tpu.memory_space<vmem>> -> memref<1x1x128x16xf32, #tpu.memory_space<vmem>>
        %dma_wait3A_1203 = tpu.memref_squeeze %dma_wait3A_1202 : memref<1x1x128x16xf32, #tpu.memory_space<vmem>> -> memref<128x16xf32, #tpu.memory_space<vmem>>
        %dma_wait3A_1204 = arith.constant 0 : i32
        %dma_wait3A_1205 = tpu.memref_slice %arg8[%dma_wait3A_1198, %dma_wait3A_1199, %dma_wait3A_1204] : memref<2x6x128xi32, #tpu.memory_space<vmem>> -> memref<1x1x128xi32, #tpu.memory_space<vmem>>
        %dma_wait3A_1206 = tpu.memref_squeeze %dma_wait3A_1205 : memref<1x1x128xi32, #tpu.memory_space<vmem>> -> memref<128xi32, #tpu.memory_space<vmem>>
        %dma_wait3A_1207 = arith.constant 0 : i32
        %dma_wait3A_1208 = arith.constant 0 : i32
        %dma_wait3A_1209 = tpu.memref_slice %arg10[%dma_wait3A_1207, %dma_wait3A_1208] : memref<100096x16xf32, #tpu.memory_space<vmem_shared>> -> memref<100096x16xf32, #tpu.memory_space<vmem_shared>>
        tpu.wait_indirect_dma semaphore(%arg12 : memref<!tpu.dma_semaphore, #tpu.memory_space<semaphore_mem>>) src(%dma_wait3A_1203 : memref<128x16xf32, #tpu.memory_space<vmem>>) dst(%dma_wait3A_1209 : memref<100096x16xf32, #tpu.memory_space<vmem_shared>>)
        %dma_wait3A_1210 = arith.constant 1 : i32
        %dma_wait3A_1211 = arith.constant 2 : i32
        %dma_wait3A_1212 = arith.constant 1 : i32
        %dma_wait3A_1213 = arith.constant 2 : i32
        %dma_wait3A_1214 = arith.constant 0 : i32
        %dma_wait3A_1215 = arith.constant 0 : i32
        %dma_wait3A_1216 = tpu.memref_slice %arg9[%dma_wait3A_1210, %dma_wait3A_1211, %dma_wait3A_1214, %dma_wait3A_1215] : memref<2x6x128x16xf32, #tpu.memory_space<vmem>> -> memref<1x1x128x16xf32, #tpu.memory_space<vmem>>
        %dma_wait3A_1217 = tpu.memref_squeeze %dma_wait3A_1216 : memref<1x1x128x16xf32, #tpu.memory_space<vmem>> -> memref<128x16xf32, #tpu.memory_space<vmem>>
        %dma_wait3A_1218 = arith.constant 0 : i32
        %dma_wait3A_1219 = tpu.memref_slice %arg8[%dma_wait3A_1212, %dma_wait3A_1213, %dma_wait3A_1218] : memref<2x6x128xi32, #tpu.memory_space<vmem>> -> memref<1x1x128xi32, #tpu.memory_space<vmem>>
        %dma_wait3A_1220 = tpu.memref_squeeze %dma_wait3A_1219 : memref<1x1x128xi32, #tpu.memory_space<vmem>> -> memref<128xi32, #tpu.memory_space<vmem>>
        %dma_wait3A_1221 = arith.constant 0 : i32
        %dma_wait3A_1222 = arith.constant 0 : i32
        %dma_wait3A_1223 = tpu.memref_slice %arg10[%dma_wait3A_1221, %dma_wait3A_1222] : memref<100096x16xf32, #tpu.memory_space<vmem_shared>> -> memref<100096x16xf32, #tpu.memory_space<vmem_shared>>
        tpu.wait_indirect_dma semaphore(%arg12 : memref<!tpu.dma_semaphore, #tpu.memory_space<semaphore_mem>>) src(%dma_wait3A_1217 : memref<128x16xf32, #tpu.memory_space<vmem>>) dst(%dma_wait3A_1223 : memref<100096x16xf32, #tpu.memory_space<vmem_shared>>)
        %dma_wait3A_1224 = arith.constant 1 : i32
        %dma_wait3A_1225 = arith.constant 3 : i32
        %dma_wait3A_1226 = arith.constant 1 : i32
        %dma_wait3A_1227 = arith.constant 3 : i32
        %dma_wait3A_1228 = arith.constant 0 : i32
        %dma_wait3A_1229 = arith.constant 0 : i32
        %dma_wait3A_1230 = tpu.memref_slice %arg9[%dma_wait3A_1224, %dma_wait3A_1225, %dma_wait3A_1228, %dma_wait3A_1229] : memref<2x6x128x16xf32, #tpu.memory_space<vmem>> -> memref<1x1x128x16xf32, #tpu.memory_space<vmem>>
        %dma_wait3A_1231 = tpu.memref_squeeze %dma_wait3A_1230 : memref<1x1x128x16xf32, #tpu.memory_space<vmem>> -> memref<128x16xf32, #tpu.memory_space<vmem>>
        %dma_wait3A_1232 = arith.constant 0 : i32
        %dma_wait3A_1233 = tpu.memref_slice %arg8[%dma_wait3A_1226, %dma_wait3A_1227, %dma_wait3A_1232] : memref<2x6x128xi32, #tpu.memory_space<vmem>> -> memref<1x1x128xi32, #tpu.memory_space<vmem>>
        %dma_wait3A_1234 = tpu.memref_squeeze %dma_wait3A_1233 : memref<1x1x128xi32, #tpu.memory_space<vmem>> -> memref<128xi32, #tpu.memory_space<vmem>>
        %dma_wait3A_1235 = arith.constant 0 : i32
        %dma_wait3A_1236 = arith.constant 0 : i32
        %dma_wait3A_1237 = tpu.memref_slice %arg10[%dma_wait3A_1235, %dma_wait3A_1236] : memref<100096x16xf32, #tpu.memory_space<vmem_shared>> -> memref<100096x16xf32, #tpu.memory_space<vmem_shared>>
        tpu.wait_indirect_dma semaphore(%arg12 : memref<!tpu.dma_semaphore, #tpu.memory_space<semaphore_mem>>) src(%dma_wait3A_1231 : memref<128x16xf32, #tpu.memory_space<vmem>>) dst(%dma_wait3A_1237 : memref<100096x16xf32, #tpu.memory_space<vmem_shared>>)
        %dma_wait3A_1238 = arith.constant 1 : i32
        %dma_wait3A_1239 = arith.constant 4 : i32
        %dma_wait3A_1240 = arith.constant 1 : i32
        %dma_wait3A_1241 = arith.constant 4 : i32
        %dma_wait3A_1242 = arith.constant 0 : i32
        %dma_wait3A_1243 = arith.constant 0 : i32
        %dma_wait3A_1244 = tpu.memref_slice %arg9[%dma_wait3A_1238, %dma_wait3A_1239, %dma_wait3A_1242, %dma_wait3A_1243] : memref<2x6x128x16xf32, #tpu.memory_space<vmem>> -> memref<1x1x128x16xf32, #tpu.memory_space<vmem>>
        %dma_wait3A_1245 = tpu.memref_squeeze %dma_wait3A_1244 : memref<1x1x128x16xf32, #tpu.memory_space<vmem>> -> memref<128x16xf32, #tpu.memory_space<vmem>>
        %dma_wait3A_1246 = arith.constant 0 : i32
        %dma_wait3A_1247 = tpu.memref_slice %arg8[%dma_wait3A_1240, %dma_wait3A_1241, %dma_wait3A_1246] : memref<2x6x128xi32, #tpu.memory_space<vmem>> -> memref<1x1x128xi32, #tpu.memory_space<vmem>>
        %dma_wait3A_1248 = tpu.memref_squeeze %dma_wait3A_1247 : memref<1x1x128xi32, #tpu.memory_space<vmem>> -> memref<128xi32, #tpu.memory_space<vmem>>
        %dma_wait3A_1249 = arith.constant 0 : i32
        %dma_wait3A_1250 = arith.constant 0 : i32
        %dma_wait3A_1251 = tpu.memref_slice %arg10[%dma_wait3A_1249, %dma_wait3A_1250] : memref<100096x16xf32, #tpu.memory_space<vmem_shared>> -> memref<100096x16xf32, #tpu.memory_space<vmem_shared>>
        tpu.wait_indirect_dma semaphore(%arg12 : memref<!tpu.dma_semaphore, #tpu.memory_space<semaphore_mem>>) src(%dma_wait3A_1245 : memref<128x16xf32, #tpu.memory_space<vmem>>) dst(%dma_wait3A_1251 : memref<100096x16xf32, #tpu.memory_space<vmem_shared>>)
        %dma_wait3A_1252 = arith.constant 1 : i32
        %dma_wait3A_1253 = arith.constant 5 : i32
        %dma_wait3A_1254 = arith.constant 1 : i32
        %dma_wait3A_1255 = arith.constant 5 : i32
        %dma_wait3A_1256 = arith.constant 0 : i32
        %dma_wait3A_1257 = arith.constant 0 : i32
        %dma_wait3A_1258 = tpu.memref_slice %arg9[%dma_wait3A_1252, %dma_wait3A_1253, %dma_wait3A_1256, %dma_wait3A_1257] : memref<2x6x128x16xf32, #tpu.memory_space<vmem>> -> memref<1x1x128x16xf32, #tpu.memory_space<vmem>>
        %dma_wait3A_1259 = tpu.memref_squeeze %dma_wait3A_1258 : memref<1x1x128x16xf32, #tpu.memory_space<vmem>> -> memref<128x16xf32, #tpu.memory_space<vmem>>
        %dma_wait3A_1260 = arith.constant 0 : i32
        %dma_wait3A_1261 = tpu.memref_slice %arg8[%dma_wait3A_1254, %dma_wait3A_1255, %dma_wait3A_1260] : memref<2x6x128xi32, #tpu.memory_space<vmem>> -> memref<1x1x128xi32, #tpu.memory_space<vmem>>
        %dma_wait3A_1262 = tpu.memref_squeeze %dma_wait3A_1261 : memref<1x1x128xi32, #tpu.memory_space<vmem>> -> memref<128xi32, #tpu.memory_space<vmem>>
        %dma_wait3A_1263 = arith.constant 0 : i32
        %dma_wait3A_1264 = arith.constant 0 : i32
        %dma_wait3A_1265 = tpu.memref_slice %arg10[%dma_wait3A_1263, %dma_wait3A_1264] : memref<100096x16xf32, #tpu.memory_space<vmem_shared>> -> memref<100096x16xf32, #tpu.memory_space<vmem_shared>>
        tpu.wait_indirect_dma semaphore(%arg12 : memref<!tpu.dma_semaphore, #tpu.memory_space<semaphore_mem>>) src(%dma_wait3A_1259 : memref<128x16xf32, #tpu.memory_space<vmem>>) dst(%dma_wait3A_1265 : memref<100096x16xf32, #tpu.memory_space<vmem_shared>>)
      } else {
      }
      %mul3A_480 = arith.constant 2 : i32
      %mul3A_481 = arith.muli %mul3A_480, %scan3A_477 : i32
      %add3A_482 = arith.constant 1 : i32
      %add3A_483 = arith.addi %mul3A_481, %add3A_482 : i32
      %mul3A_484 = arith.constant 6 : i32
      %mul3A_485 = arith.muli %add3A_483, %mul3A_484 : i32
      %add3A_486 = arith.addi %mul3A_2, %mul3A_485 : i32
      %run_scoped3A_487 = arith.constant 1 : i32
      "tpu.region"() ({
        %run_scoped3A_1182 = tpu.sem_alloc : memref<!tpu.dma_semaphore, #tpu.memory_space<semaphore_mem>>
        %dma_start3A_1183 = arith.constant 0 : i32
        %dma_start3A_1184 = arith.constant 0 : i32
        %dma_start3A_1185 = tpu.memref_slice %arg7[%run_scoped3A_487, %dma_start3A_1183, %dma_start3A_1184] : memref<2x6x128xi32, #tpu.memory_space<vmem>> -> memref<1x6x128xi32, #tpu.memory_space<vmem>>
        %dma_start3A_1186 = tpu.memref_squeeze %dma_start3A_1185 : memref<1x6x128xi32, #tpu.memory_space<vmem>> -> memref<6x128xi32, #tpu.memory_space<vmem>>
        %dma_start3A_1187 = arith.constant 0 : i32
        %dma_start3A_1188 = tpu.memref_slice %arg3[%add3A_486, %dma_start3A_1187] : memref<12576x128xi32, #tpu.memory_space<hbm>> -> memref<6x128xi32, #tpu.memory_space<hbm>>
        %dma_start3A_1189 = arith.constant 0 : i32
        %dma_start3A_1190 = arith.constant 0 : i32
        %dma_start3A_1191 = tpu.memref_slice %arg7[%run_scoped3A_487, %dma_start3A_1189, %dma_start3A_1190] : memref<2x6x128xi32, #tpu.memory_space<vmem>> -> memref<1x6x128xi32, #tpu.memory_space<vmem>>
        %dma_start3A_1192 = tpu.memref_squeeze %dma_start3A_1191 : memref<1x6x128xi32, #tpu.memory_space<vmem>> -> memref<6x128xi32, #tpu.memory_space<vmem>>
        %dma_start3A_1193 = arith.constant 0 : i32
        %dma_start3A_1194 = tpu.memref_slice %arg3[%add3A_486, %dma_start3A_1193] : memref<12576x128xi32, #tpu.memory_space<hbm>> -> memref<6x128xi32, #tpu.memory_space<hbm>>
        tpu.enqueue_dma source(%dma_start3A_1194 : memref<6x128xi32, #tpu.memory_space<hbm>>) target(%dma_start3A_1192 : memref<6x128xi32, #tpu.memory_space<vmem>>) target_semaphore(%run_scoped3A_1182 : memref<!tpu.dma_semaphore, #tpu.memory_space<semaphore_mem>>)
        %dma_wait3A_1195 = arith.constant 0 : i32
        %dma_wait3A_1196 = arith.constant 0 : i32
        %dma_wait3A_1197 = tpu.memref_slice %arg7[%run_scoped3A_487, %dma_wait3A_1195, %dma_wait3A_1196] : memref<2x6x128xi32, #tpu.memory_space<vmem>> -> memref<1x6x128xi32, #tpu.memory_space<vmem>>
        %dma_wait3A_1198 = tpu.memref_squeeze %dma_wait3A_1197 : memref<1x6x128xi32, #tpu.memory_space<vmem>> -> memref<6x128xi32, #tpu.memory_space<vmem>>
        %dma_wait3A_1199 = arith.constant 0 : i32
        %dma_wait3A_1200 = tpu.memref_slice %arg3[%add3A_486, %dma_wait3A_1199] : memref<12576x128xi32, #tpu.memory_space<hbm>> -> memref<6x128xi32, #tpu.memory_space<hbm>>
        %dma_wait3A_1201 = arith.constant 0 : i32
        %dma_wait3A_1202 = arith.constant 0 : i32
        %dma_wait3A_1203 = tpu.memref_slice %arg7[%run_scoped3A_487, %dma_wait3A_1201, %dma_wait3A_1202] : memref<2x6x128xi32, #tpu.memory_space<vmem>> -> memref<1x6x128xi32, #tpu.memory_space<vmem>>
        %dma_wait3A_1204 = tpu.memref_squeeze %dma_wait3A_1203 : memref<1x6x128xi32, #tpu.memory_space<vmem>> -> memref<6x128xi32, #tpu.memory_space<vmem>>
        %dma_wait3A_1205 = arith.constant 0 : i32
        %dma_wait3A_1206 = tpu.memref_slice %arg3[%add3A_486, %dma_wait3A_1205] : memref<12576x128xi32, #tpu.memory_space<hbm>> -> memref<6x128xi32, #tpu.memory_space<hbm>>
        tpu.wait_dma2 semaphore(%run_scoped3A_1182 : memref<!tpu.dma_semaphore, #tpu.memory_space<semaphore_mem>>) src(%dma_wait3A_1206 : memref<6x128xi32, #tpu.memory_space<hbm>>) dst(%dma_wait3A_1204 : memref<6x128xi32, #tpu.memory_space<vmem>>)
        tpu.yield
      }) : () -> ()
      %run_scoped3A_488 = arith.constant 1 : i32
      "tpu.region"() ({
        %run_scoped3A_1182 = tpu.sem_alloc : memref<!tpu.dma_semaphore, #tpu.memory_space<semaphore_mem>>
        %dma_start3A_1183 = arith.constant 0 : i32
        %dma_start3A_1184 = arith.constant 0 : i32
        %dma_start3A_1185 = tpu.memref_slice %arg8[%run_scoped3A_488, %dma_start3A_1183, %dma_start3A_1184] : memref<2x6x128xi32, #tpu.memory_space<vmem>> -> memref<1x6x128xi32, #tpu.memory_space<vmem>>
        %dma_start3A_1186 = tpu.memref_squeeze %dma_start3A_1185 : memref<1x6x128xi32, #tpu.memory_space<vmem>> -> memref<6x128xi32, #tpu.memory_space<vmem>>
        %dma_start3A_1187 = arith.constant 0 : i32
        %dma_start3A_1188 = tpu.memref_slice %arg4[%add3A_486, %dma_start3A_1187] : memref<12576x128xi32, #tpu.memory_space<hbm>> -> memref<6x128xi32, #tpu.memory_space<hbm>>
        %dma_start3A_1189 = arith.constant 0 : i32
        %dma_start3A_1190 = arith.constant 0 : i32
        %dma_start3A_1191 = tpu.memref_slice %arg8[%run_scoped3A_488, %dma_start3A_1189, %dma_start3A_1190] : memref<2x6x128xi32, #tpu.memory_space<vmem>> -> memref<1x6x128xi32, #tpu.memory_space<vmem>>
        %dma_start3A_1192 = tpu.memref_squeeze %dma_start3A_1191 : memref<1x6x128xi32, #tpu.memory_space<vmem>> -> memref<6x128xi32, #tpu.memory_space<vmem>>
        %dma_start3A_1193 = arith.constant 0 : i32
        %dma_start3A_1194 = tpu.memref_slice %arg4[%add3A_486, %dma_start3A_1193] : memref<12576x128xi32, #tpu.memory_space<hbm>> -> memref<6x128xi32, #tpu.memory_space<hbm>>
        tpu.enqueue_dma source(%dma_start3A_1194 : memref<6x128xi32, #tpu.memory_space<hbm>>) target(%dma_start3A_1192 : memref<6x128xi32, #tpu.memory_space<vmem>>) target_semaphore(%run_scoped3A_1182 : memref<!tpu.dma_semaphore, #tpu.memory_space<semaphore_mem>>)
        %dma_wait3A_1195 = arith.constant 0 : i32
        %dma_wait3A_1196 = arith.constant 0 : i32
        %dma_wait3A_1197 = tpu.memref_slice %arg8[%run_scoped3A_488, %dma_wait3A_1195, %dma_wait3A_1196] : memref<2x6x128xi32, #tpu.memory_space<vmem>> -> memref<1x6x128xi32, #tpu.memory_space<vmem>>
        %dma_wait3A_1198 = tpu.memref_squeeze %dma_wait3A_1197 : memref<1x6x128xi32, #tpu.memory_space<vmem>> -> memref<6x128xi32, #tpu.memory_space<vmem>>
        %dma_wait3A_1199 = arith.constant 0 : i32
        %dma_wait3A_1200 = tpu.memref_slice %arg4[%add3A_486, %dma_wait3A_1199] : memref<12576x128xi32, #tpu.memory_space<hbm>> -> memref<6x128xi32, #tpu.memory_space<hbm>>
        %dma_wait3A_1201 = arith.constant 0 : i32
        %dma_wait3A_1202 = arith.constant 0 : i32
        %dma_wait3A_1203 = tpu.memref_slice %arg8[%run_scoped3A_488, %dma_wait3A_1201, %dma_wait3A_1202] : memref<2x6x128xi32, #tpu.memory_space<vmem>> -> memref<1x6x128xi32, #tpu.memory_space<vmem>>
        %dma_wait3A_1204 = tpu.memref_squeeze %dma_wait3A_1203 : memref<1x6x128xi32, #tpu.memory_space<vmem>> -> memref<6x128xi32, #tpu.memory_space<vmem>>
        %dma_wait3A_1205 = arith.constant 0 : i32
        %dma_wait3A_1206 = tpu.memref_slice %arg4[%add3A_486, %dma_wait3A_1205] : memref<12576x128xi32, #tpu.memory_space<hbm>> -> memref<6x128xi32, #tpu.memory_space<hbm>>
        tpu.wait_dma2 semaphore(%run_scoped3A_1182 : memref<!tpu.dma_semaphore, #tpu.memory_space<semaphore_mem>>) src(%dma_wait3A_1206 : memref<6x128xi32, #tpu.memory_space<hbm>>) dst(%dma_wait3A_1204 : memref<6x128xi32, #tpu.memory_space<vmem>>)
        tpu.yield
      }) : () -> ()
      %dma_start3A_489 = arith.constant 1 : i32
      %dma_start3A_490 = arith.constant 0 : i32
      %dma_start3A_491 = arith.constant 1 : i32
      %dma_start3A_492 = arith.constant 0 : i32
      %dma_start3A_493 = arith.constant 0 : i32
      %dma_start3A_494 = arith.constant 0 : i32
      %dma_start3A_495 = tpu.memref_slice %arg9[%dma_start3A_491, %dma_start3A_492, %dma_start3A_493, %dma_start3A_494] : memref<2x6x128x16xf32, #tpu.memory_space<vmem>> -> memref<1x1x128x16xf32, #tpu.memory_space<vmem>>
      %dma_start3A_496 = tpu.memref_squeeze %dma_start3A_495 : memref<1x1x128x16xf32, #tpu.memory_space<vmem>> -> memref<128x16xf32, #tpu.memory_space<vmem>>
      %dma_start3A_497 = arith.constant 0 : i32
      %dma_start3A_498 = tpu.memref_slice %arg7[%dma_start3A_489, %dma_start3A_490, %dma_start3A_497] : memref<2x6x128xi32, #tpu.memory_space<vmem>> -> memref<1x1x128xi32, #tpu.memory_space<vmem>>
      %dma_start3A_499 = tpu.memref_squeeze %dma_start3A_498 : memref<1x1x128xi32, #tpu.memory_space<vmem>> -> memref<128xi32, #tpu.memory_space<vmem>>
      %dma_start3A_500 = arith.constant 0 : i32
      %dma_start3A_501 = arith.constant 0 : i32
      %dma_start3A_502 = tpu.memref_slice %arg2[%arg0, %dma_start3A_500, %dma_start3A_501] : memref<2x100096x16xf32, #tpu.memory_space<hbm>> -> memref<1x100096x16xf32, #tpu.memory_space<hbm>>
      %dma_start3A_503 = tpu.memref_squeeze %dma_start3A_502 : memref<1x100096x16xf32, #tpu.memory_space<hbm>> -> memref<100096x16xf32, #tpu.memory_space<hbm>>
      %dma_start3A_504 = arith.constant 0 : i32
      %dma_start3A_505 = arith.constant 0 : i32
      %dma_start3A_506 = tpu.memref_slice %dma_start3A_503[%dma_start3A_504, %dma_start3A_505] : memref<100096x16xf32, #tpu.memory_space<hbm>> -> memref<100096x16xf32, #tpu.memory_space<hbm>>
      tpu.enqueue_indirect_dma source(%dma_start3A_506 : memref<100096x16xf32, #tpu.memory_space<hbm>>) target(%dma_start3A_496 : memref<128x16xf32, #tpu.memory_space<vmem>>) offsets(%dma_start3A_499 : memref<128xi32, #tpu.memory_space<vmem>>) semaphore(%arg11 : memref<!tpu.dma_semaphore, #tpu.memory_space<semaphore_mem>>)
      %dma_start3A_507 = arith.constant 1 : i32
      %dma_start3A_508 = arith.constant 1 : i32
      %dma_start3A_509 = arith.constant 1 : i32
      %dma_start3A_510 = arith.constant 1 : i32
      %dma_start3A_511 = arith.constant 0 : i32
      %dma_start3A_512 = arith.constant 0 : i32
      %dma_start3A_513 = tpu.memref_slice %arg9[%dma_start3A_509, %dma_start3A_510, %dma_start3A_511, %dma_start3A_512] : memref<2x6x128x16xf32, #tpu.memory_space<vmem>> -> memref<1x1x128x16xf32, #tpu.memory_space<vmem>>
      %dma_start3A_514 = tpu.memref_squeeze %dma_start3A_513 : memref<1x1x128x16xf32, #tpu.memory_space<vmem>> -> memref<128x16xf32, #tpu.memory_space<vmem>>
      %dma_start3A_515 = arith.constant 0 : i32
      %dma_start3A_516 = tpu.memref_slice %arg7[%dma_start3A_507, %dma_start3A_508, %dma_start3A_515] : memref<2x6x128xi32, #tpu.memory_space<vmem>> -> memref<1x1x128xi32, #tpu.memory_space<vmem>>
      %dma_start3A_517 = tpu.memref_squeeze %dma_start3A_516 : memref<1x1x128xi32, #tpu.memory_space<vmem>> -> memref<128xi32, #tpu.memory_space<vmem>>
      %dma_start3A_518 = arith.constant 0 : i32
      %dma_start3A_519 = arith.constant 0 : i32
      %dma_start3A_520 = tpu.memref_slice %arg2[%arg0, %dma_start3A_518, %dma_start3A_519] : memref<2x100096x16xf32, #tpu.memory_space<hbm>> -> memref<1x100096x16xf32, #tpu.memory_space<hbm>>
      %dma_start3A_521 = tpu.memref_squeeze %dma_start3A_520 : memref<1x100096x16xf32, #tpu.memory_space<hbm>> -> memref<100096x16xf32, #tpu.memory_space<hbm>>
      %dma_start3A_522 = arith.constant 0 : i32
      %dma_start3A_523 = arith.constant 0 : i32
      %dma_start3A_524 = tpu.memref_slice %dma_start3A_521[%dma_start3A_522, %dma_start3A_523] : memref<100096x16xf32, #tpu.memory_space<hbm>> -> memref<100096x16xf32, #tpu.memory_space<hbm>>
      tpu.enqueue_indirect_dma source(%dma_start3A_524 : memref<100096x16xf32, #tpu.memory_space<hbm>>) target(%dma_start3A_514 : memref<128x16xf32, #tpu.memory_space<vmem>>) offsets(%dma_start3A_517 : memref<128xi32, #tpu.memory_space<vmem>>) semaphore(%arg11 : memref<!tpu.dma_semaphore, #tpu.memory_space<semaphore_mem>>)
      %dma_start3A_525 = arith.constant 1 : i32
      %dma_start3A_526 = arith.constant 2 : i32
      %dma_start3A_527 = arith.constant 1 : i32
      %dma_start3A_528 = arith.constant 2 : i32
      %dma_start3A_529 = arith.constant 0 : i32
      %dma_start3A_530 = arith.constant 0 : i32
      %dma_start3A_531 = tpu.memref_slice %arg9[%dma_start3A_527, %dma_start3A_528, %dma_start3A_529, %dma_start3A_530] : memref<2x6x128x16xf32, #tpu.memory_space<vmem>> -> memref<1x1x128x16xf32, #tpu.memory_space<vmem>>
      %dma_start3A_532 = tpu.memref_squeeze %dma_start3A_531 : memref<1x1x128x16xf32, #tpu.memory_space<vmem>> -> memref<128x16xf32, #tpu.memory_space<vmem>>
      %dma_start3A_533 = arith.constant 0 : i32
      %dma_start3A_534 = tpu.memref_slice %arg7[%dma_start3A_525, %dma_start3A_526, %dma_start3A_533] : memref<2x6x128xi32, #tpu.memory_space<vmem>> -> memref<1x1x128xi32, #tpu.memory_space<vmem>>
      %dma_start3A_535 = tpu.memref_squeeze %dma_start3A_534 : memref<1x1x128xi32, #tpu.memory_space<vmem>> -> memref<128xi32, #tpu.memory_space<vmem>>
      %dma_start3A_536 = arith.constant 0 : i32
      %dma_start3A_537 = arith.constant 0 : i32
      %dma_start3A_538 = tpu.memref_slice %arg2[%arg0, %dma_start3A_536, %dma_start3A_537] : memref<2x100096x16xf32, #tpu.memory_space<hbm>> -> memref<1x100096x16xf32, #tpu.memory_space<hbm>>
      %dma_start3A_539 = tpu.memref_squeeze %dma_start3A_538 : memref<1x100096x16xf32, #tpu.memory_space<hbm>> -> memref<100096x16xf32, #tpu.memory_space<hbm>>
      %dma_start3A_540 = arith.constant 0 : i32
      %dma_start3A_541 = arith.constant 0 : i32
      %dma_start3A_542 = tpu.memref_slice %dma_start3A_539[%dma_start3A_540, %dma_start3A_541] : memref<100096x16xf32, #tpu.memory_space<hbm>> -> memref<100096x16xf32, #tpu.memory_space<hbm>>
      tpu.enqueue_indirect_dma source(%dma_start3A_542 : memref<100096x16xf32, #tpu.memory_space<hbm>>) target(%dma_start3A_532 : memref<128x16xf32, #tpu.memory_space<vmem>>) offsets(%dma_start3A_535 : memref<128xi32, #tpu.memory_space<vmem>>) semaphore(%arg11 : memref<!tpu.dma_semaphore, #tpu.memory_space<semaphore_mem>>)
      %dma_start3A_543 = arith.constant 1 : i32
      %dma_start3A_544 = arith.constant 3 : i32
      %dma_start3A_545 = arith.constant 1 : i32
      %dma_start3A_546 = arith.constant 3 : i32
      %dma_start3A_547 = arith.constant 0 : i32
      %dma_start3A_548 = arith.constant 0 : i32
      %dma_start3A_549 = tpu.memref_slice %arg9[%dma_start3A_545, %dma_start3A_546, %dma_start3A_547, %dma_start3A_548] : memref<2x6x128x16xf32, #tpu.memory_space<vmem>> -> memref<1x1x128x16xf32, #tpu.memory_space<vmem>>
      %dma_start3A_550 = tpu.memref_squeeze %dma_start3A_549 : memref<1x1x128x16xf32, #tpu.memory_space<vmem>> -> memref<128x16xf32, #tpu.memory_space<vmem>>
      %dma_start3A_551 = arith.constant 0 : i32
      %dma_start3A_552 = tpu.memref_slice %arg7[%dma_start3A_543, %dma_start3A_544, %dma_start3A_551] : memref<2x6x128xi32, #tpu.memory_space<vmem>> -> memref<1x1x128xi32, #tpu.memory_space<vmem>>
      %dma_start3A_553 = tpu.memref_squeeze %dma_start3A_552 : memref<1x1x128xi32, #tpu.memory_space<vmem>> -> memref<128xi32, #tpu.memory_space<vmem>>
      %dma_start3A_554 = arith.constant 0 : i32
      %dma_start3A_555 = arith.constant 0 : i32
      %dma_start3A_556 = tpu.memref_slice %arg2[%arg0, %dma_start3A_554, %dma_start3A_555] : memref<2x100096x16xf32, #tpu.memory_space<hbm>> -> memref<1x100096x16xf32, #tpu.memory_space<hbm>>
      %dma_start3A_557 = tpu.memref_squeeze %dma_start3A_556 : memref<1x100096x16xf32, #tpu.memory_space<hbm>> -> memref<100096x16xf32, #tpu.memory_space<hbm>>
      %dma_start3A_558 = arith.constant 0 : i32
      %dma_start3A_559 = arith.constant 0 : i32
      %dma_start3A_560 = tpu.memref_slice %dma_start3A_557[%dma_start3A_558, %dma_start3A_559] : memref<100096x16xf32, #tpu.memory_space<hbm>> -> memref<100096x16xf32, #tpu.memory_space<hbm>>
      tpu.enqueue_indirect_dma source(%dma_start3A_560 : memref<100096x16xf32, #tpu.memory_space<hbm>>) target(%dma_start3A_550 : memref<128x16xf32, #tpu.memory_space<vmem>>) offsets(%dma_start3A_553 : memref<128xi32, #tpu.memory_space<vmem>>) semaphore(%arg11 : memref<!tpu.dma_semaphore, #tpu.memory_space<semaphore_mem>>)
      %dma_start3A_561 = arith.constant 1 : i32
      %dma_start3A_562 = arith.constant 4 : i32
      %dma_start3A_563 = arith.constant 1 : i32
      %dma_start3A_564 = arith.constant 4 : i32
      %dma_start3A_565 = arith.constant 0 : i32
      %dma_start3A_566 = arith.constant 0 : i32
      %dma_start3A_567 = tpu.memref_slice %arg9[%dma_start3A_563, %dma_start3A_564, %dma_start3A_565, %dma_start3A_566] : memref<2x6x128x16xf32, #tpu.memory_space<vmem>> -> memref<1x1x128x16xf32, #tpu.memory_space<vmem>>
      %dma_start3A_568 = tpu.memref_squeeze %dma_start3A_567 : memref<1x1x128x16xf32, #tpu.memory_space<vmem>> -> memref<128x16xf32, #tpu.memory_space<vmem>>
      %dma_start3A_569 = arith.constant 0 : i32
      %dma_start3A_570 = tpu.memref_slice %arg7[%dma_start3A_561, %dma_start3A_562, %dma_start3A_569] : memref<2x6x128xi32, #tpu.memory_space<vmem>> -> memref<1x1x128xi32, #tpu.memory_space<vmem>>
      %dma_start3A_571 = tpu.memref_squeeze %dma_start3A_570 : memref<1x1x128xi32, #tpu.memory_space<vmem>> -> memref<128xi32, #tpu.memory_space<vmem>>
      %dma_start3A_572 = arith.constant 0 : i32
      %dma_start3A_573 = arith.constant 0 : i32
      %dma_start3A_574 = tpu.memref_slice %arg2[%arg0, %dma_start3A_572, %dma_start3A_573] : memref<2x100096x16xf32, #tpu.memory_space<hbm>> -> memref<1x100096x16xf32, #tpu.memory_space<hbm>>
      %dma_start3A_575 = tpu.memref_squeeze %dma_start3A_574 : memref<1x100096x16xf32, #tpu.memory_space<hbm>> -> memref<100096x16xf32, #tpu.memory_space<hbm>>
      %dma_start3A_576 = arith.constant 0 : i32
      %dma_start3A_577 = arith.constant 0 : i32
      %dma_start3A_578 = tpu.memref_slice %dma_start3A_575[%dma_start3A_576, %dma_start3A_577] : memref<100096x16xf32, #tpu.memory_space<hbm>> -> memref<100096x16xf32, #tpu.memory_space<hbm>>
      tpu.enqueue_indirect_dma source(%dma_start3A_578 : memref<100096x16xf32, #tpu.memory_space<hbm>>) target(%dma_start3A_568 : memref<128x16xf32, #tpu.memory_space<vmem>>) offsets(%dma_start3A_571 : memref<128xi32, #tpu.memory_space<vmem>>) semaphore(%arg11 : memref<!tpu.dma_semaphore, #tpu.memory_space<semaphore_mem>>)
      %dma_start3A_579 = arith.constant 1 : i32
      %dma_start3A_580 = arith.constant 5 : i32
      %dma_start3A_581 = arith.constant 1 : i32
      %dma_start3A_582 = arith.constant 5 : i32
      %dma_start3A_583 = arith.constant 0 : i32
      %dma_start3A_584 = arith.constant 0 : i32
      %dma_start3A_585 = tpu.memref_slice %arg9[%dma_start3A_581, %dma_start3A_582, %dma_start3A_583, %dma_start3A_584] : memref<2x6x128x16xf32, #tpu.memory_space<vmem>> -> memref<1x1x128x16xf32, #tpu.memory_space<vmem>>
      %dma_start3A_586 = tpu.memref_squeeze %dma_start3A_585 : memref<1x1x128x16xf32, #tpu.memory_space<vmem>> -> memref<128x16xf32, #tpu.memory_space<vmem>>
      %dma_start3A_587 = arith.constant 0 : i32
      %dma_start3A_588 = tpu.memref_slice %arg7[%dma_start3A_579, %dma_start3A_580, %dma_start3A_587] : memref<2x6x128xi32, #tpu.memory_space<vmem>> -> memref<1x1x128xi32, #tpu.memory_space<vmem>>
      %dma_start3A_589 = tpu.memref_squeeze %dma_start3A_588 : memref<1x1x128xi32, #tpu.memory_space<vmem>> -> memref<128xi32, #tpu.memory_space<vmem>>
      %dma_start3A_590 = arith.constant 0 : i32
      %dma_start3A_591 = arith.constant 0 : i32
      %dma_start3A_592 = tpu.memref_slice %arg2[%arg0, %dma_start3A_590, %dma_start3A_591] : memref<2x100096x16xf32, #tpu.memory_space<hbm>> -> memref<1x100096x16xf32, #tpu.memory_space<hbm>>
      %dma_start3A_593 = tpu.memref_squeeze %dma_start3A_592 : memref<1x100096x16xf32, #tpu.memory_space<hbm>> -> memref<100096x16xf32, #tpu.memory_space<hbm>>
      %dma_start3A_594 = arith.constant 0 : i32
      %dma_start3A_595 = arith.constant 0 : i32
      %dma_start3A_596 = tpu.memref_slice %dma_start3A_593[%dma_start3A_594, %dma_start3A_595] : memref<100096x16xf32, #tpu.memory_space<hbm>> -> memref<100096x16xf32, #tpu.memory_space<hbm>>
      tpu.enqueue_indirect_dma source(%dma_start3A_596 : memref<100096x16xf32, #tpu.memory_space<hbm>>) target(%dma_start3A_586 : memref<128x16xf32, #tpu.memory_space<vmem>>) offsets(%dma_start3A_589 : memref<128xi32, #tpu.memory_space<vmem>>) semaphore(%arg11 : memref<!tpu.dma_semaphore, #tpu.memory_space<semaphore_mem>>)
      %dma_wait3A_597 = arith.constant 0 : i32
      %dma_wait3A_598 = arith.constant 0 : i32
      %dma_wait3A_599 = arith.constant 0 : i32
      %dma_wait3A_600 = arith.constant 0 : i32
      %dma_wait3A_601 = arith.constant 0 : i32
      %dma_wait3A_602 = arith.constant 0 : i32
      %dma_wait3A_603 = tpu.memref_slice %arg9[%dma_wait3A_599, %dma_wait3A_600, %dma_wait3A_601, %dma_wait3A_602] : memref<2x6x128x16xf32, #tpu.memory_space<vmem>> -> memref<1x1x128x16xf32, #tpu.memory_space<vmem>>
      %dma_wait3A_604 = tpu.memref_squeeze %dma_wait3A_603 : memref<1x1x128x16xf32, #tpu.memory_space<vmem>> -> memref<128x16xf32, #tpu.memory_space<vmem>>
      %dma_wait3A_605 = arith.constant 0 : i32
      %dma_wait3A_606 = tpu.memref_slice %arg7[%dma_wait3A_597, %dma_wait3A_598, %dma_wait3A_605] : memref<2x6x128xi32, #tpu.memory_space<vmem>> -> memref<1x1x128xi32, #tpu.memory_space<vmem>>
      %dma_wait3A_607 = tpu.memref_squeeze %dma_wait3A_606 : memref<1x1x128xi32, #tpu.memory_space<vmem>> -> memref<128xi32, #tpu.memory_space<vmem>>
      %dma_wait3A_608 = arith.constant 0 : i32
      %dma_wait3A_609 = arith.constant 0 : i32
      %dma_wait3A_610 = tpu.memref_slice %arg2[%arg0, %dma_wait3A_608, %dma_wait3A_609] : memref<2x100096x16xf32, #tpu.memory_space<hbm>> -> memref<1x100096x16xf32, #tpu.memory_space<hbm>>
      %dma_wait3A_611 = tpu.memref_squeeze %dma_wait3A_610 : memref<1x100096x16xf32, #tpu.memory_space<hbm>> -> memref<100096x16xf32, #tpu.memory_space<hbm>>
      %dma_wait3A_612 = arith.constant 0 : i32
      %dma_wait3A_613 = arith.constant 0 : i32
      %dma_wait3A_614 = tpu.memref_slice %dma_wait3A_611[%dma_wait3A_612, %dma_wait3A_613] : memref<100096x16xf32, #tpu.memory_space<hbm>> -> memref<100096x16xf32, #tpu.memory_space<hbm>>
      tpu.wait_indirect_dma semaphore(%arg11 : memref<!tpu.dma_semaphore, #tpu.memory_space<semaphore_mem>>) src(%dma_wait3A_614 : memref<100096x16xf32, #tpu.memory_space<hbm>>) dst(%dma_wait3A_604 : memref<128x16xf32, #tpu.memory_space<vmem>>)
      %dma_wait3A_615 = arith.constant 0 : i32
      %dma_wait3A_616 = arith.constant 1 : i32
      %dma_wait3A_617 = arith.constant 0 : i32
      %dma_wait3A_618 = arith.constant 1 : i32
      %dma_wait3A_619 = arith.constant 0 : i32
      %dma_wait3A_620 = arith.constant 0 : i32
      %dma_wait3A_621 = tpu.memref_slice %arg9[%dma_wait3A_617, %dma_wait3A_618, %dma_wait3A_619, %dma_wait3A_620] : memref<2x6x128x16xf32, #tpu.memory_space<vmem>> -> memref<1x1x128x16xf32, #tpu.memory_space<vmem>>
      %dma_wait3A_622 = tpu.memref_squeeze %dma_wait3A_621 : memref<1x1x128x16xf32, #tpu.memory_space<vmem>> -> memref<128x16xf32, #tpu.memory_space<vmem>>
      %dma_wait3A_623 = arith.constant 0 : i32
      %dma_wait3A_624 = tpu.memref_slice %arg7[%dma_wait3A_615, %dma_wait3A_616, %dma_wait3A_623] : memref<2x6x128xi32, #tpu.memory_space<vmem>> -> memref<1x1x128xi32, #tpu.memory_space<vmem>>
      %dma_wait3A_625 = tpu.memref_squeeze %dma_wait3A_624 : memref<1x1x128xi32, #tpu.memory_space<vmem>> -> memref<128xi32, #tpu.memory_space<vmem>>
      %dma_wait3A_626 = arith.constant 0 : i32
      %dma_wait3A_627 = arith.constant 0 : i32
      %dma_wait3A_628 = tpu.memref_slice %arg2[%arg0, %dma_wait3A_626, %dma_wait3A_627] : memref<2x100096x16xf32, #tpu.memory_space<hbm>> -> memref<1x100096x16xf32, #tpu.memory_space<hbm>>
      %dma_wait3A_629 = tpu.memref_squeeze %dma_wait3A_628 : memref<1x100096x16xf32, #tpu.memory_space<hbm>> -> memref<100096x16xf32, #tpu.memory_space<hbm>>
      %dma_wait3A_630 = arith.constant 0 : i32
      %dma_wait3A_631 = arith.constant 0 : i32
      %dma_wait3A_632 = tpu.memref_slice %dma_wait3A_629[%dma_wait3A_630, %dma_wait3A_631] : memref<100096x16xf32, #tpu.memory_space<hbm>> -> memref<100096x16xf32, #tpu.memory_space<hbm>>
      tpu.wait_indirect_dma semaphore(%arg11 : memref<!tpu.dma_semaphore, #tpu.memory_space<semaphore_mem>>) src(%dma_wait3A_632 : memref<100096x16xf32, #tpu.memory_space<hbm>>) dst(%dma_wait3A_622 : memref<128x16xf32, #tpu.memory_space<vmem>>)
      %dma_wait3A_633 = arith.constant 0 : i32
      %dma_wait3A_634 = arith.constant 2 : i32
      %dma_wait3A_635 = arith.constant 0 : i32
      %dma_wait3A_636 = arith.constant 2 : i32
      %dma_wait3A_637 = arith.constant 0 : i32
      %dma_wait3A_638 = arith.constant 0 : i32
      %dma_wait3A_639 = tpu.memref_slice %arg9[%dma_wait3A_635, %dma_wait3A_636, %dma_wait3A_637, %dma_wait3A_638] : memref<2x6x128x16xf32, #tpu.memory_space<vmem>> -> memref<1x1x128x16xf32, #tpu.memory_space<vmem>>
      %dma_wait3A_640 = tpu.memref_squeeze %dma_wait3A_639 : memref<1x1x128x16xf32, #tpu.memory_space<vmem>> -> memref<128x16xf32, #tpu.memory_space<vmem>>
      %dma_wait3A_641 = arith.constant 0 : i32
      %dma_wait3A_642 = tpu.memref_slice %arg7[%dma_wait3A_633, %dma_wait3A_634, %dma_wait3A_641] : memref<2x6x128xi32, #tpu.memory_space<vmem>> -> memref<1x1x128xi32, #tpu.memory_space<vmem>>
      %dma_wait3A_643 = tpu.memref_squeeze %dma_wait3A_642 : memref<1x1x128xi32, #tpu.memory_space<vmem>> -> memref<128xi32, #tpu.memory_space<vmem>>
      %dma_wait3A_644 = arith.constant 0 : i32
      %dma_wait3A_645 = arith.constant 0 : i32
      %dma_wait3A_646 = tpu.memref_slice %arg2[%arg0, %dma_wait3A_644, %dma_wait3A_645] : memref<2x100096x16xf32, #tpu.memory_space<hbm>> -> memref<1x100096x16xf32, #tpu.memory_space<hbm>>
      %dma_wait3A_647 = tpu.memref_squeeze %dma_wait3A_646 : memref<1x100096x16xf32, #tpu.memory_space<hbm>> -> memref<100096x16xf32, #tpu.memory_space<hbm>>
      %dma_wait3A_648 = arith.constant 0 : i32
      %dma_wait3A_649 = arith.constant 0 : i32
      %dma_wait3A_650 = tpu.memref_slice %dma_wait3A_647[%dma_wait3A_648, %dma_wait3A_649] : memref<100096x16xf32, #tpu.memory_space<hbm>> -> memref<100096x16xf32, #tpu.memory_space<hbm>>
      tpu.wait_indirect_dma semaphore(%arg11 : memref<!tpu.dma_semaphore, #tpu.memory_space<semaphore_mem>>) src(%dma_wait3A_650 : memref<100096x16xf32, #tpu.memory_space<hbm>>) dst(%dma_wait3A_640 : memref<128x16xf32, #tpu.memory_space<vmem>>)
      %dma_wait3A_651 = arith.constant 0 : i32
      %dma_wait3A_652 = arith.constant 3 : i32
      %dma_wait3A_653 = arith.constant 0 : i32
      %dma_wait3A_654 = arith.constant 3 : i32
      %dma_wait3A_655 = arith.constant 0 : i32
      %dma_wait3A_656 = arith.constant 0 : i32
      %dma_wait3A_657 = tpu.memref_slice %arg9[%dma_wait3A_653, %dma_wait3A_654, %dma_wait3A_655, %dma_wait3A_656] : memref<2x6x128x16xf32, #tpu.memory_space<vmem>> -> memref<1x1x128x16xf32, #tpu.memory_space<vmem>>
      %dma_wait3A_658 = tpu.memref_squeeze %dma_wait3A_657 : memref<1x1x128x16xf32, #tpu.memory_space<vmem>> -> memref<128x16xf32, #tpu.memory_space<vmem>>
      %dma_wait3A_659 = arith.constant 0 : i32
      %dma_wait3A_660 = tpu.memref_slice %arg7[%dma_wait3A_651, %dma_wait3A_652, %dma_wait3A_659] : memref<2x6x128xi32, #tpu.memory_space<vmem>> -> memref<1x1x128xi32, #tpu.memory_space<vmem>>
      %dma_wait3A_661 = tpu.memref_squeeze %dma_wait3A_660 : memref<1x1x128xi32, #tpu.memory_space<vmem>> -> memref<128xi32, #tpu.memory_space<vmem>>
      %dma_wait3A_662 = arith.constant 0 : i32
      %dma_wait3A_663 = arith.constant 0 : i32
      %dma_wait3A_664 = tpu.memref_slice %arg2[%arg0, %dma_wait3A_662, %dma_wait3A_663] : memref<2x100096x16xf32, #tpu.memory_space<hbm>> -> memref<1x100096x16xf32, #tpu.memory_space<hbm>>
      %dma_wait3A_665 = tpu.memref_squeeze %dma_wait3A_664 : memref<1x100096x16xf32, #tpu.memory_space<hbm>> -> memref<100096x16xf32, #tpu.memory_space<hbm>>
      %dma_wait3A_666 = arith.constant 0 : i32
      %dma_wait3A_667 = arith.constant 0 : i32
      %dma_wait3A_668 = tpu.memref_slice %dma_wait3A_665[%dma_wait3A_666, %dma_wait3A_667] : memref<100096x16xf32, #tpu.memory_space<hbm>> -> memref<100096x16xf32, #tpu.memory_space<hbm>>
      tpu.wait_indirect_dma semaphore(%arg11 : memref<!tpu.dma_semaphore, #tpu.memory_space<semaphore_mem>>) src(%dma_wait3A_668 : memref<100096x16xf32, #tpu.memory_space<hbm>>) dst(%dma_wait3A_658 : memref<128x16xf32, #tpu.memory_space<vmem>>)
      %dma_wait3A_669 = arith.constant 0 : i32
      %dma_wait3A_670 = arith.constant 4 : i32
      %dma_wait3A_671 = arith.constant 0 : i32
      %dma_wait3A_672 = arith.constant 4 : i32
      %dma_wait3A_673 = arith.constant 0 : i32
      %dma_wait3A_674 = arith.constant 0 : i32
      %dma_wait3A_675 = tpu.memref_slice %arg9[%dma_wait3A_671, %dma_wait3A_672, %dma_wait3A_673, %dma_wait3A_674] : memref<2x6x128x16xf32, #tpu.memory_space<vmem>> -> memref<1x1x128x16xf32, #tpu.memory_space<vmem>>
      %dma_wait3A_676 = tpu.memref_squeeze %dma_wait3A_675 : memref<1x1x128x16xf32, #tpu.memory_space<vmem>> -> memref<128x16xf32, #tpu.memory_space<vmem>>
      %dma_wait3A_677 = arith.constant 0 : i32
      %dma_wait3A_678 = tpu.memref_slice %arg7[%dma_wait3A_669, %dma_wait3A_670, %dma_wait3A_677] : memref<2x6x128xi32, #tpu.memory_space<vmem>> -> memref<1x1x128xi32, #tpu.memory_space<vmem>>
      %dma_wait3A_679 = tpu.memref_squeeze %dma_wait3A_678 : memref<1x1x128xi32, #tpu.memory_space<vmem>> -> memref<128xi32, #tpu.memory_space<vmem>>
      %dma_wait3A_680 = arith.constant 0 : i32
      %dma_wait3A_681 = arith.constant 0 : i32
      %dma_wait3A_682 = tpu.memref_slice %arg2[%arg0, %dma_wait3A_680, %dma_wait3A_681] : memref<2x100096x16xf32, #tpu.memory_space<hbm>> -> memref<1x100096x16xf32, #tpu.memory_space<hbm>>
      %dma_wait3A_683 = tpu.memref_squeeze %dma_wait3A_682 : memref<1x100096x16xf32, #tpu.memory_space<hbm>> -> memref<100096x16xf32, #tpu.memory_space<hbm>>
      %dma_wait3A_684 = arith.constant 0 : i32
      %dma_wait3A_685 = arith.constant 0 : i32
      %dma_wait3A_686 = tpu.memref_slice %dma_wait3A_683[%dma_wait3A_684, %dma_wait3A_685] : memref<100096x16xf32, #tpu.memory_space<hbm>> -> memref<100096x16xf32, #tpu.memory_space<hbm>>
      tpu.wait_indirect_dma semaphore(%arg11 : memref<!tpu.dma_semaphore, #tpu.memory_space<semaphore_mem>>) src(%dma_wait3A_686 : memref<100096x16xf32, #tpu.memory_space<hbm>>) dst(%dma_wait3A_676 : memref<128x16xf32, #tpu.memory_space<vmem>>)
      %dma_wait3A_687 = arith.constant 0 : i32
      %dma_wait3A_688 = arith.constant 5 : i32
      %dma_wait3A_689 = arith.constant 0 : i32
      %dma_wait3A_690 = arith.constant 5 : i32
      %dma_wait3A_691 = arith.constant 0 : i32
      %dma_wait3A_692 = arith.constant 0 : i32
      %dma_wait3A_693 = tpu.memref_slice %arg9[%dma_wait3A_689, %dma_wait3A_690, %dma_wait3A_691, %dma_wait3A_692] : memref<2x6x128x16xf32, #tpu.memory_space<vmem>> -> memref<1x1x128x16xf32, #tpu.memory_space<vmem>>
      %dma_wait3A_694 = tpu.memref_squeeze %dma_wait3A_693 : memref<1x1x128x16xf32, #tpu.memory_space<vmem>> -> memref<128x16xf32, #tpu.memory_space<vmem>>
      %dma_wait3A_695 = arith.constant 0 : i32
      %dma_wait3A_696 = tpu.memref_slice %arg7[%dma_wait3A_687, %dma_wait3A_688, %dma_wait3A_695] : memref<2x6x128xi32, #tpu.memory_space<vmem>> -> memref<1x1x128xi32, #tpu.memory_space<vmem>>
      %dma_wait3A_697 = tpu.memref_squeeze %dma_wait3A_696 : memref<1x1x128xi32, #tpu.memory_space<vmem>> -> memref<128xi32, #tpu.memory_space<vmem>>
      %dma_wait3A_698 = arith.constant 0 : i32
      %dma_wait3A_699 = arith.constant 0 : i32
      %dma_wait3A_700 = tpu.memref_slice %arg2[%arg0, %dma_wait3A_698, %dma_wait3A_699] : memref<2x100096x16xf32, #tpu.memory_space<hbm>> -> memref<1x100096x16xf32, #tpu.memory_space<hbm>>
      %dma_wait3A_701 = tpu.memref_squeeze %dma_wait3A_700 : memref<1x100096x16xf32, #tpu.memory_space<hbm>> -> memref<100096x16xf32, #tpu.memory_space<hbm>>
      %dma_wait3A_702 = arith.constant 0 : i32
      %dma_wait3A_703 = arith.constant 0 : i32
      %dma_wait3A_704 = tpu.memref_slice %dma_wait3A_701[%dma_wait3A_702, %dma_wait3A_703] : memref<100096x16xf32, #tpu.memory_space<hbm>> -> memref<100096x16xf32, #tpu.memory_space<hbm>>
      tpu.wait_indirect_dma semaphore(%arg11 : memref<!tpu.dma_semaphore, #tpu.memory_space<semaphore_mem>>) src(%dma_wait3A_704 : memref<100096x16xf32, #tpu.memory_space<hbm>>) dst(%dma_wait3A_694 : memref<128x16xf32, #tpu.memory_space<vmem>>)
      %dma_start3A_705 = arith.constant 0 : i32
      %dma_start3A_706 = arith.constant 0 : i32
      %dma_start3A_707 = arith.constant 0 : i32
      %dma_start3A_708 = arith.constant 0 : i32
      %dma_start3A_709 = arith.constant 0 : i32
      %dma_start3A_710 = arith.constant 0 : i32
      %dma_start3A_711 = tpu.memref_slice %arg9[%dma_start3A_705, %dma_start3A_706, %dma_start3A_709, %dma_start3A_710] : memref<2x6x128x16xf32, #tpu.memory_space<vmem>> -> memref<1x1x128x16xf32, #tpu.memory_space<vmem>>
      %dma_start3A_712 = tpu.memref_squeeze %dma_start3A_711 : memref<1x1x128x16xf32, #tpu.memory_space<vmem>> -> memref<128x16xf32, #tpu.memory_space<vmem>>
      %dma_start3A_713 = arith.constant 0 : i32
      %dma_start3A_714 = tpu.memref_slice %arg8[%dma_start3A_707, %dma_start3A_708, %dma_start3A_713] : memref<2x6x128xi32, #tpu.memory_space<vmem>> -> memref<1x1x128xi32, #tpu.memory_space<vmem>>
      %dma_start3A_715 = tpu.memref_squeeze %dma_start3A_714 : memref<1x1x128xi32, #tpu.memory_space<vmem>> -> memref<128xi32, #tpu.memory_space<vmem>>
      %dma_start3A_716 = arith.constant 0 : i32
      %dma_start3A_717 = arith.constant 0 : i32
      %dma_start3A_718 = tpu.memref_slice %arg10[%dma_start3A_716, %dma_start3A_717] : memref<100096x16xf32, #tpu.memory_space<vmem_shared>> -> memref<100096x16xf32, #tpu.memory_space<vmem_shared>>
      tpu.enqueue_indirect_dma source(%dma_start3A_712 : memref<128x16xf32, #tpu.memory_space<vmem>>) target(%dma_start3A_718 : memref<100096x16xf32, #tpu.memory_space<vmem_shared>>) offsets(%dma_start3A_715 : memref<128xi32, #tpu.memory_space<vmem>>) semaphore(%arg12 : memref<!tpu.dma_semaphore, #tpu.memory_space<semaphore_mem>>) {add = true}
      %dma_start3A_719 = arith.constant 0 : i32
      %dma_start3A_720 = arith.constant 1 : i32
      %dma_start3A_721 = arith.constant 0 : i32
      %dma_start3A_722 = arith.constant 1 : i32
      %dma_start3A_723 = arith.constant 0 : i32
      %dma_start3A_724 = arith.constant 0 : i32
      %dma_start3A_725 = tpu.memref_slice %arg9[%dma_start3A_719, %dma_start3A_720, %dma_start3A_723, %dma_start3A_724] : memref<2x6x128x16xf32, #tpu.memory_space<vmem>> -> memref<1x1x128x16xf32, #tpu.memory_space<vmem>>
      %dma_start3A_726 = tpu.memref_squeeze %dma_start3A_725 : memref<1x1x128x16xf32, #tpu.memory_space<vmem>> -> memref<128x16xf32, #tpu.memory_space<vmem>>
      %dma_start3A_727 = arith.constant 0 : i32
      %dma_start3A_728 = tpu.memref_slice %arg8[%dma_start3A_721, %dma_start3A_722, %dma_start3A_727] : memref<2x6x128xi32, #tpu.memory_space<vmem>> -> memref<1x1x128xi32, #tpu.memory_space<vmem>>
      %dma_start3A_729 = tpu.memref_squeeze %dma_start3A_728 : memref<1x1x128xi32, #tpu.memory_space<vmem>> -> memref<128xi32, #tpu.memory_space<vmem>>
      %dma_start3A_730 = arith.constant 0 : i32
      %dma_start3A_731 = arith.constant 0 : i32
      %dma_start3A_732 = tpu.memref_slice %arg10[%dma_start3A_730, %dma_start3A_731] : memref<100096x16xf32, #tpu.memory_space<vmem_shared>> -> memref<100096x16xf32, #tpu.memory_space<vmem_shared>>
      tpu.enqueue_indirect_dma source(%dma_start3A_726 : memref<128x16xf32, #tpu.memory_space<vmem>>) target(%dma_start3A_732 : memref<100096x16xf32, #tpu.memory_space<vmem_shared>>) offsets(%dma_start3A_729 : memref<128xi32, #tpu.memory_space<vmem>>) semaphore(%arg12 : memref<!tpu.dma_semaphore, #tpu.memory_space<semaphore_mem>>) {add = true}
      %dma_start3A_733 = arith.constant 0 : i32
      %dma_start3A_734 = arith.constant 2 : i32
      %dma_start3A_735 = arith.constant 0 : i32
      %dma_start3A_736 = arith.constant 2 : i32
      %dma_start3A_737 = arith.constant 0 : i32
      %dma_start3A_738 = arith.constant 0 : i32
      %dma_start3A_739 = tpu.memref_slice %arg9[%dma_start3A_733, %dma_start3A_734, %dma_start3A_737, %dma_start3A_738] : memref<2x6x128x16xf32, #tpu.memory_space<vmem>> -> memref<1x1x128x16xf32, #tpu.memory_space<vmem>>
      %dma_start3A_740 = tpu.memref_squeeze %dma_start3A_739 : memref<1x1x128x16xf32, #tpu.memory_space<vmem>> -> memref<128x16xf32, #tpu.memory_space<vmem>>
      %dma_start3A_741 = arith.constant 0 : i32
      %dma_start3A_742 = tpu.memref_slice %arg8[%dma_start3A_735, %dma_start3A_736, %dma_start3A_741] : memref<2x6x128xi32, #tpu.memory_space<vmem>> -> memref<1x1x128xi32, #tpu.memory_space<vmem>>
      %dma_start3A_743 = tpu.memref_squeeze %dma_start3A_742 : memref<1x1x128xi32, #tpu.memory_space<vmem>> -> memref<128xi32, #tpu.memory_space<vmem>>
      %dma_start3A_744 = arith.constant 0 : i32
      %dma_start3A_745 = arith.constant 0 : i32
      %dma_start3A_746 = tpu.memref_slice %arg10[%dma_start3A_744, %dma_start3A_745] : memref<100096x16xf32, #tpu.memory_space<vmem_shared>> -> memref<100096x16xf32, #tpu.memory_space<vmem_shared>>
      tpu.enqueue_indirect_dma source(%dma_start3A_740 : memref<128x16xf32, #tpu.memory_space<vmem>>) target(%dma_start3A_746 : memref<100096x16xf32, #tpu.memory_space<vmem_shared>>) offsets(%dma_start3A_743 : memref<128xi32, #tpu.memory_space<vmem>>) semaphore(%arg12 : memref<!tpu.dma_semaphore, #tpu.memory_space<semaphore_mem>>) {add = true}
      %dma_start3A_747 = arith.constant 0 : i32
      %dma_start3A_748 = arith.constant 3 : i32
      %dma_start3A_749 = arith.constant 0 : i32
      %dma_start3A_750 = arith.constant 3 : i32
      %dma_start3A_751 = arith.constant 0 : i32
      %dma_start3A_752 = arith.constant 0 : i32
      %dma_start3A_753 = tpu.memref_slice %arg9[%dma_start3A_747, %dma_start3A_748, %dma_start3A_751, %dma_start3A_752] : memref<2x6x128x16xf32, #tpu.memory_space<vmem>> -> memref<1x1x128x16xf32, #tpu.memory_space<vmem>>
      %dma_start3A_754 = tpu.memref_squeeze %dma_start3A_753 : memref<1x1x128x16xf32, #tpu.memory_space<vmem>> -> memref<128x16xf32, #tpu.memory_space<vmem>>
      %dma_start3A_755 = arith.constant 0 : i32
      %dma_start3A_756 = tpu.memref_slice %arg8[%dma_start3A_749, %dma_start3A_750, %dma_start3A_755] : memref<2x6x128xi32, #tpu.memory_space<vmem>> -> memref<1x1x128xi32, #tpu.memory_space<vmem>>
      %dma_start3A_757 = tpu.memref_squeeze %dma_start3A_756 : memref<1x1x128xi32, #tpu.memory_space<vmem>> -> memref<128xi32, #tpu.memory_space<vmem>>
      %dma_start3A_758 = arith.constant 0 : i32
      %dma_start3A_759 = arith.constant 0 : i32
      %dma_start3A_760 = tpu.memref_slice %arg10[%dma_start3A_758, %dma_start3A_759] : memref<100096x16xf32, #tpu.memory_space<vmem_shared>> -> memref<100096x16xf32, #tpu.memory_space<vmem_shared>>
      tpu.enqueue_indirect_dma source(%dma_start3A_754 : memref<128x16xf32, #tpu.memory_space<vmem>>) target(%dma_start3A_760 : memref<100096x16xf32, #tpu.memory_space<vmem_shared>>) offsets(%dma_start3A_757 : memref<128xi32, #tpu.memory_space<vmem>>) semaphore(%arg12 : memref<!tpu.dma_semaphore, #tpu.memory_space<semaphore_mem>>) {add = true}
      %dma_start3A_761 = arith.constant 0 : i32
      %dma_start3A_762 = arith.constant 4 : i32
      %dma_start3A_763 = arith.constant 0 : i32
      %dma_start3A_764 = arith.constant 4 : i32
      %dma_start3A_765 = arith.constant 0 : i32
      %dma_start3A_766 = arith.constant 0 : i32
      %dma_start3A_767 = tpu.memref_slice %arg9[%dma_start3A_761, %dma_start3A_762, %dma_start3A_765, %dma_start3A_766] : memref<2x6x128x16xf32, #tpu.memory_space<vmem>> -> memref<1x1x128x16xf32, #tpu.memory_space<vmem>>
      %dma_start3A_768 = tpu.memref_squeeze %dma_start3A_767 : memref<1x1x128x16xf32, #tpu.memory_space<vmem>> -> memref<128x16xf32, #tpu.memory_space<vmem>>
      %dma_start3A_769 = arith.constant 0 : i32
      %dma_start3A_770 = tpu.memref_slice %arg8[%dma_start3A_763, %dma_start3A_764, %dma_start3A_769] : memref<2x6x128xi32, #tpu.memory_space<vmem>> -> memref<1x1x128xi32, #tpu.memory_space<vmem>>
      %dma_start3A_771 = tpu.memref_squeeze %dma_start3A_770 : memref<1x1x128xi32, #tpu.memory_space<vmem>> -> memref<128xi32, #tpu.memory_space<vmem>>
      %dma_start3A_772 = arith.constant 0 : i32
      %dma_start3A_773 = arith.constant 0 : i32
      %dma_start3A_774 = tpu.memref_slice %arg10[%dma_start3A_772, %dma_start3A_773] : memref<100096x16xf32, #tpu.memory_space<vmem_shared>> -> memref<100096x16xf32, #tpu.memory_space<vmem_shared>>
      tpu.enqueue_indirect_dma source(%dma_start3A_768 : memref<128x16xf32, #tpu.memory_space<vmem>>) target(%dma_start3A_774 : memref<100096x16xf32, #tpu.memory_space<vmem_shared>>) offsets(%dma_start3A_771 : memref<128xi32, #tpu.memory_space<vmem>>) semaphore(%arg12 : memref<!tpu.dma_semaphore, #tpu.memory_space<semaphore_mem>>) {add = true}
      %dma_start3A_775 = arith.constant 0 : i32
      %dma_start3A_776 = arith.constant 5 : i32
      %dma_start3A_777 = arith.constant 0 : i32
      %dma_start3A_778 = arith.constant 5 : i32
      %dma_start3A_779 = arith.constant 0 : i32
      %dma_start3A_780 = arith.constant 0 : i32
      %dma_start3A_781 = tpu.memref_slice %arg9[%dma_start3A_775, %dma_start3A_776, %dma_start3A_779, %dma_start3A_780] : memref<2x6x128x16xf32, #tpu.memory_space<vmem>> -> memref<1x1x128x16xf32, #tpu.memory_space<vmem>>
      %dma_start3A_782 = tpu.memref_squeeze %dma_start3A_781 : memref<1x1x128x16xf32, #tpu.memory_space<vmem>> -> memref<128x16xf32, #tpu.memory_space<vmem>>
      %dma_start3A_783 = arith.constant 0 : i32
      %dma_start3A_784 = tpu.memref_slice %arg8[%dma_start3A_777, %dma_start3A_778, %dma_start3A_783] : memref<2x6x128xi32, #tpu.memory_space<vmem>> -> memref<1x1x128xi32, #tpu.memory_space<vmem>>
      %dma_start3A_785 = tpu.memref_squeeze %dma_start3A_784 : memref<1x1x128xi32, #tpu.memory_space<vmem>> -> memref<128xi32, #tpu.memory_space<vmem>>
      %dma_start3A_786 = arith.constant 0 : i32
      %dma_start3A_787 = arith.constant 0 : i32
      %dma_start3A_788 = tpu.memref_slice %arg10[%dma_start3A_786, %dma_start3A_787] : memref<100096x16xf32, #tpu.memory_space<vmem_shared>> -> memref<100096x16xf32, #tpu.memory_space<vmem_shared>>
      tpu.enqueue_indirect_dma source(%dma_start3A_782 : memref<128x16xf32, #tpu.memory_space<vmem>>) target(%dma_start3A_788 : memref<100096x16xf32, #tpu.memory_space<vmem_shared>>) offsets(%dma_start3A_785 : memref<128xi32, #tpu.memory_space<vmem>>) semaphore(%arg12 : memref<!tpu.dma_semaphore, #tpu.memory_space<semaphore_mem>>) {add = true}
      %dma_wait3A_789 = arith.constant 0 : i32
      %dma_wait3A_790 = arith.constant 0 : i32
      %dma_wait3A_791 = arith.constant 0 : i32
      %dma_wait3A_792 = arith.constant 0 : i32
      %dma_wait3A_793 = arith.constant 0 : i32
      %dma_wait3A_794 = arith.constant 0 : i32
      %dma_wait3A_795 = tpu.memref_slice %arg9[%dma_wait3A_789, %dma_wait3A_790, %dma_wait3A_793, %dma_wait3A_794] : memref<2x6x128x16xf32, #tpu.memory_space<vmem>> -> memref<1x1x128x16xf32, #tpu.memory_space<vmem>>
      %dma_wait3A_796 = tpu.memref_squeeze %dma_wait3A_795 : memref<1x1x128x16xf32, #tpu.memory_space<vmem>> -> memref<128x16xf32, #tpu.memory_space<vmem>>
      %dma_wait3A_797 = arith.constant 0 : i32
      %dma_wait3A_798 = tpu.memref_slice %arg8[%dma_wait3A_791, %dma_wait3A_792, %dma_wait3A_797] : memref<2x6x128xi32, #tpu.memory_space<vmem>> -> memref<1x1x128xi32, #tpu.memory_space<vmem>>
      %dma_wait3A_799 = tpu.memref_squeeze %dma_wait3A_798 : memref<1x1x128xi32, #tpu.memory_space<vmem>> -> memref<128xi32, #tpu.memory_space<vmem>>
      %dma_wait3A_800 = arith.constant 0 : i32
      %dma_wait3A_801 = arith.constant 0 : i32
      %dma_wait3A_802 = tpu.memref_slice %arg10[%dma_wait3A_800, %dma_wait3A_801] : memref<100096x16xf32, #tpu.memory_space<vmem_shared>> -> memref<100096x16xf32, #tpu.memory_space<vmem_shared>>
      tpu.wait_indirect_dma semaphore(%arg12 : memref<!tpu.dma_semaphore, #tpu.memory_space<semaphore_mem>>) src(%dma_wait3A_796 : memref<128x16xf32, #tpu.memory_space<vmem>>) dst(%dma_wait3A_802 : memref<100096x16xf32, #tpu.memory_space<vmem_shared>>)
      %dma_wait3A_803 = arith.constant 0 : i32
      %dma_wait3A_804 = arith.constant 1 : i32
      %dma_wait3A_805 = arith.constant 0 : i32
      %dma_wait3A_806 = arith.constant 1 : i32
      %dma_wait3A_807 = arith.constant 0 : i32
      %dma_wait3A_808 = arith.constant 0 : i32
      %dma_wait3A_809 = tpu.memref_slice %arg9[%dma_wait3A_803, %dma_wait3A_804, %dma_wait3A_807, %dma_wait3A_808] : memref<2x6x128x16xf32, #tpu.memory_space<vmem>> -> memref<1x1x128x16xf32, #tpu.memory_space<vmem>>
      %dma_wait3A_810 = tpu.memref_squeeze %dma_wait3A_809 : memref<1x1x128x16xf32, #tpu.memory_space<vmem>> -> memref<128x16xf32, #tpu.memory_space<vmem>>
      %dma_wait3A_811 = arith.constant 0 : i32
      %dma_wait3A_812 = tpu.memref_slice %arg8[%dma_wait3A_805, %dma_wait3A_806, %dma_wait3A_811] : memref<2x6x128xi32, #tpu.memory_space<vmem>> -> memref<1x1x128xi32, #tpu.memory_space<vmem>>
      %dma_wait3A_813 = tpu.memref_squeeze %dma_wait3A_812 : memref<1x1x128xi32, #tpu.memory_space<vmem>> -> memref<128xi32, #tpu.memory_space<vmem>>
      %dma_wait3A_814 = arith.constant 0 : i32
      %dma_wait3A_815 = arith.constant 0 : i32
      %dma_wait3A_816 = tpu.memref_slice %arg10[%dma_wait3A_814, %dma_wait3A_815] : memref<100096x16xf32, #tpu.memory_space<vmem_shared>> -> memref<100096x16xf32, #tpu.memory_space<vmem_shared>>
      tpu.wait_indirect_dma semaphore(%arg12 : memref<!tpu.dma_semaphore, #tpu.memory_space<semaphore_mem>>) src(%dma_wait3A_810 : memref<128x16xf32, #tpu.memory_space<vmem>>) dst(%dma_wait3A_816 : memref<100096x16xf32, #tpu.memory_space<vmem_shared>>)
      %dma_wait3A_817 = arith.constant 0 : i32
      %dma_wait3A_818 = arith.constant 2 : i32
      %dma_wait3A_819 = arith.constant 0 : i32
      %dma_wait3A_820 = arith.constant 2 : i32
      %dma_wait3A_821 = arith.constant 0 : i32
      %dma_wait3A_822 = arith.constant 0 : i32
      %dma_wait3A_823 = tpu.memref_slice %arg9[%dma_wait3A_817, %dma_wait3A_818, %dma_wait3A_821, %dma_wait3A_822] : memref<2x6x128x16xf32, #tpu.memory_space<vmem>> -> memref<1x1x128x16xf32, #tpu.memory_space<vmem>>
      %dma_wait3A_824 = tpu.memref_squeeze %dma_wait3A_823 : memref<1x1x128x16xf32, #tpu.memory_space<vmem>> -> memref<128x16xf32, #tpu.memory_space<vmem>>
      %dma_wait3A_825 = arith.constant 0 : i32
      %dma_wait3A_826 = tpu.memref_slice %arg8[%dma_wait3A_819, %dma_wait3A_820, %dma_wait3A_825] : memref<2x6x128xi32, #tpu.memory_space<vmem>> -> memref<1x1x128xi32, #tpu.memory_space<vmem>>
      %dma_wait3A_827 = tpu.memref_squeeze %dma_wait3A_826 : memref<1x1x128xi32, #tpu.memory_space<vmem>> -> memref<128xi32, #tpu.memory_space<vmem>>
      %dma_wait3A_828 = arith.constant 0 : i32
      %dma_wait3A_829 = arith.constant 0 : i32
      %dma_wait3A_830 = tpu.memref_slice %arg10[%dma_wait3A_828, %dma_wait3A_829] : memref<100096x16xf32, #tpu.memory_space<vmem_shared>> -> memref<100096x16xf32, #tpu.memory_space<vmem_shared>>
      tpu.wait_indirect_dma semaphore(%arg12 : memref<!tpu.dma_semaphore, #tpu.memory_space<semaphore_mem>>) src(%dma_wait3A_824 : memref<128x16xf32, #tpu.memory_space<vmem>>) dst(%dma_wait3A_830 : memref<100096x16xf32, #tpu.memory_space<vmem_shared>>)
      %dma_wait3A_831 = arith.constant 0 : i32
      %dma_wait3A_832 = arith.constant 3 : i32
      %dma_wait3A_833 = arith.constant 0 : i32
      %dma_wait3A_834 = arith.constant 3 : i32
      %dma_wait3A_835 = arith.constant 0 : i32
      %dma_wait3A_836 = arith.constant 0 : i32
      %dma_wait3A_837 = tpu.memref_slice %arg9[%dma_wait3A_831, %dma_wait3A_832, %dma_wait3A_835, %dma_wait3A_836] : memref<2x6x128x16xf32, #tpu.memory_space<vmem>> -> memref<1x1x128x16xf32, #tpu.memory_space<vmem>>
      %dma_wait3A_838 = tpu.memref_squeeze %dma_wait3A_837 : memref<1x1x128x16xf32, #tpu.memory_space<vmem>> -> memref<128x16xf32, #tpu.memory_space<vmem>>
      %dma_wait3A_839 = arith.constant 0 : i32
      %dma_wait3A_840 = tpu.memref_slice %arg8[%dma_wait3A_833, %dma_wait3A_834, %dma_wait3A_839] : memref<2x6x128xi32, #tpu.memory_space<vmem>> -> memref<1x1x128xi32, #tpu.memory_space<vmem>>
      %dma_wait3A_841 = tpu.memref_squeeze %dma_wait3A_840 : memref<1x1x128xi32, #tpu.memory_space<vmem>> -> memref<128xi32, #tpu.memory_space<vmem>>
      %dma_wait3A_842 = arith.constant 0 : i32
      %dma_wait3A_843 = arith.constant 0 : i32
      %dma_wait3A_844 = tpu.memref_slice %arg10[%dma_wait3A_842, %dma_wait3A_843] : memref<100096x16xf32, #tpu.memory_space<vmem_shared>> -> memref<100096x16xf32, #tpu.memory_space<vmem_shared>>
      tpu.wait_indirect_dma semaphore(%arg12 : memref<!tpu.dma_semaphore, #tpu.memory_space<semaphore_mem>>) src(%dma_wait3A_838 : memref<128x16xf32, #tpu.memory_space<vmem>>) dst(%dma_wait3A_844 : memref<100096x16xf32, #tpu.memory_space<vmem_shared>>)
      %dma_wait3A_845 = arith.constant 0 : i32
      %dma_wait3A_846 = arith.constant 4 : i32
      %dma_wait3A_847 = arith.constant 0 : i32
      %dma_wait3A_848 = arith.constant 4 : i32
      %dma_wait3A_849 = arith.constant 0 : i32
      %dma_wait3A_850 = arith.constant 0 : i32
      %dma_wait3A_851 = tpu.memref_slice %arg9[%dma_wait3A_845, %dma_wait3A_846, %dma_wait3A_849, %dma_wait3A_850] : memref<2x6x128x16xf32, #tpu.memory_space<vmem>> -> memref<1x1x128x16xf32, #tpu.memory_space<vmem>>
      %dma_wait3A_852 = tpu.memref_squeeze %dma_wait3A_851 : memref<1x1x128x16xf32, #tpu.memory_space<vmem>> -> memref<128x16xf32, #tpu.memory_space<vmem>>
      %dma_wait3A_853 = arith.constant 0 : i32
      %dma_wait3A_854 = tpu.memref_slice %arg8[%dma_wait3A_847, %dma_wait3A_848, %dma_wait3A_853] : memref<2x6x128xi32, #tpu.memory_space<vmem>> -> memref<1x1x128xi32, #tpu.memory_space<vmem>>
      %dma_wait3A_855 = tpu.memref_squeeze %dma_wait3A_854 : memref<1x1x128xi32, #tpu.memory_space<vmem>> -> memref<128xi32, #tpu.memory_space<vmem>>
      %dma_wait3A_856 = arith.constant 0 : i32
      %dma_wait3A_857 = arith.constant 0 : i32
      %dma_wait3A_858 = tpu.memref_slice %arg10[%dma_wait3A_856, %dma_wait3A_857] : memref<100096x16xf32, #tpu.memory_space<vmem_shared>> -> memref<100096x16xf32, #tpu.memory_space<vmem_shared>>
      tpu.wait_indirect_dma semaphore(%arg12 : memref<!tpu.dma_semaphore, #tpu.memory_space<semaphore_mem>>) src(%dma_wait3A_852 : memref<128x16xf32, #tpu.memory_space<vmem>>) dst(%dma_wait3A_858 : memref<100096x16xf32, #tpu.memory_space<vmem_shared>>)
      %dma_wait3A_859 = arith.constant 0 : i32
      %dma_wait3A_860 = arith.constant 5 : i32
      %dma_wait3A_861 = arith.constant 0 : i32
      %dma_wait3A_862 = arith.constant 5 : i32
      %dma_wait3A_863 = arith.constant 0 : i32
      %dma_wait3A_864 = arith.constant 0 : i32
      %dma_wait3A_865 = tpu.memref_slice %arg9[%dma_wait3A_859, %dma_wait3A_860, %dma_wait3A_863, %dma_wait3A_864] : memref<2x6x128x16xf32, #tpu.memory_space<vmem>> -> memref<1x1x128x16xf32, #tpu.memory_space<vmem>>
      %dma_wait3A_866 = tpu.memref_squeeze %dma_wait3A_865 : memref<1x1x128x16xf32, #tpu.memory_space<vmem>> -> memref<128x16xf32, #tpu.memory_space<vmem>>
      %dma_wait3A_867 = arith.constant 0 : i32
      %dma_wait3A_868 = tpu.memref_slice %arg8[%dma_wait3A_861, %dma_wait3A_862, %dma_wait3A_867] : memref<2x6x128xi32, #tpu.memory_space<vmem>> -> memref<1x1x128xi32, #tpu.memory_space<vmem>>
      %dma_wait3A_869 = tpu.memref_squeeze %dma_wait3A_868 : memref<1x1x128xi32, #tpu.memory_space<vmem>> -> memref<128xi32, #tpu.memory_space<vmem>>
      %dma_wait3A_870 = arith.constant 0 : i32
      %dma_wait3A_871 = arith.constant 0 : i32
      %dma_wait3A_872 = tpu.memref_slice %arg10[%dma_wait3A_870, %dma_wait3A_871] : memref<100096x16xf32, #tpu.memory_space<vmem_shared>> -> memref<100096x16xf32, #tpu.memory_space<vmem_shared>>
      tpu.wait_indirect_dma semaphore(%arg12 : memref<!tpu.dma_semaphore, #tpu.memory_space<semaphore_mem>>) src(%dma_wait3A_866 : memref<128x16xf32, #tpu.memory_space<vmem>>) dst(%dma_wait3A_872 : memref<100096x16xf32, #tpu.memory_space<vmem_shared>>)
      %mul3A_873 = arith.constant 2 : i32
      %mul3A_874 = arith.muli %mul3A_873, %scan3A_477 : i32
      %add3A_875 = arith.constant 2 : i32
      %add3A_876 = arith.addi %mul3A_874, %add3A_875 : i32
      %mul3A_877 = arith.constant 6 : i32
      %mul3A_878 = arith.muli %add3A_876, %mul3A_877 : i32
      %add3A_879 = arith.addi %mul3A_2, %mul3A_878 : i32
      %run_scoped3A_880 = arith.constant 0 : i32
      "tpu.region"() ({
        %run_scoped3A_1182 = tpu.sem_alloc : memref<!tpu.dma_semaphore, #tpu.memory_space<semaphore_mem>>
        %dma_start3A_1183 = arith.constant 0 : i32
        %dma_start3A_1184 = arith.constant 0 : i32
        %dma_start3A_1185 = tpu.memref_slice %arg7[%run_scoped3A_880, %dma_start3A_1183, %dma_start3A_1184] : memref<2x6x128xi32, #tpu.memory_space<vmem>> -> memref<1x6x128xi32, #tpu.memory_space<vmem>>
        %dma_start3A_1186 = tpu.memref_squeeze %dma_start3A_1185 : memref<1x6x128xi32, #tpu.memory_space<vmem>> -> memref<6x128xi32, #tpu.memory_space<vmem>>
        %dma_start3A_1187 = arith.constant 0 : i32
        %dma_start3A_1188 = tpu.memref_slice %arg3[%add3A_879, %dma_start3A_1187] : memref<12576x128xi32, #tpu.memory_space<hbm>> -> memref<6x128xi32, #tpu.memory_space<hbm>>
        %dma_start3A_1189 = arith.constant 0 : i32
        %dma_start3A_1190 = arith.constant 0 : i32
        %dma_start3A_1191 = tpu.memref_slice %arg7[%run_scoped3A_880, %dma_start3A_1189, %dma_start3A_1190] : memref<2x6x128xi32, #tpu.memory_space<vmem>> -> memref<1x6x128xi32, #tpu.memory_space<vmem>>
        %dma_start3A_1192 = tpu.memref_squeeze %dma_start3A_1191 : memref<1x6x128xi32, #tpu.memory_space<vmem>> -> memref<6x128xi32, #tpu.memory_space<vmem>>
        %dma_start3A_1193 = arith.constant 0 : i32
        %dma_start3A_1194 = tpu.memref_slice %arg3[%add3A_879, %dma_start3A_1193] : memref<12576x128xi32, #tpu.memory_space<hbm>> -> memref<6x128xi32, #tpu.memory_space<hbm>>
        tpu.enqueue_dma source(%dma_start3A_1194 : memref<6x128xi32, #tpu.memory_space<hbm>>) target(%dma_start3A_1192 : memref<6x128xi32, #tpu.memory_space<vmem>>) target_semaphore(%run_scoped3A_1182 : memref<!tpu.dma_semaphore, #tpu.memory_space<semaphore_mem>>)
        %dma_wait3A_1195 = arith.constant 0 : i32
        %dma_wait3A_1196 = arith.constant 0 : i32
        %dma_wait3A_1197 = tpu.memref_slice %arg7[%run_scoped3A_880, %dma_wait3A_1195, %dma_wait3A_1196] : memref<2x6x128xi32, #tpu.memory_space<vmem>> -> memref<1x6x128xi32, #tpu.memory_space<vmem>>
        %dma_wait3A_1198 = tpu.memref_squeeze %dma_wait3A_1197 : memref<1x6x128xi32, #tpu.memory_space<vmem>> -> memref<6x128xi32, #tpu.memory_space<vmem>>
        %dma_wait3A_1199 = arith.constant 0 : i32
        %dma_wait3A_1200 = tpu.memref_slice %arg3[%add3A_879, %dma_wait3A_1199] : memref<12576x128xi32, #tpu.memory_space<hbm>> -> memref<6x128xi32, #tpu.memory_space<hbm>>
        %dma_wait3A_1201 = arith.constant 0 : i32
        %dma_wait3A_1202 = arith.constant 0 : i32
        %dma_wait3A_1203 = tpu.memref_slice %arg7[%run_scoped3A_880, %dma_wait3A_1201, %dma_wait3A_1202] : memref<2x6x128xi32, #tpu.memory_space<vmem>> -> memref<1x6x128xi32, #tpu.memory_space<vmem>>
        %dma_wait3A_1204 = tpu.memref_squeeze %dma_wait3A_1203 : memref<1x6x128xi32, #tpu.memory_space<vmem>> -> memref<6x128xi32, #tpu.memory_space<vmem>>
        %dma_wait3A_1205 = arith.constant 0 : i32
        %dma_wait3A_1206 = tpu.memref_slice %arg3[%add3A_879, %dma_wait3A_1205] : memref<12576x128xi32, #tpu.memory_space<hbm>> -> memref<6x128xi32, #tpu.memory_space<hbm>>
        tpu.wait_dma2 semaphore(%run_scoped3A_1182 : memref<!tpu.dma_semaphore, #tpu.memory_space<semaphore_mem>>) src(%dma_wait3A_1206 : memref<6x128xi32, #tpu.memory_space<hbm>>) dst(%dma_wait3A_1204 : memref<6x128xi32, #tpu.memory_space<vmem>>)
        tpu.yield
      }) : () -> ()
      %run_scoped3A_881 = arith.constant 0 : i32
      "tpu.region"() ({
        %run_scoped3A_1182 = tpu.sem_alloc : memref<!tpu.dma_semaphore, #tpu.memory_space<semaphore_mem>>
        %dma_start3A_1183 = arith.constant 0 : i32
        %dma_start3A_1184 = arith.constant 0 : i32
        %dma_start3A_1185 = tpu.memref_slice %arg8[%run_scoped3A_881, %dma_start3A_1183, %dma_start3A_1184] : memref<2x6x128xi32, #tpu.memory_space<vmem>> -> memref<1x6x128xi32, #tpu.memory_space<vmem>>
        %dma_start3A_1186 = tpu.memref_squeeze %dma_start3A_1185 : memref<1x6x128xi32, #tpu.memory_space<vmem>> -> memref<6x128xi32, #tpu.memory_space<vmem>>
        %dma_start3A_1187 = arith.constant 0 : i32
        %dma_start3A_1188 = tpu.memref_slice %arg4[%add3A_879, %dma_start3A_1187] : memref<12576x128xi32, #tpu.memory_space<hbm>> -> memref<6x128xi32, #tpu.memory_space<hbm>>
        %dma_start3A_1189 = arith.constant 0 : i32
        %dma_start3A_1190 = arith.constant 0 : i32
        %dma_start3A_1191 = tpu.memref_slice %arg8[%run_scoped3A_881, %dma_start3A_1189, %dma_start3A_1190] : memref<2x6x128xi32, #tpu.memory_space<vmem>> -> memref<1x6x128xi32, #tpu.memory_space<vmem>>
        %dma_start3A_1192 = tpu.memref_squeeze %dma_start3A_1191 : memref<1x6x128xi32, #tpu.memory_space<vmem>> -> memref<6x128xi32, #tpu.memory_space<vmem>>
        %dma_start3A_1193 = arith.constant 0 : i32
        %dma_start3A_1194 = tpu.memref_slice %arg4[%add3A_879, %dma_start3A_1193] : memref<12576x128xi32, #tpu.memory_space<hbm>> -> memref<6x128xi32, #tpu.memory_space<hbm>>
        tpu.enqueue_dma source(%dma_start3A_1194 : memref<6x128xi32, #tpu.memory_space<hbm>>) target(%dma_start3A_1192 : memref<6x128xi32, #tpu.memory_space<vmem>>) target_semaphore(%run_scoped3A_1182 : memref<!tpu.dma_semaphore, #tpu.memory_space<semaphore_mem>>)
        %dma_wait3A_1195 = arith.constant 0 : i32
        %dma_wait3A_1196 = arith.constant 0 : i32
        %dma_wait3A_1197 = tpu.memref_slice %arg8[%run_scoped3A_881, %dma_wait3A_1195, %dma_wait3A_1196] : memref<2x6x128xi32, #tpu.memory_space<vmem>> -> memref<1x6x128xi32, #tpu.memory_space<vmem>>
        %dma_wait3A_1198 = tpu.memref_squeeze %dma_wait3A_1197 : memref<1x6x128xi32, #tpu.memory_space<vmem>> -> memref<6x128xi32, #tpu.memory_space<vmem>>
        %dma_wait3A_1199 = arith.constant 0 : i32
        %dma_wait3A_1200 = tpu.memref_slice %arg4[%add3A_879, %dma_wait3A_1199] : memref<12576x128xi32, #tpu.memory_space<hbm>> -> memref<6x128xi32, #tpu.memory_space<hbm>>
        %dma_wait3A_1201 = arith.constant 0 : i32
        %dma_wait3A_1202 = arith.constant 0 : i32
        %dma_wait3A_1203 = tpu.memref_slice %arg8[%run_scoped3A_881, %dma_wait3A_1201, %dma_wait3A_1202] : memref<2x6x128xi32, #tpu.memory_space<vmem>> -> memref<1x6x128xi32, #tpu.memory_space<vmem>>
        %dma_wait3A_1204 = tpu.memref_squeeze %dma_wait3A_1203 : memref<1x6x128xi32, #tpu.memory_space<vmem>> -> memref<6x128xi32, #tpu.memory_space<vmem>>
        %dma_wait3A_1205 = arith.constant 0 : i32
        %dma_wait3A_1206 = tpu.memref_slice %arg4[%add3A_879, %dma_wait3A_1205] : memref<12576x128xi32, #tpu.memory_space<hbm>> -> memref<6x128xi32, #tpu.memory_space<hbm>>
        tpu.wait_dma2 semaphore(%run_scoped3A_1182 : memref<!tpu.dma_semaphore, #tpu.memory_space<semaphore_mem>>) src(%dma_wait3A_1206 : memref<6x128xi32, #tpu.memory_space<hbm>>) dst(%dma_wait3A_1204 : memref<6x128xi32, #tpu.memory_space<vmem>>)
        tpu.yield
      }) : () -> ()
      %dma_start3A_882 = arith.constant 0 : i32
      %dma_start3A_883 = arith.constant 0 : i32
      %dma_start3A_884 = arith.constant 0 : i32
      %dma_start3A_885 = arith.constant 0 : i32
      %dma_start3A_886 = arith.constant 0 : i32
      %dma_start3A_887 = arith.constant 0 : i32
      %dma_start3A_888 = tpu.memref_slice %arg9[%dma_start3A_884, %dma_start3A_885, %dma_start3A_886, %dma_start3A_887] : memref<2x6x128x16xf32, #tpu.memory_space<vmem>> -> memref<1x1x128x16xf32, #tpu.memory_space<vmem>>
      %dma_start3A_889 = tpu.memref_squeeze %dma_start3A_888 : memref<1x1x128x16xf32, #tpu.memory_space<vmem>> -> memref<128x16xf32, #tpu.memory_space<vmem>>
      %dma_start3A_890 = arith.constant 0 : i32
      %dma_start3A_891 = tpu.memref_slice %arg7[%dma_start3A_882, %dma_start3A_883, %dma_start3A_890] : memref<2x6x128xi32, #tpu.memory_space<vmem>> -> memref<1x1x128xi32, #tpu.memory_space<vmem>>
      %dma_start3A_892 = tpu.memref_squeeze %dma_start3A_891 : memref<1x1x128xi32, #tpu.memory_space<vmem>> -> memref<128xi32, #tpu.memory_space<vmem>>
      %dma_start3A_893 = arith.constant 0 : i32
      %dma_start3A_894 = arith.constant 0 : i32
      %dma_start3A_895 = tpu.memref_slice %arg2[%arg0, %dma_start3A_893, %dma_start3A_894] : memref<2x100096x16xf32, #tpu.memory_space<hbm>> -> memref<1x100096x16xf32, #tpu.memory_space<hbm>>
      %dma_start3A_896 = tpu.memref_squeeze %dma_start3A_895 : memref<1x100096x16xf32, #tpu.memory_space<hbm>> -> memref<100096x16xf32, #tpu.memory_space<hbm>>
      %dma_start3A_897 = arith.constant 0 : i32
      %dma_start3A_898 = arith.constant 0 : i32
      %dma_start3A_899 = tpu.memref_slice %dma_start3A_896[%dma_start3A_897, %dma_start3A_898] : memref<100096x16xf32, #tpu.memory_space<hbm>> -> memref<100096x16xf32, #tpu.memory_space<hbm>>
      tpu.enqueue_indirect_dma source(%dma_start3A_899 : memref<100096x16xf32, #tpu.memory_space<hbm>>) target(%dma_start3A_889 : memref<128x16xf32, #tpu.memory_space<vmem>>) offsets(%dma_start3A_892 : memref<128xi32, #tpu.memory_space<vmem>>) semaphore(%arg11 : memref<!tpu.dma_semaphore, #tpu.memory_space<semaphore_mem>>)
      %dma_start3A_900 = arith.constant 0 : i32
      %dma_start3A_901 = arith.constant 1 : i32
      %dma_start3A_902 = arith.constant 0 : i32
      %dma_start3A_903 = arith.constant 1 : i32
      %dma_start3A_904 = arith.constant 0 : i32
      %dma_start3A_905 = arith.constant 0 : i32
      %dma_start3A_906 = tpu.memref_slice %arg9[%dma_start3A_902, %dma_start3A_903, %dma_start3A_904, %dma_start3A_905] : memref<2x6x128x16xf32, #tpu.memory_space<vmem>> -> memref<1x1x128x16xf32, #tpu.memory_space<vmem>>
      %dma_start3A_907 = tpu.memref_squeeze %dma_start3A_906 : memref<1x1x128x16xf32, #tpu.memory_space<vmem>> -> memref<128x16xf32, #tpu.memory_space<vmem>>
      %dma_start3A_908 = arith.constant 0 : i32
      %dma_start3A_909 = tpu.memref_slice %arg7[%dma_start3A_900, %dma_start3A_901, %dma_start3A_908] : memref<2x6x128xi32, #tpu.memory_space<vmem>> -> memref<1x1x128xi32, #tpu.memory_space<vmem>>
      %dma_start3A_910 = tpu.memref_squeeze %dma_start3A_909 : memref<1x1x128xi32, #tpu.memory_space<vmem>> -> memref<128xi32, #tpu.memory_space<vmem>>
      %dma_start3A_911 = arith.constant 0 : i32
      %dma_start3A_912 = arith.constant 0 : i32
      %dma_start3A_913 = tpu.memref_slice %arg2[%arg0, %dma_start3A_911, %dma_start3A_912] : memref<2x100096x16xf32, #tpu.memory_space<hbm>> -> memref<1x100096x16xf32, #tpu.memory_space<hbm>>
      %dma_start3A_914 = tpu.memref_squeeze %dma_start3A_913 : memref<1x100096x16xf32, #tpu.memory_space<hbm>> -> memref<100096x16xf32, #tpu.memory_space<hbm>>
      %dma_start3A_915 = arith.constant 0 : i32
      %dma_start3A_916 = arith.constant 0 : i32
      %dma_start3A_917 = tpu.memref_slice %dma_start3A_914[%dma_start3A_915, %dma_start3A_916] : memref<100096x16xf32, #tpu.memory_space<hbm>> -> memref<100096x16xf32, #tpu.memory_space<hbm>>
      tpu.enqueue_indirect_dma source(%dma_start3A_917 : memref<100096x16xf32, #tpu.memory_space<hbm>>) target(%dma_start3A_907 : memref<128x16xf32, #tpu.memory_space<vmem>>) offsets(%dma_start3A_910 : memref<128xi32, #tpu.memory_space<vmem>>) semaphore(%arg11 : memref<!tpu.dma_semaphore, #tpu.memory_space<semaphore_mem>>)
      %dma_start3A_918 = arith.constant 0 : i32
      %dma_start3A_919 = arith.constant 2 : i32
      %dma_start3A_920 = arith.constant 0 : i32
      %dma_start3A_921 = arith.constant 2 : i32
      %dma_start3A_922 = arith.constant 0 : i32
      %dma_start3A_923 = arith.constant 0 : i32
      %dma_start3A_924 = tpu.memref_slice %arg9[%dma_start3A_920, %dma_start3A_921, %dma_start3A_922, %dma_start3A_923] : memref<2x6x128x16xf32, #tpu.memory_space<vmem>> -> memref<1x1x128x16xf32, #tpu.memory_space<vmem>>
      %dma_start3A_925 = tpu.memref_squeeze %dma_start3A_924 : memref<1x1x128x16xf32, #tpu.memory_space<vmem>> -> memref<128x16xf32, #tpu.memory_space<vmem>>
      %dma_start3A_926 = arith.constant 0 : i32
      %dma_start3A_927 = tpu.memref_slice %arg7[%dma_start3A_918, %dma_start3A_919, %dma_start3A_926] : memref<2x6x128xi32, #tpu.memory_space<vmem>> -> memref<1x1x128xi32, #tpu.memory_space<vmem>>
      %dma_start3A_928 = tpu.memref_squeeze %dma_start3A_927 : memref<1x1x128xi32, #tpu.memory_space<vmem>> -> memref<128xi32, #tpu.memory_space<vmem>>
      %dma_start3A_929 = arith.constant 0 : i32
      %dma_start3A_930 = arith.constant 0 : i32
      %dma_start3A_931 = tpu.memref_slice %arg2[%arg0, %dma_start3A_929, %dma_start3A_930] : memref<2x100096x16xf32, #tpu.memory_space<hbm>> -> memref<1x100096x16xf32, #tpu.memory_space<hbm>>
      %dma_start3A_932 = tpu.memref_squeeze %dma_start3A_931 : memref<1x100096x16xf32, #tpu.memory_space<hbm>> -> memref<100096x16xf32, #tpu.memory_space<hbm>>
      %dma_start3A_933 = arith.constant 0 : i32
      %dma_start3A_934 = arith.constant 0 : i32
      %dma_start3A_935 = tpu.memref_slice %dma_start3A_932[%dma_start3A_933, %dma_start3A_934] : memref<100096x16xf32, #tpu.memory_space<hbm>> -> memref<100096x16xf32, #tpu.memory_space<hbm>>
      tpu.enqueue_indirect_dma source(%dma_start3A_935 : memref<100096x16xf32, #tpu.memory_space<hbm>>) target(%dma_start3A_925 : memref<128x16xf32, #tpu.memory_space<vmem>>) offsets(%dma_start3A_928 : memref<128xi32, #tpu.memory_space<vmem>>) semaphore(%arg11 : memref<!tpu.dma_semaphore, #tpu.memory_space<semaphore_mem>>)
      %dma_start3A_936 = arith.constant 0 : i32
      %dma_start3A_937 = arith.constant 3 : i32
      %dma_start3A_938 = arith.constant 0 : i32
      %dma_start3A_939 = arith.constant 3 : i32
      %dma_start3A_940 = arith.constant 0 : i32
      %dma_start3A_941 = arith.constant 0 : i32
      %dma_start3A_942 = tpu.memref_slice %arg9[%dma_start3A_938, %dma_start3A_939, %dma_start3A_940, %dma_start3A_941] : memref<2x6x128x16xf32, #tpu.memory_space<vmem>> -> memref<1x1x128x16xf32, #tpu.memory_space<vmem>>
      %dma_start3A_943 = tpu.memref_squeeze %dma_start3A_942 : memref<1x1x128x16xf32, #tpu.memory_space<vmem>> -> memref<128x16xf32, #tpu.memory_space<vmem>>
      %dma_start3A_944 = arith.constant 0 : i32
      %dma_start3A_945 = tpu.memref_slice %arg7[%dma_start3A_936, %dma_start3A_937, %dma_start3A_944] : memref<2x6x128xi32, #tpu.memory_space<vmem>> -> memref<1x1x128xi32, #tpu.memory_space<vmem>>
      %dma_start3A_946 = tpu.memref_squeeze %dma_start3A_945 : memref<1x1x128xi32, #tpu.memory_space<vmem>> -> memref<128xi32, #tpu.memory_space<vmem>>
      %dma_start3A_947 = arith.constant 0 : i32
      %dma_start3A_948 = arith.constant 0 : i32
      %dma_start3A_949 = tpu.memref_slice %arg2[%arg0, %dma_start3A_947, %dma_start3A_948] : memref<2x100096x16xf32, #tpu.memory_space<hbm>> -> memref<1x100096x16xf32, #tpu.memory_space<hbm>>
      %dma_start3A_950 = tpu.memref_squeeze %dma_start3A_949 : memref<1x100096x16xf32, #tpu.memory_space<hbm>> -> memref<100096x16xf32, #tpu.memory_space<hbm>>
      %dma_start3A_951 = arith.constant 0 : i32
      %dma_start3A_952 = arith.constant 0 : i32
      %dma_start3A_953 = tpu.memref_slice %dma_start3A_950[%dma_start3A_951, %dma_start3A_952] : memref<100096x16xf32, #tpu.memory_space<hbm>> -> memref<100096x16xf32, #tpu.memory_space<hbm>>
      tpu.enqueue_indirect_dma source(%dma_start3A_953 : memref<100096x16xf32, #tpu.memory_space<hbm>>) target(%dma_start3A_943 : memref<128x16xf32, #tpu.memory_space<vmem>>) offsets(%dma_start3A_946 : memref<128xi32, #tpu.memory_space<vmem>>) semaphore(%arg11 : memref<!tpu.dma_semaphore, #tpu.memory_space<semaphore_mem>>)
      %dma_start3A_954 = arith.constant 0 : i32
      %dma_start3A_955 = arith.constant 4 : i32
      %dma_start3A_956 = arith.constant 0 : i32
      %dma_start3A_957 = arith.constant 4 : i32
      %dma_start3A_958 = arith.constant 0 : i32
      %dma_start3A_959 = arith.constant 0 : i32
      %dma_start3A_960 = tpu.memref_slice %arg9[%dma_start3A_956, %dma_start3A_957, %dma_start3A_958, %dma_start3A_959] : memref<2x6x128x16xf32, #tpu.memory_space<vmem>> -> memref<1x1x128x16xf32, #tpu.memory_space<vmem>>
      %dma_start3A_961 = tpu.memref_squeeze %dma_start3A_960 : memref<1x1x128x16xf32, #tpu.memory_space<vmem>> -> memref<128x16xf32, #tpu.memory_space<vmem>>
      %dma_start3A_962 = arith.constant 0 : i32
      %dma_start3A_963 = tpu.memref_slice %arg7[%dma_start3A_954, %dma_start3A_955, %dma_start3A_962] : memref<2x6x128xi32, #tpu.memory_space<vmem>> -> memref<1x1x128xi32, #tpu.memory_space<vmem>>
      %dma_start3A_964 = tpu.memref_squeeze %dma_start3A_963 : memref<1x1x128xi32, #tpu.memory_space<vmem>> -> memref<128xi32, #tpu.memory_space<vmem>>
      %dma_start3A_965 = arith.constant 0 : i32
      %dma_start3A_966 = arith.constant 0 : i32
      %dma_start3A_967 = tpu.memref_slice %arg2[%arg0, %dma_start3A_965, %dma_start3A_966] : memref<2x100096x16xf32, #tpu.memory_space<hbm>> -> memref<1x100096x16xf32, #tpu.memory_space<hbm>>
      %dma_start3A_968 = tpu.memref_squeeze %dma_start3A_967 : memref<1x100096x16xf32, #tpu.memory_space<hbm>> -> memref<100096x16xf32, #tpu.memory_space<hbm>>
      %dma_start3A_969 = arith.constant 0 : i32
      %dma_start3A_970 = arith.constant 0 : i32
      %dma_start3A_971 = tpu.memref_slice %dma_start3A_968[%dma_start3A_969, %dma_start3A_970] : memref<100096x16xf32, #tpu.memory_space<hbm>> -> memref<100096x16xf32, #tpu.memory_space<hbm>>
      tpu.enqueue_indirect_dma source(%dma_start3A_971 : memref<100096x16xf32, #tpu.memory_space<hbm>>) target(%dma_start3A_961 : memref<128x16xf32, #tpu.memory_space<vmem>>) offsets(%dma_start3A_964 : memref<128xi32, #tpu.memory_space<vmem>>) semaphore(%arg11 : memref<!tpu.dma_semaphore, #tpu.memory_space<semaphore_mem>>)
      %dma_start3A_972 = arith.constant 0 : i32
      %dma_start3A_973 = arith.constant 5 : i32
      %dma_start3A_974 = arith.constant 0 : i32
      %dma_start3A_975 = arith.constant 5 : i32
      %dma_start3A_976 = arith.constant 0 : i32
      %dma_start3A_977 = arith.constant 0 : i32
      %dma_start3A_978 = tpu.memref_slice %arg9[%dma_start3A_974, %dma_start3A_975, %dma_start3A_976, %dma_start3A_977] : memref<2x6x128x16xf32, #tpu.memory_space<vmem>> -> memref<1x1x128x16xf32, #tpu.memory_space<vmem>>
      %dma_start3A_979 = tpu.memref_squeeze %dma_start3A_978 : memref<1x1x128x16xf32, #tpu.memory_space<vmem>> -> memref<128x16xf32, #tpu.memory_space<vmem>>
      %dma_start3A_980 = arith.constant 0 : i32
      %dma_start3A_981 = tpu.memref_slice %arg7[%dma_start3A_972, %dma_start3A_973, %dma_start3A_980] : memref<2x6x128xi32, #tpu.memory_space<vmem>> -> memref<1x1x128xi32, #tpu.memory_space<vmem>>
      %dma_start3A_982 = tpu.memref_squeeze %dma_start3A_981 : memref<1x1x128xi32, #tpu.memory_space<vmem>> -> memref<128xi32, #tpu.memory_space<vmem>>
      %dma_start3A_983 = arith.constant 0 : i32
      %dma_start3A_984 = arith.constant 0 : i32
      %dma_start3A_985 = tpu.memref_slice %arg2[%arg0, %dma_start3A_983, %dma_start3A_984] : memref<2x100096x16xf32, #tpu.memory_space<hbm>> -> memref<1x100096x16xf32, #tpu.memory_space<hbm>>
      %dma_start3A_986 = tpu.memref_squeeze %dma_start3A_985 : memref<1x100096x16xf32, #tpu.memory_space<hbm>> -> memref<100096x16xf32, #tpu.memory_space<hbm>>
      %dma_start3A_987 = arith.constant 0 : i32
      %dma_start3A_988 = arith.constant 0 : i32
      %dma_start3A_989 = tpu.memref_slice %dma_start3A_986[%dma_start3A_987, %dma_start3A_988] : memref<100096x16xf32, #tpu.memory_space<hbm>> -> memref<100096x16xf32, #tpu.memory_space<hbm>>
      tpu.enqueue_indirect_dma source(%dma_start3A_989 : memref<100096x16xf32, #tpu.memory_space<hbm>>) target(%dma_start3A_979 : memref<128x16xf32, #tpu.memory_space<vmem>>) offsets(%dma_start3A_982 : memref<128xi32, #tpu.memory_space<vmem>>) semaphore(%arg11 : memref<!tpu.dma_semaphore, #tpu.memory_space<semaphore_mem>>)
      %dma_wait3A_990 = arith.constant 1 : i32
      %dma_wait3A_991 = arith.constant 0 : i32
      %dma_wait3A_992 = arith.constant 1 : i32
      %dma_wait3A_993 = arith.constant 0 : i32
      %dma_wait3A_994 = arith.constant 0 : i32
      %dma_wait3A_995 = arith.constant 0 : i32
      %dma_wait3A_996 = tpu.memref_slice %arg9[%dma_wait3A_992, %dma_wait3A_993, %dma_wait3A_994, %dma_wait3A_995] : memref<2x6x128x16xf32, #tpu.memory_space<vmem>> -> memref<1x1x128x16xf32, #tpu.memory_space<vmem>>
      %dma_wait3A_997 = tpu.memref_squeeze %dma_wait3A_996 : memref<1x1x128x16xf32, #tpu.memory_space<vmem>> -> memref<128x16xf32, #tpu.memory_space<vmem>>
      %dma_wait3A_998 = arith.constant 0 : i32
      %dma_wait3A_999 = tpu.memref_slice %arg7[%dma_wait3A_990, %dma_wait3A_991, %dma_wait3A_998] : memref<2x6x128xi32, #tpu.memory_space<vmem>> -> memref<1x1x128xi32, #tpu.memory_space<vmem>>
      %dma_wait3A_1000 = tpu.memref_squeeze %dma_wait3A_999 : memref<1x1x128xi32, #tpu.memory_space<vmem>> -> memref<128xi32, #tpu.memory_space<vmem>>
      %dma_wait3A_1001 = arith.constant 0 : i32
      %dma_wait3A_1002 = arith.constant 0 : i32
      %dma_wait3A_1003 = tpu.memref_slice %arg2[%arg0, %dma_wait3A_1001, %dma_wait3A_1002] : memref<2x100096x16xf32, #tpu.memory_space<hbm>> -> memref<1x100096x16xf32, #tpu.memory_space<hbm>>
      %dma_wait3A_1004 = tpu.memref_squeeze %dma_wait3A_1003 : memref<1x100096x16xf32, #tpu.memory_space<hbm>> -> memref<100096x16xf32, #tpu.memory_space<hbm>>
      %dma_wait3A_1005 = arith.constant 0 : i32
      %dma_wait3A_1006 = arith.constant 0 : i32
      %dma_wait3A_1007 = tpu.memref_slice %dma_wait3A_1004[%dma_wait3A_1005, %dma_wait3A_1006] : memref<100096x16xf32, #tpu.memory_space<hbm>> -> memref<100096x16xf32, #tpu.memory_space<hbm>>
      tpu.wait_indirect_dma semaphore(%arg11 : memref<!tpu.dma_semaphore, #tpu.memory_space<semaphore_mem>>) src(%dma_wait3A_1007 : memref<100096x16xf32, #tpu.memory_space<hbm>>) dst(%dma_wait3A_997 : memref<128x16xf32, #tpu.memory_space<vmem>>)
      %dma_wait3A_1008 = arith.constant 1 : i32
      %dma_wait3A_1009 = arith.constant 1 : i32
      %dma_wait3A_1010 = arith.constant 1 : i32
      %dma_wait3A_1011 = arith.constant 1 : i32
      %dma_wait3A_1012 = arith.constant 0 : i32
      %dma_wait3A_1013 = arith.constant 0 : i32
      %dma_wait3A_1014 = tpu.memref_slice %arg9[%dma_wait3A_1010, %dma_wait3A_1011, %dma_wait3A_1012, %dma_wait3A_1013] : memref<2x6x128x16xf32, #tpu.memory_space<vmem>> -> memref<1x1x128x16xf32, #tpu.memory_space<vmem>>
      %dma_wait3A_1015 = tpu.memref_squeeze %dma_wait3A_1014 : memref<1x1x128x16xf32, #tpu.memory_space<vmem>> -> memref<128x16xf32, #tpu.memory_space<vmem>>
      %dma_wait3A_1016 = arith.constant 0 : i32
      %dma_wait3A_1017 = tpu.memref_slice %arg7[%dma_wait3A_1008, %dma_wait3A_1009, %dma_wait3A_1016] : memref<2x6x128xi32, #tpu.memory_space<vmem>> -> memref<1x1x128xi32, #tpu.memory_space<vmem>>
      %dma_wait3A_1018 = tpu.memref_squeeze %dma_wait3A_1017 : memref<1x1x128xi32, #tpu.memory_space<vmem>> -> memref<128xi32, #tpu.memory_space<vmem>>
      %dma_wait3A_1019 = arith.constant 0 : i32
      %dma_wait3A_1020 = arith.constant 0 : i32
      %dma_wait3A_1021 = tpu.memref_slice %arg2[%arg0, %dma_wait3A_1019, %dma_wait3A_1020] : memref<2x100096x16xf32, #tpu.memory_space<hbm>> -> memref<1x100096x16xf32, #tpu.memory_space<hbm>>
      %dma_wait3A_1022 = tpu.memref_squeeze %dma_wait3A_1021 : memref<1x100096x16xf32, #tpu.memory_space<hbm>> -> memref<100096x16xf32, #tpu.memory_space<hbm>>
      %dma_wait3A_1023 = arith.constant 0 : i32
      %dma_wait3A_1024 = arith.constant 0 : i32
      %dma_wait3A_1025 = tpu.memref_slice %dma_wait3A_1022[%dma_wait3A_1023, %dma_wait3A_1024] : memref<100096x16xf32, #tpu.memory_space<hbm>> -> memref<100096x16xf32, #tpu.memory_space<hbm>>
      tpu.wait_indirect_dma semaphore(%arg11 : memref<!tpu.dma_semaphore, #tpu.memory_space<semaphore_mem>>) src(%dma_wait3A_1025 : memref<100096x16xf32, #tpu.memory_space<hbm>>) dst(%dma_wait3A_1015 : memref<128x16xf32, #tpu.memory_space<vmem>>)
      %dma_wait3A_1026 = arith.constant 1 : i32
      %dma_wait3A_1027 = arith.constant 2 : i32
      %dma_wait3A_1028 = arith.constant 1 : i32
      %dma_wait3A_1029 = arith.constant 2 : i32
      %dma_wait3A_1030 = arith.constant 0 : i32
      %dma_wait3A_1031 = arith.constant 0 : i32
      %dma_wait3A_1032 = tpu.memref_slice %arg9[%dma_wait3A_1028, %dma_wait3A_1029, %dma_wait3A_1030, %dma_wait3A_1031] : memref<2x6x128x16xf32, #tpu.memory_space<vmem>> -> memref<1x1x128x16xf32, #tpu.memory_space<vmem>>
      %dma_wait3A_1033 = tpu.memref_squeeze %dma_wait3A_1032 : memref<1x1x128x16xf32, #tpu.memory_space<vmem>> -> memref<128x16xf32, #tpu.memory_space<vmem>>
      %dma_wait3A_1034 = arith.constant 0 : i32
      %dma_wait3A_1035 = tpu.memref_slice %arg7[%dma_wait3A_1026, %dma_wait3A_1027, %dma_wait3A_1034] : memref<2x6x128xi32, #tpu.memory_space<vmem>> -> memref<1x1x128xi32, #tpu.memory_space<vmem>>
      %dma_wait3A_1036 = tpu.memref_squeeze %dma_wait3A_1035 : memref<1x1x128xi32, #tpu.memory_space<vmem>> -> memref<128xi32, #tpu.memory_space<vmem>>
      %dma_wait3A_1037 = arith.constant 0 : i32
      %dma_wait3A_1038 = arith.constant 0 : i32
      %dma_wait3A_1039 = tpu.memref_slice %arg2[%arg0, %dma_wait3A_1037, %dma_wait3A_1038] : memref<2x100096x16xf32, #tpu.memory_space<hbm>> -> memref<1x100096x16xf32, #tpu.memory_space<hbm>>
      %dma_wait3A_1040 = tpu.memref_squeeze %dma_wait3A_1039 : memref<1x100096x16xf32, #tpu.memory_space<hbm>> -> memref<100096x16xf32, #tpu.memory_space<hbm>>
      %dma_wait3A_1041 = arith.constant 0 : i32
      %dma_wait3A_1042 = arith.constant 0 : i32
      %dma_wait3A_1043 = tpu.memref_slice %dma_wait3A_1040[%dma_wait3A_1041, %dma_wait3A_1042] : memref<100096x16xf32, #tpu.memory_space<hbm>> -> memref<100096x16xf32, #tpu.memory_space<hbm>>
      tpu.wait_indirect_dma semaphore(%arg11 : memref<!tpu.dma_semaphore, #tpu.memory_space<semaphore_mem>>) src(%dma_wait3A_1043 : memref<100096x16xf32, #tpu.memory_space<hbm>>) dst(%dma_wait3A_1033 : memref<128x16xf32, #tpu.memory_space<vmem>>)
      %dma_wait3A_1044 = arith.constant 1 : i32
      %dma_wait3A_1045 = arith.constant 3 : i32
      %dma_wait3A_1046 = arith.constant 1 : i32
      %dma_wait3A_1047 = arith.constant 3 : i32
      %dma_wait3A_1048 = arith.constant 0 : i32
      %dma_wait3A_1049 = arith.constant 0 : i32
      %dma_wait3A_1050 = tpu.memref_slice %arg9[%dma_wait3A_1046, %dma_wait3A_1047, %dma_wait3A_1048, %dma_wait3A_1049] : memref<2x6x128x16xf32, #tpu.memory_space<vmem>> -> memref<1x1x128x16xf32, #tpu.memory_space<vmem>>
      %dma_wait3A_1051 = tpu.memref_squeeze %dma_wait3A_1050 : memref<1x1x128x16xf32, #tpu.memory_space<vmem>> -> memref<128x16xf32, #tpu.memory_space<vmem>>
      %dma_wait3A_1052 = arith.constant 0 : i32
      %dma_wait3A_1053 = tpu.memref_slice %arg7[%dma_wait3A_1044, %dma_wait3A_1045, %dma_wait3A_1052] : memref<2x6x128xi32, #tpu.memory_space<vmem>> -> memref<1x1x128xi32, #tpu.memory_space<vmem>>
      %dma_wait3A_1054 = tpu.memref_squeeze %dma_wait3A_1053 : memref<1x1x128xi32, #tpu.memory_space<vmem>> -> memref<128xi32, #tpu.memory_space<vmem>>
      %dma_wait3A_1055 = arith.constant 0 : i32
      %dma_wait3A_1056 = arith.constant 0 : i32
      %dma_wait3A_1057 = tpu.memref_slice %arg2[%arg0, %dma_wait3A_1055, %dma_wait3A_1056] : memref<2x100096x16xf32, #tpu.memory_space<hbm>> -> memref<1x100096x16xf32, #tpu.memory_space<hbm>>
      %dma_wait3A_1058 = tpu.memref_squeeze %dma_wait3A_1057 : memref<1x100096x16xf32, #tpu.memory_space<hbm>> -> memref<100096x16xf32, #tpu.memory_space<hbm>>
      %dma_wait3A_1059 = arith.constant 0 : i32
      %dma_wait3A_1060 = arith.constant 0 : i32
      %dma_wait3A_1061 = tpu.memref_slice %dma_wait3A_1058[%dma_wait3A_1059, %dma_wait3A_1060] : memref<100096x16xf32, #tpu.memory_space<hbm>> -> memref<100096x16xf32, #tpu.memory_space<hbm>>
      tpu.wait_indirect_dma semaphore(%arg11 : memref<!tpu.dma_semaphore, #tpu.memory_space<semaphore_mem>>) src(%dma_wait3A_1061 : memref<100096x16xf32, #tpu.memory_space<hbm>>) dst(%dma_wait3A_1051 : memref<128x16xf32, #tpu.memory_space<vmem>>)
      %dma_wait3A_1062 = arith.constant 1 : i32
      %dma_wait3A_1063 = arith.constant 4 : i32
      %dma_wait3A_1064 = arith.constant 1 : i32
      %dma_wait3A_1065 = arith.constant 4 : i32
      %dma_wait3A_1066 = arith.constant 0 : i32
      %dma_wait3A_1067 = arith.constant 0 : i32
      %dma_wait3A_1068 = tpu.memref_slice %arg9[%dma_wait3A_1064, %dma_wait3A_1065, %dma_wait3A_1066, %dma_wait3A_1067] : memref<2x6x128x16xf32, #tpu.memory_space<vmem>> -> memref<1x1x128x16xf32, #tpu.memory_space<vmem>>
      %dma_wait3A_1069 = tpu.memref_squeeze %dma_wait3A_1068 : memref<1x1x128x16xf32, #tpu.memory_space<vmem>> -> memref<128x16xf32, #tpu.memory_space<vmem>>
      %dma_wait3A_1070 = arith.constant 0 : i32
      %dma_wait3A_1071 = tpu.memref_slice %arg7[%dma_wait3A_1062, %dma_wait3A_1063, %dma_wait3A_1070] : memref<2x6x128xi32, #tpu.memory_space<vmem>> -> memref<1x1x128xi32, #tpu.memory_space<vmem>>
      %dma_wait3A_1072 = tpu.memref_squeeze %dma_wait3A_1071 : memref<1x1x128xi32, #tpu.memory_space<vmem>> -> memref<128xi32, #tpu.memory_space<vmem>>
      %dma_wait3A_1073 = arith.constant 0 : i32
      %dma_wait3A_1074 = arith.constant 0 : i32
      %dma_wait3A_1075 = tpu.memref_slice %arg2[%arg0, %dma_wait3A_1073, %dma_wait3A_1074] : memref<2x100096x16xf32, #tpu.memory_space<hbm>> -> memref<1x100096x16xf32, #tpu.memory_space<hbm>>
      %dma_wait3A_1076 = tpu.memref_squeeze %dma_wait3A_1075 : memref<1x100096x16xf32, #tpu.memory_space<hbm>> -> memref<100096x16xf32, #tpu.memory_space<hbm>>
      %dma_wait3A_1077 = arith.constant 0 : i32
      %dma_wait3A_1078 = arith.constant 0 : i32
      %dma_wait3A_1079 = tpu.memref_slice %dma_wait3A_1076[%dma_wait3A_1077, %dma_wait3A_1078] : memref<100096x16xf32, #tpu.memory_space<hbm>> -> memref<100096x16xf32, #tpu.memory_space<hbm>>
      tpu.wait_indirect_dma semaphore(%arg11 : memref<!tpu.dma_semaphore, #tpu.memory_space<semaphore_mem>>) src(%dma_wait3A_1079 : memref<100096x16xf32, #tpu.memory_space<hbm>>) dst(%dma_wait3A_1069 : memref<128x16xf32, #tpu.memory_space<vmem>>)
      %dma_wait3A_1080 = arith.constant 1 : i32
      %dma_wait3A_1081 = arith.constant 5 : i32
      %dma_wait3A_1082 = arith.constant 1 : i32
      %dma_wait3A_1083 = arith.constant 5 : i32
      %dma_wait3A_1084 = arith.constant 0 : i32
      %dma_wait3A_1085 = arith.constant 0 : i32
      %dma_wait3A_1086 = tpu.memref_slice %arg9[%dma_wait3A_1082, %dma_wait3A_1083, %dma_wait3A_1084, %dma_wait3A_1085] : memref<2x6x128x16xf32, #tpu.memory_space<vmem>> -> memref<1x1x128x16xf32, #tpu.memory_space<vmem>>
      %dma_wait3A_1087 = tpu.memref_squeeze %dma_wait3A_1086 : memref<1x1x128x16xf32, #tpu.memory_space<vmem>> -> memref<128x16xf32, #tpu.memory_space<vmem>>
      %dma_wait3A_1088 = arith.constant 0 : i32
      %dma_wait3A_1089 = tpu.memref_slice %arg7[%dma_wait3A_1080, %dma_wait3A_1081, %dma_wait3A_1088] : memref<2x6x128xi32, #tpu.memory_space<vmem>> -> memref<1x1x128xi32, #tpu.memory_space<vmem>>
      %dma_wait3A_1090 = tpu.memref_squeeze %dma_wait3A_1089 : memref<1x1x128xi32, #tpu.memory_space<vmem>> -> memref<128xi32, #tpu.memory_space<vmem>>
      %dma_wait3A_1091 = arith.constant 0 : i32
      %dma_wait3A_1092 = arith.constant 0 : i32
      %dma_wait3A_1093 = tpu.memref_slice %arg2[%arg0, %dma_wait3A_1091, %dma_wait3A_1092] : memref<2x100096x16xf32, #tpu.memory_space<hbm>> -> memref<1x100096x16xf32, #tpu.memory_space<hbm>>
      %dma_wait3A_1094 = tpu.memref_squeeze %dma_wait3A_1093 : memref<1x100096x16xf32, #tpu.memory_space<hbm>> -> memref<100096x16xf32, #tpu.memory_space<hbm>>
      %dma_wait3A_1095 = arith.constant 0 : i32
      %dma_wait3A_1096 = arith.constant 0 : i32
      %dma_wait3A_1097 = tpu.memref_slice %dma_wait3A_1094[%dma_wait3A_1095, %dma_wait3A_1096] : memref<100096x16xf32, #tpu.memory_space<hbm>> -> memref<100096x16xf32, #tpu.memory_space<hbm>>
      tpu.wait_indirect_dma semaphore(%arg11 : memref<!tpu.dma_semaphore, #tpu.memory_space<semaphore_mem>>) src(%dma_wait3A_1097 : memref<100096x16xf32, #tpu.memory_space<hbm>>) dst(%dma_wait3A_1087 : memref<128x16xf32, #tpu.memory_space<vmem>>)
      %dma_start3A_1098 = arith.constant 1 : i32
      %dma_start3A_1099 = arith.constant 0 : i32
      %dma_start3A_1100 = arith.constant 1 : i32
      %dma_start3A_1101 = arith.constant 0 : i32
      %dma_start3A_1102 = arith.constant 0 : i32
      %dma_start3A_1103 = arith.constant 0 : i32
      %dma_start3A_1104 = tpu.memref_slice %arg9[%dma_start3A_1098, %dma_start3A_1099, %dma_start3A_1102, %dma_start3A_1103] : memref<2x6x128x16xf32, #tpu.memory_space<vmem>> -> memref<1x1x128x16xf32, #tpu.memory_space<vmem>>
      %dma_start3A_1105 = tpu.memref_squeeze %dma_start3A_1104 : memref<1x1x128x16xf32, #tpu.memory_space<vmem>> -> memref<128x16xf32, #tpu.memory_space<vmem>>
      %dma_start3A_1106 = arith.constant 0 : i32
      %dma_start3A_1107 = tpu.memref_slice %arg8[%dma_start3A_1100, %dma_start3A_1101, %dma_start3A_1106] : memref<2x6x128xi32, #tpu.memory_space<vmem>> -> memref<1x1x128xi32, #tpu.memory_space<vmem>>
      %dma_start3A_1108 = tpu.memref_squeeze %dma_start3A_1107 : memref<1x1x128xi32, #tpu.memory_space<vmem>> -> memref<128xi32, #tpu.memory_space<vmem>>
      %dma_start3A_1109 = arith.constant 0 : i32
      %dma_start3A_1110 = arith.constant 0 : i32
      %dma_start3A_1111 = tpu.memref_slice %arg10[%dma_start3A_1109, %dma_start3A_1110] : memref<100096x16xf32, #tpu.memory_space<vmem_shared>> -> memref<100096x16xf32, #tpu.memory_space<vmem_shared>>
      tpu.enqueue_indirect_dma source(%dma_start3A_1105 : memref<128x16xf32, #tpu.memory_space<vmem>>) target(%dma_start3A_1111 : memref<100096x16xf32, #tpu.memory_space<vmem_shared>>) offsets(%dma_start3A_1108 : memref<128xi32, #tpu.memory_space<vmem>>) semaphore(%arg12 : memref<!tpu.dma_semaphore, #tpu.memory_space<semaphore_mem>>) {add = true}
      %dma_start3A_1112 = arith.constant 1 : i32
      %dma_start3A_1113 = arith.constant 1 : i32
      %dma_start3A_1114 = arith.constant 1 : i32
      %dma_start3A_1115 = arith.constant 1 : i32
      %dma_start3A_1116 = arith.constant 0 : i32
      %dma_start3A_1117 = arith.constant 0 : i32
      %dma_start3A_1118 = tpu.memref_slice %arg9[%dma_start3A_1112, %dma_start3A_1113, %dma_start3A_1116, %dma_start3A_1117] : memref<2x6x128x16xf32, #tpu.memory_space<vmem>> -> memref<1x1x128x16xf32, #tpu.memory_space<vmem>>
      %dma_start3A_1119 = tpu.memref_squeeze %dma_start3A_1118 : memref<1x1x128x16xf32, #tpu.memory_space<vmem>> -> memref<128x16xf32, #tpu.memory_space<vmem>>
      %dma_start3A_1120 = arith.constant 0 : i32
      %dma_start3A_1121 = tpu.memref_slice %arg8[%dma_start3A_1114, %dma_start3A_1115, %dma_start3A_1120] : memref<2x6x128xi32, #tpu.memory_space<vmem>> -> memref<1x1x128xi32, #tpu.memory_space<vmem>>
      %dma_start3A_1122 = tpu.memref_squeeze %dma_start3A_1121 : memref<1x1x128xi32, #tpu.memory_space<vmem>> -> memref<128xi32, #tpu.memory_space<vmem>>
      %dma_start3A_1123 = arith.constant 0 : i32
      %dma_start3A_1124 = arith.constant 0 : i32
      %dma_start3A_1125 = tpu.memref_slice %arg10[%dma_start3A_1123, %dma_start3A_1124] : memref<100096x16xf32, #tpu.memory_space<vmem_shared>> -> memref<100096x16xf32, #tpu.memory_space<vmem_shared>>
      tpu.enqueue_indirect_dma source(%dma_start3A_1119 : memref<128x16xf32, #tpu.memory_space<vmem>>) target(%dma_start3A_1125 : memref<100096x16xf32, #tpu.memory_space<vmem_shared>>) offsets(%dma_start3A_1122 : memref<128xi32, #tpu.memory_space<vmem>>) semaphore(%arg12 : memref<!tpu.dma_semaphore, #tpu.memory_space<semaphore_mem>>) {add = true}
      %dma_start3A_1126 = arith.constant 1 : i32
      %dma_start3A_1127 = arith.constant 2 : i32
      %dma_start3A_1128 = arith.constant 1 : i32
      %dma_start3A_1129 = arith.constant 2 : i32
      %dma_start3A_1130 = arith.constant 0 : i32
      %dma_start3A_1131 = arith.constant 0 : i32
      %dma_start3A_1132 = tpu.memref_slice %arg9[%dma_start3A_1126, %dma_start3A_1127, %dma_start3A_1130, %dma_start3A_1131] : memref<2x6x128x16xf32, #tpu.memory_space<vmem>> -> memref<1x1x128x16xf32, #tpu.memory_space<vmem>>
      %dma_start3A_1133 = tpu.memref_squeeze %dma_start3A_1132 : memref<1x1x128x16xf32, #tpu.memory_space<vmem>> -> memref<128x16xf32, #tpu.memory_space<vmem>>
      %dma_start3A_1134 = arith.constant 0 : i32
      %dma_start3A_1135 = tpu.memref_slice %arg8[%dma_start3A_1128, %dma_start3A_1129, %dma_start3A_1134] : memref<2x6x128xi32, #tpu.memory_space<vmem>> -> memref<1x1x128xi32, #tpu.memory_space<vmem>>
      %dma_start3A_1136 = tpu.memref_squeeze %dma_start3A_1135 : memref<1x1x128xi32, #tpu.memory_space<vmem>> -> memref<128xi32, #tpu.memory_space<vmem>>
      %dma_start3A_1137 = arith.constant 0 : i32
      %dma_start3A_1138 = arith.constant 0 : i32
      %dma_start3A_1139 = tpu.memref_slice %arg10[%dma_start3A_1137, %dma_start3A_1138] : memref<100096x16xf32, #tpu.memory_space<vmem_shared>> -> memref<100096x16xf32, #tpu.memory_space<vmem_shared>>
      tpu.enqueue_indirect_dma source(%dma_start3A_1133 : memref<128x16xf32, #tpu.memory_space<vmem>>) target(%dma_start3A_1139 : memref<100096x16xf32, #tpu.memory_space<vmem_shared>>) offsets(%dma_start3A_1136 : memref<128xi32, #tpu.memory_space<vmem>>) semaphore(%arg12 : memref<!tpu.dma_semaphore, #tpu.memory_space<semaphore_mem>>) {add = true}
      %dma_start3A_1140 = arith.constant 1 : i32
      %dma_start3A_1141 = arith.constant 3 : i32
      %dma_start3A_1142 = arith.constant 1 : i32
      %dma_start3A_1143 = arith.constant 3 : i32
      %dma_start3A_1144 = arith.constant 0 : i32
      %dma_start3A_1145 = arith.constant 0 : i32
      %dma_start3A_1146 = tpu.memref_slice %arg9[%dma_start3A_1140, %dma_start3A_1141, %dma_start3A_1144, %dma_start3A_1145] : memref<2x6x128x16xf32, #tpu.memory_space<vmem>> -> memref<1x1x128x16xf32, #tpu.memory_space<vmem>>
      %dma_start3A_1147 = tpu.memref_squeeze %dma_start3A_1146 : memref<1x1x128x16xf32, #tpu.memory_space<vmem>> -> memref<128x16xf32, #tpu.memory_space<vmem>>
      %dma_start3A_1148 = arith.constant 0 : i32
      %dma_start3A_1149 = tpu.memref_slice %arg8[%dma_start3A_1142, %dma_start3A_1143, %dma_start3A_1148] : memref<2x6x128xi32, #tpu.memory_space<vmem>> -> memref<1x1x128xi32, #tpu.memory_space<vmem>>
      %dma_start3A_1150 = tpu.memref_squeeze %dma_start3A_1149 : memref<1x1x128xi32, #tpu.memory_space<vmem>> -> memref<128xi32, #tpu.memory_space<vmem>>
      %dma_start3A_1151 = arith.constant 0 : i32
      %dma_start3A_1152 = arith.constant 0 : i32
      %dma_start3A_1153 = tpu.memref_slice %arg10[%dma_start3A_1151, %dma_start3A_1152] : memref<100096x16xf32, #tpu.memory_space<vmem_shared>> -> memref<100096x16xf32, #tpu.memory_space<vmem_shared>>
      tpu.enqueue_indirect_dma source(%dma_start3A_1147 : memref<128x16xf32, #tpu.memory_space<vmem>>) target(%dma_start3A_1153 : memref<100096x16xf32, #tpu.memory_space<vmem_shared>>) offsets(%dma_start3A_1150 : memref<128xi32, #tpu.memory_space<vmem>>) semaphore(%arg12 : memref<!tpu.dma_semaphore, #tpu.memory_space<semaphore_mem>>) {add = true}
      %dma_start3A_1154 = arith.constant 1 : i32
      %dma_start3A_1155 = arith.constant 4 : i32
      %dma_start3A_1156 = arith.constant 1 : i32
      %dma_start3A_1157 = arith.constant 4 : i32
      %dma_start3A_1158 = arith.constant 0 : i32
      %dma_start3A_1159 = arith.constant 0 : i32
      %dma_start3A_1160 = tpu.memref_slice %arg9[%dma_start3A_1154, %dma_start3A_1155, %dma_start3A_1158, %dma_start3A_1159] : memref<2x6x128x16xf32, #tpu.memory_space<vmem>> -> memref<1x1x128x16xf32, #tpu.memory_space<vmem>>
      %dma_start3A_1161 = tpu.memref_squeeze %dma_start3A_1160 : memref<1x1x128x16xf32, #tpu.memory_space<vmem>> -> memref<128x16xf32, #tpu.memory_space<vmem>>
      %dma_start3A_1162 = arith.constant 0 : i32
      %dma_start3A_1163 = tpu.memref_slice %arg8[%dma_start3A_1156, %dma_start3A_1157, %dma_start3A_1162] : memref<2x6x128xi32, #tpu.memory_space<vmem>> -> memref<1x1x128xi32, #tpu.memory_space<vmem>>
      %dma_start3A_1164 = tpu.memref_squeeze %dma_start3A_1163 : memref<1x1x128xi32, #tpu.memory_space<vmem>> -> memref<128xi32, #tpu.memory_space<vmem>>
      %dma_start3A_1165 = arith.constant 0 : i32
      %dma_start3A_1166 = arith.constant 0 : i32
      %dma_start3A_1167 = tpu.memref_slice %arg10[%dma_start3A_1165, %dma_start3A_1166] : memref<100096x16xf32, #tpu.memory_space<vmem_shared>> -> memref<100096x16xf32, #tpu.memory_space<vmem_shared>>
      tpu.enqueue_indirect_dma source(%dma_start3A_1161 : memref<128x16xf32, #tpu.memory_space<vmem>>) target(%dma_start3A_1167 : memref<100096x16xf32, #tpu.memory_space<vmem_shared>>) offsets(%dma_start3A_1164 : memref<128xi32, #tpu.memory_space<vmem>>) semaphore(%arg12 : memref<!tpu.dma_semaphore, #tpu.memory_space<semaphore_mem>>) {add = true}
      %dma_start3A_1168 = arith.constant 1 : i32
      %dma_start3A_1169 = arith.constant 5 : i32
      %dma_start3A_1170 = arith.constant 1 : i32
      %dma_start3A_1171 = arith.constant 5 : i32
      %dma_start3A_1172 = arith.constant 0 : i32
      %dma_start3A_1173 = arith.constant 0 : i32
      %dma_start3A_1174 = tpu.memref_slice %arg9[%dma_start3A_1168, %dma_start3A_1169, %dma_start3A_1172, %dma_start3A_1173] : memref<2x6x128x16xf32, #tpu.memory_space<vmem>> -> memref<1x1x128x16xf32, #tpu.memory_space<vmem>>
      %dma_start3A_1175 = tpu.memref_squeeze %dma_start3A_1174 : memref<1x1x128x16xf32, #tpu.memory_space<vmem>> -> memref<128x16xf32, #tpu.memory_space<vmem>>
      %dma_start3A_1176 = arith.constant 0 : i32
      %dma_start3A_1177 = tpu.memref_slice %arg8[%dma_start3A_1170, %dma_start3A_1171, %dma_start3A_1176] : memref<2x6x128xi32, #tpu.memory_space<vmem>> -> memref<1x1x128xi32, #tpu.memory_space<vmem>>
      %dma_start3A_1178 = tpu.memref_squeeze %dma_start3A_1177 : memref<1x1x128xi32, #tpu.memory_space<vmem>> -> memref<128xi32, #tpu.memory_space<vmem>>
      %dma_start3A_1179 = arith.constant 0 : i32
      %dma_start3A_1180 = arith.constant 0 : i32
      %dma_start3A_1181 = tpu.memref_slice %arg10[%dma_start3A_1179, %dma_start3A_1180] : memref<100096x16xf32, #tpu.memory_space<vmem_shared>> -> memref<100096x16xf32, #tpu.memory_space<vmem_shared>>
      tpu.enqueue_indirect_dma source(%dma_start3A_1175 : memref<128x16xf32, #tpu.memory_space<vmem>>) target(%dma_start3A_1181 : memref<100096x16xf32, #tpu.memory_space<vmem_shared>>) offsets(%dma_start3A_1178 : memref<128xi32, #tpu.memory_space<vmem>>) semaphore(%arg12 : memref<!tpu.dma_semaphore, #tpu.memory_space<semaphore_mem>>) {add = true}
    }
    %scan3A_116 = arith.constant 65 : i32
    %dma_wait3A = arith.constant 1 : i32
    %dma_wait3A_117 = arith.constant 0 : i32
    %dma_wait3A_118 = arith.constant 1 : i32
    %dma_wait3A_119 = arith.constant 0 : i32
    %dma_wait3A_120 = arith.constant 0 : i32
    %dma_wait3A_121 = arith.constant 0 : i32
    %dma_wait3A_122 = tpu.memref_slice %arg9[%dma_wait3A, %dma_wait3A_117, %dma_wait3A_120, %dma_wait3A_121] : memref<2x6x128x16xf32, #tpu.memory_space<vmem>> -> memref<1x1x128x16xf32, #tpu.memory_space<vmem>>
    %dma_wait3A_123 = tpu.memref_squeeze %dma_wait3A_122 : memref<1x1x128x16xf32, #tpu.memory_space<vmem>> -> memref<128x16xf32, #tpu.memory_space<vmem>>
    %dma_wait3A_124 = arith.constant 0 : i32
    %dma_wait3A_125 = tpu.memref_slice %arg8[%dma_wait3A_118, %dma_wait3A_119, %dma_wait3A_124] : memref<2x6x128xi32, #tpu.memory_space<vmem>> -> memref<1x1x128xi32, #tpu.memory_space<vmem>>
    %dma_wait3A_126 = tpu.memref_squeeze %dma_wait3A_125 : memref<1x1x128xi32, #tpu.memory_space<vmem>> -> memref<128xi32, #tpu.memory_space<vmem>>
    %dma_wait3A_127 = arith.constant 0 : i32
    %dma_wait3A_128 = arith.constant 0 : i32
    %dma_wait3A_129 = tpu.memref_slice %arg10[%dma_wait3A_127, %dma_wait3A_128] : memref<100096x16xf32, #tpu.memory_space<vmem_shared>> -> memref<100096x16xf32, #tpu.memory_space<vmem_shared>>
    tpu.wait_indirect_dma semaphore(%arg12 : memref<!tpu.dma_semaphore, #tpu.memory_space<semaphore_mem>>) src(%dma_wait3A_123 : memref<128x16xf32, #tpu.memory_space<vmem>>) dst(%dma_wait3A_129 : memref<100096x16xf32, #tpu.memory_space<vmem_shared>>)
    %dma_wait3A_130 = arith.constant 1 : i32
    %dma_wait3A_131 = arith.constant 1 : i32
    %dma_wait3A_132 = arith.constant 1 : i32
    %dma_wait3A_133 = arith.constant 1 : i32
    %dma_wait3A_134 = arith.constant 0 : i32
    %dma_wait3A_135 = arith.constant 0 : i32
    %dma_wait3A_136 = tpu.memref_slice %arg9[%dma_wait3A_130, %dma_wait3A_131, %dma_wait3A_134, %dma_wait3A_135] : memref<2x6x128x16xf32, #tpu.memory_space<vmem>> -> memref<1x1x128x16xf32, #tpu.memory_space<vmem>>
    %dma_wait3A_137 = tpu.memref_squeeze %dma_wait3A_136 : memref<1x1x128x16xf32, #tpu.memory_space<vmem>> -> memref<128x16xf32, #tpu.memory_space<vmem>>
    %dma_wait3A_138 = arith.constant 0 : i32
    %dma_wait3A_139 = tpu.memref_slice %arg8[%dma_wait3A_132, %dma_wait3A_133, %dma_wait3A_138] : memref<2x6x128xi32, #tpu.memory_space<vmem>> -> memref<1x1x128xi32, #tpu.memory_space<vmem>>
    %dma_wait3A_140 = tpu.memref_squeeze %dma_wait3A_139 : memref<1x1x128xi32, #tpu.memory_space<vmem>> -> memref<128xi32, #tpu.memory_space<vmem>>
    %dma_wait3A_141 = arith.constant 0 : i32
    %dma_wait3A_142 = arith.constant 0 : i32
    %dma_wait3A_143 = tpu.memref_slice %arg10[%dma_wait3A_141, %dma_wait3A_142] : memref<100096x16xf32, #tpu.memory_space<vmem_shared>> -> memref<100096x16xf32, #tpu.memory_space<vmem_shared>>
    tpu.wait_indirect_dma semaphore(%arg12 : memref<!tpu.dma_semaphore, #tpu.memory_space<semaphore_mem>>) src(%dma_wait3A_137 : memref<128x16xf32, #tpu.memory_space<vmem>>) dst(%dma_wait3A_143 : memref<100096x16xf32, #tpu.memory_space<vmem_shared>>)
    %dma_wait3A_144 = arith.constant 1 : i32
    %dma_wait3A_145 = arith.constant 2 : i32
    %dma_wait3A_146 = arith.constant 1 : i32
    %dma_wait3A_147 = arith.constant 2 : i32
    %dma_wait3A_148 = arith.constant 0 : i32
    %dma_wait3A_149 = arith.constant 0 : i32
    %dma_wait3A_150 = tpu.memref_slice %arg9[%dma_wait3A_144, %dma_wait3A_145, %dma_wait3A_148, %dma_wait3A_149] : memref<2x6x128x16xf32, #tpu.memory_space<vmem>> -> memref<1x1x128x16xf32, #tpu.memory_space<vmem>>
    %dma_wait3A_151 = tpu.memref_squeeze %dma_wait3A_150 : memref<1x1x128x16xf32, #tpu.memory_space<vmem>> -> memref<128x16xf32, #tpu.memory_space<vmem>>
    %dma_wait3A_152 = arith.constant 0 : i32
    %dma_wait3A_153 = tpu.memref_slice %arg8[%dma_wait3A_146, %dma_wait3A_147, %dma_wait3A_152] : memref<2x6x128xi32, #tpu.memory_space<vmem>> -> memref<1x1x128xi32, #tpu.memory_space<vmem>>
    %dma_wait3A_154 = tpu.memref_squeeze %dma_wait3A_153 : memref<1x1x128xi32, #tpu.memory_space<vmem>> -> memref<128xi32, #tpu.memory_space<vmem>>
    %dma_wait3A_155 = arith.constant 0 : i32
    %dma_wait3A_156 = arith.constant 0 : i32
    %dma_wait3A_157 = tpu.memref_slice %arg10[%dma_wait3A_155, %dma_wait3A_156] : memref<100096x16xf32, #tpu.memory_space<vmem_shared>> -> memref<100096x16xf32, #tpu.memory_space<vmem_shared>>
    tpu.wait_indirect_dma semaphore(%arg12 : memref<!tpu.dma_semaphore, #tpu.memory_space<semaphore_mem>>) src(%dma_wait3A_151 : memref<128x16xf32, #tpu.memory_space<vmem>>) dst(%dma_wait3A_157 : memref<100096x16xf32, #tpu.memory_space<vmem_shared>>)
    %dma_wait3A_158 = arith.constant 1 : i32
    %dma_wait3A_159 = arith.constant 3 : i32
    %dma_wait3A_160 = arith.constant 1 : i32
    %dma_wait3A_161 = arith.constant 3 : i32
    %dma_wait3A_162 = arith.constant 0 : i32
    %dma_wait3A_163 = arith.constant 0 : i32
    %dma_wait3A_164 = tpu.memref_slice %arg9[%dma_wait3A_158, %dma_wait3A_159, %dma_wait3A_162, %dma_wait3A_163] : memref<2x6x128x16xf32, #tpu.memory_space<vmem>> -> memref<1x1x128x16xf32, #tpu.memory_space<vmem>>
    %dma_wait3A_165 = tpu.memref_squeeze %dma_wait3A_164 : memref<1x1x128x16xf32, #tpu.memory_space<vmem>> -> memref<128x16xf32, #tpu.memory_space<vmem>>
    %dma_wait3A_166 = arith.constant 0 : i32
    %dma_wait3A_167 = tpu.memref_slice %arg8[%dma_wait3A_160, %dma_wait3A_161, %dma_wait3A_166] : memref<2x6x128xi32, #tpu.memory_space<vmem>> -> memref<1x1x128xi32, #tpu.memory_space<vmem>>
    %dma_wait3A_168 = tpu.memref_squeeze %dma_wait3A_167 : memref<1x1x128xi32, #tpu.memory_space<vmem>> -> memref<128xi32, #tpu.memory_space<vmem>>
    %dma_wait3A_169 = arith.constant 0 : i32
    %dma_wait3A_170 = arith.constant 0 : i32
    %dma_wait3A_171 = tpu.memref_slice %arg10[%dma_wait3A_169, %dma_wait3A_170] : memref<100096x16xf32, #tpu.memory_space<vmem_shared>> -> memref<100096x16xf32, #tpu.memory_space<vmem_shared>>
    tpu.wait_indirect_dma semaphore(%arg12 : memref<!tpu.dma_semaphore, #tpu.memory_space<semaphore_mem>>) src(%dma_wait3A_165 : memref<128x16xf32, #tpu.memory_space<vmem>>) dst(%dma_wait3A_171 : memref<100096x16xf32, #tpu.memory_space<vmem_shared>>)
    %dma_wait3A_172 = arith.constant 1 : i32
    %dma_wait3A_173 = arith.constant 4 : i32
    %dma_wait3A_174 = arith.constant 1 : i32
    %dma_wait3A_175 = arith.constant 4 : i32
    %dma_wait3A_176 = arith.constant 0 : i32
    %dma_wait3A_177 = arith.constant 0 : i32
    %dma_wait3A_178 = tpu.memref_slice %arg9[%dma_wait3A_172, %dma_wait3A_173, %dma_wait3A_176, %dma_wait3A_177] : memref<2x6x128x16xf32, #tpu.memory_space<vmem>> -> memref<1x1x128x16xf32, #tpu.memory_space<vmem>>
    %dma_wait3A_179 = tpu.memref_squeeze %dma_wait3A_178 : memref<1x1x128x16xf32, #tpu.memory_space<vmem>> -> memref<128x16xf32, #tpu.memory_space<vmem>>
    %dma_wait3A_180 = arith.constant 0 : i32
    %dma_wait3A_181 = tpu.memref_slice %arg8[%dma_wait3A_174, %dma_wait3A_175, %dma_wait3A_180] : memref<2x6x128xi32, #tpu.memory_space<vmem>> -> memref<1x1x128xi32, #tpu.memory_space<vmem>>
    %dma_wait3A_182 = tpu.memref_squeeze %dma_wait3A_181 : memref<1x1x128xi32, #tpu.memory_space<vmem>> -> memref<128xi32, #tpu.memory_space<vmem>>
    %dma_wait3A_183 = arith.constant 0 : i32
    %dma_wait3A_184 = arith.constant 0 : i32
    %dma_wait3A_185 = tpu.memref_slice %arg10[%dma_wait3A_183, %dma_wait3A_184] : memref<100096x16xf32, #tpu.memory_space<vmem_shared>> -> memref<100096x16xf32, #tpu.memory_space<vmem_shared>>
    tpu.wait_indirect_dma semaphore(%arg12 : memref<!tpu.dma_semaphore, #tpu.memory_space<semaphore_mem>>) src(%dma_wait3A_179 : memref<128x16xf32, #tpu.memory_space<vmem>>) dst(%dma_wait3A_185 : memref<100096x16xf32, #tpu.memory_space<vmem_shared>>)
    %dma_wait3A_186 = arith.constant 1 : i32
    %dma_wait3A_187 = arith.constant 5 : i32
    %dma_wait3A_188 = arith.constant 1 : i32
    %dma_wait3A_189 = arith.constant 5 : i32
    %dma_wait3A_190 = arith.constant 0 : i32
    %dma_wait3A_191 = arith.constant 0 : i32
    %dma_wait3A_192 = tpu.memref_slice %arg9[%dma_wait3A_186, %dma_wait3A_187, %dma_wait3A_190, %dma_wait3A_191] : memref<2x6x128x16xf32, #tpu.memory_space<vmem>> -> memref<1x1x128x16xf32, #tpu.memory_space<vmem>>
    %dma_wait3A_193 = tpu.memref_squeeze %dma_wait3A_192 : memref<1x1x128x16xf32, #tpu.memory_space<vmem>> -> memref<128x16xf32, #tpu.memory_space<vmem>>
    %dma_wait3A_194 = arith.constant 0 : i32
    %dma_wait3A_195 = tpu.memref_slice %arg8[%dma_wait3A_188, %dma_wait3A_189, %dma_wait3A_194] : memref<2x6x128xi32, #tpu.memory_space<vmem>> -> memref<1x1x128xi32, #tpu.memory_space<vmem>>
    %dma_wait3A_196 = tpu.memref_squeeze %dma_wait3A_195 : memref<1x1x128xi32, #tpu.memory_space<vmem>> -> memref<128xi32, #tpu.memory_space<vmem>>
    %dma_wait3A_197 = arith.constant 0 : i32
    %dma_wait3A_198 = arith.constant 0 : i32
    %dma_wait3A_199 = tpu.memref_slice %arg10[%dma_wait3A_197, %dma_wait3A_198] : memref<100096x16xf32, #tpu.memory_space<vmem_shared>> -> memref<100096x16xf32, #tpu.memory_space<vmem_shared>>
    tpu.wait_indirect_dma semaphore(%arg12 : memref<!tpu.dma_semaphore, #tpu.memory_space<semaphore_mem>>) src(%dma_wait3A_193 : memref<128x16xf32, #tpu.memory_space<vmem>>) dst(%dma_wait3A_199 : memref<100096x16xf32, #tpu.memory_space<vmem_shared>>)
    %dma_wait3A_200 = arith.constant 0 : i32
    %dma_wait3A_201 = arith.constant 0 : i32
    %dma_wait3A_202 = arith.constant 0 : i32
    %dma_wait3A_203 = arith.constant 0 : i32
    %dma_wait3A_204 = arith.constant 0 : i32
    %dma_wait3A_205 = arith.constant 0 : i32
    %dma_wait3A_206 = tpu.memref_slice %arg9[%dma_wait3A_202, %dma_wait3A_203, %dma_wait3A_204, %dma_wait3A_205] : memref<2x6x128x16xf32, #tpu.memory_space<vmem>> -> memref<1x1x128x16xf32, #tpu.memory_space<vmem>>
    %dma_wait3A_207 = tpu.memref_squeeze %dma_wait3A_206 : memref<1x1x128x16xf32, #tpu.memory_space<vmem>> -> memref<128x16xf32, #tpu.memory_space<vmem>>
    %dma_wait3A_208 = arith.constant 0 : i32
    %dma_wait3A_209 = tpu.memref_slice %arg7[%dma_wait3A_200, %dma_wait3A_201, %dma_wait3A_208] : memref<2x6x128xi32, #tpu.memory_space<vmem>> -> memref<1x1x128xi32, #tpu.memory_space<vmem>>
    %dma_wait3A_210 = tpu.memref_squeeze %dma_wait3A_209 : memref<1x1x128xi32, #tpu.memory_space<vmem>> -> memref<128xi32, #tpu.memory_space<vmem>>
    %dma_wait3A_211 = arith.constant 0 : i32
    %dma_wait3A_212 = arith.constant 0 : i32
    %dma_wait3A_213 = tpu.memref_slice %arg2[%arg0, %dma_wait3A_211, %dma_wait3A_212] : memref<2x100096x16xf32, #tpu.memory_space<hbm>> -> memref<1x100096x16xf32, #tpu.memory_space<hbm>>
    %dma_wait3A_214 = tpu.memref_squeeze %dma_wait3A_213 : memref<1x100096x16xf32, #tpu.memory_space<hbm>> -> memref<100096x16xf32, #tpu.memory_space<hbm>>
    %dma_wait3A_215 = arith.constant 0 : i32
    %dma_wait3A_216 = arith.constant 0 : i32
    %dma_wait3A_217 = tpu.memref_slice %dma_wait3A_214[%dma_wait3A_215, %dma_wait3A_216] : memref<100096x16xf32, #tpu.memory_space<hbm>> -> memref<100096x16xf32, #tpu.memory_space<hbm>>
    tpu.wait_indirect_dma semaphore(%arg11 : memref<!tpu.dma_semaphore, #tpu.memory_space<semaphore_mem>>) src(%dma_wait3A_217 : memref<100096x16xf32, #tpu.memory_space<hbm>>) dst(%dma_wait3A_207 : memref<128x16xf32, #tpu.memory_space<vmem>>)
    %dma_wait3A_218 = arith.constant 0 : i32
    %dma_wait3A_219 = arith.constant 1 : i32
    %dma_wait3A_220 = arith.constant 0 : i32
    %dma_wait3A_221 = arith.constant 1 : i32
    %dma_wait3A_222 = arith.constant 0 : i32
    %dma_wait3A_223 = arith.constant 0 : i32
    %dma_wait3A_224 = tpu.memref_slice %arg9[%dma_wait3A_220, %dma_wait3A_221, %dma_wait3A_222, %dma_wait3A_223] : memref<2x6x128x16xf32, #tpu.memory_space<vmem>> -> memref<1x1x128x16xf32, #tpu.memory_space<vmem>>
    %dma_wait3A_225 = tpu.memref_squeeze %dma_wait3A_224 : memref<1x1x128x16xf32, #tpu.memory_space<vmem>> -> memref<128x16xf32, #tpu.memory_space<vmem>>
    %dma_wait3A_226 = arith.constant 0 : i32
    %dma_wait3A_227 = tpu.memref_slice %arg7[%dma_wait3A_218, %dma_wait3A_219, %dma_wait3A_226] : memref<2x6x128xi32, #tpu.memory_space<vmem>> -> memref<1x1x128xi32, #tpu.memory_space<vmem>>
    %dma_wait3A_228 = tpu.memref_squeeze %dma_wait3A_227 : memref<1x1x128xi32, #tpu.memory_space<vmem>> -> memref<128xi32, #tpu.memory_space<vmem>>
    %dma_wait3A_229 = arith.constant 0 : i32
    %dma_wait3A_230 = arith.constant 0 : i32
    %dma_wait3A_231 = tpu.memref_slice %arg2[%arg0, %dma_wait3A_229, %dma_wait3A_230] : memref<2x100096x16xf32, #tpu.memory_space<hbm>> -> memref<1x100096x16xf32, #tpu.memory_space<hbm>>
    %dma_wait3A_232 = tpu.memref_squeeze %dma_wait3A_231 : memref<1x100096x16xf32, #tpu.memory_space<hbm>> -> memref<100096x16xf32, #tpu.memory_space<hbm>>
    %dma_wait3A_233 = arith.constant 0 : i32
    %dma_wait3A_234 = arith.constant 0 : i32
    %dma_wait3A_235 = tpu.memref_slice %dma_wait3A_232[%dma_wait3A_233, %dma_wait3A_234] : memref<100096x16xf32, #tpu.memory_space<hbm>> -> memref<100096x16xf32, #tpu.memory_space<hbm>>
    tpu.wait_indirect_dma semaphore(%arg11 : memref<!tpu.dma_semaphore, #tpu.memory_space<semaphore_mem>>) src(%dma_wait3A_235 : memref<100096x16xf32, #tpu.memory_space<hbm>>) dst(%dma_wait3A_225 : memref<128x16xf32, #tpu.memory_space<vmem>>)
    %dma_wait3A_236 = arith.constant 0 : i32
    %dma_wait3A_237 = arith.constant 2 : i32
    %dma_wait3A_238 = arith.constant 0 : i32
    %dma_wait3A_239 = arith.constant 2 : i32
    %dma_wait3A_240 = arith.constant 0 : i32
    %dma_wait3A_241 = arith.constant 0 : i32
    %dma_wait3A_242 = tpu.memref_slice %arg9[%dma_wait3A_238, %dma_wait3A_239, %dma_wait3A_240, %dma_wait3A_241] : memref<2x6x128x16xf32, #tpu.memory_space<vmem>> -> memref<1x1x128x16xf32, #tpu.memory_space<vmem>>
    %dma_wait3A_243 = tpu.memref_squeeze %dma_wait3A_242 : memref<1x1x128x16xf32, #tpu.memory_space<vmem>> -> memref<128x16xf32, #tpu.memory_space<vmem>>
    %dma_wait3A_244 = arith.constant 0 : i32
    %dma_wait3A_245 = tpu.memref_slice %arg7[%dma_wait3A_236, %dma_wait3A_237, %dma_wait3A_244] : memref<2x6x128xi32, #tpu.memory_space<vmem>> -> memref<1x1x128xi32, #tpu.memory_space<vmem>>
    %dma_wait3A_246 = tpu.memref_squeeze %dma_wait3A_245 : memref<1x1x128xi32, #tpu.memory_space<vmem>> -> memref<128xi32, #tpu.memory_space<vmem>>
    %dma_wait3A_247 = arith.constant 0 : i32
    %dma_wait3A_248 = arith.constant 0 : i32
    %dma_wait3A_249 = tpu.memref_slice %arg2[%arg0, %dma_wait3A_247, %dma_wait3A_248] : memref<2x100096x16xf32, #tpu.memory_space<hbm>> -> memref<1x100096x16xf32, #tpu.memory_space<hbm>>
    %dma_wait3A_250 = tpu.memref_squeeze %dma_wait3A_249 : memref<1x100096x16xf32, #tpu.memory_space<hbm>> -> memref<100096x16xf32, #tpu.memory_space<hbm>>
    %dma_wait3A_251 = arith.constant 0 : i32
    %dma_wait3A_252 = arith.constant 0 : i32
    %dma_wait3A_253 = tpu.memref_slice %dma_wait3A_250[%dma_wait3A_251, %dma_wait3A_252] : memref<100096x16xf32, #tpu.memory_space<hbm>> -> memref<100096x16xf32, #tpu.memory_space<hbm>>
    tpu.wait_indirect_dma semaphore(%arg11 : memref<!tpu.dma_semaphore, #tpu.memory_space<semaphore_mem>>) src(%dma_wait3A_253 : memref<100096x16xf32, #tpu.memory_space<hbm>>) dst(%dma_wait3A_243 : memref<128x16xf32, #tpu.memory_space<vmem>>)
    %dma_wait3A_254 = arith.constant 0 : i32
    %dma_wait3A_255 = arith.constant 3 : i32
    %dma_wait3A_256 = arith.constant 0 : i32
    %dma_wait3A_257 = arith.constant 3 : i32
    %dma_wait3A_258 = arith.constant 0 : i32
    %dma_wait3A_259 = arith.constant 0 : i32
    %dma_wait3A_260 = tpu.memref_slice %arg9[%dma_wait3A_256, %dma_wait3A_257, %dma_wait3A_258, %dma_wait3A_259] : memref<2x6x128x16xf32, #tpu.memory_space<vmem>> -> memref<1x1x128x16xf32, #tpu.memory_space<vmem>>
    %dma_wait3A_261 = tpu.memref_squeeze %dma_wait3A_260 : memref<1x1x128x16xf32, #tpu.memory_space<vmem>> -> memref<128x16xf32, #tpu.memory_space<vmem>>
    %dma_wait3A_262 = arith.constant 0 : i32
    %dma_wait3A_263 = tpu.memref_slice %arg7[%dma_wait3A_254, %dma_wait3A_255, %dma_wait3A_262] : memref<2x6x128xi32, #tpu.memory_space<vmem>> -> memref<1x1x128xi32, #tpu.memory_space<vmem>>
    %dma_wait3A_264 = tpu.memref_squeeze %dma_wait3A_263 : memref<1x1x128xi32, #tpu.memory_space<vmem>> -> memref<128xi32, #tpu.memory_space<vmem>>
    %dma_wait3A_265 = arith.constant 0 : i32
    %dma_wait3A_266 = arith.constant 0 : i32
    %dma_wait3A_267 = tpu.memref_slice %arg2[%arg0, %dma_wait3A_265, %dma_wait3A_266] : memref<2x100096x16xf32, #tpu.memory_space<hbm>> -> memref<1x100096x16xf32, #tpu.memory_space<hbm>>
    %dma_wait3A_268 = tpu.memref_squeeze %dma_wait3A_267 : memref<1x100096x16xf32, #tpu.memory_space<hbm>> -> memref<100096x16xf32, #tpu.memory_space<hbm>>
    %dma_wait3A_269 = arith.constant 0 : i32
    %dma_wait3A_270 = arith.constant 0 : i32
    %dma_wait3A_271 = tpu.memref_slice %dma_wait3A_268[%dma_wait3A_269, %dma_wait3A_270] : memref<100096x16xf32, #tpu.memory_space<hbm>> -> memref<100096x16xf32, #tpu.memory_space<hbm>>
    tpu.wait_indirect_dma semaphore(%arg11 : memref<!tpu.dma_semaphore, #tpu.memory_space<semaphore_mem>>) src(%dma_wait3A_271 : memref<100096x16xf32, #tpu.memory_space<hbm>>) dst(%dma_wait3A_261 : memref<128x16xf32, #tpu.memory_space<vmem>>)
    %dma_wait3A_272 = arith.constant 0 : i32
    %dma_wait3A_273 = arith.constant 4 : i32
    %dma_wait3A_274 = arith.constant 0 : i32
    %dma_wait3A_275 = arith.constant 4 : i32
    %dma_wait3A_276 = arith.constant 0 : i32
    %dma_wait3A_277 = arith.constant 0 : i32
    %dma_wait3A_278 = tpu.memref_slice %arg9[%dma_wait3A_274, %dma_wait3A_275, %dma_wait3A_276, %dma_wait3A_277] : memref<2x6x128x16xf32, #tpu.memory_space<vmem>> -> memref<1x1x128x16xf32, #tpu.memory_space<vmem>>
    %dma_wait3A_279 = tpu.memref_squeeze %dma_wait3A_278 : memref<1x1x128x16xf32, #tpu.memory_space<vmem>> -> memref<128x16xf32, #tpu.memory_space<vmem>>
    %dma_wait3A_280 = arith.constant 0 : i32
    %dma_wait3A_281 = tpu.memref_slice %arg7[%dma_wait3A_272, %dma_wait3A_273, %dma_wait3A_280] : memref<2x6x128xi32, #tpu.memory_space<vmem>> -> memref<1x1x128xi32, #tpu.memory_space<vmem>>
    %dma_wait3A_282 = tpu.memref_squeeze %dma_wait3A_281 : memref<1x1x128xi32, #tpu.memory_space<vmem>> -> memref<128xi32, #tpu.memory_space<vmem>>
    %dma_wait3A_283 = arith.constant 0 : i32
    %dma_wait3A_284 = arith.constant 0 : i32
    %dma_wait3A_285 = tpu.memref_slice %arg2[%arg0, %dma_wait3A_283, %dma_wait3A_284] : memref<2x100096x16xf32, #tpu.memory_space<hbm>> -> memref<1x100096x16xf32, #tpu.memory_space<hbm>>
    %dma_wait3A_286 = tpu.memref_squeeze %dma_wait3A_285 : memref<1x100096x16xf32, #tpu.memory_space<hbm>> -> memref<100096x16xf32, #tpu.memory_space<hbm>>
    %dma_wait3A_287 = arith.constant 0 : i32
    %dma_wait3A_288 = arith.constant 0 : i32
    %dma_wait3A_289 = tpu.memref_slice %dma_wait3A_286[%dma_wait3A_287, %dma_wait3A_288] : memref<100096x16xf32, #tpu.memory_space<hbm>> -> memref<100096x16xf32, #tpu.memory_space<hbm>>
    tpu.wait_indirect_dma semaphore(%arg11 : memref<!tpu.dma_semaphore, #tpu.memory_space<semaphore_mem>>) src(%dma_wait3A_289 : memref<100096x16xf32, #tpu.memory_space<hbm>>) dst(%dma_wait3A_279 : memref<128x16xf32, #tpu.memory_space<vmem>>)
    %dma_wait3A_290 = arith.constant 0 : i32
    %dma_wait3A_291 = arith.constant 5 : i32
    %dma_wait3A_292 = arith.constant 0 : i32
    %dma_wait3A_293 = arith.constant 5 : i32
    %dma_wait3A_294 = arith.constant 0 : i32
    %dma_wait3A_295 = arith.constant 0 : i32
    %dma_wait3A_296 = tpu.memref_slice %arg9[%dma_wait3A_292, %dma_wait3A_293, %dma_wait3A_294, %dma_wait3A_295] : memref<2x6x128x16xf32, #tpu.memory_space<vmem>> -> memref<1x1x128x16xf32, #tpu.memory_space<vmem>>
    %dma_wait3A_297 = tpu.memref_squeeze %dma_wait3A_296 : memref<1x1x128x16xf32, #tpu.memory_space<vmem>> -> memref<128x16xf32, #tpu.memory_space<vmem>>
    %dma_wait3A_298 = arith.constant 0 : i32
    %dma_wait3A_299 = tpu.memref_slice %arg7[%dma_wait3A_290, %dma_wait3A_291, %dma_wait3A_298] : memref<2x6x128xi32, #tpu.memory_space<vmem>> -> memref<1x1x128xi32, #tpu.memory_space<vmem>>
    %dma_wait3A_300 = tpu.memref_squeeze %dma_wait3A_299 : memref<1x1x128xi32, #tpu.memory_space<vmem>> -> memref<128xi32, #tpu.memory_space<vmem>>
    %dma_wait3A_301 = arith.constant 0 : i32
    %dma_wait3A_302 = arith.constant 0 : i32
    %dma_wait3A_303 = tpu.memref_slice %arg2[%arg0, %dma_wait3A_301, %dma_wait3A_302] : memref<2x100096x16xf32, #tpu.memory_space<hbm>> -> memref<1x100096x16xf32, #tpu.memory_space<hbm>>
    %dma_wait3A_304 = tpu.memref_squeeze %dma_wait3A_303 : memref<1x100096x16xf32, #tpu.memory_space<hbm>> -> memref<100096x16xf32, #tpu.memory_space<hbm>>
    %dma_wait3A_305 = arith.constant 0 : i32
    %dma_wait3A_306 = arith.constant 0 : i32
    %dma_wait3A_307 = tpu.memref_slice %dma_wait3A_304[%dma_wait3A_305, %dma_wait3A_306] : memref<100096x16xf32, #tpu.memory_space<hbm>> -> memref<100096x16xf32, #tpu.memory_space<hbm>>
    tpu.wait_indirect_dma semaphore(%arg11 : memref<!tpu.dma_semaphore, #tpu.memory_space<semaphore_mem>>) src(%dma_wait3A_307 : memref<100096x16xf32, #tpu.memory_space<hbm>>) dst(%dma_wait3A_297 : memref<128x16xf32, #tpu.memory_space<vmem>>)
    %dma_start3A_308 = arith.constant 0 : i32
    %dma_start3A_309 = arith.constant 0 : i32
    %dma_start3A_310 = arith.constant 0 : i32
    %dma_start3A_311 = arith.constant 0 : i32
    %dma_start3A_312 = arith.constant 0 : i32
    %dma_start3A_313 = arith.constant 0 : i32
    %dma_start3A_314 = tpu.memref_slice %arg9[%dma_start3A_308, %dma_start3A_309, %dma_start3A_312, %dma_start3A_313] : memref<2x6x128x16xf32, #tpu.memory_space<vmem>> -> memref<1x1x128x16xf32, #tpu.memory_space<vmem>>
    %dma_start3A_315 = tpu.memref_squeeze %dma_start3A_314 : memref<1x1x128x16xf32, #tpu.memory_space<vmem>> -> memref<128x16xf32, #tpu.memory_space<vmem>>
    %dma_start3A_316 = arith.constant 0 : i32
    %dma_start3A_317 = tpu.memref_slice %arg8[%dma_start3A_310, %dma_start3A_311, %dma_start3A_316] : memref<2x6x128xi32, #tpu.memory_space<vmem>> -> memref<1x1x128xi32, #tpu.memory_space<vmem>>
    %dma_start3A_318 = tpu.memref_squeeze %dma_start3A_317 : memref<1x1x128xi32, #tpu.memory_space<vmem>> -> memref<128xi32, #tpu.memory_space<vmem>>
    %dma_start3A_319 = arith.constant 0 : i32
    %dma_start3A_320 = arith.constant 0 : i32
    %dma_start3A_321 = tpu.memref_slice %arg10[%dma_start3A_319, %dma_start3A_320] : memref<100096x16xf32, #tpu.memory_space<vmem_shared>> -> memref<100096x16xf32, #tpu.memory_space<vmem_shared>>
    tpu.enqueue_indirect_dma source(%dma_start3A_315 : memref<128x16xf32, #tpu.memory_space<vmem>>) target(%dma_start3A_321 : memref<100096x16xf32, #tpu.memory_space<vmem_shared>>) offsets(%dma_start3A_318 : memref<128xi32, #tpu.memory_space<vmem>>) semaphore(%arg12 : memref<!tpu.dma_semaphore, #tpu.memory_space<semaphore_mem>>) {add = true}
    %dma_start3A_322 = arith.constant 0 : i32
    %dma_start3A_323 = arith.constant 1 : i32
    %dma_start3A_324 = arith.constant 0 : i32
    %dma_start3A_325 = arith.constant 1 : i32
    %dma_start3A_326 = arith.constant 0 : i32
    %dma_start3A_327 = arith.constant 0 : i32
    %dma_start3A_328 = tpu.memref_slice %arg9[%dma_start3A_322, %dma_start3A_323, %dma_start3A_326, %dma_start3A_327] : memref<2x6x128x16xf32, #tpu.memory_space<vmem>> -> memref<1x1x128x16xf32, #tpu.memory_space<vmem>>
    %dma_start3A_329 = tpu.memref_squeeze %dma_start3A_328 : memref<1x1x128x16xf32, #tpu.memory_space<vmem>> -> memref<128x16xf32, #tpu.memory_space<vmem>>
    %dma_start3A_330 = arith.constant 0 : i32
    %dma_start3A_331 = tpu.memref_slice %arg8[%dma_start3A_324, %dma_start3A_325, %dma_start3A_330] : memref<2x6x128xi32, #tpu.memory_space<vmem>> -> memref<1x1x128xi32, #tpu.memory_space<vmem>>
    %dma_start3A_332 = tpu.memref_squeeze %dma_start3A_331 : memref<1x1x128xi32, #tpu.memory_space<vmem>> -> memref<128xi32, #tpu.memory_space<vmem>>
    %dma_start3A_333 = arith.constant 0 : i32
    %dma_start3A_334 = arith.constant 0 : i32
    %dma_start3A_335 = tpu.memref_slice %arg10[%dma_start3A_333, %dma_start3A_334] : memref<100096x16xf32, #tpu.memory_space<vmem_shared>> -> memref<100096x16xf32, #tpu.memory_space<vmem_shared>>
    tpu.enqueue_indirect_dma source(%dma_start3A_329 : memref<128x16xf32, #tpu.memory_space<vmem>>) target(%dma_start3A_335 : memref<100096x16xf32, #tpu.memory_space<vmem_shared>>) offsets(%dma_start3A_332 : memref<128xi32, #tpu.memory_space<vmem>>) semaphore(%arg12 : memref<!tpu.dma_semaphore, #tpu.memory_space<semaphore_mem>>) {add = true}
    %dma_start3A_336 = arith.constant 0 : i32
    %dma_start3A_337 = arith.constant 2 : i32
    %dma_start3A_338 = arith.constant 0 : i32
    %dma_start3A_339 = arith.constant 2 : i32
    %dma_start3A_340 = arith.constant 0 : i32
    %dma_start3A_341 = arith.constant 0 : i32
    %dma_start3A_342 = tpu.memref_slice %arg9[%dma_start3A_336, %dma_start3A_337, %dma_start3A_340, %dma_start3A_341] : memref<2x6x128x16xf32, #tpu.memory_space<vmem>> -> memref<1x1x128x16xf32, #tpu.memory_space<vmem>>
    %dma_start3A_343 = tpu.memref_squeeze %dma_start3A_342 : memref<1x1x128x16xf32, #tpu.memory_space<vmem>> -> memref<128x16xf32, #tpu.memory_space<vmem>>
    %dma_start3A_344 = arith.constant 0 : i32
    %dma_start3A_345 = tpu.memref_slice %arg8[%dma_start3A_338, %dma_start3A_339, %dma_start3A_344] : memref<2x6x128xi32, #tpu.memory_space<vmem>> -> memref<1x1x128xi32, #tpu.memory_space<vmem>>
    %dma_start3A_346 = tpu.memref_squeeze %dma_start3A_345 : memref<1x1x128xi32, #tpu.memory_space<vmem>> -> memref<128xi32, #tpu.memory_space<vmem>>
    %dma_start3A_347 = arith.constant 0 : i32
    %dma_start3A_348 = arith.constant 0 : i32
    %dma_start3A_349 = tpu.memref_slice %arg10[%dma_start3A_347, %dma_start3A_348] : memref<100096x16xf32, #tpu.memory_space<vmem_shared>> -> memref<100096x16xf32, #tpu.memory_space<vmem_shared>>
    tpu.enqueue_indirect_dma source(%dma_start3A_343 : memref<128x16xf32, #tpu.memory_space<vmem>>) target(%dma_start3A_349 : memref<100096x16xf32, #tpu.memory_space<vmem_shared>>) offsets(%dma_start3A_346 : memref<128xi32, #tpu.memory_space<vmem>>) semaphore(%arg12 : memref<!tpu.dma_semaphore, #tpu.memory_space<semaphore_mem>>) {add = true}
    %dma_start3A_350 = arith.constant 0 : i32
    %dma_start3A_351 = arith.constant 3 : i32
    %dma_start3A_352 = arith.constant 0 : i32
    %dma_start3A_353 = arith.constant 3 : i32
    %dma_start3A_354 = arith.constant 0 : i32
    %dma_start3A_355 = arith.constant 0 : i32
    %dma_start3A_356 = tpu.memref_slice %arg9[%dma_start3A_350, %dma_start3A_351, %dma_start3A_354, %dma_start3A_355] : memref<2x6x128x16xf32, #tpu.memory_space<vmem>> -> memref<1x1x128x16xf32, #tpu.memory_space<vmem>>
    %dma_start3A_357 = tpu.memref_squeeze %dma_start3A_356 : memref<1x1x128x16xf32, #tpu.memory_space<vmem>> -> memref<128x16xf32, #tpu.memory_space<vmem>>
    %dma_start3A_358 = arith.constant 0 : i32
    %dma_start3A_359 = tpu.memref_slice %arg8[%dma_start3A_352, %dma_start3A_353, %dma_start3A_358] : memref<2x6x128xi32, #tpu.memory_space<vmem>> -> memref<1x1x128xi32, #tpu.memory_space<vmem>>
    %dma_start3A_360 = tpu.memref_squeeze %dma_start3A_359 : memref<1x1x128xi32, #tpu.memory_space<vmem>> -> memref<128xi32, #tpu.memory_space<vmem>>
    %dma_start3A_361 = arith.constant 0 : i32
    %dma_start3A_362 = arith.constant 0 : i32
    %dma_start3A_363 = tpu.memref_slice %arg10[%dma_start3A_361, %dma_start3A_362] : memref<100096x16xf32, #tpu.memory_space<vmem_shared>> -> memref<100096x16xf32, #tpu.memory_space<vmem_shared>>
    tpu.enqueue_indirect_dma source(%dma_start3A_357 : memref<128x16xf32, #tpu.memory_space<vmem>>) target(%dma_start3A_363 : memref<100096x16xf32, #tpu.memory_space<vmem_shared>>) offsets(%dma_start3A_360 : memref<128xi32, #tpu.memory_space<vmem>>) semaphore(%arg12 : memref<!tpu.dma_semaphore, #tpu.memory_space<semaphore_mem>>) {add = true}
    %dma_start3A_364 = arith.constant 0 : i32
    %dma_start3A_365 = arith.constant 4 : i32
    %dma_start3A_366 = arith.constant 0 : i32
    %dma_start3A_367 = arith.constant 4 : i32
    %dma_start3A_368 = arith.constant 0 : i32
    %dma_start3A_369 = arith.constant 0 : i32
    %dma_start3A_370 = tpu.memref_slice %arg9[%dma_start3A_364, %dma_start3A_365, %dma_start3A_368, %dma_start3A_369] : memref<2x6x128x16xf32, #tpu.memory_space<vmem>> -> memref<1x1x128x16xf32, #tpu.memory_space<vmem>>
    %dma_start3A_371 = tpu.memref_squeeze %dma_start3A_370 : memref<1x1x128x16xf32, #tpu.memory_space<vmem>> -> memref<128x16xf32, #tpu.memory_space<vmem>>
    %dma_start3A_372 = arith.constant 0 : i32
    %dma_start3A_373 = tpu.memref_slice %arg8[%dma_start3A_366, %dma_start3A_367, %dma_start3A_372] : memref<2x6x128xi32, #tpu.memory_space<vmem>> -> memref<1x1x128xi32, #tpu.memory_space<vmem>>
    %dma_start3A_374 = tpu.memref_squeeze %dma_start3A_373 : memref<1x1x128xi32, #tpu.memory_space<vmem>> -> memref<128xi32, #tpu.memory_space<vmem>>
    %dma_start3A_375 = arith.constant 0 : i32
    %dma_start3A_376 = arith.constant 0 : i32
    %dma_start3A_377 = tpu.memref_slice %arg10[%dma_start3A_375, %dma_start3A_376] : memref<100096x16xf32, #tpu.memory_space<vmem_shared>> -> memref<100096x16xf32, #tpu.memory_space<vmem_shared>>
    tpu.enqueue_indirect_dma source(%dma_start3A_371 : memref<128x16xf32, #tpu.memory_space<vmem>>) target(%dma_start3A_377 : memref<100096x16xf32, #tpu.memory_space<vmem_shared>>) offsets(%dma_start3A_374 : memref<128xi32, #tpu.memory_space<vmem>>) semaphore(%arg12 : memref<!tpu.dma_semaphore, #tpu.memory_space<semaphore_mem>>) {add = true}
    %dma_start3A_378 = arith.constant 0 : i32
    %dma_start3A_379 = arith.constant 5 : i32
    %dma_start3A_380 = arith.constant 0 : i32
    %dma_start3A_381 = arith.constant 5 : i32
    %dma_start3A_382 = arith.constant 0 : i32
    %dma_start3A_383 = arith.constant 0 : i32
    %dma_start3A_384 = tpu.memref_slice %arg9[%dma_start3A_378, %dma_start3A_379, %dma_start3A_382, %dma_start3A_383] : memref<2x6x128x16xf32, #tpu.memory_space<vmem>> -> memref<1x1x128x16xf32, #tpu.memory_space<vmem>>
    %dma_start3A_385 = tpu.memref_squeeze %dma_start3A_384 : memref<1x1x128x16xf32, #tpu.memory_space<vmem>> -> memref<128x16xf32, #tpu.memory_space<vmem>>
    %dma_start3A_386 = arith.constant 0 : i32
    %dma_start3A_387 = tpu.memref_slice %arg8[%dma_start3A_380, %dma_start3A_381, %dma_start3A_386] : memref<2x6x128xi32, #tpu.memory_space<vmem>> -> memref<1x1x128xi32, #tpu.memory_space<vmem>>
    %dma_start3A_388 = tpu.memref_squeeze %dma_start3A_387 : memref<1x1x128xi32, #tpu.memory_space<vmem>> -> memref<128xi32, #tpu.memory_space<vmem>>
    %dma_start3A_389 = arith.constant 0 : i32
    %dma_start3A_390 = arith.constant 0 : i32
    %dma_start3A_391 = tpu.memref_slice %arg10[%dma_start3A_389, %dma_start3A_390] : memref<100096x16xf32, #tpu.memory_space<vmem_shared>> -> memref<100096x16xf32, #tpu.memory_space<vmem_shared>>
    tpu.enqueue_indirect_dma source(%dma_start3A_385 : memref<128x16xf32, #tpu.memory_space<vmem>>) target(%dma_start3A_391 : memref<100096x16xf32, #tpu.memory_space<vmem_shared>>) offsets(%dma_start3A_388 : memref<128xi32, #tpu.memory_space<vmem>>) semaphore(%arg12 : memref<!tpu.dma_semaphore, #tpu.memory_space<semaphore_mem>>) {add = true}
    %dma_wait3A_392 = arith.constant 0 : i32
    %dma_wait3A_393 = arith.constant 0 : i32
    %dma_wait3A_394 = arith.constant 0 : i32
    %dma_wait3A_395 = arith.constant 0 : i32
    %dma_wait3A_396 = arith.constant 0 : i32
    %dma_wait3A_397 = arith.constant 0 : i32
    %dma_wait3A_398 = tpu.memref_slice %arg9[%dma_wait3A_392, %dma_wait3A_393, %dma_wait3A_396, %dma_wait3A_397] : memref<2x6x128x16xf32, #tpu.memory_space<vmem>> -> memref<1x1x128x16xf32, #tpu.memory_space<vmem>>
    %dma_wait3A_399 = tpu.memref_squeeze %dma_wait3A_398 : memref<1x1x128x16xf32, #tpu.memory_space<vmem>> -> memref<128x16xf32, #tpu.memory_space<vmem>>
    %dma_wait3A_400 = arith.constant 0 : i32
    %dma_wait3A_401 = tpu.memref_slice %arg8[%dma_wait3A_394, %dma_wait3A_395, %dma_wait3A_400] : memref<2x6x128xi32, #tpu.memory_space<vmem>> -> memref<1x1x128xi32, #tpu.memory_space<vmem>>
    %dma_wait3A_402 = tpu.memref_squeeze %dma_wait3A_401 : memref<1x1x128xi32, #tpu.memory_space<vmem>> -> memref<128xi32, #tpu.memory_space<vmem>>
    %dma_wait3A_403 = arith.constant 0 : i32
    %dma_wait3A_404 = arith.constant 0 : i32
    %dma_wait3A_405 = tpu.memref_slice %arg10[%dma_wait3A_403, %dma_wait3A_404] : memref<100096x16xf32, #tpu.memory_space<vmem_shared>> -> memref<100096x16xf32, #tpu.memory_space<vmem_shared>>
    tpu.wait_indirect_dma semaphore(%arg12 : memref<!tpu.dma_semaphore, #tpu.memory_space<semaphore_mem>>) src(%dma_wait3A_399 : memref<128x16xf32, #tpu.memory_space<vmem>>) dst(%dma_wait3A_405 : memref<100096x16xf32, #tpu.memory_space<vmem_shared>>)
    %dma_wait3A_406 = arith.constant 0 : i32
    %dma_wait3A_407 = arith.constant 1 : i32
    %dma_wait3A_408 = arith.constant 0 : i32
    %dma_wait3A_409 = arith.constant 1 : i32
    %dma_wait3A_410 = arith.constant 0 : i32
    %dma_wait3A_411 = arith.constant 0 : i32
    %dma_wait3A_412 = tpu.memref_slice %arg9[%dma_wait3A_406, %dma_wait3A_407, %dma_wait3A_410, %dma_wait3A_411] : memref<2x6x128x16xf32, #tpu.memory_space<vmem>> -> memref<1x1x128x16xf32, #tpu.memory_space<vmem>>
    %dma_wait3A_413 = tpu.memref_squeeze %dma_wait3A_412 : memref<1x1x128x16xf32, #tpu.memory_space<vmem>> -> memref<128x16xf32, #tpu.memory_space<vmem>>
    %dma_wait3A_414 = arith.constant 0 : i32
    %dma_wait3A_415 = tpu.memref_slice %arg8[%dma_wait3A_408, %dma_wait3A_409, %dma_wait3A_414] : memref<2x6x128xi32, #tpu.memory_space<vmem>> -> memref<1x1x128xi32, #tpu.memory_space<vmem>>
    %dma_wait3A_416 = tpu.memref_squeeze %dma_wait3A_415 : memref<1x1x128xi32, #tpu.memory_space<vmem>> -> memref<128xi32, #tpu.memory_space<vmem>>
    %dma_wait3A_417 = arith.constant 0 : i32
    %dma_wait3A_418 = arith.constant 0 : i32
    %dma_wait3A_419 = tpu.memref_slice %arg10[%dma_wait3A_417, %dma_wait3A_418] : memref<100096x16xf32, #tpu.memory_space<vmem_shared>> -> memref<100096x16xf32, #tpu.memory_space<vmem_shared>>
    tpu.wait_indirect_dma semaphore(%arg12 : memref<!tpu.dma_semaphore, #tpu.memory_space<semaphore_mem>>) src(%dma_wait3A_413 : memref<128x16xf32, #tpu.memory_space<vmem>>) dst(%dma_wait3A_419 : memref<100096x16xf32, #tpu.memory_space<vmem_shared>>)
    %dma_wait3A_420 = arith.constant 0 : i32
    %dma_wait3A_421 = arith.constant 2 : i32
    %dma_wait3A_422 = arith.constant 0 : i32
    %dma_wait3A_423 = arith.constant 2 : i32
    %dma_wait3A_424 = arith.constant 0 : i32
    %dma_wait3A_425 = arith.constant 0 : i32
    %dma_wait3A_426 = tpu.memref_slice %arg9[%dma_wait3A_420, %dma_wait3A_421, %dma_wait3A_424, %dma_wait3A_425] : memref<2x6x128x16xf32, #tpu.memory_space<vmem>> -> memref<1x1x128x16xf32, #tpu.memory_space<vmem>>
    %dma_wait3A_427 = tpu.memref_squeeze %dma_wait3A_426 : memref<1x1x128x16xf32, #tpu.memory_space<vmem>> -> memref<128x16xf32, #tpu.memory_space<vmem>>
    %dma_wait3A_428 = arith.constant 0 : i32
    %dma_wait3A_429 = tpu.memref_slice %arg8[%dma_wait3A_422, %dma_wait3A_423, %dma_wait3A_428] : memref<2x6x128xi32, #tpu.memory_space<vmem>> -> memref<1x1x128xi32, #tpu.memory_space<vmem>>
    %dma_wait3A_430 = tpu.memref_squeeze %dma_wait3A_429 : memref<1x1x128xi32, #tpu.memory_space<vmem>> -> memref<128xi32, #tpu.memory_space<vmem>>
    %dma_wait3A_431 = arith.constant 0 : i32
    %dma_wait3A_432 = arith.constant 0 : i32
    %dma_wait3A_433 = tpu.memref_slice %arg10[%dma_wait3A_431, %dma_wait3A_432] : memref<100096x16xf32, #tpu.memory_space<vmem_shared>> -> memref<100096x16xf32, #tpu.memory_space<vmem_shared>>
    tpu.wait_indirect_dma semaphore(%arg12 : memref<!tpu.dma_semaphore, #tpu.memory_space<semaphore_mem>>) src(%dma_wait3A_427 : memref<128x16xf32, #tpu.memory_space<vmem>>) dst(%dma_wait3A_433 : memref<100096x16xf32, #tpu.memory_space<vmem_shared>>)
    %dma_wait3A_434 = arith.constant 0 : i32
    %dma_wait3A_435 = arith.constant 3 : i32
    %dma_wait3A_436 = arith.constant 0 : i32
    %dma_wait3A_437 = arith.constant 3 : i32
    %dma_wait3A_438 = arith.constant 0 : i32
    %dma_wait3A_439 = arith.constant 0 : i32
    %dma_wait3A_440 = tpu.memref_slice %arg9[%dma_wait3A_434, %dma_wait3A_435, %dma_wait3A_438, %dma_wait3A_439] : memref<2x6x128x16xf32, #tpu.memory_space<vmem>> -> memref<1x1x128x16xf32, #tpu.memory_space<vmem>>
    %dma_wait3A_441 = tpu.memref_squeeze %dma_wait3A_440 : memref<1x1x128x16xf32, #tpu.memory_space<vmem>> -> memref<128x16xf32, #tpu.memory_space<vmem>>
    %dma_wait3A_442 = arith.constant 0 : i32
    %dma_wait3A_443 = tpu.memref_slice %arg8[%dma_wait3A_436, %dma_wait3A_437, %dma_wait3A_442] : memref<2x6x128xi32, #tpu.memory_space<vmem>> -> memref<1x1x128xi32, #tpu.memory_space<vmem>>
    %dma_wait3A_444 = tpu.memref_squeeze %dma_wait3A_443 : memref<1x1x128xi32, #tpu.memory_space<vmem>> -> memref<128xi32, #tpu.memory_space<vmem>>
    %dma_wait3A_445 = arith.constant 0 : i32
    %dma_wait3A_446 = arith.constant 0 : i32
    %dma_wait3A_447 = tpu.memref_slice %arg10[%dma_wait3A_445, %dma_wait3A_446] : memref<100096x16xf32, #tpu.memory_space<vmem_shared>> -> memref<100096x16xf32, #tpu.memory_space<vmem_shared>>
    tpu.wait_indirect_dma semaphore(%arg12 : memref<!tpu.dma_semaphore, #tpu.memory_space<semaphore_mem>>) src(%dma_wait3A_441 : memref<128x16xf32, #tpu.memory_space<vmem>>) dst(%dma_wait3A_447 : memref<100096x16xf32, #tpu.memory_space<vmem_shared>>)
    %dma_wait3A_448 = arith.constant 0 : i32
    %dma_wait3A_449 = arith.constant 4 : i32
    %dma_wait3A_450 = arith.constant 0 : i32
    %dma_wait3A_451 = arith.constant 4 : i32
    %dma_wait3A_452 = arith.constant 0 : i32
    %dma_wait3A_453 = arith.constant 0 : i32
    %dma_wait3A_454 = tpu.memref_slice %arg9[%dma_wait3A_448, %dma_wait3A_449, %dma_wait3A_452, %dma_wait3A_453] : memref<2x6x128x16xf32, #tpu.memory_space<vmem>> -> memref<1x1x128x16xf32, #tpu.memory_space<vmem>>
    %dma_wait3A_455 = tpu.memref_squeeze %dma_wait3A_454 : memref<1x1x128x16xf32, #tpu.memory_space<vmem>> -> memref<128x16xf32, #tpu.memory_space<vmem>>
    %dma_wait3A_456 = arith.constant 0 : i32
    %dma_wait3A_457 = tpu.memref_slice %arg8[%dma_wait3A_450, %dma_wait3A_451, %dma_wait3A_456] : memref<2x6x128xi32, #tpu.memory_space<vmem>> -> memref<1x1x128xi32, #tpu.memory_space<vmem>>
    %dma_wait3A_458 = tpu.memref_squeeze %dma_wait3A_457 : memref<1x1x128xi32, #tpu.memory_space<vmem>> -> memref<128xi32, #tpu.memory_space<vmem>>
    %dma_wait3A_459 = arith.constant 0 : i32
    %dma_wait3A_460 = arith.constant 0 : i32
    %dma_wait3A_461 = tpu.memref_slice %arg10[%dma_wait3A_459, %dma_wait3A_460] : memref<100096x16xf32, #tpu.memory_space<vmem_shared>> -> memref<100096x16xf32, #tpu.memory_space<vmem_shared>>
    tpu.wait_indirect_dma semaphore(%arg12 : memref<!tpu.dma_semaphore, #tpu.memory_space<semaphore_mem>>) src(%dma_wait3A_455 : memref<128x16xf32, #tpu.memory_space<vmem>>) dst(%dma_wait3A_461 : memref<100096x16xf32, #tpu.memory_space<vmem_shared>>)
    %dma_wait3A_462 = arith.constant 0 : i32
    %dma_wait3A_463 = arith.constant 5 : i32
    %dma_wait3A_464 = arith.constant 0 : i32
    %dma_wait3A_465 = arith.constant 5 : i32
    %dma_wait3A_466 = arith.constant 0 : i32
    %dma_wait3A_467 = arith.constant 0 : i32
    %dma_wait3A_468 = tpu.memref_slice %arg9[%dma_wait3A_462, %dma_wait3A_463, %dma_wait3A_466, %dma_wait3A_467] : memref<2x6x128x16xf32, #tpu.memory_space<vmem>> -> memref<1x1x128x16xf32, #tpu.memory_space<vmem>>
    %dma_wait3A_469 = tpu.memref_squeeze %dma_wait3A_468 : memref<1x1x128x16xf32, #tpu.memory_space<vmem>> -> memref<128x16xf32, #tpu.memory_space<vmem>>
    %dma_wait3A_470 = arith.constant 0 : i32
    %dma_wait3A_471 = tpu.memref_slice %arg8[%dma_wait3A_464, %dma_wait3A_465, %dma_wait3A_470] : memref<2x6x128xi32, #tpu.memory_space<vmem>> -> memref<1x1x128xi32, #tpu.memory_space<vmem>>
    %dma_wait3A_472 = tpu.memref_squeeze %dma_wait3A_471 : memref<1x1x128xi32, #tpu.memory_space<vmem>> -> memref<128xi32, #tpu.memory_space<vmem>>
    %dma_wait3A_473 = arith.constant 0 : i32
    %dma_wait3A_474 = arith.constant 0 : i32
    %dma_wait3A_475 = tpu.memref_slice %arg10[%dma_wait3A_473, %dma_wait3A_474] : memref<100096x16xf32, #tpu.memory_space<vmem_shared>> -> memref<100096x16xf32, #tpu.memory_space<vmem_shared>>
    tpu.wait_indirect_dma semaphore(%arg12 : memref<!tpu.dma_semaphore, #tpu.memory_space<semaphore_mem>>) src(%dma_wait3A_469 : memref<128x16xf32, #tpu.memory_space<vmem>>) dst(%dma_wait3A_475 : memref<100096x16xf32, #tpu.memory_space<vmem_shared>>)
    %barrier3A_476 = arith.constant 0 : index
    tpu.barrier barrier_id(%barrier3A_476)
    "tpu.region"() ({
      %run_scoped3A_477 = tpu.sem_alloc : memref<!tpu.dma_semaphore, #tpu.memory_space<semaphore_mem>>
      %dma_start3A_478 = arith.constant 0 : i32
      %dma_start3A_479 = tpu.memref_slice %arg6[%arg0, %mul3A_0, %dma_start3A_478] : memref<2x100096x16xf32, #tpu.memory_space<hbm>> -> memref<1x6256x16xf32, #tpu.memory_space<hbm>>
      %dma_start3A_480 = tpu.memref_squeeze %dma_start3A_479 : memref<1x6256x16xf32, #tpu.memory_space<hbm>> -> memref<6256x16xf32, #tpu.memory_space<hbm>>
      %dma_start3A_481 = arith.constant 0 : i32
      %dma_start3A_482 = tpu.memref_slice %arg10[%mul3A_0, %dma_start3A_481] : memref<100096x16xf32, #tpu.memory_space<vmem_shared>> -> memref<6256x16xf32, #tpu.memory_space<vmem_shared>>
      tpu.enqueue_dma source(%dma_start3A_482 : memref<6256x16xf32, #tpu.memory_space<vmem_shared>>) target(%dma_start3A_480 : memref<6256x16xf32, #tpu.memory_space<hbm>>) target_semaphore(%run_scoped3A_477 : memref<!tpu.dma_semaphore, #tpu.memory_space<semaphore_mem>>)
      %dma_wait3A_483 = arith.constant 0 : i32
      %dma_wait3A_484 = tpu.memref_slice %arg6[%arg0, %mul3A_0, %dma_wait3A_483] : memref<2x100096x16xf32, #tpu.memory_space<hbm>> -> memref<1x6256x16xf32, #tpu.memory_space<hbm>>
      %dma_wait3A_485 = tpu.memref_squeeze %dma_wait3A_484 : memref<1x6256x16xf32, #tpu.memory_space<hbm>> -> memref<6256x16xf32, #tpu.memory_space<hbm>>
      %dma_wait3A_486 = arith.constant 0 : i32
      %dma_wait3A_487 = tpu.memref_slice %arg10[%mul3A_0, %dma_wait3A_486] : memref<100096x16xf32, #tpu.memory_space<vmem_shared>> -> memref<6256x16xf32, #tpu.memory_space<vmem_shared>>
      tpu.wait_dma2 semaphore(%run_scoped3A_477 : memref<!tpu.dma_semaphore, #tpu.memory_space<semaphore_mem>>) src(%dma_wait3A_487 : memref<6256x16xf32, #tpu.memory_space<vmem_shared>>) dst(%dma_wait3A_485 : memref<6256x16xf32, #tpu.memory_space<hbm>>)
      tpu.yield
    }) : () -> ()
    return
  }
}

#map = affine_map<(d0, d1) -> (0, 0, 0)>
#map1 = affine_map<(d0, d1) -> (0, 0)>
module attributes {stable_mosaic.version = 14 : i64} {
  func.func @_agg_body(%arg0: i32, %arg1: i32, %arg2: memref<2x100096x16xf32, #tpu.memory_space<hbm>>, %arg3: memref<12576x128xi32, #tpu.memory_space<hbm>>, %arg4: memref<12576x128xi32, #tpu.memory_space<hbm>>, %arg5: memref<6256x16xf32, #tpu.memory_space<hbm>>, %arg6: memref<2x100096x16xf32, #tpu.memory_space<hbm>>, %arg7: memref<2x6x128xi32, #tpu.memory_space<vmem>>, %arg8: memref<2x6x128xi32, #tpu.memory_space<vmem>>, %arg9: memref<2x6x128x16xf32, #tpu.memory_space<vmem>>, %arg10: memref<100096x16xf32, #tpu.memory_space<vmem_shared>>, %arg11: memref<!tpu.dma_semaphore, #tpu.memory_space<semaphore_mem>>, %arg12: memref<!tpu.dma_semaphore, #tpu.memory_space<semaphore_mem>>) attributes {dimension_semantics = [#tpu.dimension_semantics<core_parallel>, #tpu.dimension_semantics<subcore_parallel>], iteration_bounds = array<i64: 2, 16>, scalar_prefetch = 0 : i64, scratch_operands = 6 : i64, tpu.core_type = #tpu.core_type<sc_vector_subcore>, window_params = [{transform_indices = #map}, {transform_indices = #map1}, {transform_indices = #map1}, {transform_indices = #map1}, {transform_indices = #map}]} {
    %mul3A = arith.constant 6256 : i32
    %mul3A_0 = arith.muli %arg1, %mul3A : i32
    "tpu.region"() ({
      %run_scoped3A_477 = tpu.sem_alloc : memref<!tpu.dma_semaphore, #tpu.memory_space<semaphore_mem>>
      %dma_start3A_478 = arith.constant 0 : i32
      %dma_start3A_479 = tpu.memref_slice %arg10[%mul3A_0, %dma_start3A_478] : memref<100096x16xf32, #tpu.memory_space<vmem_shared>> -> memref<6256x16xf32, #tpu.memory_space<vmem_shared>>
      tpu.enqueue_dma source(%arg5 : memref<6256x16xf32, #tpu.memory_space<hbm>>) target(%dma_start3A_479 : memref<6256x16xf32, #tpu.memory_space<vmem_shared>>) target_semaphore(%run_scoped3A_477 : memref<!tpu.dma_semaphore, #tpu.memory_space<semaphore_mem>>)
      %dma_wait3A_480 = arith.constant 0 : i32
      %dma_wait3A_481 = tpu.memref_slice %arg10[%mul3A_0, %dma_wait3A_480] : memref<100096x16xf32, #tpu.memory_space<vmem_shared>> -> memref<6256x16xf32, #tpu.memory_space<vmem_shared>>
      tpu.wait_dma2 semaphore(%run_scoped3A_477 : memref<!tpu.dma_semaphore, #tpu.memory_space<semaphore_mem>>) src(%arg5 : memref<6256x16xf32, #tpu.memory_space<hbm>>) dst(%dma_wait3A_481 : memref<6256x16xf32, #tpu.memory_space<vmem_shared>>)
      tpu.yield
    }) : () -> ()
    %barrier3A = arith.constant 0 : index
    tpu.barrier barrier_id(%barrier3A)
    %mul3A_1 = arith.constant 786 : i32
    %mul3A_2 = arith.muli %arg1, %mul3A_1 : i32
    %add3A = arith.constant 0 : i32
    %add3A_3 = arith.addi %mul3A_2, %add3A : i32
    %run_scoped3A = arith.constant 0 : i32
    "tpu.region"() ({
      %run_scoped3A_477 = tpu.sem_alloc : memref<!tpu.dma_semaphore, #tpu.memory_space<semaphore_mem>>
      %dma_start3A_478 = arith.constant 0 : i32
      %dma_start3A_479 = arith.constant 0 : i32
      %dma_start3A_480 = tpu.memref_slice %arg7[%run_scoped3A, %dma_start3A_478, %dma_start3A_479] : memref<2x6x128xi32, #tpu.memory_space<vmem>> -> memref<1x6x128xi32, #tpu.memory_space<vmem>>
      %dma_start3A_481 = tpu.memref_squeeze %dma_start3A_480 : memref<1x6x128xi32, #tpu.memory_space<vmem>> -> memref<6x128xi32, #tpu.memory_space<vmem>>
      %dma_start3A_482 = arith.constant 0 : i32
      %dma_start3A_483 = tpu.memref_slice %arg3[%add3A_3, %dma_start3A_482] : memref<12576x128xi32, #tpu.memory_space<hbm>> -> memref<6x128xi32, #tpu.memory_space<hbm>>
      %dma_start3A_484 = arith.constant 0 : i32
      %dma_start3A_485 = arith.constant 0 : i32
      %dma_start3A_486 = tpu.memref_slice %arg7[%run_scoped3A, %dma_start3A_484, %dma_start3A_485] : memref<2x6x128xi32, #tpu.memory_space<vmem>> -> memref<1x6x128xi32, #tpu.memory_space<vmem>>
      %dma_start3A_487 = tpu.memref_squeeze %dma_start3A_486 : memref<1x6x128xi32, #tpu.memory_space<vmem>> -> memref<6x128xi32, #tpu.memory_space<vmem>>
      %dma_start3A_488 = arith.constant 0 : i32
      %dma_start3A_489 = tpu.memref_slice %arg3[%add3A_3, %dma_start3A_488] : memref<12576x128xi32, #tpu.memory_space<hbm>> -> memref<6x128xi32, #tpu.memory_space<hbm>>
      tpu.enqueue_dma source(%dma_start3A_489 : memref<6x128xi32, #tpu.memory_space<hbm>>) target(%dma_start3A_487 : memref<6x128xi32, #tpu.memory_space<vmem>>) target_semaphore(%run_scoped3A_477 : memref<!tpu.dma_semaphore, #tpu.memory_space<semaphore_mem>>)
      %dma_wait3A_490 = arith.constant 0 : i32
      %dma_wait3A_491 = arith.constant 0 : i32
      %dma_wait3A_492 = tpu.memref_slice %arg7[%run_scoped3A, %dma_wait3A_490, %dma_wait3A_491] : memref<2x6x128xi32, #tpu.memory_space<vmem>> -> memref<1x6x128xi32, #tpu.memory_space<vmem>>
      %dma_wait3A_493 = tpu.memref_squeeze %dma_wait3A_492 : memref<1x6x128xi32, #tpu.memory_space<vmem>> -> memref<6x128xi32, #tpu.memory_space<vmem>>
      %dma_wait3A_494 = arith.constant 0 : i32
      %dma_wait3A_495 = tpu.memref_slice %arg3[%add3A_3, %dma_wait3A_494] : memref<12576x128xi32, #tpu.memory_space<hbm>> -> memref<6x128xi32, #tpu.memory_space<hbm>>
      %dma_wait3A_496 = arith.constant 0 : i32
      %dma_wait3A_497 = arith.constant 0 : i32
      %dma_wait3A_498 = tpu.memref_slice %arg7[%run_scoped3A, %dma_wait3A_496, %dma_wait3A_497] : memref<2x6x128xi32, #tpu.memory_space<vmem>> -> memref<1x6x128xi32, #tpu.memory_space<vmem>>
      %dma_wait3A_499 = tpu.memref_squeeze %dma_wait3A_498 : memref<1x6x128xi32, #tpu.memory_space<vmem>> -> memref<6x128xi32, #tpu.memory_space<vmem>>
      %dma_wait3A_500 = arith.constant 0 : i32
      %dma_wait3A_501 = tpu.memref_slice %arg3[%add3A_3, %dma_wait3A_500] : memref<12576x128xi32, #tpu.memory_space<hbm>> -> memref<6x128xi32, #tpu.memory_space<hbm>>
      tpu.wait_dma2 semaphore(%run_scoped3A_477 : memref<!tpu.dma_semaphore, #tpu.memory_space<semaphore_mem>>) src(%dma_wait3A_501 : memref<6x128xi32, #tpu.memory_space<hbm>>) dst(%dma_wait3A_499 : memref<6x128xi32, #tpu.memory_space<vmem>>)
      tpu.yield
    }) : () -> ()
    %run_scoped3A_4 = arith.constant 0 : i32
    "tpu.region"() ({
      %run_scoped3A_477 = tpu.sem_alloc : memref<!tpu.dma_semaphore, #tpu.memory_space<semaphore_mem>>
      %dma_start3A_478 = arith.constant 0 : i32
      %dma_start3A_479 = arith.constant 0 : i32
      %dma_start3A_480 = tpu.memref_slice %arg8[%run_scoped3A_4, %dma_start3A_478, %dma_start3A_479] : memref<2x6x128xi32, #tpu.memory_space<vmem>> -> memref<1x6x128xi32, #tpu.memory_space<vmem>>
      %dma_start3A_481 = tpu.memref_squeeze %dma_start3A_480 : memref<1x6x128xi32, #tpu.memory_space<vmem>> -> memref<6x128xi32, #tpu.memory_space<vmem>>
      %dma_start3A_482 = arith.constant 0 : i32
      %dma_start3A_483 = tpu.memref_slice %arg4[%add3A_3, %dma_start3A_482] : memref<12576x128xi32, #tpu.memory_space<hbm>> -> memref<6x128xi32, #tpu.memory_space<hbm>>
      %dma_start3A_484 = arith.constant 0 : i32
      %dma_start3A_485 = arith.constant 0 : i32
      %dma_start3A_486 = tpu.memref_slice %arg8[%run_scoped3A_4, %dma_start3A_484, %dma_start3A_485] : memref<2x6x128xi32, #tpu.memory_space<vmem>> -> memref<1x6x128xi32, #tpu.memory_space<vmem>>
      %dma_start3A_487 = tpu.memref_squeeze %dma_start3A_486 : memref<1x6x128xi32, #tpu.memory_space<vmem>> -> memref<6x128xi32, #tpu.memory_space<vmem>>
      %dma_start3A_488 = arith.constant 0 : i32
      %dma_start3A_489 = tpu.memref_slice %arg4[%add3A_3, %dma_start3A_488] : memref<12576x128xi32, #tpu.memory_space<hbm>> -> memref<6x128xi32, #tpu.memory_space<hbm>>
      tpu.enqueue_dma source(%dma_start3A_489 : memref<6x128xi32, #tpu.memory_space<hbm>>) target(%dma_start3A_487 : memref<6x128xi32, #tpu.memory_space<vmem>>) target_semaphore(%run_scoped3A_477 : memref<!tpu.dma_semaphore, #tpu.memory_space<semaphore_mem>>)
      %dma_wait3A_490 = arith.constant 0 : i32
      %dma_wait3A_491 = arith.constant 0 : i32
      %dma_wait3A_492 = tpu.memref_slice %arg8[%run_scoped3A_4, %dma_wait3A_490, %dma_wait3A_491] : memref<2x6x128xi32, #tpu.memory_space<vmem>> -> memref<1x6x128xi32, #tpu.memory_space<vmem>>
      %dma_wait3A_493 = tpu.memref_squeeze %dma_wait3A_492 : memref<1x6x128xi32, #tpu.memory_space<vmem>> -> memref<6x128xi32, #tpu.memory_space<vmem>>
      %dma_wait3A_494 = arith.constant 0 : i32
      %dma_wait3A_495 = tpu.memref_slice %arg4[%add3A_3, %dma_wait3A_494] : memref<12576x128xi32, #tpu.memory_space<hbm>> -> memref<6x128xi32, #tpu.memory_space<hbm>>
      %dma_wait3A_496 = arith.constant 0 : i32
      %dma_wait3A_497 = arith.constant 0 : i32
      %dma_wait3A_498 = tpu.memref_slice %arg8[%run_scoped3A_4, %dma_wait3A_496, %dma_wait3A_497] : memref<2x6x128xi32, #tpu.memory_space<vmem>> -> memref<1x6x128xi32, #tpu.memory_space<vmem>>
      %dma_wait3A_499 = tpu.memref_squeeze %dma_wait3A_498 : memref<1x6x128xi32, #tpu.memory_space<vmem>> -> memref<6x128xi32, #tpu.memory_space<vmem>>
      %dma_wait3A_500 = arith.constant 0 : i32
      %dma_wait3A_501 = tpu.memref_slice %arg4[%add3A_3, %dma_wait3A_500] : memref<12576x128xi32, #tpu.memory_space<hbm>> -> memref<6x128xi32, #tpu.memory_space<hbm>>
      tpu.wait_dma2 semaphore(%run_scoped3A_477 : memref<!tpu.dma_semaphore, #tpu.memory_space<semaphore_mem>>) src(%dma_wait3A_501 : memref<6x128xi32, #tpu.memory_space<hbm>>) dst(%dma_wait3A_499 : memref<6x128xi32, #tpu.memory_space<vmem>>)
      tpu.yield
    }) : () -> ()
    %dma_start3A = arith.constant 0 : i32
    %dma_start3A_5 = arith.constant 0 : i32
    %dma_start3A_6 = arith.constant 0 : i32
    %dma_start3A_7 = arith.constant 0 : i32
    %dma_start3A_8 = arith.constant 0 : i32
    %dma_start3A_9 = arith.constant 0 : i32
    %dma_start3A_10 = tpu.memref_slice %arg9[%dma_start3A_6, %dma_start3A_7, %dma_start3A_8, %dma_start3A_9] : memref<2x6x128x16xf32, #tpu.memory_space<vmem>> -> memref<1x1x128x16xf32, #tpu.memory_space<vmem>>
    %dma_start3A_11 = tpu.memref_squeeze %dma_start3A_10 : memref<1x1x128x16xf32, #tpu.memory_space<vmem>> -> memref<128x16xf32, #tpu.memory_space<vmem>>
    %dma_start3A_12 = arith.constant 0 : i32
    %dma_start3A_13 = tpu.memref_slice %arg7[%dma_start3A, %dma_start3A_5, %dma_start3A_12] : memref<2x6x128xi32, #tpu.memory_space<vmem>> -> memref<1x1x128xi32, #tpu.memory_space<vmem>>
    %dma_start3A_14 = tpu.memref_squeeze %dma_start3A_13 : memref<1x1x128xi32, #tpu.memory_space<vmem>> -> memref<128xi32, #tpu.memory_space<vmem>>
    %dma_start3A_15 = arith.constant 0 : i32
    %dma_start3A_16 = arith.constant 0 : i32
    %dma_start3A_17 = tpu.memref_slice %arg2[%arg0, %dma_start3A_15, %dma_start3A_16] : memref<2x100096x16xf32, #tpu.memory_space<hbm>> -> memref<1x100096x16xf32, #tpu.memory_space<hbm>>
    %dma_start3A_18 = tpu.memref_squeeze %dma_start3A_17 : memref<1x100096x16xf32, #tpu.memory_space<hbm>> -> memref<100096x16xf32, #tpu.memory_space<hbm>>
    %dma_start3A_19 = arith.constant 0 : i32
    %dma_start3A_20 = arith.constant 0 : i32
    %dma_start3A_21 = tpu.memref_slice %dma_start3A_18[%dma_start3A_19, %dma_start3A_20] : memref<100096x16xf32, #tpu.memory_space<hbm>> -> memref<100096x16xf32, #tpu.memory_space<hbm>>
    tpu.enqueue_indirect_dma source(%dma_start3A_21 : memref<100096x16xf32, #tpu.memory_space<hbm>>) target(%dma_start3A_11 : memref<128x16xf32, #tpu.memory_space<vmem>>) offsets(%dma_start3A_14 : memref<128xi32, #tpu.memory_space<vmem>>) semaphore(%arg11 : memref<!tpu.dma_semaphore, #tpu.memory_space<semaphore_mem>>)
    %dma_start3A_22 = arith.constant 0 : i32
    %dma_start3A_23 = arith.constant 1 : i32
    %dma_start3A_24 = arith.constant 0 : i32
    %dma_start3A_25 = arith.constant 1 : i32
    %dma_start3A_26 = arith.constant 0 : i32
    %dma_start3A_27 = arith.constant 0 : i32
    %dma_start3A_28 = tpu.memref_slice %arg9[%dma_start3A_24, %dma_start3A_25, %dma_start3A_26, %dma_start3A_27] : memref<2x6x128x16xf32, #tpu.memory_space<vmem>> -> memref<1x1x128x16xf32, #tpu.memory_space<vmem>>
    %dma_start3A_29 = tpu.memref_squeeze %dma_start3A_28 : memref<1x1x128x16xf32, #tpu.memory_space<vmem>> -> memref<128x16xf32, #tpu.memory_space<vmem>>
    %dma_start3A_30 = arith.constant 0 : i32
    %dma_start3A_31 = tpu.memref_slice %arg7[%dma_start3A_22, %dma_start3A_23, %dma_start3A_30] : memref<2x6x128xi32, #tpu.memory_space<vmem>> -> memref<1x1x128xi32, #tpu.memory_space<vmem>>
    %dma_start3A_32 = tpu.memref_squeeze %dma_start3A_31 : memref<1x1x128xi32, #tpu.memory_space<vmem>> -> memref<128xi32, #tpu.memory_space<vmem>>
    %dma_start3A_33 = arith.constant 0 : i32
    %dma_start3A_34 = arith.constant 0 : i32
    %dma_start3A_35 = tpu.memref_slice %arg2[%arg0, %dma_start3A_33, %dma_start3A_34] : memref<2x100096x16xf32, #tpu.memory_space<hbm>> -> memref<1x100096x16xf32, #tpu.memory_space<hbm>>
    %dma_start3A_36 = tpu.memref_squeeze %dma_start3A_35 : memref<1x100096x16xf32, #tpu.memory_space<hbm>> -> memref<100096x16xf32, #tpu.memory_space<hbm>>
    %dma_start3A_37 = arith.constant 0 : i32
    %dma_start3A_38 = arith.constant 0 : i32
    %dma_start3A_39 = tpu.memref_slice %dma_start3A_36[%dma_start3A_37, %dma_start3A_38] : memref<100096x16xf32, #tpu.memory_space<hbm>> -> memref<100096x16xf32, #tpu.memory_space<hbm>>
    tpu.enqueue_indirect_dma source(%dma_start3A_39 : memref<100096x16xf32, #tpu.memory_space<hbm>>) target(%dma_start3A_29 : memref<128x16xf32, #tpu.memory_space<vmem>>) offsets(%dma_start3A_32 : memref<128xi32, #tpu.memory_space<vmem>>) semaphore(%arg11 : memref<!tpu.dma_semaphore, #tpu.memory_space<semaphore_mem>>)
    %dma_start3A_40 = arith.constant 0 : i32
    %dma_start3A_41 = arith.constant 2 : i32
    %dma_start3A_42 = arith.constant 0 : i32
    %dma_start3A_43 = arith.constant 2 : i32
    %dma_start3A_44 = arith.constant 0 : i32
    %dma_start3A_45 = arith.constant 0 : i32
    %dma_start3A_46 = tpu.memref_slice %arg9[%dma_start3A_42, %dma_start3A_43, %dma_start3A_44, %dma_start3A_45] : memref<2x6x128x16xf32, #tpu.memory_space<vmem>> -> memref<1x1x128x16xf32, #tpu.memory_space<vmem>>
    %dma_start3A_47 = tpu.memref_squeeze %dma_start3A_46 : memref<1x1x128x16xf32, #tpu.memory_space<vmem>> -> memref<128x16xf32, #tpu.memory_space<vmem>>
    %dma_start3A_48 = arith.constant 0 : i32
    %dma_start3A_49 = tpu.memref_slice %arg7[%dma_start3A_40, %dma_start3A_41, %dma_start3A_48] : memref<2x6x128xi32, #tpu.memory_space<vmem>> -> memref<1x1x128xi32, #tpu.memory_space<vmem>>
    %dma_start3A_50 = tpu.memref_squeeze %dma_start3A_49 : memref<1x1x128xi32, #tpu.memory_space<vmem>> -> memref<128xi32, #tpu.memory_space<vmem>>
    %dma_start3A_51 = arith.constant 0 : i32
    %dma_start3A_52 = arith.constant 0 : i32
    %dma_start3A_53 = tpu.memref_slice %arg2[%arg0, %dma_start3A_51, %dma_start3A_52] : memref<2x100096x16xf32, #tpu.memory_space<hbm>> -> memref<1x100096x16xf32, #tpu.memory_space<hbm>>
    %dma_start3A_54 = tpu.memref_squeeze %dma_start3A_53 : memref<1x100096x16xf32, #tpu.memory_space<hbm>> -> memref<100096x16xf32, #tpu.memory_space<hbm>>
    %dma_start3A_55 = arith.constant 0 : i32
    %dma_start3A_56 = arith.constant 0 : i32
    %dma_start3A_57 = tpu.memref_slice %dma_start3A_54[%dma_start3A_55, %dma_start3A_56] : memref<100096x16xf32, #tpu.memory_space<hbm>> -> memref<100096x16xf32, #tpu.memory_space<hbm>>
    tpu.enqueue_indirect_dma source(%dma_start3A_57 : memref<100096x16xf32, #tpu.memory_space<hbm>>) target(%dma_start3A_47 : memref<128x16xf32, #tpu.memory_space<vmem>>) offsets(%dma_start3A_50 : memref<128xi32, #tpu.memory_space<vmem>>) semaphore(%arg11 : memref<!tpu.dma_semaphore, #tpu.memory_space<semaphore_mem>>)
    %dma_start3A_58 = arith.constant 0 : i32
    %dma_start3A_59 = arith.constant 3 : i32
    %dma_start3A_60 = arith.constant 0 : i32
    %dma_start3A_61 = arith.constant 3 : i32
    %dma_start3A_62 = arith.constant 0 : i32
    %dma_start3A_63 = arith.constant 0 : i32
    %dma_start3A_64 = tpu.memref_slice %arg9[%dma_start3A_60, %dma_start3A_61, %dma_start3A_62, %dma_start3A_63] : memref<2x6x128x16xf32, #tpu.memory_space<vmem>> -> memref<1x1x128x16xf32, #tpu.memory_space<vmem>>
    %dma_start3A_65 = tpu.memref_squeeze %dma_start3A_64 : memref<1x1x128x16xf32, #tpu.memory_space<vmem>> -> memref<128x16xf32, #tpu.memory_space<vmem>>
    %dma_start3A_66 = arith.constant 0 : i32
    %dma_start3A_67 = tpu.memref_slice %arg7[%dma_start3A_58, %dma_start3A_59, %dma_start3A_66] : memref<2x6x128xi32, #tpu.memory_space<vmem>> -> memref<1x1x128xi32, #tpu.memory_space<vmem>>
    %dma_start3A_68 = tpu.memref_squeeze %dma_start3A_67 : memref<1x1x128xi32, #tpu.memory_space<vmem>> -> memref<128xi32, #tpu.memory_space<vmem>>
    %dma_start3A_69 = arith.constant 0 : i32
    %dma_start3A_70 = arith.constant 0 : i32
    %dma_start3A_71 = tpu.memref_slice %arg2[%arg0, %dma_start3A_69, %dma_start3A_70] : memref<2x100096x16xf32, #tpu.memory_space<hbm>> -> memref<1x100096x16xf32, #tpu.memory_space<hbm>>
    %dma_start3A_72 = tpu.memref_squeeze %dma_start3A_71 : memref<1x100096x16xf32, #tpu.memory_space<hbm>> -> memref<100096x16xf32, #tpu.memory_space<hbm>>
    %dma_start3A_73 = arith.constant 0 : i32
    %dma_start3A_74 = arith.constant 0 : i32
    %dma_start3A_75 = tpu.memref_slice %dma_start3A_72[%dma_start3A_73, %dma_start3A_74] : memref<100096x16xf32, #tpu.memory_space<hbm>> -> memref<100096x16xf32, #tpu.memory_space<hbm>>
    tpu.enqueue_indirect_dma source(%dma_start3A_75 : memref<100096x16xf32, #tpu.memory_space<hbm>>) target(%dma_start3A_65 : memref<128x16xf32, #tpu.memory_space<vmem>>) offsets(%dma_start3A_68 : memref<128xi32, #tpu.memory_space<vmem>>) semaphore(%arg11 : memref<!tpu.dma_semaphore, #tpu.memory_space<semaphore_mem>>)
    %dma_start3A_76 = arith.constant 0 : i32
    %dma_start3A_77 = arith.constant 4 : i32
    %dma_start3A_78 = arith.constant 0 : i32
    %dma_start3A_79 = arith.constant 4 : i32
    %dma_start3A_80 = arith.constant 0 : i32
    %dma_start3A_81 = arith.constant 0 : i32
    %dma_start3A_82 = tpu.memref_slice %arg9[%dma_start3A_78, %dma_start3A_79, %dma_start3A_80, %dma_start3A_81] : memref<2x6x128x16xf32, #tpu.memory_space<vmem>> -> memref<1x1x128x16xf32, #tpu.memory_space<vmem>>
    %dma_start3A_83 = tpu.memref_squeeze %dma_start3A_82 : memref<1x1x128x16xf32, #tpu.memory_space<vmem>> -> memref<128x16xf32, #tpu.memory_space<vmem>>
    %dma_start3A_84 = arith.constant 0 : i32
    %dma_start3A_85 = tpu.memref_slice %arg7[%dma_start3A_76, %dma_start3A_77, %dma_start3A_84] : memref<2x6x128xi32, #tpu.memory_space<vmem>> -> memref<1x1x128xi32, #tpu.memory_space<vmem>>
    %dma_start3A_86 = tpu.memref_squeeze %dma_start3A_85 : memref<1x1x128xi32, #tpu.memory_space<vmem>> -> memref<128xi32, #tpu.memory_space<vmem>>
    %dma_start3A_87 = arith.constant 0 : i32
    %dma_start3A_88 = arith.constant 0 : i32
    %dma_start3A_89 = tpu.memref_slice %arg2[%arg0, %dma_start3A_87, %dma_start3A_88] : memref<2x100096x16xf32, #tpu.memory_space<hbm>> -> memref<1x100096x16xf32, #tpu.memory_space<hbm>>
    %dma_start3A_90 = tpu.memref_squeeze %dma_start3A_89 : memref<1x100096x16xf32, #tpu.memory_space<hbm>> -> memref<100096x16xf32, #tpu.memory_space<hbm>>
    %dma_start3A_91 = arith.constant 0 : i32
    %dma_start3A_92 = arith.constant 0 : i32
    %dma_start3A_93 = tpu.memref_slice %dma_start3A_90[%dma_start3A_91, %dma_start3A_92] : memref<100096x16xf32, #tpu.memory_space<hbm>> -> memref<100096x16xf32, #tpu.memory_space<hbm>>
    tpu.enqueue_indirect_dma source(%dma_start3A_93 : memref<100096x16xf32, #tpu.memory_space<hbm>>) target(%dma_start3A_83 : memref<128x16xf32, #tpu.memory_space<vmem>>) offsets(%dma_start3A_86 : memref<128xi32, #tpu.memory_space<vmem>>) semaphore(%arg11 : memref<!tpu.dma_semaphore, #tpu.memory_space<semaphore_mem>>)
    %dma_start3A_94 = arith.constant 0 : i32
    %dma_start3A_95 = arith.constant 5 : i32
    %dma_start3A_96 = arith.constant 0 : i32
    %dma_start3A_97 = arith.constant 5 : i32
    %dma_start3A_98 = arith.constant 0 : i32
    %dma_start3A_99 = arith.constant 0 : i32
    %dma_start3A_100 = tpu.memref_slice %arg9[%dma_start3A_96, %dma_start3A_97, %dma_start3A_98, %dma_start3A_99] : memref<2x6x128x16xf32, #tpu.memory_space<vmem>> -> memref<1x1x128x16xf32, #tpu.memory_space<vmem>>
    %dma_start3A_101 = tpu.memref_squeeze %dma_start3A_100 : memref<1x1x128x16xf32, #tpu.memory_space<vmem>> -> memref<128x16xf32, #tpu.memory_space<vmem>>
    %dma_start3A_102 = arith.constant 0 : i32
    %dma_start3A_103 = tpu.memref_slice %arg7[%dma_start3A_94, %dma_start3A_95, %dma_start3A_102] : memref<2x6x128xi32, #tpu.memory_space<vmem>> -> memref<1x1x128xi32, #tpu.memory_space<vmem>>
    %dma_start3A_104 = tpu.memref_squeeze %dma_start3A_103 : memref<1x1x128xi32, #tpu.memory_space<vmem>> -> memref<128xi32, #tpu.memory_space<vmem>>
    %dma_start3A_105 = arith.constant 0 : i32
    %dma_start3A_106 = arith.constant 0 : i32
    %dma_start3A_107 = tpu.memref_slice %arg2[%arg0, %dma_start3A_105, %dma_start3A_106] : memref<2x100096x16xf32, #tpu.memory_space<hbm>> -> memref<1x100096x16xf32, #tpu.memory_space<hbm>>
    %dma_start3A_108 = tpu.memref_squeeze %dma_start3A_107 : memref<1x100096x16xf32, #tpu.memory_space<hbm>> -> memref<100096x16xf32, #tpu.memory_space<hbm>>
    %dma_start3A_109 = arith.constant 0 : i32
    %dma_start3A_110 = arith.constant 0 : i32
    %dma_start3A_111 = tpu.memref_slice %dma_start3A_108[%dma_start3A_109, %dma_start3A_110] : memref<100096x16xf32, #tpu.memory_space<hbm>> -> memref<100096x16xf32, #tpu.memory_space<hbm>>
    tpu.enqueue_indirect_dma source(%dma_start3A_111 : memref<100096x16xf32, #tpu.memory_space<hbm>>) target(%dma_start3A_101 : memref<128x16xf32, #tpu.memory_space<vmem>>) offsets(%dma_start3A_104 : memref<128xi32, #tpu.memory_space<vmem>>) semaphore(%arg11 : memref<!tpu.dma_semaphore, #tpu.memory_space<semaphore_mem>>)
    %scan3A = arith.constant 0 : i32
    %scan3A_112 = arith.constant 0 : i32
    %scan3A_113 = arith.constant 65 : i32
    %scan3A_114 = arith.addi %scan3A_112, %scan3A_113 : i32
    %scan3A_115 = arith.constant 1 : i32
    scf.for %scan3A_477 = %scan3A_112 to %scan3A_114 step %scan3A_115  : i32 {
      %ge3A = arith.constant 1 : i32
      %ge3A_478 = arith.cmpi sge, %scan3A_477, %ge3A : i32
      %convert_element_type3A = arith.extui %ge3A_478 : i1 to i32
      %cond3A = arith.constant 0 : i32
      %cond3A_479 = arith.cmpi ne, %convert_element_type3A, %cond3A : i32
      scf.if %cond3A_479 {
        %dma_wait3A_1182 = arith.constant 1 : i32
        %dma_wait3A_1183 = arith.constant 0 : i32
        %dma_wait3A_1184 = arith.constant 1 : i32
        %dma_wait3A_1185 = arith.constant 0 : i32
        %dma_wait3A_1186 = arith.constant 0 : i32
        %dma_wait3A_1187 = arith.constant 0 : i32
        %dma_wait3A_1188 = tpu.memref_slice %arg9[%dma_wait3A_1182, %dma_wait3A_1183, %dma_wait3A_1186, %dma_wait3A_1187] : memref<2x6x128x16xf32, #tpu.memory_space<vmem>> -> memref<1x1x128x16xf32, #tpu.memory_space<vmem>>
        %dma_wait3A_1189 = tpu.memref_squeeze %dma_wait3A_1188 : memref<1x1x128x16xf32, #tpu.memory_space<vmem>> -> memref<128x16xf32, #tpu.memory_space<vmem>>
        %dma_wait3A_1190 = arith.constant 0 : i32
        %dma_wait3A_1191 = tpu.memref_slice %arg8[%dma_wait3A_1184, %dma_wait3A_1185, %dma_wait3A_1190] : memref<2x6x128xi32, #tpu.memory_space<vmem>> -> memref<1x1x128xi32, #tpu.memory_space<vmem>>
        %dma_wait3A_1192 = tpu.memref_squeeze %dma_wait3A_1191 : memref<1x1x128xi32, #tpu.memory_space<vmem>> -> memref<128xi32, #tpu.memory_space<vmem>>
        %dma_wait3A_1193 = arith.constant 0 : i32
        %dma_wait3A_1194 = arith.constant 0 : i32
        %dma_wait3A_1195 = tpu.memref_slice %arg10[%dma_wait3A_1193, %dma_wait3A_1194] : memref<100096x16xf32, #tpu.memory_space<vmem_shared>> -> memref<100096x16xf32, #tpu.memory_space<vmem_shared>>
        tpu.wait_indirect_dma semaphore(%arg12 : memref<!tpu.dma_semaphore, #tpu.memory_space<semaphore_mem>>) src(%dma_wait3A_1189 : memref<128x16xf32, #tpu.memory_space<vmem>>) dst(%dma_wait3A_1195 : memref<100096x16xf32, #tpu.memory_space<vmem_shared>>)
        %dma_wait3A_1196 = arith.constant 1 : i32
        %dma_wait3A_1197 = arith.constant 1 : i32
        %dma_wait3A_1198 = arith.constant 1 : i32
        %dma_wait3A_1199 = arith.constant 1 : i32
        %dma_wait3A_1200 = arith.constant 0 : i32
        %dma_wait3A_1201 = arith.constant 0 : i32
        %dma_wait3A_1202 = tpu.memref_slice %arg9[%dma_wait3A_1196, %dma_wait3A_1197, %dma_wait3A_1200, %dma_wait3A_1201] : memref<2x6x128x16xf32, #tpu.memory_space<vmem>> -> memref<1x1x128x16xf32, #tpu.memory_space<vmem>>
        %dma_wait3A_1203 = tpu.memref_squeeze %dma_wait3A_1202 : memref<1x1x128x16xf32, #tpu.memory_space<vmem>> -> memref<128x16xf32, #tpu.memory_space<vmem>>
        %dma_wait3A_1204 = arith.constant 0 : i32
        %dma_wait3A_1205 = tpu.memref_slice %arg8[%dma_wait3A_1198, %dma_wait3A_1199, %dma_wait3A_1204] : memref<2x6x128xi32, #tpu.memory_space<vmem>> -> memref<1x1x128xi32, #tpu.memory_space<vmem>>
        %dma_wait3A_1206 = tpu.memref_squeeze %dma_wait3A_1205 : memref<1x1x128xi32, #tpu.memory_space<vmem>> -> memref<128xi32, #tpu.memory_space<vmem>>
        %dma_wait3A_1207 = arith.constant 0 : i32
        %dma_wait3A_1208 = arith.constant 0 : i32
        %dma_wait3A_1209 = tpu.memref_slice %arg10[%dma_wait3A_1207, %dma_wait3A_1208] : memref<100096x16xf32, #tpu.memory_space<vmem_shared>> -> memref<100096x16xf32, #tpu.memory_space<vmem_shared>>
        tpu.wait_indirect_dma semaphore(%arg12 : memref<!tpu.dma_semaphore, #tpu.memory_space<semaphore_mem>>) src(%dma_wait3A_1203 : memref<128x16xf32, #tpu.memory_space<vmem>>) dst(%dma_wait3A_1209 : memref<100096x16xf32, #tpu.memory_space<vmem_shared>>)
        %dma_wait3A_1210 = arith.constant 1 : i32
        %dma_wait3A_1211 = arith.constant 2 : i32
        %dma_wait3A_1212 = arith.constant 1 : i32
        %dma_wait3A_1213 = arith.constant 2 : i32
        %dma_wait3A_1214 = arith.constant 0 : i32
        %dma_wait3A_1215 = arith.constant 0 : i32
        %dma_wait3A_1216 = tpu.memref_slice %arg9[%dma_wait3A_1210, %dma_wait3A_1211, %dma_wait3A_1214, %dma_wait3A_1215] : memref<2x6x128x16xf32, #tpu.memory_space<vmem>> -> memref<1x1x128x16xf32, #tpu.memory_space<vmem>>
        %dma_wait3A_1217 = tpu.memref_squeeze %dma_wait3A_1216 : memref<1x1x128x16xf32, #tpu.memory_space<vmem>> -> memref<128x16xf32, #tpu.memory_space<vmem>>
        %dma_wait3A_1218 = arith.constant 0 : i32
        %dma_wait3A_1219 = tpu.memref_slice %arg8[%dma_wait3A_1212, %dma_wait3A_1213, %dma_wait3A_1218] : memref<2x6x128xi32, #tpu.memory_space<vmem>> -> memref<1x1x128xi32, #tpu.memory_space<vmem>>
        %dma_wait3A_1220 = tpu.memref_squeeze %dma_wait3A_1219 : memref<1x1x128xi32, #tpu.memory_space<vmem>> -> memref<128xi32, #tpu.memory_space<vmem>>
        %dma_wait3A_1221 = arith.constant 0 : i32
        %dma_wait3A_1222 = arith.constant 0 : i32
        %dma_wait3A_1223 = tpu.memref_slice %arg10[%dma_wait3A_1221, %dma_wait3A_1222] : memref<100096x16xf32, #tpu.memory_space<vmem_shared>> -> memref<100096x16xf32, #tpu.memory_space<vmem_shared>>
        tpu.wait_indirect_dma semaphore(%arg12 : memref<!tpu.dma_semaphore, #tpu.memory_space<semaphore_mem>>) src(%dma_wait3A_1217 : memref<128x16xf32, #tpu.memory_space<vmem>>) dst(%dma_wait3A_1223 : memref<100096x16xf32, #tpu.memory_space<vmem_shared>>)
        %dma_wait3A_1224 = arith.constant 1 : i32
        %dma_wait3A_1225 = arith.constant 3 : i32
        %dma_wait3A_1226 = arith.constant 1 : i32
        %dma_wait3A_1227 = arith.constant 3 : i32
        %dma_wait3A_1228 = arith.constant 0 : i32
        %dma_wait3A_1229 = arith.constant 0 : i32
        %dma_wait3A_1230 = tpu.memref_slice %arg9[%dma_wait3A_1224, %dma_wait3A_1225, %dma_wait3A_1228, %dma_wait3A_1229] : memref<2x6x128x16xf32, #tpu.memory_space<vmem>> -> memref<1x1x128x16xf32, #tpu.memory_space<vmem>>
        %dma_wait3A_1231 = tpu.memref_squeeze %dma_wait3A_1230 : memref<1x1x128x16xf32, #tpu.memory_space<vmem>> -> memref<128x16xf32, #tpu.memory_space<vmem>>
        %dma_wait3A_1232 = arith.constant 0 : i32
        %dma_wait3A_1233 = tpu.memref_slice %arg8[%dma_wait3A_1226, %dma_wait3A_1227, %dma_wait3A_1232] : memref<2x6x128xi32, #tpu.memory_space<vmem>> -> memref<1x1x128xi32, #tpu.memory_space<vmem>>
        %dma_wait3A_1234 = tpu.memref_squeeze %dma_wait3A_1233 : memref<1x1x128xi32, #tpu.memory_space<vmem>> -> memref<128xi32, #tpu.memory_space<vmem>>
        %dma_wait3A_1235 = arith.constant 0 : i32
        %dma_wait3A_1236 = arith.constant 0 : i32
        %dma_wait3A_1237 = tpu.memref_slice %arg10[%dma_wait3A_1235, %dma_wait3A_1236] : memref<100096x16xf32, #tpu.memory_space<vmem_shared>> -> memref<100096x16xf32, #tpu.memory_space<vmem_shared>>
        tpu.wait_indirect_dma semaphore(%arg12 : memref<!tpu.dma_semaphore, #tpu.memory_space<semaphore_mem>>) src(%dma_wait3A_1231 : memref<128x16xf32, #tpu.memory_space<vmem>>) dst(%dma_wait3A_1237 : memref<100096x16xf32, #tpu.memory_space<vmem_shared>>)
        %dma_wait3A_1238 = arith.constant 1 : i32
        %dma_wait3A_1239 = arith.constant 4 : i32
        %dma_wait3A_1240 = arith.constant 1 : i32
        %dma_wait3A_1241 = arith.constant 4 : i32
        %dma_wait3A_1242 = arith.constant 0 : i32
        %dma_wait3A_1243 = arith.constant 0 : i32
        %dma_wait3A_1244 = tpu.memref_slice %arg9[%dma_wait3A_1238, %dma_wait3A_1239, %dma_wait3A_1242, %dma_wait3A_1243] : memref<2x6x128x16xf32, #tpu.memory_space<vmem>> -> memref<1x1x128x16xf32, #tpu.memory_space<vmem>>
        %dma_wait3A_1245 = tpu.memref_squeeze %dma_wait3A_1244 : memref<1x1x128x16xf32, #tpu.memory_space<vmem>> -> memref<128x16xf32, #tpu.memory_space<vmem>>
        %dma_wait3A_1246 = arith.constant 0 : i32
        %dma_wait3A_1247 = tpu.memref_slice %arg8[%dma_wait3A_1240, %dma_wait3A_1241, %dma_wait3A_1246] : memref<2x6x128xi32, #tpu.memory_space<vmem>> -> memref<1x1x128xi32, #tpu.memory_space<vmem>>
        %dma_wait3A_1248 = tpu.memref_squeeze %dma_wait3A_1247 : memref<1x1x128xi32, #tpu.memory_space<vmem>> -> memref<128xi32, #tpu.memory_space<vmem>>
        %dma_wait3A_1249 = arith.constant 0 : i32
        %dma_wait3A_1250 = arith.constant 0 : i32
        %dma_wait3A_1251 = tpu.memref_slice %arg10[%dma_wait3A_1249, %dma_wait3A_1250] : memref<100096x16xf32, #tpu.memory_space<vmem_shared>> -> memref<100096x16xf32, #tpu.memory_space<vmem_shared>>
        tpu.wait_indirect_dma semaphore(%arg12 : memref<!tpu.dma_semaphore, #tpu.memory_space<semaphore_mem>>) src(%dma_wait3A_1245 : memref<128x16xf32, #tpu.memory_space<vmem>>) dst(%dma_wait3A_1251 : memref<100096x16xf32, #tpu.memory_space<vmem_shared>>)
        %dma_wait3A_1252 = arith.constant 1 : i32
        %dma_wait3A_1253 = arith.constant 5 : i32
        %dma_wait3A_1254 = arith.constant 1 : i32
        %dma_wait3A_1255 = arith.constant 5 : i32
        %dma_wait3A_1256 = arith.constant 0 : i32
        %dma_wait3A_1257 = arith.constant 0 : i32
        %dma_wait3A_1258 = tpu.memref_slice %arg9[%dma_wait3A_1252, %dma_wait3A_1253, %dma_wait3A_1256, %dma_wait3A_1257] : memref<2x6x128x16xf32, #tpu.memory_space<vmem>> -> memref<1x1x128x16xf32, #tpu.memory_space<vmem>>
        %dma_wait3A_1259 = tpu.memref_squeeze %dma_wait3A_1258 : memref<1x1x128x16xf32, #tpu.memory_space<vmem>> -> memref<128x16xf32, #tpu.memory_space<vmem>>
        %dma_wait3A_1260 = arith.constant 0 : i32
        %dma_wait3A_1261 = tpu.memref_slice %arg8[%dma_wait3A_1254, %dma_wait3A_1255, %dma_wait3A_1260] : memref<2x6x128xi32, #tpu.memory_space<vmem>> -> memref<1x1x128xi32, #tpu.memory_space<vmem>>
        %dma_wait3A_1262 = tpu.memref_squeeze %dma_wait3A_1261 : memref<1x1x128xi32, #tpu.memory_space<vmem>> -> memref<128xi32, #tpu.memory_space<vmem>>
        %dma_wait3A_1263 = arith.constant 0 : i32
        %dma_wait3A_1264 = arith.constant 0 : i32
        %dma_wait3A_1265 = tpu.memref_slice %arg10[%dma_wait3A_1263, %dma_wait3A_1264] : memref<100096x16xf32, #tpu.memory_space<vmem_shared>> -> memref<100096x16xf32, #tpu.memory_space<vmem_shared>>
        tpu.wait_indirect_dma semaphore(%arg12 : memref<!tpu.dma_semaphore, #tpu.memory_space<semaphore_mem>>) src(%dma_wait3A_1259 : memref<128x16xf32, #tpu.memory_space<vmem>>) dst(%dma_wait3A_1265 : memref<100096x16xf32, #tpu.memory_space<vmem_shared>>)
      } else {
      }
      %mul3A_480 = arith.constant 2 : i32
      %mul3A_481 = arith.muli %mul3A_480, %scan3A_477 : i32
      %add3A_482 = arith.constant 1 : i32
      %add3A_483 = arith.addi %mul3A_481, %add3A_482 : i32
      %mul3A_484 = arith.constant 6 : i32
      %mul3A_485 = arith.muli %add3A_483, %mul3A_484 : i32
      %add3A_486 = arith.addi %mul3A_2, %mul3A_485 : i32
      %run_scoped3A_487 = arith.constant 1 : i32
      "tpu.region"() ({
        %run_scoped3A_1182 = tpu.sem_alloc : memref<!tpu.dma_semaphore, #tpu.memory_space<semaphore_mem>>
        %dma_start3A_1183 = arith.constant 0 : i32
        %dma_start3A_1184 = arith.constant 0 : i32
        %dma_start3A_1185 = tpu.memref_slice %arg7[%run_scoped3A_487, %dma_start3A_1183, %dma_start3A_1184] : memref<2x6x128xi32, #tpu.memory_space<vmem>> -> memref<1x6x128xi32, #tpu.memory_space<vmem>>
        %dma_start3A_1186 = tpu.memref_squeeze %dma_start3A_1185 : memref<1x6x128xi32, #tpu.memory_space<vmem>> -> memref<6x128xi32, #tpu.memory_space<vmem>>
        %dma_start3A_1187 = arith.constant 0 : i32
        %dma_start3A_1188 = tpu.memref_slice %arg3[%add3A_486, %dma_start3A_1187] : memref<12576x128xi32, #tpu.memory_space<hbm>> -> memref<6x128xi32, #tpu.memory_space<hbm>>
        %dma_start3A_1189 = arith.constant 0 : i32
        %dma_start3A_1190 = arith.constant 0 : i32
        %dma_start3A_1191 = tpu.memref_slice %arg7[%run_scoped3A_487, %dma_start3A_1189, %dma_start3A_1190] : memref<2x6x128xi32, #tpu.memory_space<vmem>> -> memref<1x6x128xi32, #tpu.memory_space<vmem>>
        %dma_start3A_1192 = tpu.memref_squeeze %dma_start3A_1191 : memref<1x6x128xi32, #tpu.memory_space<vmem>> -> memref<6x128xi32, #tpu.memory_space<vmem>>
        %dma_start3A_1193 = arith.constant 0 : i32
        %dma_start3A_1194 = tpu.memref_slice %arg3[%add3A_486, %dma_start3A_1193] : memref<12576x128xi32, #tpu.memory_space<hbm>> -> memref<6x128xi32, #tpu.memory_space<hbm>>
        tpu.enqueue_dma source(%dma_start3A_1194 : memref<6x128xi32, #tpu.memory_space<hbm>>) target(%dma_start3A_1192 : memref<6x128xi32, #tpu.memory_space<vmem>>) target_semaphore(%run_scoped3A_1182 : memref<!tpu.dma_semaphore, #tpu.memory_space<semaphore_mem>>)
        %dma_wait3A_1195 = arith.constant 0 : i32
        %dma_wait3A_1196 = arith.constant 0 : i32
        %dma_wait3A_1197 = tpu.memref_slice %arg7[%run_scoped3A_487, %dma_wait3A_1195, %dma_wait3A_1196] : memref<2x6x128xi32, #tpu.memory_space<vmem>> -> memref<1x6x128xi32, #tpu.memory_space<vmem>>
        %dma_wait3A_1198 = tpu.memref_squeeze %dma_wait3A_1197 : memref<1x6x128xi32, #tpu.memory_space<vmem>> -> memref<6x128xi32, #tpu.memory_space<vmem>>
        %dma_wait3A_1199 = arith.constant 0 : i32
        %dma_wait3A_1200 = tpu.memref_slice %arg3[%add3A_486, %dma_wait3A_1199] : memref<12576x128xi32, #tpu.memory_space<hbm>> -> memref<6x128xi32, #tpu.memory_space<hbm>>
        %dma_wait3A_1201 = arith.constant 0 : i32
        %dma_wait3A_1202 = arith.constant 0 : i32
        %dma_wait3A_1203 = tpu.memref_slice %arg7[%run_scoped3A_487, %dma_wait3A_1201, %dma_wait3A_1202] : memref<2x6x128xi32, #tpu.memory_space<vmem>> -> memref<1x6x128xi32, #tpu.memory_space<vmem>>
        %dma_wait3A_1204 = tpu.memref_squeeze %dma_wait3A_1203 : memref<1x6x128xi32, #tpu.memory_space<vmem>> -> memref<6x128xi32, #tpu.memory_space<vmem>>
        %dma_wait3A_1205 = arith.constant 0 : i32
        %dma_wait3A_1206 = tpu.memref_slice %arg3[%add3A_486, %dma_wait3A_1205] : memref<12576x128xi32, #tpu.memory_space<hbm>> -> memref<6x128xi32, #tpu.memory_space<hbm>>
        tpu.wait_dma2 semaphore(%run_scoped3A_1182 : memref<!tpu.dma_semaphore, #tpu.memory_space<semaphore_mem>>) src(%dma_wait3A_1206 : memref<6x128xi32, #tpu.memory_space<hbm>>) dst(%dma_wait3A_1204 : memref<6x128xi32, #tpu.memory_space<vmem>>)
        tpu.yield
      }) : () -> ()
      %run_scoped3A_488 = arith.constant 1 : i32
      "tpu.region"() ({
        %run_scoped3A_1182 = tpu.sem_alloc : memref<!tpu.dma_semaphore, #tpu.memory_space<semaphore_mem>>
        %dma_start3A_1183 = arith.constant 0 : i32
        %dma_start3A_1184 = arith.constant 0 : i32
        %dma_start3A_1185 = tpu.memref_slice %arg8[%run_scoped3A_488, %dma_start3A_1183, %dma_start3A_1184] : memref<2x6x128xi32, #tpu.memory_space<vmem>> -> memref<1x6x128xi32, #tpu.memory_space<vmem>>
        %dma_start3A_1186 = tpu.memref_squeeze %dma_start3A_1185 : memref<1x6x128xi32, #tpu.memory_space<vmem>> -> memref<6x128xi32, #tpu.memory_space<vmem>>
        %dma_start3A_1187 = arith.constant 0 : i32
        %dma_start3A_1188 = tpu.memref_slice %arg4[%add3A_486, %dma_start3A_1187] : memref<12576x128xi32, #tpu.memory_space<hbm>> -> memref<6x128xi32, #tpu.memory_space<hbm>>
        %dma_start3A_1189 = arith.constant 0 : i32
        %dma_start3A_1190 = arith.constant 0 : i32
        %dma_start3A_1191 = tpu.memref_slice %arg8[%run_scoped3A_488, %dma_start3A_1189, %dma_start3A_1190] : memref<2x6x128xi32, #tpu.memory_space<vmem>> -> memref<1x6x128xi32, #tpu.memory_space<vmem>>
        %dma_start3A_1192 = tpu.memref_squeeze %dma_start3A_1191 : memref<1x6x128xi32, #tpu.memory_space<vmem>> -> memref<6x128xi32, #tpu.memory_space<vmem>>
        %dma_start3A_1193 = arith.constant 0 : i32
        %dma_start3A_1194 = tpu.memref_slice %arg4[%add3A_486, %dma_start3A_1193] : memref<12576x128xi32, #tpu.memory_space<hbm>> -> memref<6x128xi32, #tpu.memory_space<hbm>>
        tpu.enqueue_dma source(%dma_start3A_1194 : memref<6x128xi32, #tpu.memory_space<hbm>>) target(%dma_start3A_1192 : memref<6x128xi32, #tpu.memory_space<vmem>>) target_semaphore(%run_scoped3A_1182 : memref<!tpu.dma_semaphore, #tpu.memory_space<semaphore_mem>>)
        %dma_wait3A_1195 = arith.constant 0 : i32
        %dma_wait3A_1196 = arith.constant 0 : i32
        %dma_wait3A_1197 = tpu.memref_slice %arg8[%run_scoped3A_488, %dma_wait3A_1195, %dma_wait3A_1196] : memref<2x6x128xi32, #tpu.memory_space<vmem>> -> memref<1x6x128xi32, #tpu.memory_space<vmem>>
        %dma_wait3A_1198 = tpu.memref_squeeze %dma_wait3A_1197 : memref<1x6x128xi32, #tpu.memory_space<vmem>> -> memref<6x128xi32, #tpu.memory_space<vmem>>
        %dma_wait3A_1199 = arith.constant 0 : i32
        %dma_wait3A_1200 = tpu.memref_slice %arg4[%add3A_486, %dma_wait3A_1199] : memref<12576x128xi32, #tpu.memory_space<hbm>> -> memref<6x128xi32, #tpu.memory_space<hbm>>
        %dma_wait3A_1201 = arith.constant 0 : i32
        %dma_wait3A_1202 = arith.constant 0 : i32
        %dma_wait3A_1203 = tpu.memref_slice %arg8[%run_scoped3A_488, %dma_wait3A_1201, %dma_wait3A_1202] : memref<2x6x128xi32, #tpu.memory_space<vmem>> -> memref<1x6x128xi32, #tpu.memory_space<vmem>>
        %dma_wait3A_1204 = tpu.memref_squeeze %dma_wait3A_1203 : memref<1x6x128xi32, #tpu.memory_space<vmem>> -> memref<6x128xi32, #tpu.memory_space<vmem>>
        %dma_wait3A_1205 = arith.constant 0 : i32
        %dma_wait3A_1206 = tpu.memref_slice %arg4[%add3A_486, %dma_wait3A_1205] : memref<12576x128xi32, #tpu.memory_space<hbm>> -> memref<6x128xi32, #tpu.memory_space<hbm>>
        tpu.wait_dma2 semaphore(%run_scoped3A_1182 : memref<!tpu.dma_semaphore, #tpu.memory_space<semaphore_mem>>) src(%dma_wait3A_1206 : memref<6x128xi32, #tpu.memory_space<hbm>>) dst(%dma_wait3A_1204 : memref<6x128xi32, #tpu.memory_space<vmem>>)
        tpu.yield
      }) : () -> ()
      %dma_start3A_489 = arith.constant 1 : i32
      %dma_start3A_490 = arith.constant 0 : i32
      %dma_start3A_491 = arith.constant 1 : i32
      %dma_start3A_492 = arith.constant 0 : i32
      %dma_start3A_493 = arith.constant 0 : i32
      %dma_start3A_494 = arith.constant 0 : i32
      %dma_start3A_495 = tpu.memref_slice %arg9[%dma_start3A_491, %dma_start3A_492, %dma_start3A_493, %dma_start3A_494] : memref<2x6x128x16xf32, #tpu.memory_space<vmem>> -> memref<1x1x128x16xf32, #tpu.memory_space<vmem>>
      %dma_start3A_496 = tpu.memref_squeeze %dma_start3A_495 : memref<1x1x128x16xf32, #tpu.memory_space<vmem>> -> memref<128x16xf32, #tpu.memory_space<vmem>>
      %dma_start3A_497 = arith.constant 0 : i32
      %dma_start3A_498 = tpu.memref_slice %arg7[%dma_start3A_489, %dma_start3A_490, %dma_start3A_497] : memref<2x6x128xi32, #tpu.memory_space<vmem>> -> memref<1x1x128xi32, #tpu.memory_space<vmem>>
      %dma_start3A_499 = tpu.memref_squeeze %dma_start3A_498 : memref<1x1x128xi32, #tpu.memory_space<vmem>> -> memref<128xi32, #tpu.memory_space<vmem>>
      %dma_start3A_500 = arith.constant 0 : i32
      %dma_start3A_501 = arith.constant 0 : i32
      %dma_start3A_502 = tpu.memref_slice %arg2[%arg0, %dma_start3A_500, %dma_start3A_501] : memref<2x100096x16xf32, #tpu.memory_space<hbm>> -> memref<1x100096x16xf32, #tpu.memory_space<hbm>>
      %dma_start3A_503 = tpu.memref_squeeze %dma_start3A_502 : memref<1x100096x16xf32, #tpu.memory_space<hbm>> -> memref<100096x16xf32, #tpu.memory_space<hbm>>
      %dma_start3A_504 = arith.constant 0 : i32
      %dma_start3A_505 = arith.constant 0 : i32
      %dma_start3A_506 = tpu.memref_slice %dma_start3A_503[%dma_start3A_504, %dma_start3A_505] : memref<100096x16xf32, #tpu.memory_space<hbm>> -> memref<100096x16xf32, #tpu.memory_space<hbm>>
      tpu.enqueue_indirect_dma source(%dma_start3A_506 : memref<100096x16xf32, #tpu.memory_space<hbm>>) target(%dma_start3A_496 : memref<128x16xf32, #tpu.memory_space<vmem>>) offsets(%dma_start3A_499 : memref<128xi32, #tpu.memory_space<vmem>>) semaphore(%arg11 : memref<!tpu.dma_semaphore, #tpu.memory_space<semaphore_mem>>)
      %dma_start3A_507 = arith.constant 1 : i32
      %dma_start3A_508 = arith.constant 1 : i32
      %dma_start3A_509 = arith.constant 1 : i32
      %dma_start3A_510 = arith.constant 1 : i32
      %dma_start3A_511 = arith.constant 0 : i32
      %dma_start3A_512 = arith.constant 0 : i32
      %dma_start3A_513 = tpu.memref_slice %arg9[%dma_start3A_509, %dma_start3A_510, %dma_start3A_511, %dma_start3A_512] : memref<2x6x128x16xf32, #tpu.memory_space<vmem>> -> memref<1x1x128x16xf32, #tpu.memory_space<vmem>>
      %dma_start3A_514 = tpu.memref_squeeze %dma_start3A_513 : memref<1x1x128x16xf32, #tpu.memory_space<vmem>> -> memref<128x16xf32, #tpu.memory_space<vmem>>
      %dma_start3A_515 = arith.constant 0 : i32
      %dma_start3A_516 = tpu.memref_slice %arg7[%dma_start3A_507, %dma_start3A_508, %dma_start3A_515] : memref<2x6x128xi32, #tpu.memory_space<vmem>> -> memref<1x1x128xi32, #tpu.memory_space<vmem>>
      %dma_start3A_517 = tpu.memref_squeeze %dma_start3A_516 : memref<1x1x128xi32, #tpu.memory_space<vmem>> -> memref<128xi32, #tpu.memory_space<vmem>>
      %dma_start3A_518 = arith.constant 0 : i32
      %dma_start3A_519 = arith.constant 0 : i32
      %dma_start3A_520 = tpu.memref_slice %arg2[%arg0, %dma_start3A_518, %dma_start3A_519] : memref<2x100096x16xf32, #tpu.memory_space<hbm>> -> memref<1x100096x16xf32, #tpu.memory_space<hbm>>
      %dma_start3A_521 = tpu.memref_squeeze %dma_start3A_520 : memref<1x100096x16xf32, #tpu.memory_space<hbm>> -> memref<100096x16xf32, #tpu.memory_space<hbm>>
      %dma_start3A_522 = arith.constant 0 : i32
      %dma_start3A_523 = arith.constant 0 : i32
      %dma_start3A_524 = tpu.memref_slice %dma_start3A_521[%dma_start3A_522, %dma_start3A_523] : memref<100096x16xf32, #tpu.memory_space<hbm>> -> memref<100096x16xf32, #tpu.memory_space<hbm>>
      tpu.enqueue_indirect_dma source(%dma_start3A_524 : memref<100096x16xf32, #tpu.memory_space<hbm>>) target(%dma_start3A_514 : memref<128x16xf32, #tpu.memory_space<vmem>>) offsets(%dma_start3A_517 : memref<128xi32, #tpu.memory_space<vmem>>) semaphore(%arg11 : memref<!tpu.dma_semaphore, #tpu.memory_space<semaphore_mem>>)
      %dma_start3A_525 = arith.constant 1 : i32
      %dma_start3A_526 = arith.constant 2 : i32
      %dma_start3A_527 = arith.constant 1 : i32
      %dma_start3A_528 = arith.constant 2 : i32
      %dma_start3A_529 = arith.constant 0 : i32
      %dma_start3A_530 = arith.constant 0 : i32
      %dma_start3A_531 = tpu.memref_slice %arg9[%dma_start3A_527, %dma_start3A_528, %dma_start3A_529, %dma_start3A_530] : memref<2x6x128x16xf32, #tpu.memory_space<vmem>> -> memref<1x1x128x16xf32, #tpu.memory_space<vmem>>
      %dma_start3A_532 = tpu.memref_squeeze %dma_start3A_531 : memref<1x1x128x16xf32, #tpu.memory_space<vmem>> -> memref<128x16xf32, #tpu.memory_space<vmem>>
      %dma_start3A_533 = arith.constant 0 : i32
      %dma_start3A_534 = tpu.memref_slice %arg7[%dma_start3A_525, %dma_start3A_526, %dma_start3A_533] : memref<2x6x128xi32, #tpu.memory_space<vmem>> -> memref<1x1x128xi32, #tpu.memory_space<vmem>>
      %dma_start3A_535 = tpu.memref_squeeze %dma_start3A_534 : memref<1x1x128xi32, #tpu.memory_space<vmem>> -> memref<128xi32, #tpu.memory_space<vmem>>
      %dma_start3A_536 = arith.constant 0 : i32
      %dma_start3A_537 = arith.constant 0 : i32
      %dma_start3A_538 = tpu.memref_slice %arg2[%arg0, %dma_start3A_536, %dma_start3A_537] : memref<2x100096x16xf32, #tpu.memory_space<hbm>> -> memref<1x100096x16xf32, #tpu.memory_space<hbm>>
      %dma_start3A_539 = tpu.memref_squeeze %dma_start3A_538 : memref<1x100096x16xf32, #tpu.memory_space<hbm>> -> memref<100096x16xf32, #tpu.memory_space<hbm>>
      %dma_start3A_540 = arith.constant 0 : i32
      %dma_start3A_541 = arith.constant 0 : i32
      %dma_start3A_542 = tpu.memref_slice %dma_start3A_539[%dma_start3A_540, %dma_start3A_541] : memref<100096x16xf32, #tpu.memory_space<hbm>> -> memref<100096x16xf32, #tpu.memory_space<hbm>>
      tpu.enqueue_indirect_dma source(%dma_start3A_542 : memref<100096x16xf32, #tpu.memory_space<hbm>>) target(%dma_start3A_532 : memref<128x16xf32, #tpu.memory_space<vmem>>) offsets(%dma_start3A_535 : memref<128xi32, #tpu.memory_space<vmem>>) semaphore(%arg11 : memref<!tpu.dma_semaphore, #tpu.memory_space<semaphore_mem>>)
      %dma_start3A_543 = arith.constant 1 : i32
      %dma_start3A_544 = arith.constant 3 : i32
      %dma_start3A_545 = arith.constant 1 : i32
      %dma_start3A_546 = arith.constant 3 : i32
      %dma_start3A_547 = arith.constant 0 : i32
      %dma_start3A_548 = arith.constant 0 : i32
      %dma_start3A_549 = tpu.memref_slice %arg9[%dma_start3A_545, %dma_start3A_546, %dma_start3A_547, %dma_start3A_548] : memref<2x6x128x16xf32, #tpu.memory_space<vmem>> -> memref<1x1x128x16xf32, #tpu.memory_space<vmem>>
      %dma_start3A_550 = tpu.memref_squeeze %dma_start3A_549 : memref<1x1x128x16xf32, #tpu.memory_space<vmem>> -> memref<128x16xf32, #tpu.memory_space<vmem>>
      %dma_start3A_551 = arith.constant 0 : i32
      %dma_start3A_552 = tpu.memref_slice %arg7[%dma_start3A_543, %dma_start3A_544, %dma_start3A_551] : memref<2x6x128xi32, #tpu.memory_space<vmem>> -> memref<1x1x128xi32, #tpu.memory_space<vmem>>
      %dma_start3A_553 = tpu.memref_squeeze %dma_start3A_552 : memref<1x1x128xi32, #tpu.memory_space<vmem>> -> memref<128xi32, #tpu.memory_space<vmem>>
      %dma_start3A_554 = arith.constant 0 : i32
      %dma_start3A_555 = arith.constant 0 : i32
      %dma_start3A_556 = tpu.memref_slice %arg2[%arg0, %dma_start3A_554, %dma_start3A_555] : memref<2x100096x16xf32, #tpu.memory_space<hbm>> -> memref<1x100096x16xf32, #tpu.memory_space<hbm>>
      %dma_start3A_557 = tpu.memref_squeeze %dma_start3A_556 : memref<1x100096x16xf32, #tpu.memory_space<hbm>> -> memref<100096x16xf32, #tpu.memory_space<hbm>>
      %dma_start3A_558 = arith.constant 0 : i32
      %dma_start3A_559 = arith.constant 0 : i32
      %dma_start3A_560 = tpu.memref_slice %dma_start3A_557[%dma_start3A_558, %dma_start3A_559] : memref<100096x16xf32, #tpu.memory_space<hbm>> -> memref<100096x16xf32, #tpu.memory_space<hbm>>
      tpu.enqueue_indirect_dma source(%dma_start3A_560 : memref<100096x16xf32, #tpu.memory_space<hbm>>) target(%dma_start3A_550 : memref<128x16xf32, #tpu.memory_space<vmem>>) offsets(%dma_start3A_553 : memref<128xi32, #tpu.memory_space<vmem>>) semaphore(%arg11 : memref<!tpu.dma_semaphore, #tpu.memory_space<semaphore_mem>>)
      %dma_start3A_561 = arith.constant 1 : i32
      %dma_start3A_562 = arith.constant 4 : i32
      %dma_start3A_563 = arith.constant 1 : i32
      %dma_start3A_564 = arith.constant 4 : i32
      %dma_start3A_565 = arith.constant 0 : i32
      %dma_start3A_566 = arith.constant 0 : i32
      %dma_start3A_567 = tpu.memref_slice %arg9[%dma_start3A_563, %dma_start3A_564, %dma_start3A_565, %dma_start3A_566] : memref<2x6x128x16xf32, #tpu.memory_space<vmem>> -> memref<1x1x128x16xf32, #tpu.memory_space<vmem>>
      %dma_start3A_568 = tpu.memref_squeeze %dma_start3A_567 : memref<1x1x128x16xf32, #tpu.memory_space<vmem>> -> memref<128x16xf32, #tpu.memory_space<vmem>>
      %dma_start3A_569 = arith.constant 0 : i32
      %dma_start3A_570 = tpu.memref_slice %arg7[%dma_start3A_561, %dma_start3A_562, %dma_start3A_569] : memref<2x6x128xi32, #tpu.memory_space<vmem>> -> memref<1x1x128xi32, #tpu.memory_space<vmem>>
      %dma_start3A_571 = tpu.memref_squeeze %dma_start3A_570 : memref<1x1x128xi32, #tpu.memory_space<vmem>> -> memref<128xi32, #tpu.memory_space<vmem>>
      %dma_start3A_572 = arith.constant 0 : i32
      %dma_start3A_573 = arith.constant 0 : i32
      %dma_start3A_574 = tpu.memref_slice %arg2[%arg0, %dma_start3A_572, %dma_start3A_573] : memref<2x100096x16xf32, #tpu.memory_space<hbm>> -> memref<1x100096x16xf32, #tpu.memory_space<hbm>>
      %dma_start3A_575 = tpu.memref_squeeze %dma_start3A_574 : memref<1x100096x16xf32, #tpu.memory_space<hbm>> -> memref<100096x16xf32, #tpu.memory_space<hbm>>
      %dma_start3A_576 = arith.constant 0 : i32
      %dma_start3A_577 = arith.constant 0 : i32
      %dma_start3A_578 = tpu.memref_slice %dma_start3A_575[%dma_start3A_576, %dma_start3A_577] : memref<100096x16xf32, #tpu.memory_space<hbm>> -> memref<100096x16xf32, #tpu.memory_space<hbm>>
      tpu.enqueue_indirect_dma source(%dma_start3A_578 : memref<100096x16xf32, #tpu.memory_space<hbm>>) target(%dma_start3A_568 : memref<128x16xf32, #tpu.memory_space<vmem>>) offsets(%dma_start3A_571 : memref<128xi32, #tpu.memory_space<vmem>>) semaphore(%arg11 : memref<!tpu.dma_semaphore, #tpu.memory_space<semaphore_mem>>)
      %dma_start3A_579 = arith.constant 1 : i32
      %dma_start3A_580 = arith.constant 5 : i32
      %dma_start3A_581 = arith.constant 1 : i32
      %dma_start3A_582 = arith.constant 5 : i32
      %dma_start3A_583 = arith.constant 0 : i32
      %dma_start3A_584 = arith.constant 0 : i32
      %dma_start3A_585 = tpu.memref_slice %arg9[%dma_start3A_581, %dma_start3A_582, %dma_start3A_583, %dma_start3A_584] : memref<2x6x128x16xf32, #tpu.memory_space<vmem>> -> memref<1x1x128x16xf32, #tpu.memory_space<vmem>>
      %dma_start3A_586 = tpu.memref_squeeze %dma_start3A_585 : memref<1x1x128x16xf32, #tpu.memory_space<vmem>> -> memref<128x16xf32, #tpu.memory_space<vmem>>
      %dma_start3A_587 = arith.constant 0 : i32
      %dma_start3A_588 = tpu.memref_slice %arg7[%dma_start3A_579, %dma_start3A_580, %dma_start3A_587] : memref<2x6x128xi32, #tpu.memory_space<vmem>> -> memref<1x1x128xi32, #tpu.memory_space<vmem>>
      %dma_start3A_589 = tpu.memref_squeeze %dma_start3A_588 : memref<1x1x128xi32, #tpu.memory_space<vmem>> -> memref<128xi32, #tpu.memory_space<vmem>>
      %dma_start3A_590 = arith.constant 0 : i32
      %dma_start3A_591 = arith.constant 0 : i32
      %dma_start3A_592 = tpu.memref_slice %arg2[%arg0, %dma_start3A_590, %dma_start3A_591] : memref<2x100096x16xf32, #tpu.memory_space<hbm>> -> memref<1x100096x16xf32, #tpu.memory_space<hbm>>
      %dma_start3A_593 = tpu.memref_squeeze %dma_start3A_592 : memref<1x100096x16xf32, #tpu.memory_space<hbm>> -> memref<100096x16xf32, #tpu.memory_space<hbm>>
      %dma_start3A_594 = arith.constant 0 : i32
      %dma_start3A_595 = arith.constant 0 : i32
      %dma_start3A_596 = tpu.memref_slice %dma_start3A_593[%dma_start3A_594, %dma_start3A_595] : memref<100096x16xf32, #tpu.memory_space<hbm>> -> memref<100096x16xf32, #tpu.memory_space<hbm>>
      tpu.enqueue_indirect_dma source(%dma_start3A_596 : memref<100096x16xf32, #tpu.memory_space<hbm>>) target(%dma_start3A_586 : memref<128x16xf32, #tpu.memory_space<vmem>>) offsets(%dma_start3A_589 : memref<128xi32, #tpu.memory_space<vmem>>) semaphore(%arg11 : memref<!tpu.dma_semaphore, #tpu.memory_space<semaphore_mem>>)
      %dma_wait3A_597 = arith.constant 0 : i32
      %dma_wait3A_598 = arith.constant 0 : i32
      %dma_wait3A_599 = arith.constant 0 : i32
      %dma_wait3A_600 = arith.constant 0 : i32
      %dma_wait3A_601 = arith.constant 0 : i32
      %dma_wait3A_602 = arith.constant 0 : i32
      %dma_wait3A_603 = tpu.memref_slice %arg9[%dma_wait3A_599, %dma_wait3A_600, %dma_wait3A_601, %dma_wait3A_602] : memref<2x6x128x16xf32, #tpu.memory_space<vmem>> -> memref<1x1x128x16xf32, #tpu.memory_space<vmem>>
      %dma_wait3A_604 = tpu.memref_squeeze %dma_wait3A_603 : memref<1x1x128x16xf32, #tpu.memory_space<vmem>> -> memref<128x16xf32, #tpu.memory_space<vmem>>
      %dma_wait3A_605 = arith.constant 0 : i32
      %dma_wait3A_606 = tpu.memref_slice %arg7[%dma_wait3A_597, %dma_wait3A_598, %dma_wait3A_605] : memref<2x6x128xi32, #tpu.memory_space<vmem>> -> memref<1x1x128xi32, #tpu.memory_space<vmem>>
      %dma_wait3A_607 = tpu.memref_squeeze %dma_wait3A_606 : memref<1x1x128xi32, #tpu.memory_space<vmem>> -> memref<128xi32, #tpu.memory_space<vmem>>
      %dma_wait3A_608 = arith.constant 0 : i32
      %dma_wait3A_609 = arith.constant 0 : i32
      %dma_wait3A_610 = tpu.memref_slice %arg2[%arg0, %dma_wait3A_608, %dma_wait3A_609] : memref<2x100096x16xf32, #tpu.memory_space<hbm>> -> memref<1x100096x16xf32, #tpu.memory_space<hbm>>
      %dma_wait3A_611 = tpu.memref_squeeze %dma_wait3A_610 : memref<1x100096x16xf32, #tpu.memory_space<hbm>> -> memref<100096x16xf32, #tpu.memory_space<hbm>>
      %dma_wait3A_612 = arith.constant 0 : i32
      %dma_wait3A_613 = arith.constant 0 : i32
      %dma_wait3A_614 = tpu.memref_slice %dma_wait3A_611[%dma_wait3A_612, %dma_wait3A_613] : memref<100096x16xf32, #tpu.memory_space<hbm>> -> memref<100096x16xf32, #tpu.memory_space<hbm>>
      tpu.wait_indirect_dma semaphore(%arg11 : memref<!tpu.dma_semaphore, #tpu.memory_space<semaphore_mem>>) src(%dma_wait3A_614 : memref<100096x16xf32, #tpu.memory_space<hbm>>) dst(%dma_wait3A_604 : memref<128x16xf32, #tpu.memory_space<vmem>>)
      %dma_wait3A_615 = arith.constant 0 : i32
      %dma_wait3A_616 = arith.constant 1 : i32
      %dma_wait3A_617 = arith.constant 0 : i32
      %dma_wait3A_618 = arith.constant 1 : i32
      %dma_wait3A_619 = arith.constant 0 : i32
      %dma_wait3A_620 = arith.constant 0 : i32
      %dma_wait3A_621 = tpu.memref_slice %arg9[%dma_wait3A_617, %dma_wait3A_618, %dma_wait3A_619, %dma_wait3A_620] : memref<2x6x128x16xf32, #tpu.memory_space<vmem>> -> memref<1x1x128x16xf32, #tpu.memory_space<vmem>>
      %dma_wait3A_622 = tpu.memref_squeeze %dma_wait3A_621 : memref<1x1x128x16xf32, #tpu.memory_space<vmem>> -> memref<128x16xf32, #tpu.memory_space<vmem>>
      %dma_wait3A_623 = arith.constant 0 : i32
      %dma_wait3A_624 = tpu.memref_slice %arg7[%dma_wait3A_615, %dma_wait3A_616, %dma_wait3A_623] : memref<2x6x128xi32, #tpu.memory_space<vmem>> -> memref<1x1x128xi32, #tpu.memory_space<vmem>>
      %dma_wait3A_625 = tpu.memref_squeeze %dma_wait3A_624 : memref<1x1x128xi32, #tpu.memory_space<vmem>> -> memref<128xi32, #tpu.memory_space<vmem>>
      %dma_wait3A_626 = arith.constant 0 : i32
      %dma_wait3A_627 = arith.constant 0 : i32
      %dma_wait3A_628 = tpu.memref_slice %arg2[%arg0, %dma_wait3A_626, %dma_wait3A_627] : memref<2x100096x16xf32, #tpu.memory_space<hbm>> -> memref<1x100096x16xf32, #tpu.memory_space<hbm>>
      %dma_wait3A_629 = tpu.memref_squeeze %dma_wait3A_628 : memref<1x100096x16xf32, #tpu.memory_space<hbm>> -> memref<100096x16xf32, #tpu.memory_space<hbm>>
      %dma_wait3A_630 = arith.constant 0 : i32
      %dma_wait3A_631 = arith.constant 0 : i32
      %dma_wait3A_632 = tpu.memref_slice %dma_wait3A_629[%dma_wait3A_630, %dma_wait3A_631] : memref<100096x16xf32, #tpu.memory_space<hbm>> -> memref<100096x16xf32, #tpu.memory_space<hbm>>
      tpu.wait_indirect_dma semaphore(%arg11 : memref<!tpu.dma_semaphore, #tpu.memory_space<semaphore_mem>>) src(%dma_wait3A_632 : memref<100096x16xf32, #tpu.memory_space<hbm>>) dst(%dma_wait3A_622 : memref<128x16xf32, #tpu.memory_space<vmem>>)
      %dma_wait3A_633 = arith.constant 0 : i32
      %dma_wait3A_634 = arith.constant 2 : i32
      %dma_wait3A_635 = arith.constant 0 : i32
      %dma_wait3A_636 = arith.constant 2 : i32
      %dma_wait3A_637 = arith.constant 0 : i32
      %dma_wait3A_638 = arith.constant 0 : i32
      %dma_wait3A_639 = tpu.memref_slice %arg9[%dma_wait3A_635, %dma_wait3A_636, %dma_wait3A_637, %dma_wait3A_638] : memref<2x6x128x16xf32, #tpu.memory_space<vmem>> -> memref<1x1x128x16xf32, #tpu.memory_space<vmem>>
      %dma_wait3A_640 = tpu.memref_squeeze %dma_wait3A_639 : memref<1x1x128x16xf32, #tpu.memory_space<vmem>> -> memref<128x16xf32, #tpu.memory_space<vmem>>
      %dma_wait3A_641 = arith.constant 0 : i32
      %dma_wait3A_642 = tpu.memref_slice %arg7[%dma_wait3A_633, %dma_wait3A_634, %dma_wait3A_641] : memref<2x6x128xi32, #tpu.memory_space<vmem>> -> memref<1x1x128xi32, #tpu.memory_space<vmem>>
      %dma_wait3A_643 = tpu.memref_squeeze %dma_wait3A_642 : memref<1x1x128xi32, #tpu.memory_space<vmem>> -> memref<128xi32, #tpu.memory_space<vmem>>
      %dma_wait3A_644 = arith.constant 0 : i32
      %dma_wait3A_645 = arith.constant 0 : i32
      %dma_wait3A_646 = tpu.memref_slice %arg2[%arg0, %dma_wait3A_644, %dma_wait3A_645] : memref<2x100096x16xf32, #tpu.memory_space<hbm>> -> memref<1x100096x16xf32, #tpu.memory_space<hbm>>
      %dma_wait3A_647 = tpu.memref_squeeze %dma_wait3A_646 : memref<1x100096x16xf32, #tpu.memory_space<hbm>> -> memref<100096x16xf32, #tpu.memory_space<hbm>>
      %dma_wait3A_648 = arith.constant 0 : i32
      %dma_wait3A_649 = arith.constant 0 : i32
      %dma_wait3A_650 = tpu.memref_slice %dma_wait3A_647[%dma_wait3A_648, %dma_wait3A_649] : memref<100096x16xf32, #tpu.memory_space<hbm>> -> memref<100096x16xf32, #tpu.memory_space<hbm>>
      tpu.wait_indirect_dma semaphore(%arg11 : memref<!tpu.dma_semaphore, #tpu.memory_space<semaphore_mem>>) src(%dma_wait3A_650 : memref<100096x16xf32, #tpu.memory_space<hbm>>) dst(%dma_wait3A_640 : memref<128x16xf32, #tpu.memory_space<vmem>>)
      %dma_wait3A_651 = arith.constant 0 : i32
      %dma_wait3A_652 = arith.constant 3 : i32
      %dma_wait3A_653 = arith.constant 0 : i32
      %dma_wait3A_654 = arith.constant 3 : i32
      %dma_wait3A_655 = arith.constant 0 : i32
      %dma_wait3A_656 = arith.constant 0 : i32
      %dma_wait3A_657 = tpu.memref_slice %arg9[%dma_wait3A_653, %dma_wait3A_654, %dma_wait3A_655, %dma_wait3A_656] : memref<2x6x128x16xf32, #tpu.memory_space<vmem>> -> memref<1x1x128x16xf32, #tpu.memory_space<vmem>>
      %dma_wait3A_658 = tpu.memref_squeeze %dma_wait3A_657 : memref<1x1x128x16xf32, #tpu.memory_space<vmem>> -> memref<128x16xf32, #tpu.memory_space<vmem>>
      %dma_wait3A_659 = arith.constant 0 : i32
      %dma_wait3A_660 = tpu.memref_slice %arg7[%dma_wait3A_651, %dma_wait3A_652, %dma_wait3A_659] : memref<2x6x128xi32, #tpu.memory_space<vmem>> -> memref<1x1x128xi32, #tpu.memory_space<vmem>>
      %dma_wait3A_661 = tpu.memref_squeeze %dma_wait3A_660 : memref<1x1x128xi32, #tpu.memory_space<vmem>> -> memref<128xi32, #tpu.memory_space<vmem>>
      %dma_wait3A_662 = arith.constant 0 : i32
      %dma_wait3A_663 = arith.constant 0 : i32
      %dma_wait3A_664 = tpu.memref_slice %arg2[%arg0, %dma_wait3A_662, %dma_wait3A_663] : memref<2x100096x16xf32, #tpu.memory_space<hbm>> -> memref<1x100096x16xf32, #tpu.memory_space<hbm>>
      %dma_wait3A_665 = tpu.memref_squeeze %dma_wait3A_664 : memref<1x100096x16xf32, #tpu.memory_space<hbm>> -> memref<100096x16xf32, #tpu.memory_space<hbm>>
      %dma_wait3A_666 = arith.constant 0 : i32
      %dma_wait3A_667 = arith.constant 0 : i32
      %dma_wait3A_668 = tpu.memref_slice %dma_wait3A_665[%dma_wait3A_666, %dma_wait3A_667] : memref<100096x16xf32, #tpu.memory_space<hbm>> -> memref<100096x16xf32, #tpu.memory_space<hbm>>
      tpu.wait_indirect_dma semaphore(%arg11 : memref<!tpu.dma_semaphore, #tpu.memory_space<semaphore_mem>>) src(%dma_wait3A_668 : memref<100096x16xf32, #tpu.memory_space<hbm>>) dst(%dma_wait3A_658 : memref<128x16xf32, #tpu.memory_space<vmem>>)
      %dma_wait3A_669 = arith.constant 0 : i32
      %dma_wait3A_670 = arith.constant 4 : i32
      %dma_wait3A_671 = arith.constant 0 : i32
      %dma_wait3A_672 = arith.constant 4 : i32
      %dma_wait3A_673 = arith.constant 0 : i32
      %dma_wait3A_674 = arith.constant 0 : i32
      %dma_wait3A_675 = tpu.memref_slice %arg9[%dma_wait3A_671, %dma_wait3A_672, %dma_wait3A_673, %dma_wait3A_674] : memref<2x6x128x16xf32, #tpu.memory_space<vmem>> -> memref<1x1x128x16xf32, #tpu.memory_space<vmem>>
      %dma_wait3A_676 = tpu.memref_squeeze %dma_wait3A_675 : memref<1x1x128x16xf32, #tpu.memory_space<vmem>> -> memref<128x16xf32, #tpu.memory_space<vmem>>
      %dma_wait3A_677 = arith.constant 0 : i32
      %dma_wait3A_678 = tpu.memref_slice %arg7[%dma_wait3A_669, %dma_wait3A_670, %dma_wait3A_677] : memref<2x6x128xi32, #tpu.memory_space<vmem>> -> memref<1x1x128xi32, #tpu.memory_space<vmem>>
      %dma_wait3A_679 = tpu.memref_squeeze %dma_wait3A_678 : memref<1x1x128xi32, #tpu.memory_space<vmem>> -> memref<128xi32, #tpu.memory_space<vmem>>
      %dma_wait3A_680 = arith.constant 0 : i32
      %dma_wait3A_681 = arith.constant 0 : i32
      %dma_wait3A_682 = tpu.memref_slice %arg2[%arg0, %dma_wait3A_680, %dma_wait3A_681] : memref<2x100096x16xf32, #tpu.memory_space<hbm>> -> memref<1x100096x16xf32, #tpu.memory_space<hbm>>
      %dma_wait3A_683 = tpu.memref_squeeze %dma_wait3A_682 : memref<1x100096x16xf32, #tpu.memory_space<hbm>> -> memref<100096x16xf32, #tpu.memory_space<hbm>>
      %dma_wait3A_684 = arith.constant 0 : i32
      %dma_wait3A_685 = arith.constant 0 : i32
      %dma_wait3A_686 = tpu.memref_slice %dma_wait3A_683[%dma_wait3A_684, %dma_wait3A_685] : memref<100096x16xf32, #tpu.memory_space<hbm>> -> memref<100096x16xf32, #tpu.memory_space<hbm>>
      tpu.wait_indirect_dma semaphore(%arg11 : memref<!tpu.dma_semaphore, #tpu.memory_space<semaphore_mem>>) src(%dma_wait3A_686 : memref<100096x16xf32, #tpu.memory_space<hbm>>) dst(%dma_wait3A_676 : memref<128x16xf32, #tpu.memory_space<vmem>>)
      %dma_wait3A_687 = arith.constant 0 : i32
      %dma_wait3A_688 = arith.constant 5 : i32
      %dma_wait3A_689 = arith.constant 0 : i32
      %dma_wait3A_690 = arith.constant 5 : i32
      %dma_wait3A_691 = arith.constant 0 : i32
      %dma_wait3A_692 = arith.constant 0 : i32
      %dma_wait3A_693 = tpu.memref_slice %arg9[%dma_wait3A_689, %dma_wait3A_690, %dma_wait3A_691, %dma_wait3A_692] : memref<2x6x128x16xf32, #tpu.memory_space<vmem>> -> memref<1x1x128x16xf32, #tpu.memory_space<vmem>>
      %dma_wait3A_694 = tpu.memref_squeeze %dma_wait3A_693 : memref<1x1x128x16xf32, #tpu.memory_space<vmem>> -> memref<128x16xf32, #tpu.memory_space<vmem>>
      %dma_wait3A_695 = arith.constant 0 : i32
      %dma_wait3A_696 = tpu.memref_slice %arg7[%dma_wait3A_687, %dma_wait3A_688, %dma_wait3A_695] : memref<2x6x128xi32, #tpu.memory_space<vmem>> -> memref<1x1x128xi32, #tpu.memory_space<vmem>>
      %dma_wait3A_697 = tpu.memref_squeeze %dma_wait3A_696 : memref<1x1x128xi32, #tpu.memory_space<vmem>> -> memref<128xi32, #tpu.memory_space<vmem>>
      %dma_wait3A_698 = arith.constant 0 : i32
      %dma_wait3A_699 = arith.constant 0 : i32
      %dma_wait3A_700 = tpu.memref_slice %arg2[%arg0, %dma_wait3A_698, %dma_wait3A_699] : memref<2x100096x16xf32, #tpu.memory_space<hbm>> -> memref<1x100096x16xf32, #tpu.memory_space<hbm>>
      %dma_wait3A_701 = tpu.memref_squeeze %dma_wait3A_700 : memref<1x100096x16xf32, #tpu.memory_space<hbm>> -> memref<100096x16xf32, #tpu.memory_space<hbm>>
      %dma_wait3A_702 = arith.constant 0 : i32
      %dma_wait3A_703 = arith.constant 0 : i32
      %dma_wait3A_704 = tpu.memref_slice %dma_wait3A_701[%dma_wait3A_702, %dma_wait3A_703] : memref<100096x16xf32, #tpu.memory_space<hbm>> -> memref<100096x16xf32, #tpu.memory_space<hbm>>
      tpu.wait_indirect_dma semaphore(%arg11 : memref<!tpu.dma_semaphore, #tpu.memory_space<semaphore_mem>>) src(%dma_wait3A_704 : memref<100096x16xf32, #tpu.memory_space<hbm>>) dst(%dma_wait3A_694 : memref<128x16xf32, #tpu.memory_space<vmem>>)
      %dma_start3A_705 = arith.constant 0 : i32
      %dma_start3A_706 = arith.constant 0 : i32
      %dma_start3A_707 = arith.constant 0 : i32
      %dma_start3A_708 = arith.constant 0 : i32
      %dma_start3A_709 = arith.constant 0 : i32
      %dma_start3A_710 = arith.constant 0 : i32
      %dma_start3A_711 = tpu.memref_slice %arg9[%dma_start3A_705, %dma_start3A_706, %dma_start3A_709, %dma_start3A_710] : memref<2x6x128x16xf32, #tpu.memory_space<vmem>> -> memref<1x1x128x16xf32, #tpu.memory_space<vmem>>
      %dma_start3A_712 = tpu.memref_squeeze %dma_start3A_711 : memref<1x1x128x16xf32, #tpu.memory_space<vmem>> -> memref<128x16xf32, #tpu.memory_space<vmem>>
      %dma_start3A_713 = arith.constant 0 : i32
      %dma_start3A_714 = tpu.memref_slice %arg8[%dma_start3A_707, %dma_start3A_708, %dma_start3A_713] : memref<2x6x128xi32, #tpu.memory_space<vmem>> -> memref<1x1x128xi32, #tpu.memory_space<vmem>>
      %dma_start3A_715 = tpu.memref_squeeze %dma_start3A_714 : memref<1x1x128xi32, #tpu.memory_space<vmem>> -> memref<128xi32, #tpu.memory_space<vmem>>
      %dma_start3A_716 = arith.constant 0 : i32
      %dma_start3A_717 = arith.constant 0 : i32
      %dma_start3A_718 = tpu.memref_slice %arg10[%dma_start3A_716, %dma_start3A_717] : memref<100096x16xf32, #tpu.memory_space<vmem_shared>> -> memref<100096x16xf32, #tpu.memory_space<vmem_shared>>
      tpu.enqueue_indirect_dma source(%dma_start3A_712 : memref<128x16xf32, #tpu.memory_space<vmem>>) target(%dma_start3A_718 : memref<100096x16xf32, #tpu.memory_space<vmem_shared>>) offsets(%dma_start3A_715 : memref<128xi32, #tpu.memory_space<vmem>>) semaphore(%arg12 : memref<!tpu.dma_semaphore, #tpu.memory_space<semaphore_mem>>) {add = true}
      %dma_start3A_719 = arith.constant 0 : i32
      %dma_start3A_720 = arith.constant 1 : i32
      %dma_start3A_721 = arith.constant 0 : i32
      %dma_start3A_722 = arith.constant 1 : i32
      %dma_start3A_723 = arith.constant 0 : i32
      %dma_start3A_724 = arith.constant 0 : i32
      %dma_start3A_725 = tpu.memref_slice %arg9[%dma_start3A_719, %dma_start3A_720, %dma_start3A_723, %dma_start3A_724] : memref<2x6x128x16xf32, #tpu.memory_space<vmem>> -> memref<1x1x128x16xf32, #tpu.memory_space<vmem>>
      %dma_start3A_726 = tpu.memref_squeeze %dma_start3A_725 : memref<1x1x128x16xf32, #tpu.memory_space<vmem>> -> memref<128x16xf32, #tpu.memory_space<vmem>>
      %dma_start3A_727 = arith.constant 0 : i32
      %dma_start3A_728 = tpu.memref_slice %arg8[%dma_start3A_721, %dma_start3A_722, %dma_start3A_727] : memref<2x6x128xi32, #tpu.memory_space<vmem>> -> memref<1x1x128xi32, #tpu.memory_space<vmem>>
      %dma_start3A_729 = tpu.memref_squeeze %dma_start3A_728 : memref<1x1x128xi32, #tpu.memory_space<vmem>> -> memref<128xi32, #tpu.memory_space<vmem>>
      %dma_start3A_730 = arith.constant 0 : i32
      %dma_start3A_731 = arith.constant 0 : i32
      %dma_start3A_732 = tpu.memref_slice %arg10[%dma_start3A_730, %dma_start3A_731] : memref<100096x16xf32, #tpu.memory_space<vmem_shared>> -> memref<100096x16xf32, #tpu.memory_space<vmem_shared>>
      tpu.enqueue_indirect_dma source(%dma_start3A_726 : memref<128x16xf32, #tpu.memory_space<vmem>>) target(%dma_start3A_732 : memref<100096x16xf32, #tpu.memory_space<vmem_shared>>) offsets(%dma_start3A_729 : memref<128xi32, #tpu.memory_space<vmem>>) semaphore(%arg12 : memref<!tpu.dma_semaphore, #tpu.memory_space<semaphore_mem>>) {add = true}
      %dma_start3A_733 = arith.constant 0 : i32
      %dma_start3A_734 = arith.constant 2 : i32
      %dma_start3A_735 = arith.constant 0 : i32
      %dma_start3A_736 = arith.constant 2 : i32
      %dma_start3A_737 = arith.constant 0 : i32
      %dma_start3A_738 = arith.constant 0 : i32
      %dma_start3A_739 = tpu.memref_slice %arg9[%dma_start3A_733, %dma_start3A_734, %dma_start3A_737, %dma_start3A_738] : memref<2x6x128x16xf32, #tpu.memory_space<vmem>> -> memref<1x1x128x16xf32, #tpu.memory_space<vmem>>
      %dma_start3A_740 = tpu.memref_squeeze %dma_start3A_739 : memref<1x1x128x16xf32, #tpu.memory_space<vmem>> -> memref<128x16xf32, #tpu.memory_space<vmem>>
      %dma_start3A_741 = arith.constant 0 : i32
      %dma_start3A_742 = tpu.memref_slice %arg8[%dma_start3A_735, %dma_start3A_736, %dma_start3A_741] : memref<2x6x128xi32, #tpu.memory_space<vmem>> -> memref<1x1x128xi32, #tpu.memory_space<vmem>>
      %dma_start3A_743 = tpu.memref_squeeze %dma_start3A_742 : memref<1x1x128xi32, #tpu.memory_space<vmem>> -> memref<128xi32, #tpu.memory_space<vmem>>
      %dma_start3A_744 = arith.constant 0 : i32
      %dma_start3A_745 = arith.constant 0 : i32
      %dma_start3A_746 = tpu.memref_slice %arg10[%dma_start3A_744, %dma_start3A_745] : memref<100096x16xf32, #tpu.memory_space<vmem_shared>> -> memref<100096x16xf32, #tpu.memory_space<vmem_shared>>
      tpu.enqueue_indirect_dma source(%dma_start3A_740 : memref<128x16xf32, #tpu.memory_space<vmem>>) target(%dma_start3A_746 : memref<100096x16xf32, #tpu.memory_space<vmem_shared>>) offsets(%dma_start3A_743 : memref<128xi32, #tpu.memory_space<vmem>>) semaphore(%arg12 : memref<!tpu.dma_semaphore, #tpu.memory_space<semaphore_mem>>) {add = true}
      %dma_start3A_747 = arith.constant 0 : i32
      %dma_start3A_748 = arith.constant 3 : i32
      %dma_start3A_749 = arith.constant 0 : i32
      %dma_start3A_750 = arith.constant 3 : i32
      %dma_start3A_751 = arith.constant 0 : i32
      %dma_start3A_752 = arith.constant 0 : i32
      %dma_start3A_753 = tpu.memref_slice %arg9[%dma_start3A_747, %dma_start3A_748, %dma_start3A_751, %dma_start3A_752] : memref<2x6x128x16xf32, #tpu.memory_space<vmem>> -> memref<1x1x128x16xf32, #tpu.memory_space<vmem>>
      %dma_start3A_754 = tpu.memref_squeeze %dma_start3A_753 : memref<1x1x128x16xf32, #tpu.memory_space<vmem>> -> memref<128x16xf32, #tpu.memory_space<vmem>>
      %dma_start3A_755 = arith.constant 0 : i32
      %dma_start3A_756 = tpu.memref_slice %arg8[%dma_start3A_749, %dma_start3A_750, %dma_start3A_755] : memref<2x6x128xi32, #tpu.memory_space<vmem>> -> memref<1x1x128xi32, #tpu.memory_space<vmem>>
      %dma_start3A_757 = tpu.memref_squeeze %dma_start3A_756 : memref<1x1x128xi32, #tpu.memory_space<vmem>> -> memref<128xi32, #tpu.memory_space<vmem>>
      %dma_start3A_758 = arith.constant 0 : i32
      %dma_start3A_759 = arith.constant 0 : i32
      %dma_start3A_760 = tpu.memref_slice %arg10[%dma_start3A_758, %dma_start3A_759] : memref<100096x16xf32, #tpu.memory_space<vmem_shared>> -> memref<100096x16xf32, #tpu.memory_space<vmem_shared>>
      tpu.enqueue_indirect_dma source(%dma_start3A_754 : memref<128x16xf32, #tpu.memory_space<vmem>>) target(%dma_start3A_760 : memref<100096x16xf32, #tpu.memory_space<vmem_shared>>) offsets(%dma_start3A_757 : memref<128xi32, #tpu.memory_space<vmem>>) semaphore(%arg12 : memref<!tpu.dma_semaphore, #tpu.memory_space<semaphore_mem>>) {add = true}
      %dma_start3A_761 = arith.constant 0 : i32
      %dma_start3A_762 = arith.constant 4 : i32
      %dma_start3A_763 = arith.constant 0 : i32
      %dma_start3A_764 = arith.constant 4 : i32
      %dma_start3A_765 = arith.constant 0 : i32
      %dma_start3A_766 = arith.constant 0 : i32
      %dma_start3A_767 = tpu.memref_slice %arg9[%dma_start3A_761, %dma_start3A_762, %dma_start3A_765, %dma_start3A_766] : memref<2x6x128x16xf32, #tpu.memory_space<vmem>> -> memref<1x1x128x16xf32, #tpu.memory_space<vmem>>
      %dma_start3A_768 = tpu.memref_squeeze %dma_start3A_767 : memref<1x1x128x16xf32, #tpu.memory_space<vmem>> -> memref<128x16xf32, #tpu.memory_space<vmem>>
      %dma_start3A_769 = arith.constant 0 : i32
      %dma_start3A_770 = tpu.memref_slice %arg8[%dma_start3A_763, %dma_start3A_764, %dma_start3A_769] : memref<2x6x128xi32, #tpu.memory_space<vmem>> -> memref<1x1x128xi32, #tpu.memory_space<vmem>>
      %dma_start3A_771 = tpu.memref_squeeze %dma_start3A_770 : memref<1x1x128xi32, #tpu.memory_space<vmem>> -> memref<128xi32, #tpu.memory_space<vmem>>
      %dma_start3A_772 = arith.constant 0 : i32
      %dma_start3A_773 = arith.constant 0 : i32
      %dma_start3A_774 = tpu.memref_slice %arg10[%dma_start3A_772, %dma_start3A_773] : memref<100096x16xf32, #tpu.memory_space<vmem_shared>> -> memref<100096x16xf32, #tpu.memory_space<vmem_shared>>
      tpu.enqueue_indirect_dma source(%dma_start3A_768 : memref<128x16xf32, #tpu.memory_space<vmem>>) target(%dma_start3A_774 : memref<100096x16xf32, #tpu.memory_space<vmem_shared>>) offsets(%dma_start3A_771 : memref<128xi32, #tpu.memory_space<vmem>>) semaphore(%arg12 : memref<!tpu.dma_semaphore, #tpu.memory_space<semaphore_mem>>) {add = true}
      %dma_start3A_775 = arith.constant 0 : i32
      %dma_start3A_776 = arith.constant 5 : i32
      %dma_start3A_777 = arith.constant 0 : i32
      %dma_start3A_778 = arith.constant 5 : i32
      %dma_start3A_779 = arith.constant 0 : i32
      %dma_start3A_780 = arith.constant 0 : i32
      %dma_start3A_781 = tpu.memref_slice %arg9[%dma_start3A_775, %dma_start3A_776, %dma_start3A_779, %dma_start3A_780] : memref<2x6x128x16xf32, #tpu.memory_space<vmem>> -> memref<1x1x128x16xf32, #tpu.memory_space<vmem>>
      %dma_start3A_782 = tpu.memref_squeeze %dma_start3A_781 : memref<1x1x128x16xf32, #tpu.memory_space<vmem>> -> memref<128x16xf32, #tpu.memory_space<vmem>>
      %dma_start3A_783 = arith.constant 0 : i32
      %dma_start3A_784 = tpu.memref_slice %arg8[%dma_start3A_777, %dma_start3A_778, %dma_start3A_783] : memref<2x6x128xi32, #tpu.memory_space<vmem>> -> memref<1x1x128xi32, #tpu.memory_space<vmem>>
      %dma_start3A_785 = tpu.memref_squeeze %dma_start3A_784 : memref<1x1x128xi32, #tpu.memory_space<vmem>> -> memref<128xi32, #tpu.memory_space<vmem>>
      %dma_start3A_786 = arith.constant 0 : i32
      %dma_start3A_787 = arith.constant 0 : i32
      %dma_start3A_788 = tpu.memref_slice %arg10[%dma_start3A_786, %dma_start3A_787] : memref<100096x16xf32, #tpu.memory_space<vmem_shared>> -> memref<100096x16xf32, #tpu.memory_space<vmem_shared>>
      tpu.enqueue_indirect_dma source(%dma_start3A_782 : memref<128x16xf32, #tpu.memory_space<vmem>>) target(%dma_start3A_788 : memref<100096x16xf32, #tpu.memory_space<vmem_shared>>) offsets(%dma_start3A_785 : memref<128xi32, #tpu.memory_space<vmem>>) semaphore(%arg12 : memref<!tpu.dma_semaphore, #tpu.memory_space<semaphore_mem>>) {add = true}
      %dma_wait3A_789 = arith.constant 0 : i32
      %dma_wait3A_790 = arith.constant 0 : i32
      %dma_wait3A_791 = arith.constant 0 : i32
      %dma_wait3A_792 = arith.constant 0 : i32
      %dma_wait3A_793 = arith.constant 0 : i32
      %dma_wait3A_794 = arith.constant 0 : i32
      %dma_wait3A_795 = tpu.memref_slice %arg9[%dma_wait3A_789, %dma_wait3A_790, %dma_wait3A_793, %dma_wait3A_794] : memref<2x6x128x16xf32, #tpu.memory_space<vmem>> -> memref<1x1x128x16xf32, #tpu.memory_space<vmem>>
      %dma_wait3A_796 = tpu.memref_squeeze %dma_wait3A_795 : memref<1x1x128x16xf32, #tpu.memory_space<vmem>> -> memref<128x16xf32, #tpu.memory_space<vmem>>
      %dma_wait3A_797 = arith.constant 0 : i32
      %dma_wait3A_798 = tpu.memref_slice %arg8[%dma_wait3A_791, %dma_wait3A_792, %dma_wait3A_797] : memref<2x6x128xi32, #tpu.memory_space<vmem>> -> memref<1x1x128xi32, #tpu.memory_space<vmem>>
      %dma_wait3A_799 = tpu.memref_squeeze %dma_wait3A_798 : memref<1x1x128xi32, #tpu.memory_space<vmem>> -> memref<128xi32, #tpu.memory_space<vmem>>
      %dma_wait3A_800 = arith.constant 0 : i32
      %dma_wait3A_801 = arith.constant 0 : i32
      %dma_wait3A_802 = tpu.memref_slice %arg10[%dma_wait3A_800, %dma_wait3A_801] : memref<100096x16xf32, #tpu.memory_space<vmem_shared>> -> memref<100096x16xf32, #tpu.memory_space<vmem_shared>>
      tpu.wait_indirect_dma semaphore(%arg12 : memref<!tpu.dma_semaphore, #tpu.memory_space<semaphore_mem>>) src(%dma_wait3A_796 : memref<128x16xf32, #tpu.memory_space<vmem>>) dst(%dma_wait3A_802 : memref<100096x16xf32, #tpu.memory_space<vmem_shared>>)
      %dma_wait3A_803 = arith.constant 0 : i32
      %dma_wait3A_804 = arith.constant 1 : i32
      %dma_wait3A_805 = arith.constant 0 : i32
      %dma_wait3A_806 = arith.constant 1 : i32
      %dma_wait3A_807 = arith.constant 0 : i32
      %dma_wait3A_808 = arith.constant 0 : i32
      %dma_wait3A_809 = tpu.memref_slice %arg9[%dma_wait3A_803, %dma_wait3A_804, %dma_wait3A_807, %dma_wait3A_808] : memref<2x6x128x16xf32, #tpu.memory_space<vmem>> -> memref<1x1x128x16xf32, #tpu.memory_space<vmem>>
      %dma_wait3A_810 = tpu.memref_squeeze %dma_wait3A_809 : memref<1x1x128x16xf32, #tpu.memory_space<vmem>> -> memref<128x16xf32, #tpu.memory_space<vmem>>
      %dma_wait3A_811 = arith.constant 0 : i32
      %dma_wait3A_812 = tpu.memref_slice %arg8[%dma_wait3A_805, %dma_wait3A_806, %dma_wait3A_811] : memref<2x6x128xi32, #tpu.memory_space<vmem>> -> memref<1x1x128xi32, #tpu.memory_space<vmem>>
      %dma_wait3A_813 = tpu.memref_squeeze %dma_wait3A_812 : memref<1x1x128xi32, #tpu.memory_space<vmem>> -> memref<128xi32, #tpu.memory_space<vmem>>
      %dma_wait3A_814 = arith.constant 0 : i32
      %dma_wait3A_815 = arith.constant 0 : i32
      %dma_wait3A_816 = tpu.memref_slice %arg10[%dma_wait3A_814, %dma_wait3A_815] : memref<100096x16xf32, #tpu.memory_space<vmem_shared>> -> memref<100096x16xf32, #tpu.memory_space<vmem_shared>>
      tpu.wait_indirect_dma semaphore(%arg12 : memref<!tpu.dma_semaphore, #tpu.memory_space<semaphore_mem>>) src(%dma_wait3A_810 : memref<128x16xf32, #tpu.memory_space<vmem>>) dst(%dma_wait3A_816 : memref<100096x16xf32, #tpu.memory_space<vmem_shared>>)
      %dma_wait3A_817 = arith.constant 0 : i32
      %dma_wait3A_818 = arith.constant 2 : i32
      %dma_wait3A_819 = arith.constant 0 : i32
      %dma_wait3A_820 = arith.constant 2 : i32
      %dma_wait3A_821 = arith.constant 0 : i32
      %dma_wait3A_822 = arith.constant 0 : i32
      %dma_wait3A_823 = tpu.memref_slice %arg9[%dma_wait3A_817, %dma_wait3A_818, %dma_wait3A_821, %dma_wait3A_822] : memref<2x6x128x16xf32, #tpu.memory_space<vmem>> -> memref<1x1x128x16xf32, #tpu.memory_space<vmem>>
      %dma_wait3A_824 = tpu.memref_squeeze %dma_wait3A_823 : memref<1x1x128x16xf32, #tpu.memory_space<vmem>> -> memref<128x16xf32, #tpu.memory_space<vmem>>
      %dma_wait3A_825 = arith.constant 0 : i32
      %dma_wait3A_826 = tpu.memref_slice %arg8[%dma_wait3A_819, %dma_wait3A_820, %dma_wait3A_825] : memref<2x6x128xi32, #tpu.memory_space<vmem>> -> memref<1x1x128xi32, #tpu.memory_space<vmem>>
      %dma_wait3A_827 = tpu.memref_squeeze %dma_wait3A_826 : memref<1x1x128xi32, #tpu.memory_space<vmem>> -> memref<128xi32, #tpu.memory_space<vmem>>
      %dma_wait3A_828 = arith.constant 0 : i32
      %dma_wait3A_829 = arith.constant 0 : i32
      %dma_wait3A_830 = tpu.memref_slice %arg10[%dma_wait3A_828, %dma_wait3A_829] : memref<100096x16xf32, #tpu.memory_space<vmem_shared>> -> memref<100096x16xf32, #tpu.memory_space<vmem_shared>>
      tpu.wait_indirect_dma semaphore(%arg12 : memref<!tpu.dma_semaphore, #tpu.memory_space<semaphore_mem>>) src(%dma_wait3A_824 : memref<128x16xf32, #tpu.memory_space<vmem>>) dst(%dma_wait3A_830 : memref<100096x16xf32, #tpu.memory_space<vmem_shared>>)
      %dma_wait3A_831 = arith.constant 0 : i32
      %dma_wait3A_832 = arith.constant 3 : i32
      %dma_wait3A_833 = arith.constant 0 : i32
      %dma_wait3A_834 = arith.constant 3 : i32
      %dma_wait3A_835 = arith.constant 0 : i32
      %dma_wait3A_836 = arith.constant 0 : i32
      %dma_wait3A_837 = tpu.memref_slice %arg9[%dma_wait3A_831, %dma_wait3A_832, %dma_wait3A_835, %dma_wait3A_836] : memref<2x6x128x16xf32, #tpu.memory_space<vmem>> -> memref<1x1x128x16xf32, #tpu.memory_space<vmem>>
      %dma_wait3A_838 = tpu.memref_squeeze %dma_wait3A_837 : memref<1x1x128x16xf32, #tpu.memory_space<vmem>> -> memref<128x16xf32, #tpu.memory_space<vmem>>
      %dma_wait3A_839 = arith.constant 0 : i32
      %dma_wait3A_840 = tpu.memref_slice %arg8[%dma_wait3A_833, %dma_wait3A_834, %dma_wait3A_839] : memref<2x6x128xi32, #tpu.memory_space<vmem>> -> memref<1x1x128xi32, #tpu.memory_space<vmem>>
      %dma_wait3A_841 = tpu.memref_squeeze %dma_wait3A_840 : memref<1x1x128xi32, #tpu.memory_space<vmem>> -> memref<128xi32, #tpu.memory_space<vmem>>
      %dma_wait3A_842 = arith.constant 0 : i32
      %dma_wait3A_843 = arith.constant 0 : i32
      %dma_wait3A_844 = tpu.memref_slice %arg10[%dma_wait3A_842, %dma_wait3A_843] : memref<100096x16xf32, #tpu.memory_space<vmem_shared>> -> memref<100096x16xf32, #tpu.memory_space<vmem_shared>>
      tpu.wait_indirect_dma semaphore(%arg12 : memref<!tpu.dma_semaphore, #tpu.memory_space<semaphore_mem>>) src(%dma_wait3A_838 : memref<128x16xf32, #tpu.memory_space<vmem>>) dst(%dma_wait3A_844 : memref<100096x16xf32, #tpu.memory_space<vmem_shared>>)
      %dma_wait3A_845 = arith.constant 0 : i32
      %dma_wait3A_846 = arith.constant 4 : i32
      %dma_wait3A_847 = arith.constant 0 : i32
      %dma_wait3A_848 = arith.constant 4 : i32
      %dma_wait3A_849 = arith.constant 0 : i32
      %dma_wait3A_850 = arith.constant 0 : i32
      %dma_wait3A_851 = tpu.memref_slice %arg9[%dma_wait3A_845, %dma_wait3A_846, %dma_wait3A_849, %dma_wait3A_850] : memref<2x6x128x16xf32, #tpu.memory_space<vmem>> -> memref<1x1x128x16xf32, #tpu.memory_space<vmem>>
      %dma_wait3A_852 = tpu.memref_squeeze %dma_wait3A_851 : memref<1x1x128x16xf32, #tpu.memory_space<vmem>> -> memref<128x16xf32, #tpu.memory_space<vmem>>
      %dma_wait3A_853 = arith.constant 0 : i32
      %dma_wait3A_854 = tpu.memref_slice %arg8[%dma_wait3A_847, %dma_wait3A_848, %dma_wait3A_853] : memref<2x6x128xi32, #tpu.memory_space<vmem>> -> memref<1x1x128xi32, #tpu.memory_space<vmem>>
      %dma_wait3A_855 = tpu.memref_squeeze %dma_wait3A_854 : memref<1x1x128xi32, #tpu.memory_space<vmem>> -> memref<128xi32, #tpu.memory_space<vmem>>
      %dma_wait3A_856 = arith.constant 0 : i32
      %dma_wait3A_857 = arith.constant 0 : i32
      %dma_wait3A_858 = tpu.memref_slice %arg10[%dma_wait3A_856, %dma_wait3A_857] : memref<100096x16xf32, #tpu.memory_space<vmem_shared>> -> memref<100096x16xf32, #tpu.memory_space<vmem_shared>>
      tpu.wait_indirect_dma semaphore(%arg12 : memref<!tpu.dma_semaphore, #tpu.memory_space<semaphore_mem>>) src(%dma_wait3A_852 : memref<128x16xf32, #tpu.memory_space<vmem>>) dst(%dma_wait3A_858 : memref<100096x16xf32, #tpu.memory_space<vmem_shared>>)
      %dma_wait3A_859 = arith.constant 0 : i32
      %dma_wait3A_860 = arith.constant 5 : i32
      %dma_wait3A_861 = arith.constant 0 : i32
      %dma_wait3A_862 = arith.constant 5 : i32
      %dma_wait3A_863 = arith.constant 0 : i32
      %dma_wait3A_864 = arith.constant 0 : i32
      %dma_wait3A_865 = tpu.memref_slice %arg9[%dma_wait3A_859, %dma_wait3A_860, %dma_wait3A_863, %dma_wait3A_864] : memref<2x6x128x16xf32, #tpu.memory_space<vmem>> -> memref<1x1x128x16xf32, #tpu.memory_space<vmem>>
      %dma_wait3A_866 = tpu.memref_squeeze %dma_wait3A_865 : memref<1x1x128x16xf32, #tpu.memory_space<vmem>> -> memref<128x16xf32, #tpu.memory_space<vmem>>
      %dma_wait3A_867 = arith.constant 0 : i32
      %dma_wait3A_868 = tpu.memref_slice %arg8[%dma_wait3A_861, %dma_wait3A_862, %dma_wait3A_867] : memref<2x6x128xi32, #tpu.memory_space<vmem>> -> memref<1x1x128xi32, #tpu.memory_space<vmem>>
      %dma_wait3A_869 = tpu.memref_squeeze %dma_wait3A_868 : memref<1x1x128xi32, #tpu.memory_space<vmem>> -> memref<128xi32, #tpu.memory_space<vmem>>
      %dma_wait3A_870 = arith.constant 0 : i32
      %dma_wait3A_871 = arith.constant 0 : i32
      %dma_wait3A_872 = tpu.memref_slice %arg10[%dma_wait3A_870, %dma_wait3A_871] : memref<100096x16xf32, #tpu.memory_space<vmem_shared>> -> memref<100096x16xf32, #tpu.memory_space<vmem_shared>>
      tpu.wait_indirect_dma semaphore(%arg12 : memref<!tpu.dma_semaphore, #tpu.memory_space<semaphore_mem>>) src(%dma_wait3A_866 : memref<128x16xf32, #tpu.memory_space<vmem>>) dst(%dma_wait3A_872 : memref<100096x16xf32, #tpu.memory_space<vmem_shared>>)
      %mul3A_873 = arith.constant 2 : i32
      %mul3A_874 = arith.muli %mul3A_873, %scan3A_477 : i32
      %add3A_875 = arith.constant 2 : i32
      %add3A_876 = arith.addi %mul3A_874, %add3A_875 : i32
      %mul3A_877 = arith.constant 6 : i32
      %mul3A_878 = arith.muli %add3A_876, %mul3A_877 : i32
      %add3A_879 = arith.addi %mul3A_2, %mul3A_878 : i32
      %run_scoped3A_880 = arith.constant 0 : i32
      "tpu.region"() ({
        %run_scoped3A_1182 = tpu.sem_alloc : memref<!tpu.dma_semaphore, #tpu.memory_space<semaphore_mem>>
        %dma_start3A_1183 = arith.constant 0 : i32
        %dma_start3A_1184 = arith.constant 0 : i32
        %dma_start3A_1185 = tpu.memref_slice %arg7[%run_scoped3A_880, %dma_start3A_1183, %dma_start3A_1184] : memref<2x6x128xi32, #tpu.memory_space<vmem>> -> memref<1x6x128xi32, #tpu.memory_space<vmem>>
        %dma_start3A_1186 = tpu.memref_squeeze %dma_start3A_1185 : memref<1x6x128xi32, #tpu.memory_space<vmem>> -> memref<6x128xi32, #tpu.memory_space<vmem>>
        %dma_start3A_1187 = arith.constant 0 : i32
        %dma_start3A_1188 = tpu.memref_slice %arg3[%add3A_879, %dma_start3A_1187] : memref<12576x128xi32, #tpu.memory_space<hbm>> -> memref<6x128xi32, #tpu.memory_space<hbm>>
        %dma_start3A_1189 = arith.constant 0 : i32
        %dma_start3A_1190 = arith.constant 0 : i32
        %dma_start3A_1191 = tpu.memref_slice %arg7[%run_scoped3A_880, %dma_start3A_1189, %dma_start3A_1190] : memref<2x6x128xi32, #tpu.memory_space<vmem>> -> memref<1x6x128xi32, #tpu.memory_space<vmem>>
        %dma_start3A_1192 = tpu.memref_squeeze %dma_start3A_1191 : memref<1x6x128xi32, #tpu.memory_space<vmem>> -> memref<6x128xi32, #tpu.memory_space<vmem>>
        %dma_start3A_1193 = arith.constant 0 : i32
        %dma_start3A_1194 = tpu.memref_slice %arg3[%add3A_879, %dma_start3A_1193] : memref<12576x128xi32, #tpu.memory_space<hbm>> -> memref<6x128xi32, #tpu.memory_space<hbm>>
        tpu.enqueue_dma source(%dma_start3A_1194 : memref<6x128xi32, #tpu.memory_space<hbm>>) target(%dma_start3A_1192 : memref<6x128xi32, #tpu.memory_space<vmem>>) target_semaphore(%run_scoped3A_1182 : memref<!tpu.dma_semaphore, #tpu.memory_space<semaphore_mem>>)
        %dma_wait3A_1195 = arith.constant 0 : i32
        %dma_wait3A_1196 = arith.constant 0 : i32
        %dma_wait3A_1197 = tpu.memref_slice %arg7[%run_scoped3A_880, %dma_wait3A_1195, %dma_wait3A_1196] : memref<2x6x128xi32, #tpu.memory_space<vmem>> -> memref<1x6x128xi32, #tpu.memory_space<vmem>>
        %dma_wait3A_1198 = tpu.memref_squeeze %dma_wait3A_1197 : memref<1x6x128xi32, #tpu.memory_space<vmem>> -> memref<6x128xi32, #tpu.memory_space<vmem>>
        %dma_wait3A_1199 = arith.constant 0 : i32
        %dma_wait3A_1200 = tpu.memref_slice %arg3[%add3A_879, %dma_wait3A_1199] : memref<12576x128xi32, #tpu.memory_space<hbm>> -> memref<6x128xi32, #tpu.memory_space<hbm>>
        %dma_wait3A_1201 = arith.constant 0 : i32
        %dma_wait3A_1202 = arith.constant 0 : i32
        %dma_wait3A_1203 = tpu.memref_slice %arg7[%run_scoped3A_880, %dma_wait3A_1201, %dma_wait3A_1202] : memref<2x6x128xi32, #tpu.memory_space<vmem>> -> memref<1x6x128xi32, #tpu.memory_space<vmem>>
        %dma_wait3A_1204 = tpu.memref_squeeze %dma_wait3A_1203 : memref<1x6x128xi32, #tpu.memory_space<vmem>> -> memref<6x128xi32, #tpu.memory_space<vmem>>
        %dma_wait3A_1205 = arith.constant 0 : i32
        %dma_wait3A_1206 = tpu.memref_slice %arg3[%add3A_879, %dma_wait3A_1205] : memref<12576x128xi32, #tpu.memory_space<hbm>> -> memref<6x128xi32, #tpu.memory_space<hbm>>
        tpu.wait_dma2 semaphore(%run_scoped3A_1182 : memref<!tpu.dma_semaphore, #tpu.memory_space<semaphore_mem>>) src(%dma_wait3A_1206 : memref<6x128xi32, #tpu.memory_space<hbm>>) dst(%dma_wait3A_1204 : memref<6x128xi32, #tpu.memory_space<vmem>>)
        tpu.yield
      }) : () -> ()
      %run_scoped3A_881 = arith.constant 0 : i32
      "tpu.region"() ({
        %run_scoped3A_1182 = tpu.sem_alloc : memref<!tpu.dma_semaphore, #tpu.memory_space<semaphore_mem>>
        %dma_start3A_1183 = arith.constant 0 : i32
        %dma_start3A_1184 = arith.constant 0 : i32
        %dma_start3A_1185 = tpu.memref_slice %arg8[%run_scoped3A_881, %dma_start3A_1183, %dma_start3A_1184] : memref<2x6x128xi32, #tpu.memory_space<vmem>> -> memref<1x6x128xi32, #tpu.memory_space<vmem>>
        %dma_start3A_1186 = tpu.memref_squeeze %dma_start3A_1185 : memref<1x6x128xi32, #tpu.memory_space<vmem>> -> memref<6x128xi32, #tpu.memory_space<vmem>>
        %dma_start3A_1187 = arith.constant 0 : i32
        %dma_start3A_1188 = tpu.memref_slice %arg4[%add3A_879, %dma_start3A_1187] : memref<12576x128xi32, #tpu.memory_space<hbm>> -> memref<6x128xi32, #tpu.memory_space<hbm>>
        %dma_start3A_1189 = arith.constant 0 : i32
        %dma_start3A_1190 = arith.constant 0 : i32
        %dma_start3A_1191 = tpu.memref_slice %arg8[%run_scoped3A_881, %dma_start3A_1189, %dma_start3A_1190] : memref<2x6x128xi32, #tpu.memory_space<vmem>> -> memref<1x6x128xi32, #tpu.memory_space<vmem>>
        %dma_start3A_1192 = tpu.memref_squeeze %dma_start3A_1191 : memref<1x6x128xi32, #tpu.memory_space<vmem>> -> memref<6x128xi32, #tpu.memory_space<vmem>>
        %dma_start3A_1193 = arith.constant 0 : i32
        %dma_start3A_1194 = tpu.memref_slice %arg4[%add3A_879, %dma_start3A_1193] : memref<12576x128xi32, #tpu.memory_space<hbm>> -> memref<6x128xi32, #tpu.memory_space<hbm>>
        tpu.enqueue_dma source(%dma_start3A_1194 : memref<6x128xi32, #tpu.memory_space<hbm>>) target(%dma_start3A_1192 : memref<6x128xi32, #tpu.memory_space<vmem>>) target_semaphore(%run_scoped3A_1182 : memref<!tpu.dma_semaphore, #tpu.memory_space<semaphore_mem>>)
        %dma_wait3A_1195 = arith.constant 0 : i32
        %dma_wait3A_1196 = arith.constant 0 : i32
        %dma_wait3A_1197 = tpu.memref_slice %arg8[%run_scoped3A_881, %dma_wait3A_1195, %dma_wait3A_1196] : memref<2x6x128xi32, #tpu.memory_space<vmem>> -> memref<1x6x128xi32, #tpu.memory_space<vmem>>
        %dma_wait3A_1198 = tpu.memref_squeeze %dma_wait3A_1197 : memref<1x6x128xi32, #tpu.memory_space<vmem>> -> memref<6x128xi32, #tpu.memory_space<vmem>>
        %dma_wait3A_1199 = arith.constant 0 : i32
        %dma_wait3A_1200 = tpu.memref_slice %arg4[%add3A_879, %dma_wait3A_1199] : memref<12576x128xi32, #tpu.memory_space<hbm>> -> memref<6x128xi32, #tpu.memory_space<hbm>>
        %dma_wait3A_1201 = arith.constant 0 : i32
        %dma_wait3A_1202 = arith.constant 0 : i32
        %dma_wait3A_1203 = tpu.memref_slice %arg8[%run_scoped3A_881, %dma_wait3A_1201, %dma_wait3A_1202] : memref<2x6x128xi32, #tpu.memory_space<vmem>> -> memref<1x6x128xi32, #tpu.memory_space<vmem>>
        %dma_wait3A_1204 = tpu.memref_squeeze %dma_wait3A_1203 : memref<1x6x128xi32, #tpu.memory_space<vmem>> -> memref<6x128xi32, #tpu.memory_space<vmem>>
        %dma_wait3A_1205 = arith.constant 0 : i32
        %dma_wait3A_1206 = tpu.memref_slice %arg4[%add3A_879, %dma_wait3A_1205] : memref<12576x128xi32, #tpu.memory_space<hbm>> -> memref<6x128xi32, #tpu.memory_space<hbm>>
        tpu.wait_dma2 semaphore(%run_scoped3A_1182 : memref<!tpu.dma_semaphore, #tpu.memory_space<semaphore_mem>>) src(%dma_wait3A_1206 : memref<6x128xi32, #tpu.memory_space<hbm>>) dst(%dma_wait3A_1204 : memref<6x128xi32, #tpu.memory_space<vmem>>)
        tpu.yield
      }) : () -> ()
      %dma_start3A_882 = arith.constant 0 : i32
      %dma_start3A_883 = arith.constant 0 : i32
      %dma_start3A_884 = arith.constant 0 : i32
      %dma_start3A_885 = arith.constant 0 : i32
      %dma_start3A_886 = arith.constant 0 : i32
      %dma_start3A_887 = arith.constant 0 : i32
      %dma_start3A_888 = tpu.memref_slice %arg9[%dma_start3A_884, %dma_start3A_885, %dma_start3A_886, %dma_start3A_887] : memref<2x6x128x16xf32, #tpu.memory_space<vmem>> -> memref<1x1x128x16xf32, #tpu.memory_space<vmem>>
      %dma_start3A_889 = tpu.memref_squeeze %dma_start3A_888 : memref<1x1x128x16xf32, #tpu.memory_space<vmem>> -> memref<128x16xf32, #tpu.memory_space<vmem>>
      %dma_start3A_890 = arith.constant 0 : i32
      %dma_start3A_891 = tpu.memref_slice %arg7[%dma_start3A_882, %dma_start3A_883, %dma_start3A_890] : memref<2x6x128xi32, #tpu.memory_space<vmem>> -> memref<1x1x128xi32, #tpu.memory_space<vmem>>
      %dma_start3A_892 = tpu.memref_squeeze %dma_start3A_891 : memref<1x1x128xi32, #tpu.memory_space<vmem>> -> memref<128xi32, #tpu.memory_space<vmem>>
      %dma_start3A_893 = arith.constant 0 : i32
      %dma_start3A_894 = arith.constant 0 : i32
      %dma_start3A_895 = tpu.memref_slice %arg2[%arg0, %dma_start3A_893, %dma_start3A_894] : memref<2x100096x16xf32, #tpu.memory_space<hbm>> -> memref<1x100096x16xf32, #tpu.memory_space<hbm>>
      %dma_start3A_896 = tpu.memref_squeeze %dma_start3A_895 : memref<1x100096x16xf32, #tpu.memory_space<hbm>> -> memref<100096x16xf32, #tpu.memory_space<hbm>>
      %dma_start3A_897 = arith.constant 0 : i32
      %dma_start3A_898 = arith.constant 0 : i32
      %dma_start3A_899 = tpu.memref_slice %dma_start3A_896[%dma_start3A_897, %dma_start3A_898] : memref<100096x16xf32, #tpu.memory_space<hbm>> -> memref<100096x16xf32, #tpu.memory_space<hbm>>
      tpu.enqueue_indirect_dma source(%dma_start3A_899 : memref<100096x16xf32, #tpu.memory_space<hbm>>) target(%dma_start3A_889 : memref<128x16xf32, #tpu.memory_space<vmem>>) offsets(%dma_start3A_892 : memref<128xi32, #tpu.memory_space<vmem>>) semaphore(%arg11 : memref<!tpu.dma_semaphore, #tpu.memory_space<semaphore_mem>>)
      %dma_start3A_900 = arith.constant 0 : i32
      %dma_start3A_901 = arith.constant 1 : i32
      %dma_start3A_902 = arith.constant 0 : i32
      %dma_start3A_903 = arith.constant 1 : i32
      %dma_start3A_904 = arith.constant 0 : i32
      %dma_start3A_905 = arith.constant 0 : i32
      %dma_start3A_906 = tpu.memref_slice %arg9[%dma_start3A_902, %dma_start3A_903, %dma_start3A_904, %dma_start3A_905] : memref<2x6x128x16xf32, #tpu.memory_space<vmem>> -> memref<1x1x128x16xf32, #tpu.memory_space<vmem>>
      %dma_start3A_907 = tpu.memref_squeeze %dma_start3A_906 : memref<1x1x128x16xf32, #tpu.memory_space<vmem>> -> memref<128x16xf32, #tpu.memory_space<vmem>>
      %dma_start3A_908 = arith.constant 0 : i32
      %dma_start3A_909 = tpu.memref_slice %arg7[%dma_start3A_900, %dma_start3A_901, %dma_start3A_908] : memref<2x6x128xi32, #tpu.memory_space<vmem>> -> memref<1x1x128xi32, #tpu.memory_space<vmem>>
      %dma_start3A_910 = tpu.memref_squeeze %dma_start3A_909 : memref<1x1x128xi32, #tpu.memory_space<vmem>> -> memref<128xi32, #tpu.memory_space<vmem>>
      %dma_start3A_911 = arith.constant 0 : i32
      %dma_start3A_912 = arith.constant 0 : i32
      %dma_start3A_913 = tpu.memref_slice %arg2[%arg0, %dma_start3A_911, %dma_start3A_912] : memref<2x100096x16xf32, #tpu.memory_space<hbm>> -> memref<1x100096x16xf32, #tpu.memory_space<hbm>>
      %dma_start3A_914 = tpu.memref_squeeze %dma_start3A_913 : memref<1x100096x16xf32, #tpu.memory_space<hbm>> -> memref<100096x16xf32, #tpu.memory_space<hbm>>
      %dma_start3A_915 = arith.constant 0 : i32
      %dma_start3A_916 = arith.constant 0 : i32
      %dma_start3A_917 = tpu.memref_slice %dma_start3A_914[%dma_start3A_915, %dma_start3A_916] : memref<100096x16xf32, #tpu.memory_space<hbm>> -> memref<100096x16xf32, #tpu.memory_space<hbm>>
      tpu.enqueue_indirect_dma source(%dma_start3A_917 : memref<100096x16xf32, #tpu.memory_space<hbm>>) target(%dma_start3A_907 : memref<128x16xf32, #tpu.memory_space<vmem>>) offsets(%dma_start3A_910 : memref<128xi32, #tpu.memory_space<vmem>>) semaphore(%arg11 : memref<!tpu.dma_semaphore, #tpu.memory_space<semaphore_mem>>)
      %dma_start3A_918 = arith.constant 0 : i32
      %dma_start3A_919 = arith.constant 2 : i32
      %dma_start3A_920 = arith.constant 0 : i32
      %dma_start3A_921 = arith.constant 2 : i32
      %dma_start3A_922 = arith.constant 0 : i32
      %dma_start3A_923 = arith.constant 0 : i32
      %dma_start3A_924 = tpu.memref_slice %arg9[%dma_start3A_920, %dma_start3A_921, %dma_start3A_922, %dma_start3A_923] : memref<2x6x128x16xf32, #tpu.memory_space<vmem>> -> memref<1x1x128x16xf32, #tpu.memory_space<vmem>>
      %dma_start3A_925 = tpu.memref_squeeze %dma_start3A_924 : memref<1x1x128x16xf32, #tpu.memory_space<vmem>> -> memref<128x16xf32, #tpu.memory_space<vmem>>
      %dma_start3A_926 = arith.constant 0 : i32
      %dma_start3A_927 = tpu.memref_slice %arg7[%dma_start3A_918, %dma_start3A_919, %dma_start3A_926] : memref<2x6x128xi32, #tpu.memory_space<vmem>> -> memref<1x1x128xi32, #tpu.memory_space<vmem>>
      %dma_start3A_928 = tpu.memref_squeeze %dma_start3A_927 : memref<1x1x128xi32, #tpu.memory_space<vmem>> -> memref<128xi32, #tpu.memory_space<vmem>>
      %dma_start3A_929 = arith.constant 0 : i32
      %dma_start3A_930 = arith.constant 0 : i32
      %dma_start3A_931 = tpu.memref_slice %arg2[%arg0, %dma_start3A_929, %dma_start3A_930] : memref<2x100096x16xf32, #tpu.memory_space<hbm>> -> memref<1x100096x16xf32, #tpu.memory_space<hbm>>
      %dma_start3A_932 = tpu.memref_squeeze %dma_start3A_931 : memref<1x100096x16xf32, #tpu.memory_space<hbm>> -> memref<100096x16xf32, #tpu.memory_space<hbm>>
      %dma_start3A_933 = arith.constant 0 : i32
      %dma_start3A_934 = arith.constant 0 : i32
      %dma_start3A_935 = tpu.memref_slice %dma_start3A_932[%dma_start3A_933, %dma_start3A_934] : memref<100096x16xf32, #tpu.memory_space<hbm>> -> memref<100096x16xf32, #tpu.memory_space<hbm>>
      tpu.enqueue_indirect_dma source(%dma_start3A_935 : memref<100096x16xf32, #tpu.memory_space<hbm>>) target(%dma_start3A_925 : memref<128x16xf32, #tpu.memory_space<vmem>>) offsets(%dma_start3A_928 : memref<128xi32, #tpu.memory_space<vmem>>) semaphore(%arg11 : memref<!tpu.dma_semaphore, #tpu.memory_space<semaphore_mem>>)
      %dma_start3A_936 = arith.constant 0 : i32
      %dma_start3A_937 = arith.constant 3 : i32
      %dma_start3A_938 = arith.constant 0 : i32
      %dma_start3A_939 = arith.constant 3 : i32
      %dma_start3A_940 = arith.constant 0 : i32
      %dma_start3A_941 = arith.constant 0 : i32
      %dma_start3A_942 = tpu.memref_slice %arg9[%dma_start3A_938, %dma_start3A_939, %dma_start3A_940, %dma_start3A_941] : memref<2x6x128x16xf32, #tpu.memory_space<vmem>> -> memref<1x1x128x16xf32, #tpu.memory_space<vmem>>
      %dma_start3A_943 = tpu.memref_squeeze %dma_start3A_942 : memref<1x1x128x16xf32, #tpu.memory_space<vmem>> -> memref<128x16xf32, #tpu.memory_space<vmem>>
      %dma_start3A_944 = arith.constant 0 : i32
      %dma_start3A_945 = tpu.memref_slice %arg7[%dma_start3A_936, %dma_start3A_937, %dma_start3A_944] : memref<2x6x128xi32, #tpu.memory_space<vmem>> -> memref<1x1x128xi32, #tpu.memory_space<vmem>>
      %dma_start3A_946 = tpu.memref_squeeze %dma_start3A_945 : memref<1x1x128xi32, #tpu.memory_space<vmem>> -> memref<128xi32, #tpu.memory_space<vmem>>
      %dma_start3A_947 = arith.constant 0 : i32
      %dma_start3A_948 = arith.constant 0 : i32
      %dma_start3A_949 = tpu.memref_slice %arg2[%arg0, %dma_start3A_947, %dma_start3A_948] : memref<2x100096x16xf32, #tpu.memory_space<hbm>> -> memref<1x100096x16xf32, #tpu.memory_space<hbm>>
      %dma_start3A_950 = tpu.memref_squeeze %dma_start3A_949 : memref<1x100096x16xf32, #tpu.memory_space<hbm>> -> memref<100096x16xf32, #tpu.memory_space<hbm>>
      %dma_start3A_951 = arith.constant 0 : i32
      %dma_start3A_952 = arith.constant 0 : i32
      %dma_start3A_953 = tpu.memref_slice %dma_start3A_950[%dma_start3A_951, %dma_start3A_952] : memref<100096x16xf32, #tpu.memory_space<hbm>> -> memref<100096x16xf32, #tpu.memory_space<hbm>>
      tpu.enqueue_indirect_dma source(%dma_start3A_953 : memref<100096x16xf32, #tpu.memory_space<hbm>>) target(%dma_start3A_943 : memref<128x16xf32, #tpu.memory_space<vmem>>) offsets(%dma_start3A_946 : memref<128xi32, #tpu.memory_space<vmem>>) semaphore(%arg11 : memref<!tpu.dma_semaphore, #tpu.memory_space<semaphore_mem>>)
      %dma_start3A_954 = arith.constant 0 : i32
      %dma_start3A_955 = arith.constant 4 : i32
      %dma_start3A_956 = arith.constant 0 : i32
      %dma_start3A_957 = arith.constant 4 : i32
      %dma_start3A_958 = arith.constant 0 : i32
      %dma_start3A_959 = arith.constant 0 : i32
      %dma_start3A_960 = tpu.memref_slice %arg9[%dma_start3A_956, %dma_start3A_957, %dma_start3A_958, %dma_start3A_959] : memref<2x6x128x16xf32, #tpu.memory_space<vmem>> -> memref<1x1x128x16xf32, #tpu.memory_space<vmem>>
      %dma_start3A_961 = tpu.memref_squeeze %dma_start3A_960 : memref<1x1x128x16xf32, #tpu.memory_space<vmem>> -> memref<128x16xf32, #tpu.memory_space<vmem>>
      %dma_start3A_962 = arith.constant 0 : i32
      %dma_start3A_963 = tpu.memref_slice %arg7[%dma_start3A_954, %dma_start3A_955, %dma_start3A_962] : memref<2x6x128xi32, #tpu.memory_space<vmem>> -> memref<1x1x128xi32, #tpu.memory_space<vmem>>
      %dma_start3A_964 = tpu.memref_squeeze %dma_start3A_963 : memref<1x1x128xi32, #tpu.memory_space<vmem>> -> memref<128xi32, #tpu.memory_space<vmem>>
      %dma_start3A_965 = arith.constant 0 : i32
      %dma_start3A_966 = arith.constant 0 : i32
      %dma_start3A_967 = tpu.memref_slice %arg2[%arg0, %dma_start3A_965, %dma_start3A_966] : memref<2x100096x16xf32, #tpu.memory_space<hbm>> -> memref<1x100096x16xf32, #tpu.memory_space<hbm>>
      %dma_start3A_968 = tpu.memref_squeeze %dma_start3A_967 : memref<1x100096x16xf32, #tpu.memory_space<hbm>> -> memref<100096x16xf32, #tpu.memory_space<hbm>>
      %dma_start3A_969 = arith.constant 0 : i32
      %dma_start3A_970 = arith.constant 0 : i32
      %dma_start3A_971 = tpu.memref_slice %dma_start3A_968[%dma_start3A_969, %dma_start3A_970] : memref<100096x16xf32, #tpu.memory_space<hbm>> -> memref<100096x16xf32, #tpu.memory_space<hbm>>
      tpu.enqueue_indirect_dma source(%dma_start3A_971 : memref<100096x16xf32, #tpu.memory_space<hbm>>) target(%dma_start3A_961 : memref<128x16xf32, #tpu.memory_space<vmem>>) offsets(%dma_start3A_964 : memref<128xi32, #tpu.memory_space<vmem>>) semaphore(%arg11 : memref<!tpu.dma_semaphore, #tpu.memory_space<semaphore_mem>>)
      %dma_start3A_972 = arith.constant 0 : i32
      %dma_start3A_973 = arith.constant 5 : i32
      %dma_start3A_974 = arith.constant 0 : i32
      %dma_start3A_975 = arith.constant 5 : i32
      %dma_start3A_976 = arith.constant 0 : i32
      %dma_start3A_977 = arith.constant 0 : i32
      %dma_start3A_978 = tpu.memref_slice %arg9[%dma_start3A_974, %dma_start3A_975, %dma_start3A_976, %dma_start3A_977] : memref<2x6x128x16xf32, #tpu.memory_space<vmem>> -> memref<1x1x128x16xf32, #tpu.memory_space<vmem>>
      %dma_start3A_979 = tpu.memref_squeeze %dma_start3A_978 : memref<1x1x128x16xf32, #tpu.memory_space<vmem>> -> memref<128x16xf32, #tpu.memory_space<vmem>>
      %dma_start3A_980 = arith.constant 0 : i32
      %dma_start3A_981 = tpu.memref_slice %arg7[%dma_start3A_972, %dma_start3A_973, %dma_start3A_980] : memref<2x6x128xi32, #tpu.memory_space<vmem>> -> memref<1x1x128xi32, #tpu.memory_space<vmem>>
      %dma_start3A_982 = tpu.memref_squeeze %dma_start3A_981 : memref<1x1x128xi32, #tpu.memory_space<vmem>> -> memref<128xi32, #tpu.memory_space<vmem>>
      %dma_start3A_983 = arith.constant 0 : i32
      %dma_start3A_984 = arith.constant 0 : i32
      %dma_start3A_985 = tpu.memref_slice %arg2[%arg0, %dma_start3A_983, %dma_start3A_984] : memref<2x100096x16xf32, #tpu.memory_space<hbm>> -> memref<1x100096x16xf32, #tpu.memory_space<hbm>>
      %dma_start3A_986 = tpu.memref_squeeze %dma_start3A_985 : memref<1x100096x16xf32, #tpu.memory_space<hbm>> -> memref<100096x16xf32, #tpu.memory_space<hbm>>
      %dma_start3A_987 = arith.constant 0 : i32
      %dma_start3A_988 = arith.constant 0 : i32
      %dma_start3A_989 = tpu.memref_slice %dma_start3A_986[%dma_start3A_987, %dma_start3A_988] : memref<100096x16xf32, #tpu.memory_space<hbm>> -> memref<100096x16xf32, #tpu.memory_space<hbm>>
      tpu.enqueue_indirect_dma source(%dma_start3A_989 : memref<100096x16xf32, #tpu.memory_space<hbm>>) target(%dma_start3A_979 : memref<128x16xf32, #tpu.memory_space<vmem>>) offsets(%dma_start3A_982 : memref<128xi32, #tpu.memory_space<vmem>>) semaphore(%arg11 : memref<!tpu.dma_semaphore, #tpu.memory_space<semaphore_mem>>)
      %dma_wait3A_990 = arith.constant 1 : i32
      %dma_wait3A_991 = arith.constant 0 : i32
      %dma_wait3A_992 = arith.constant 1 : i32
      %dma_wait3A_993 = arith.constant 0 : i32
      %dma_wait3A_994 = arith.constant 0 : i32
      %dma_wait3A_995 = arith.constant 0 : i32
      %dma_wait3A_996 = tpu.memref_slice %arg9[%dma_wait3A_992, %dma_wait3A_993, %dma_wait3A_994, %dma_wait3A_995] : memref<2x6x128x16xf32, #tpu.memory_space<vmem>> -> memref<1x1x128x16xf32, #tpu.memory_space<vmem>>
      %dma_wait3A_997 = tpu.memref_squeeze %dma_wait3A_996 : memref<1x1x128x16xf32, #tpu.memory_space<vmem>> -> memref<128x16xf32, #tpu.memory_space<vmem>>
      %dma_wait3A_998 = arith.constant 0 : i32
      %dma_wait3A_999 = tpu.memref_slice %arg7[%dma_wait3A_990, %dma_wait3A_991, %dma_wait3A_998] : memref<2x6x128xi32, #tpu.memory_space<vmem>> -> memref<1x1x128xi32, #tpu.memory_space<vmem>>
      %dma_wait3A_1000 = tpu.memref_squeeze %dma_wait3A_999 : memref<1x1x128xi32, #tpu.memory_space<vmem>> -> memref<128xi32, #tpu.memory_space<vmem>>
      %dma_wait3A_1001 = arith.constant 0 : i32
      %dma_wait3A_1002 = arith.constant 0 : i32
      %dma_wait3A_1003 = tpu.memref_slice %arg2[%arg0, %dma_wait3A_1001, %dma_wait3A_1002] : memref<2x100096x16xf32, #tpu.memory_space<hbm>> -> memref<1x100096x16xf32, #tpu.memory_space<hbm>>
      %dma_wait3A_1004 = tpu.memref_squeeze %dma_wait3A_1003 : memref<1x100096x16xf32, #tpu.memory_space<hbm>> -> memref<100096x16xf32, #tpu.memory_space<hbm>>
      %dma_wait3A_1005 = arith.constant 0 : i32
      %dma_wait3A_1006 = arith.constant 0 : i32
      %dma_wait3A_1007 = tpu.memref_slice %dma_wait3A_1004[%dma_wait3A_1005, %dma_wait3A_1006] : memref<100096x16xf32, #tpu.memory_space<hbm>> -> memref<100096x16xf32, #tpu.memory_space<hbm>>
      tpu.wait_indirect_dma semaphore(%arg11 : memref<!tpu.dma_semaphore, #tpu.memory_space<semaphore_mem>>) src(%dma_wait3A_1007 : memref<100096x16xf32, #tpu.memory_space<hbm>>) dst(%dma_wait3A_997 : memref<128x16xf32, #tpu.memory_space<vmem>>)
      %dma_wait3A_1008 = arith.constant 1 : i32
      %dma_wait3A_1009 = arith.constant 1 : i32
      %dma_wait3A_1010 = arith.constant 1 : i32
      %dma_wait3A_1011 = arith.constant 1 : i32
      %dma_wait3A_1012 = arith.constant 0 : i32
      %dma_wait3A_1013 = arith.constant 0 : i32
      %dma_wait3A_1014 = tpu.memref_slice %arg9[%dma_wait3A_1010, %dma_wait3A_1011, %dma_wait3A_1012, %dma_wait3A_1013] : memref<2x6x128x16xf32, #tpu.memory_space<vmem>> -> memref<1x1x128x16xf32, #tpu.memory_space<vmem>>
      %dma_wait3A_1015 = tpu.memref_squeeze %dma_wait3A_1014 : memref<1x1x128x16xf32, #tpu.memory_space<vmem>> -> memref<128x16xf32, #tpu.memory_space<vmem>>
      %dma_wait3A_1016 = arith.constant 0 : i32
      %dma_wait3A_1017 = tpu.memref_slice %arg7[%dma_wait3A_1008, %dma_wait3A_1009, %dma_wait3A_1016] : memref<2x6x128xi32, #tpu.memory_space<vmem>> -> memref<1x1x128xi32, #tpu.memory_space<vmem>>
      %dma_wait3A_1018 = tpu.memref_squeeze %dma_wait3A_1017 : memref<1x1x128xi32, #tpu.memory_space<vmem>> -> memref<128xi32, #tpu.memory_space<vmem>>
      %dma_wait3A_1019 = arith.constant 0 : i32
      %dma_wait3A_1020 = arith.constant 0 : i32
      %dma_wait3A_1021 = tpu.memref_slice %arg2[%arg0, %dma_wait3A_1019, %dma_wait3A_1020] : memref<2x100096x16xf32, #tpu.memory_space<hbm>> -> memref<1x100096x16xf32, #tpu.memory_space<hbm>>
      %dma_wait3A_1022 = tpu.memref_squeeze %dma_wait3A_1021 : memref<1x100096x16xf32, #tpu.memory_space<hbm>> -> memref<100096x16xf32, #tpu.memory_space<hbm>>
      %dma_wait3A_1023 = arith.constant 0 : i32
      %dma_wait3A_1024 = arith.constant 0 : i32
      %dma_wait3A_1025 = tpu.memref_slice %dma_wait3A_1022[%dma_wait3A_1023, %dma_wait3A_1024] : memref<100096x16xf32, #tpu.memory_space<hbm>> -> memref<100096x16xf32, #tpu.memory_space<hbm>>
      tpu.wait_indirect_dma semaphore(%arg11 : memref<!tpu.dma_semaphore, #tpu.memory_space<semaphore_mem>>) src(%dma_wait3A_1025 : memref<100096x16xf32, #tpu.memory_space<hbm>>) dst(%dma_wait3A_1015 : memref<128x16xf32, #tpu.memory_space<vmem>>)
      %dma_wait3A_1026 = arith.constant 1 : i32
      %dma_wait3A_1027 = arith.constant 2 : i32
      %dma_wait3A_1028 = arith.constant 1 : i32
      %dma_wait3A_1029 = arith.constant 2 : i32
      %dma_wait3A_1030 = arith.constant 0 : i32
      %dma_wait3A_1031 = arith.constant 0 : i32
      %dma_wait3A_1032 = tpu.memref_slice %arg9[%dma_wait3A_1028, %dma_wait3A_1029, %dma_wait3A_1030, %dma_wait3A_1031] : memref<2x6x128x16xf32, #tpu.memory_space<vmem>> -> memref<1x1x128x16xf32, #tpu.memory_space<vmem>>
      %dma_wait3A_1033 = tpu.memref_squeeze %dma_wait3A_1032 : memref<1x1x128x16xf32, #tpu.memory_space<vmem>> -> memref<128x16xf32, #tpu.memory_space<vmem>>
      %dma_wait3A_1034 = arith.constant 0 : i32
      %dma_wait3A_1035 = tpu.memref_slice %arg7[%dma_wait3A_1026, %dma_wait3A_1027, %dma_wait3A_1034] : memref<2x6x128xi32, #tpu.memory_space<vmem>> -> memref<1x1x128xi32, #tpu.memory_space<vmem>>
      %dma_wait3A_1036 = tpu.memref_squeeze %dma_wait3A_1035 : memref<1x1x128xi32, #tpu.memory_space<vmem>> -> memref<128xi32, #tpu.memory_space<vmem>>
      %dma_wait3A_1037 = arith.constant 0 : i32
      %dma_wait3A_1038 = arith.constant 0 : i32
      %dma_wait3A_1039 = tpu.memref_slice %arg2[%arg0, %dma_wait3A_1037, %dma_wait3A_1038] : memref<2x100096x16xf32, #tpu.memory_space<hbm>> -> memref<1x100096x16xf32, #tpu.memory_space<hbm>>
      %dma_wait3A_1040 = tpu.memref_squeeze %dma_wait3A_1039 : memref<1x100096x16xf32, #tpu.memory_space<hbm>> -> memref<100096x16xf32, #tpu.memory_space<hbm>>
      %dma_wait3A_1041 = arith.constant 0 : i32
      %dma_wait3A_1042 = arith.constant 0 : i32
      %dma_wait3A_1043 = tpu.memref_slice %dma_wait3A_1040[%dma_wait3A_1041, %dma_wait3A_1042] : memref<100096x16xf32, #tpu.memory_space<hbm>> -> memref<100096x16xf32, #tpu.memory_space<hbm>>
      tpu.wait_indirect_dma semaphore(%arg11 : memref<!tpu.dma_semaphore, #tpu.memory_space<semaphore_mem>>) src(%dma_wait3A_1043 : memref<100096x16xf32, #tpu.memory_space<hbm>>) dst(%dma_wait3A_1033 : memref<128x16xf32, #tpu.memory_space<vmem>>)
      %dma_wait3A_1044 = arith.constant 1 : i32
      %dma_wait3A_1045 = arith.constant 3 : i32
      %dma_wait3A_1046 = arith.constant 1 : i32
      %dma_wait3A_1047 = arith.constant 3 : i32
      %dma_wait3A_1048 = arith.constant 0 : i32
      %dma_wait3A_1049 = arith.constant 0 : i32
      %dma_wait3A_1050 = tpu.memref_slice %arg9[%dma_wait3A_1046, %dma_wait3A_1047, %dma_wait3A_1048, %dma_wait3A_1049] : memref<2x6x128x16xf32, #tpu.memory_space<vmem>> -> memref<1x1x128x16xf32, #tpu.memory_space<vmem>>
      %dma_wait3A_1051 = tpu.memref_squeeze %dma_wait3A_1050 : memref<1x1x128x16xf32, #tpu.memory_space<vmem>> -> memref<128x16xf32, #tpu.memory_space<vmem>>
      %dma_wait3A_1052 = arith.constant 0 : i32
      %dma_wait3A_1053 = tpu.memref_slice %arg7[%dma_wait3A_1044, %dma_wait3A_1045, %dma_wait3A_1052] : memref<2x6x128xi32, #tpu.memory_space<vmem>> -> memref<1x1x128xi32, #tpu.memory_space<vmem>>
      %dma_wait3A_1054 = tpu.memref_squeeze %dma_wait3A_1053 : memref<1x1x128xi32, #tpu.memory_space<vmem>> -> memref<128xi32, #tpu.memory_space<vmem>>
      %dma_wait3A_1055 = arith.constant 0 : i32
      %dma_wait3A_1056 = arith.constant 0 : i32
      %dma_wait3A_1057 = tpu.memref_slice %arg2[%arg0, %dma_wait3A_1055, %dma_wait3A_1056] : memref<2x100096x16xf32, #tpu.memory_space<hbm>> -> memref<1x100096x16xf32, #tpu.memory_space<hbm>>
      %dma_wait3A_1058 = tpu.memref_squeeze %dma_wait3A_1057 : memref<1x100096x16xf32, #tpu.memory_space<hbm>> -> memref<100096x16xf32, #tpu.memory_space<hbm>>
      %dma_wait3A_1059 = arith.constant 0 : i32
      %dma_wait3A_1060 = arith.constant 0 : i32
      %dma_wait3A_1061 = tpu.memref_slice %dma_wait3A_1058[%dma_wait3A_1059, %dma_wait3A_1060] : memref<100096x16xf32, #tpu.memory_space<hbm>> -> memref<100096x16xf32, #tpu.memory_space<hbm>>
      tpu.wait_indirect_dma semaphore(%arg11 : memref<!tpu.dma_semaphore, #tpu.memory_space<semaphore_mem>>) src(%dma_wait3A_1061 : memref<100096x16xf32, #tpu.memory_space<hbm>>) dst(%dma_wait3A_1051 : memref<128x16xf32, #tpu.memory_space<vmem>>)
      %dma_wait3A_1062 = arith.constant 1 : i32
      %dma_wait3A_1063 = arith.constant 4 : i32
      %dma_wait3A_1064 = arith.constant 1 : i32
      %dma_wait3A_1065 = arith.constant 4 : i32
      %dma_wait3A_1066 = arith.constant 0 : i32
      %dma_wait3A_1067 = arith.constant 0 : i32
      %dma_wait3A_1068 = tpu.memref_slice %arg9[%dma_wait3A_1064, %dma_wait3A_1065, %dma_wait3A_1066, %dma_wait3A_1067] : memref<2x6x128x16xf32, #tpu.memory_space<vmem>> -> memref<1x1x128x16xf32, #tpu.memory_space<vmem>>
      %dma_wait3A_1069 = tpu.memref_squeeze %dma_wait3A_1068 : memref<1x1x128x16xf32, #tpu.memory_space<vmem>> -> memref<128x16xf32, #tpu.memory_space<vmem>>
      %dma_wait3A_1070 = arith.constant 0 : i32
      %dma_wait3A_1071 = tpu.memref_slice %arg7[%dma_wait3A_1062, %dma_wait3A_1063, %dma_wait3A_1070] : memref<2x6x128xi32, #tpu.memory_space<vmem>> -> memref<1x1x128xi32, #tpu.memory_space<vmem>>
      %dma_wait3A_1072 = tpu.memref_squeeze %dma_wait3A_1071 : memref<1x1x128xi32, #tpu.memory_space<vmem>> -> memref<128xi32, #tpu.memory_space<vmem>>
      %dma_wait3A_1073 = arith.constant 0 : i32
      %dma_wait3A_1074 = arith.constant 0 : i32
      %dma_wait3A_1075 = tpu.memref_slice %arg2[%arg0, %dma_wait3A_1073, %dma_wait3A_1074] : memref<2x100096x16xf32, #tpu.memory_space<hbm>> -> memref<1x100096x16xf32, #tpu.memory_space<hbm>>
      %dma_wait3A_1076 = tpu.memref_squeeze %dma_wait3A_1075 : memref<1x100096x16xf32, #tpu.memory_space<hbm>> -> memref<100096x16xf32, #tpu.memory_space<hbm>>
      %dma_wait3A_1077 = arith.constant 0 : i32
      %dma_wait3A_1078 = arith.constant 0 : i32
      %dma_wait3A_1079 = tpu.memref_slice %dma_wait3A_1076[%dma_wait3A_1077, %dma_wait3A_1078] : memref<100096x16xf32, #tpu.memory_space<hbm>> -> memref<100096x16xf32, #tpu.memory_space<hbm>>
      tpu.wait_indirect_dma semaphore(%arg11 : memref<!tpu.dma_semaphore, #tpu.memory_space<semaphore_mem>>) src(%dma_wait3A_1079 : memref<100096x16xf32, #tpu.memory_space<hbm>>) dst(%dma_wait3A_1069 : memref<128x16xf32, #tpu.memory_space<vmem>>)
      %dma_wait3A_1080 = arith.constant 1 : i32
      %dma_wait3A_1081 = arith.constant 5 : i32
      %dma_wait3A_1082 = arith.constant 1 : i32
      %dma_wait3A_1083 = arith.constant 5 : i32
      %dma_wait3A_1084 = arith.constant 0 : i32
      %dma_wait3A_1085 = arith.constant 0 : i32
      %dma_wait3A_1086 = tpu.memref_slice %arg9[%dma_wait3A_1082, %dma_wait3A_1083, %dma_wait3A_1084, %dma_wait3A_1085] : memref<2x6x128x16xf32, #tpu.memory_space<vmem>> -> memref<1x1x128x16xf32, #tpu.memory_space<vmem>>
      %dma_wait3A_1087 = tpu.memref_squeeze %dma_wait3A_1086 : memref<1x1x128x16xf32, #tpu.memory_space<vmem>> -> memref<128x16xf32, #tpu.memory_space<vmem>>
      %dma_wait3A_1088 = arith.constant 0 : i32
      %dma_wait3A_1089 = tpu.memref_slice %arg7[%dma_wait3A_1080, %dma_wait3A_1081, %dma_wait3A_1088] : memref<2x6x128xi32, #tpu.memory_space<vmem>> -> memref<1x1x128xi32, #tpu.memory_space<vmem>>
      %dma_wait3A_1090 = tpu.memref_squeeze %dma_wait3A_1089 : memref<1x1x128xi32, #tpu.memory_space<vmem>> -> memref<128xi32, #tpu.memory_space<vmem>>
      %dma_wait3A_1091 = arith.constant 0 : i32
      %dma_wait3A_1092 = arith.constant 0 : i32
      %dma_wait3A_1093 = tpu.memref_slice %arg2[%arg0, %dma_wait3A_1091, %dma_wait3A_1092] : memref<2x100096x16xf32, #tpu.memory_space<hbm>> -> memref<1x100096x16xf32, #tpu.memory_space<hbm>>
      %dma_wait3A_1094 = tpu.memref_squeeze %dma_wait3A_1093 : memref<1x100096x16xf32, #tpu.memory_space<hbm>> -> memref<100096x16xf32, #tpu.memory_space<hbm>>
      %dma_wait3A_1095 = arith.constant 0 : i32
      %dma_wait3A_1096 = arith.constant 0 : i32
      %dma_wait3A_1097 = tpu.memref_slice %dma_wait3A_1094[%dma_wait3A_1095, %dma_wait3A_1096] : memref<100096x16xf32, #tpu.memory_space<hbm>> -> memref<100096x16xf32, #tpu.memory_space<hbm>>
      tpu.wait_indirect_dma semaphore(%arg11 : memref<!tpu.dma_semaphore, #tpu.memory_space<semaphore_mem>>) src(%dma_wait3A_1097 : memref<100096x16xf32, #tpu.memory_space<hbm>>) dst(%dma_wait3A_1087 : memref<128x16xf32, #tpu.memory_space<vmem>>)
      %dma_start3A_1098 = arith.constant 1 : i32
      %dma_start3A_1099 = arith.constant 0 : i32
      %dma_start3A_1100 = arith.constant 1 : i32
      %dma_start3A_1101 = arith.constant 0 : i32
      %dma_start3A_1102 = arith.constant 0 : i32
      %dma_start3A_1103 = arith.constant 0 : i32
      %dma_start3A_1104 = tpu.memref_slice %arg9[%dma_start3A_1098, %dma_start3A_1099, %dma_start3A_1102, %dma_start3A_1103] : memref<2x6x128x16xf32, #tpu.memory_space<vmem>> -> memref<1x1x128x16xf32, #tpu.memory_space<vmem>>
      %dma_start3A_1105 = tpu.memref_squeeze %dma_start3A_1104 : memref<1x1x128x16xf32, #tpu.memory_space<vmem>> -> memref<128x16xf32, #tpu.memory_space<vmem>>
      %dma_start3A_1106 = arith.constant 0 : i32
      %dma_start3A_1107 = tpu.memref_slice %arg8[%dma_start3A_1100, %dma_start3A_1101, %dma_start3A_1106] : memref<2x6x128xi32, #tpu.memory_space<vmem>> -> memref<1x1x128xi32, #tpu.memory_space<vmem>>
      %dma_start3A_1108 = tpu.memref_squeeze %dma_start3A_1107 : memref<1x1x128xi32, #tpu.memory_space<vmem>> -> memref<128xi32, #tpu.memory_space<vmem>>
      %dma_start3A_1109 = arith.constant 0 : i32
      %dma_start3A_1110 = arith.constant 0 : i32
      %dma_start3A_1111 = tpu.memref_slice %arg10[%dma_start3A_1109, %dma_start3A_1110] : memref<100096x16xf32, #tpu.memory_space<vmem_shared>> -> memref<100096x16xf32, #tpu.memory_space<vmem_shared>>
      tpu.enqueue_indirect_dma source(%dma_start3A_1105 : memref<128x16xf32, #tpu.memory_space<vmem>>) target(%dma_start3A_1111 : memref<100096x16xf32, #tpu.memory_space<vmem_shared>>) offsets(%dma_start3A_1108 : memref<128xi32, #tpu.memory_space<vmem>>) semaphore(%arg12 : memref<!tpu.dma_semaphore, #tpu.memory_space<semaphore_mem>>) {add = true}
      %dma_start3A_1112 = arith.constant 1 : i32
      %dma_start3A_1113 = arith.constant 1 : i32
      %dma_start3A_1114 = arith.constant 1 : i32
      %dma_start3A_1115 = arith.constant 1 : i32
      %dma_start3A_1116 = arith.constant 0 : i32
      %dma_start3A_1117 = arith.constant 0 : i32
      %dma_start3A_1118 = tpu.memref_slice %arg9[%dma_start3A_1112, %dma_start3A_1113, %dma_start3A_1116, %dma_start3A_1117] : memref<2x6x128x16xf32, #tpu.memory_space<vmem>> -> memref<1x1x128x16xf32, #tpu.memory_space<vmem>>
      %dma_start3A_1119 = tpu.memref_squeeze %dma_start3A_1118 : memref<1x1x128x16xf32, #tpu.memory_space<vmem>> -> memref<128x16xf32, #tpu.memory_space<vmem>>
      %dma_start3A_1120 = arith.constant 0 : i32
      %dma_start3A_1121 = tpu.memref_slice %arg8[%dma_start3A_1114, %dma_start3A_1115, %dma_start3A_1120] : memref<2x6x128xi32, #tpu.memory_space<vmem>> -> memref<1x1x128xi32, #tpu.memory_space<vmem>>
      %dma_start3A_1122 = tpu.memref_squeeze %dma_start3A_1121 : memref<1x1x128xi32, #tpu.memory_space<vmem>> -> memref<128xi32, #tpu.memory_space<vmem>>
      %dma_start3A_1123 = arith.constant 0 : i32
      %dma_start3A_1124 = arith.constant 0 : i32
      %dma_start3A_1125 = tpu.memref_slice %arg10[%dma_start3A_1123, %dma_start3A_1124] : memref<100096x16xf32, #tpu.memory_space<vmem_shared>> -> memref<100096x16xf32, #tpu.memory_space<vmem_shared>>
      tpu.enqueue_indirect_dma source(%dma_start3A_1119 : memref<128x16xf32, #tpu.memory_space<vmem>>) target(%dma_start3A_1125 : memref<100096x16xf32, #tpu.memory_space<vmem_shared>>) offsets(%dma_start3A_1122 : memref<128xi32, #tpu.memory_space<vmem>>) semaphore(%arg12 : memref<!tpu.dma_semaphore, #tpu.memory_space<semaphore_mem>>) {add = true}
      %dma_start3A_1126 = arith.constant 1 : i32
      %dma_start3A_1127 = arith.constant 2 : i32
      %dma_start3A_1128 = arith.constant 1 : i32
      %dma_start3A_1129 = arith.constant 2 : i32
      %dma_start3A_1130 = arith.constant 0 : i32
      %dma_start3A_1131 = arith.constant 0 : i32
      %dma_start3A_1132 = tpu.memref_slice %arg9[%dma_start3A_1126, %dma_start3A_1127, %dma_start3A_1130, %dma_start3A_1131] : memref<2x6x128x16xf32, #tpu.memory_space<vmem>> -> memref<1x1x128x16xf32, #tpu.memory_space<vmem>>
      %dma_start3A_1133 = tpu.memref_squeeze %dma_start3A_1132 : memref<1x1x128x16xf32, #tpu.memory_space<vmem>> -> memref<128x16xf32, #tpu.memory_space<vmem>>
      %dma_start3A_1134 = arith.constant 0 : i32
      %dma_start3A_1135 = tpu.memref_slice %arg8[%dma_start3A_1128, %dma_start3A_1129, %dma_start3A_1134] : memref<2x6x128xi32, #tpu.memory_space<vmem>> -> memref<1x1x128xi32, #tpu.memory_space<vmem>>
      %dma_start3A_1136 = tpu.memref_squeeze %dma_start3A_1135 : memref<1x1x128xi32, #tpu.memory_space<vmem>> -> memref<128xi32, #tpu.memory_space<vmem>>
      %dma_start3A_1137 = arith.constant 0 : i32
      %dma_start3A_1138 = arith.constant 0 : i32
      %dma_start3A_1139 = tpu.memref_slice %arg10[%dma_start3A_1137, %dma_start3A_1138] : memref<100096x16xf32, #tpu.memory_space<vmem_shared>> -> memref<100096x16xf32, #tpu.memory_space<vmem_shared>>
      tpu.enqueue_indirect_dma source(%dma_start3A_1133 : memref<128x16xf32, #tpu.memory_space<vmem>>) target(%dma_start3A_1139 : memref<100096x16xf32, #tpu.memory_space<vmem_shared>>) offsets(%dma_start3A_1136 : memref<128xi32, #tpu.memory_space<vmem>>) semaphore(%arg12 : memref<!tpu.dma_semaphore, #tpu.memory_space<semaphore_mem>>) {add = true}
      %dma_start3A_1140 = arith.constant 1 : i32
      %dma_start3A_1141 = arith.constant 3 : i32
      %dma_start3A_1142 = arith.constant 1 : i32
      %dma_start3A_1143 = arith.constant 3 : i32
      %dma_start3A_1144 = arith.constant 0 : i32
      %dma_start3A_1145 = arith.constant 0 : i32
      %dma_start3A_1146 = tpu.memref_slice %arg9[%dma_start3A_1140, %dma_start3A_1141, %dma_start3A_1144, %dma_start3A_1145] : memref<2x6x128x16xf32, #tpu.memory_space<vmem>> -> memref<1x1x128x16xf32, #tpu.memory_space<vmem>>
      %dma_start3A_1147 = tpu.memref_squeeze %dma_start3A_1146 : memref<1x1x128x16xf32, #tpu.memory_space<vmem>> -> memref<128x16xf32, #tpu.memory_space<vmem>>
      %dma_start3A_1148 = arith.constant 0 : i32
      %dma_start3A_1149 = tpu.memref_slice %arg8[%dma_start3A_1142, %dma_start3A_1143, %dma_start3A_1148] : memref<2x6x128xi32, #tpu.memory_space<vmem>> -> memref<1x1x128xi32, #tpu.memory_space<vmem>>
      %dma_start3A_1150 = tpu.memref_squeeze %dma_start3A_1149 : memref<1x1x128xi32, #tpu.memory_space<vmem>> -> memref<128xi32, #tpu.memory_space<vmem>>
      %dma_start3A_1151 = arith.constant 0 : i32
      %dma_start3A_1152 = arith.constant 0 : i32
      %dma_start3A_1153 = tpu.memref_slice %arg10[%dma_start3A_1151, %dma_start3A_1152] : memref<100096x16xf32, #tpu.memory_space<vmem_shared>> -> memref<100096x16xf32, #tpu.memory_space<vmem_shared>>
      tpu.enqueue_indirect_dma source(%dma_start3A_1147 : memref<128x16xf32, #tpu.memory_space<vmem>>) target(%dma_start3A_1153 : memref<100096x16xf32, #tpu.memory_space<vmem_shared>>) offsets(%dma_start3A_1150 : memref<128xi32, #tpu.memory_space<vmem>>) semaphore(%arg12 : memref<!tpu.dma_semaphore, #tpu.memory_space<semaphore_mem>>) {add = true}
      %dma_start3A_1154 = arith.constant 1 : i32
      %dma_start3A_1155 = arith.constant 4 : i32
      %dma_start3A_1156 = arith.constant 1 : i32
      %dma_start3A_1157 = arith.constant 4 : i32
      %dma_start3A_1158 = arith.constant 0 : i32
      %dma_start3A_1159 = arith.constant 0 : i32
      %dma_start3A_1160 = tpu.memref_slice %arg9[%dma_start3A_1154, %dma_start3A_1155, %dma_start3A_1158, %dma_start3A_1159] : memref<2x6x128x16xf32, #tpu.memory_space<vmem>> -> memref<1x1x128x16xf32, #tpu.memory_space<vmem>>
      %dma_start3A_1161 = tpu.memref_squeeze %dma_start3A_1160 : memref<1x1x128x16xf32, #tpu.memory_space<vmem>> -> memref<128x16xf32, #tpu.memory_space<vmem>>
      %dma_start3A_1162 = arith.constant 0 : i32
      %dma_start3A_1163 = tpu.memref_slice %arg8[%dma_start3A_1156, %dma_start3A_1157, %dma_start3A_1162] : memref<2x6x128xi32, #tpu.memory_space<vmem>> -> memref<1x1x128xi32, #tpu.memory_space<vmem>>
      %dma_start3A_1164 = tpu.memref_squeeze %dma_start3A_1163 : memref<1x1x128xi32, #tpu.memory_space<vmem>> -> memref<128xi32, #tpu.memory_space<vmem>>
      %dma_start3A_1165 = arith.constant 0 : i32
      %dma_start3A_1166 = arith.constant 0 : i32
      %dma_start3A_1167 = tpu.memref_slice %arg10[%dma_start3A_1165, %dma_start3A_1166] : memref<100096x16xf32, #tpu.memory_space<vmem_shared>> -> memref<100096x16xf32, #tpu.memory_space<vmem_shared>>
      tpu.enqueue_indirect_dma source(%dma_start3A_1161 : memref<128x16xf32, #tpu.memory_space<vmem>>) target(%dma_start3A_1167 : memref<100096x16xf32, #tpu.memory_space<vmem_shared>>) offsets(%dma_start3A_1164 : memref<128xi32, #tpu.memory_space<vmem>>) semaphore(%arg12 : memref<!tpu.dma_semaphore, #tpu.memory_space<semaphore_mem>>) {add = true}
      %dma_start3A_1168 = arith.constant 1 : i32
      %dma_start3A_1169 = arith.constant 5 : i32
      %dma_start3A_1170 = arith.constant 1 : i32
      %dma_start3A_1171 = arith.constant 5 : i32
      %dma_start3A_1172 = arith.constant 0 : i32
      %dma_start3A_1173 = arith.constant 0 : i32
      %dma_start3A_1174 = tpu.memref_slice %arg9[%dma_start3A_1168, %dma_start3A_1169, %dma_start3A_1172, %dma_start3A_1173] : memref<2x6x128x16xf32, #tpu.memory_space<vmem>> -> memref<1x1x128x16xf32, #tpu.memory_space<vmem>>
      %dma_start3A_1175 = tpu.memref_squeeze %dma_start3A_1174 : memref<1x1x128x16xf32, #tpu.memory_space<vmem>> -> memref<128x16xf32, #tpu.memory_space<vmem>>
      %dma_start3A_1176 = arith.constant 0 : i32
      %dma_start3A_1177 = tpu.memref_slice %arg8[%dma_start3A_1170, %dma_start3A_1171, %dma_start3A_1176] : memref<2x6x128xi32, #tpu.memory_space<vmem>> -> memref<1x1x128xi32, #tpu.memory_space<vmem>>
      %dma_start3A_1178 = tpu.memref_squeeze %dma_start3A_1177 : memref<1x1x128xi32, #tpu.memory_space<vmem>> -> memref<128xi32, #tpu.memory_space<vmem>>
      %dma_start3A_1179 = arith.constant 0 : i32
      %dma_start3A_1180 = arith.constant 0 : i32
      %dma_start3A_1181 = tpu.memref_slice %arg10[%dma_start3A_1179, %dma_start3A_1180] : memref<100096x16xf32, #tpu.memory_space<vmem_shared>> -> memref<100096x16xf32, #tpu.memory_space<vmem_shared>>
      tpu.enqueue_indirect_dma source(%dma_start3A_1175 : memref<128x16xf32, #tpu.memory_space<vmem>>) target(%dma_start3A_1181 : memref<100096x16xf32, #tpu.memory_space<vmem_shared>>) offsets(%dma_start3A_1178 : memref<128xi32, #tpu.memory_space<vmem>>) semaphore(%arg12 : memref<!tpu.dma_semaphore, #tpu.memory_space<semaphore_mem>>) {add = true}
    }
    %scan3A_116 = arith.constant 65 : i32
    %dma_wait3A = arith.constant 1 : i32
    %dma_wait3A_117 = arith.constant 0 : i32
    %dma_wait3A_118 = arith.constant 1 : i32
    %dma_wait3A_119 = arith.constant 0 : i32
    %dma_wait3A_120 = arith.constant 0 : i32
    %dma_wait3A_121 = arith.constant 0 : i32
    %dma_wait3A_122 = tpu.memref_slice %arg9[%dma_wait3A, %dma_wait3A_117, %dma_wait3A_120, %dma_wait3A_121] : memref<2x6x128x16xf32, #tpu.memory_space<vmem>> -> memref<1x1x128x16xf32, #tpu.memory_space<vmem>>
    %dma_wait3A_123 = tpu.memref_squeeze %dma_wait3A_122 : memref<1x1x128x16xf32, #tpu.memory_space<vmem>> -> memref<128x16xf32, #tpu.memory_space<vmem>>
    %dma_wait3A_124 = arith.constant 0 : i32
    %dma_wait3A_125 = tpu.memref_slice %arg8[%dma_wait3A_118, %dma_wait3A_119, %dma_wait3A_124] : memref<2x6x128xi32, #tpu.memory_space<vmem>> -> memref<1x1x128xi32, #tpu.memory_space<vmem>>
    %dma_wait3A_126 = tpu.memref_squeeze %dma_wait3A_125 : memref<1x1x128xi32, #tpu.memory_space<vmem>> -> memref<128xi32, #tpu.memory_space<vmem>>
    %dma_wait3A_127 = arith.constant 0 : i32
    %dma_wait3A_128 = arith.constant 0 : i32
    %dma_wait3A_129 = tpu.memref_slice %arg10[%dma_wait3A_127, %dma_wait3A_128] : memref<100096x16xf32, #tpu.memory_space<vmem_shared>> -> memref<100096x16xf32, #tpu.memory_space<vmem_shared>>
    tpu.wait_indirect_dma semaphore(%arg12 : memref<!tpu.dma_semaphore, #tpu.memory_space<semaphore_mem>>) src(%dma_wait3A_123 : memref<128x16xf32, #tpu.memory_space<vmem>>) dst(%dma_wait3A_129 : memref<100096x16xf32, #tpu.memory_space<vmem_shared>>)
    %dma_wait3A_130 = arith.constant 1 : i32
    %dma_wait3A_131 = arith.constant 1 : i32
    %dma_wait3A_132 = arith.constant 1 : i32
    %dma_wait3A_133 = arith.constant 1 : i32
    %dma_wait3A_134 = arith.constant 0 : i32
    %dma_wait3A_135 = arith.constant 0 : i32
    %dma_wait3A_136 = tpu.memref_slice %arg9[%dma_wait3A_130, %dma_wait3A_131, %dma_wait3A_134, %dma_wait3A_135] : memref<2x6x128x16xf32, #tpu.memory_space<vmem>> -> memref<1x1x128x16xf32, #tpu.memory_space<vmem>>
    %dma_wait3A_137 = tpu.memref_squeeze %dma_wait3A_136 : memref<1x1x128x16xf32, #tpu.memory_space<vmem>> -> memref<128x16xf32, #tpu.memory_space<vmem>>
    %dma_wait3A_138 = arith.constant 0 : i32
    %dma_wait3A_139 = tpu.memref_slice %arg8[%dma_wait3A_132, %dma_wait3A_133, %dma_wait3A_138] : memref<2x6x128xi32, #tpu.memory_space<vmem>> -> memref<1x1x128xi32, #tpu.memory_space<vmem>>
    %dma_wait3A_140 = tpu.memref_squeeze %dma_wait3A_139 : memref<1x1x128xi32, #tpu.memory_space<vmem>> -> memref<128xi32, #tpu.memory_space<vmem>>
    %dma_wait3A_141 = arith.constant 0 : i32
    %dma_wait3A_142 = arith.constant 0 : i32
    %dma_wait3A_143 = tpu.memref_slice %arg10[%dma_wait3A_141, %dma_wait3A_142] : memref<100096x16xf32, #tpu.memory_space<vmem_shared>> -> memref<100096x16xf32, #tpu.memory_space<vmem_shared>>
    tpu.wait_indirect_dma semaphore(%arg12 : memref<!tpu.dma_semaphore, #tpu.memory_space<semaphore_mem>>) src(%dma_wait3A_137 : memref<128x16xf32, #tpu.memory_space<vmem>>) dst(%dma_wait3A_143 : memref<100096x16xf32, #tpu.memory_space<vmem_shared>>)
    %dma_wait3A_144 = arith.constant 1 : i32
    %dma_wait3A_145 = arith.constant 2 : i32
    %dma_wait3A_146 = arith.constant 1 : i32
    %dma_wait3A_147 = arith.constant 2 : i32
    %dma_wait3A_148 = arith.constant 0 : i32
    %dma_wait3A_149 = arith.constant 0 : i32
    %dma_wait3A_150 = tpu.memref_slice %arg9[%dma_wait3A_144, %dma_wait3A_145, %dma_wait3A_148, %dma_wait3A_149] : memref<2x6x128x16xf32, #tpu.memory_space<vmem>> -> memref<1x1x128x16xf32, #tpu.memory_space<vmem>>
    %dma_wait3A_151 = tpu.memref_squeeze %dma_wait3A_150 : memref<1x1x128x16xf32, #tpu.memory_space<vmem>> -> memref<128x16xf32, #tpu.memory_space<vmem>>
    %dma_wait3A_152 = arith.constant 0 : i32
    %dma_wait3A_153 = tpu.memref_slice %arg8[%dma_wait3A_146, %dma_wait3A_147, %dma_wait3A_152] : memref<2x6x128xi32, #tpu.memory_space<vmem>> -> memref<1x1x128xi32, #tpu.memory_space<vmem>>
    %dma_wait3A_154 = tpu.memref_squeeze %dma_wait3A_153 : memref<1x1x128xi32, #tpu.memory_space<vmem>> -> memref<128xi32, #tpu.memory_space<vmem>>
    %dma_wait3A_155 = arith.constant 0 : i32
    %dma_wait3A_156 = arith.constant 0 : i32
    %dma_wait3A_157 = tpu.memref_slice %arg10[%dma_wait3A_155, %dma_wait3A_156] : memref<100096x16xf32, #tpu.memory_space<vmem_shared>> -> memref<100096x16xf32, #tpu.memory_space<vmem_shared>>
    tpu.wait_indirect_dma semaphore(%arg12 : memref<!tpu.dma_semaphore, #tpu.memory_space<semaphore_mem>>) src(%dma_wait3A_151 : memref<128x16xf32, #tpu.memory_space<vmem>>) dst(%dma_wait3A_157 : memref<100096x16xf32, #tpu.memory_space<vmem_shared>>)
    %dma_wait3A_158 = arith.constant 1 : i32
    %dma_wait3A_159 = arith.constant 3 : i32
    %dma_wait3A_160 = arith.constant 1 : i32
    %dma_wait3A_161 = arith.constant 3 : i32
    %dma_wait3A_162 = arith.constant 0 : i32
    %dma_wait3A_163 = arith.constant 0 : i32
    %dma_wait3A_164 = tpu.memref_slice %arg9[%dma_wait3A_158, %dma_wait3A_159, %dma_wait3A_162, %dma_wait3A_163] : memref<2x6x128x16xf32, #tpu.memory_space<vmem>> -> memref<1x1x128x16xf32, #tpu.memory_space<vmem>>
    %dma_wait3A_165 = tpu.memref_squeeze %dma_wait3A_164 : memref<1x1x128x16xf32, #tpu.memory_space<vmem>> -> memref<128x16xf32, #tpu.memory_space<vmem>>
    %dma_wait3A_166 = arith.constant 0 : i32
    %dma_wait3A_167 = tpu.memref_slice %arg8[%dma_wait3A_160, %dma_wait3A_161, %dma_wait3A_166] : memref<2x6x128xi32, #tpu.memory_space<vmem>> -> memref<1x1x128xi32, #tpu.memory_space<vmem>>
    %dma_wait3A_168 = tpu.memref_squeeze %dma_wait3A_167 : memref<1x1x128xi32, #tpu.memory_space<vmem>> -> memref<128xi32, #tpu.memory_space<vmem>>
    %dma_wait3A_169 = arith.constant 0 : i32
    %dma_wait3A_170 = arith.constant 0 : i32
    %dma_wait3A_171 = tpu.memref_slice %arg10[%dma_wait3A_169, %dma_wait3A_170] : memref<100096x16xf32, #tpu.memory_space<vmem_shared>> -> memref<100096x16xf32, #tpu.memory_space<vmem_shared>>
    tpu.wait_indirect_dma semaphore(%arg12 : memref<!tpu.dma_semaphore, #tpu.memory_space<semaphore_mem>>) src(%dma_wait3A_165 : memref<128x16xf32, #tpu.memory_space<vmem>>) dst(%dma_wait3A_171 : memref<100096x16xf32, #tpu.memory_space<vmem_shared>>)
    %dma_wait3A_172 = arith.constant 1 : i32
    %dma_wait3A_173 = arith.constant 4 : i32
    %dma_wait3A_174 = arith.constant 1 : i32
    %dma_wait3A_175 = arith.constant 4 : i32
    %dma_wait3A_176 = arith.constant 0 : i32
    %dma_wait3A_177 = arith.constant 0 : i32
    %dma_wait3A_178 = tpu.memref_slice %arg9[%dma_wait3A_172, %dma_wait3A_173, %dma_wait3A_176, %dma_wait3A_177] : memref<2x6x128x16xf32, #tpu.memory_space<vmem>> -> memref<1x1x128x16xf32, #tpu.memory_space<vmem>>
    %dma_wait3A_179 = tpu.memref_squeeze %dma_wait3A_178 : memref<1x1x128x16xf32, #tpu.memory_space<vmem>> -> memref<128x16xf32, #tpu.memory_space<vmem>>
    %dma_wait3A_180 = arith.constant 0 : i32
    %dma_wait3A_181 = tpu.memref_slice %arg8[%dma_wait3A_174, %dma_wait3A_175, %dma_wait3A_180] : memref<2x6x128xi32, #tpu.memory_space<vmem>> -> memref<1x1x128xi32, #tpu.memory_space<vmem>>
    %dma_wait3A_182 = tpu.memref_squeeze %dma_wait3A_181 : memref<1x1x128xi32, #tpu.memory_space<vmem>> -> memref<128xi32, #tpu.memory_space<vmem>>
    %dma_wait3A_183 = arith.constant 0 : i32
    %dma_wait3A_184 = arith.constant 0 : i32
    %dma_wait3A_185 = tpu.memref_slice %arg10[%dma_wait3A_183, %dma_wait3A_184] : memref<100096x16xf32, #tpu.memory_space<vmem_shared>> -> memref<100096x16xf32, #tpu.memory_space<vmem_shared>>
    tpu.wait_indirect_dma semaphore(%arg12 : memref<!tpu.dma_semaphore, #tpu.memory_space<semaphore_mem>>) src(%dma_wait3A_179 : memref<128x16xf32, #tpu.memory_space<vmem>>) dst(%dma_wait3A_185 : memref<100096x16xf32, #tpu.memory_space<vmem_shared>>)
    %dma_wait3A_186 = arith.constant 1 : i32
    %dma_wait3A_187 = arith.constant 5 : i32
    %dma_wait3A_188 = arith.constant 1 : i32
    %dma_wait3A_189 = arith.constant 5 : i32
    %dma_wait3A_190 = arith.constant 0 : i32
    %dma_wait3A_191 = arith.constant 0 : i32
    %dma_wait3A_192 = tpu.memref_slice %arg9[%dma_wait3A_186, %dma_wait3A_187, %dma_wait3A_190, %dma_wait3A_191] : memref<2x6x128x16xf32, #tpu.memory_space<vmem>> -> memref<1x1x128x16xf32, #tpu.memory_space<vmem>>
    %dma_wait3A_193 = tpu.memref_squeeze %dma_wait3A_192 : memref<1x1x128x16xf32, #tpu.memory_space<vmem>> -> memref<128x16xf32, #tpu.memory_space<vmem>>
    %dma_wait3A_194 = arith.constant 0 : i32
    %dma_wait3A_195 = tpu.memref_slice %arg8[%dma_wait3A_188, %dma_wait3A_189, %dma_wait3A_194] : memref<2x6x128xi32, #tpu.memory_space<vmem>> -> memref<1x1x128xi32, #tpu.memory_space<vmem>>
    %dma_wait3A_196 = tpu.memref_squeeze %dma_wait3A_195 : memref<1x1x128xi32, #tpu.memory_space<vmem>> -> memref<128xi32, #tpu.memory_space<vmem>>
    %dma_wait3A_197 = arith.constant 0 : i32
    %dma_wait3A_198 = arith.constant 0 : i32
    %dma_wait3A_199 = tpu.memref_slice %arg10[%dma_wait3A_197, %dma_wait3A_198] : memref<100096x16xf32, #tpu.memory_space<vmem_shared>> -> memref<100096x16xf32, #tpu.memory_space<vmem_shared>>
    tpu.wait_indirect_dma semaphore(%arg12 : memref<!tpu.dma_semaphore, #tpu.memory_space<semaphore_mem>>) src(%dma_wait3A_193 : memref<128x16xf32, #tpu.memory_space<vmem>>) dst(%dma_wait3A_199 : memref<100096x16xf32, #tpu.memory_space<vmem_shared>>)
    %dma_wait3A_200 = arith.constant 0 : i32
    %dma_wait3A_201 = arith.constant 0 : i32
    %dma_wait3A_202 = arith.constant 0 : i32
    %dma_wait3A_203 = arith.constant 0 : i32
    %dma_wait3A_204 = arith.constant 0 : i32
    %dma_wait3A_205 = arith.constant 0 : i32
    %dma_wait3A_206 = tpu.memref_slice %arg9[%dma_wait3A_202, %dma_wait3A_203, %dma_wait3A_204, %dma_wait3A_205] : memref<2x6x128x16xf32, #tpu.memory_space<vmem>> -> memref<1x1x128x16xf32, #tpu.memory_space<vmem>>
    %dma_wait3A_207 = tpu.memref_squeeze %dma_wait3A_206 : memref<1x1x128x16xf32, #tpu.memory_space<vmem>> -> memref<128x16xf32, #tpu.memory_space<vmem>>
    %dma_wait3A_208 = arith.constant 0 : i32
    %dma_wait3A_209 = tpu.memref_slice %arg7[%dma_wait3A_200, %dma_wait3A_201, %dma_wait3A_208] : memref<2x6x128xi32, #tpu.memory_space<vmem>> -> memref<1x1x128xi32, #tpu.memory_space<vmem>>
    %dma_wait3A_210 = tpu.memref_squeeze %dma_wait3A_209 : memref<1x1x128xi32, #tpu.memory_space<vmem>> -> memref<128xi32, #tpu.memory_space<vmem>>
    %dma_wait3A_211 = arith.constant 0 : i32
    %dma_wait3A_212 = arith.constant 0 : i32
    %dma_wait3A_213 = tpu.memref_slice %arg2[%arg0, %dma_wait3A_211, %dma_wait3A_212] : memref<2x100096x16xf32, #tpu.memory_space<hbm>> -> memref<1x100096x16xf32, #tpu.memory_space<hbm>>
    %dma_wait3A_214 = tpu.memref_squeeze %dma_wait3A_213 : memref<1x100096x16xf32, #tpu.memory_space<hbm>> -> memref<100096x16xf32, #tpu.memory_space<hbm>>
    %dma_wait3A_215 = arith.constant 0 : i32
    %dma_wait3A_216 = arith.constant 0 : i32
    %dma_wait3A_217 = tpu.memref_slice %dma_wait3A_214[%dma_wait3A_215, %dma_wait3A_216] : memref<100096x16xf32, #tpu.memory_space<hbm>> -> memref<100096x16xf32, #tpu.memory_space<hbm>>
    tpu.wait_indirect_dma semaphore(%arg11 : memref<!tpu.dma_semaphore, #tpu.memory_space<semaphore_mem>>) src(%dma_wait3A_217 : memref<100096x16xf32, #tpu.memory_space<hbm>>) dst(%dma_wait3A_207 : memref<128x16xf32, #tpu.memory_space<vmem>>)
    %dma_wait3A_218 = arith.constant 0 : i32
    %dma_wait3A_219 = arith.constant 1 : i32
    %dma_wait3A_220 = arith.constant 0 : i32
    %dma_wait3A_221 = arith.constant 1 : i32
    %dma_wait3A_222 = arith.constant 0 : i32
    %dma_wait3A_223 = arith.constant 0 : i32
    %dma_wait3A_224 = tpu.memref_slice %arg9[%dma_wait3A_220, %dma_wait3A_221, %dma_wait3A_222, %dma_wait3A_223] : memref<2x6x128x16xf32, #tpu.memory_space<vmem>> -> memref<1x1x128x16xf32, #tpu.memory_space<vmem>>
    %dma_wait3A_225 = tpu.memref_squeeze %dma_wait3A_224 : memref<1x1x128x16xf32, #tpu.memory_space<vmem>> -> memref<128x16xf32, #tpu.memory_space<vmem>>
    %dma_wait3A_226 = arith.constant 0 : i32
    %dma_wait3A_227 = tpu.memref_slice %arg7[%dma_wait3A_218, %dma_wait3A_219, %dma_wait3A_226] : memref<2x6x128xi32, #tpu.memory_space<vmem>> -> memref<1x1x128xi32, #tpu.memory_space<vmem>>
    %dma_wait3A_228 = tpu.memref_squeeze %dma_wait3A_227 : memref<1x1x128xi32, #tpu.memory_space<vmem>> -> memref<128xi32, #tpu.memory_space<vmem>>
    %dma_wait3A_229 = arith.constant 0 : i32
    %dma_wait3A_230 = arith.constant 0 : i32
    %dma_wait3A_231 = tpu.memref_slice %arg2[%arg0, %dma_wait3A_229, %dma_wait3A_230] : memref<2x100096x16xf32, #tpu.memory_space<hbm>> -> memref<1x100096x16xf32, #tpu.memory_space<hbm>>
    %dma_wait3A_232 = tpu.memref_squeeze %dma_wait3A_231 : memref<1x100096x16xf32, #tpu.memory_space<hbm>> -> memref<100096x16xf32, #tpu.memory_space<hbm>>
    %dma_wait3A_233 = arith.constant 0 : i32
    %dma_wait3A_234 = arith.constant 0 : i32
    %dma_wait3A_235 = tpu.memref_slice %dma_wait3A_232[%dma_wait3A_233, %dma_wait3A_234] : memref<100096x16xf32, #tpu.memory_space<hbm>> -> memref<100096x16xf32, #tpu.memory_space<hbm>>
    tpu.wait_indirect_dma semaphore(%arg11 : memref<!tpu.dma_semaphore, #tpu.memory_space<semaphore_mem>>) src(%dma_wait3A_235 : memref<100096x16xf32, #tpu.memory_space<hbm>>) dst(%dma_wait3A_225 : memref<128x16xf32, #tpu.memory_space<vmem>>)
    %dma_wait3A_236 = arith.constant 0 : i32
    %dma_wait3A_237 = arith.constant 2 : i32
    %dma_wait3A_238 = arith.constant 0 : i32
    %dma_wait3A_239 = arith.constant 2 : i32
    %dma_wait3A_240 = arith.constant 0 : i32
    %dma_wait3A_241 = arith.constant 0 : i32
    %dma_wait3A_242 = tpu.memref_slice %arg9[%dma_wait3A_238, %dma_wait3A_239, %dma_wait3A_240, %dma_wait3A_241] : memref<2x6x128x16xf32, #tpu.memory_space<vmem>> -> memref<1x1x128x16xf32, #tpu.memory_space<vmem>>
    %dma_wait3A_243 = tpu.memref_squeeze %dma_wait3A_242 : memref<1x1x128x16xf32, #tpu.memory_space<vmem>> -> memref<128x16xf32, #tpu.memory_space<vmem>>
    %dma_wait3A_244 = arith.constant 0 : i32
    %dma_wait3A_245 = tpu.memref_slice %arg7[%dma_wait3A_236, %dma_wait3A_237, %dma_wait3A_244] : memref<2x6x128xi32, #tpu.memory_space<vmem>> -> memref<1x1x128xi32, #tpu.memory_space<vmem>>
    %dma_wait3A_246 = tpu.memref_squeeze %dma_wait3A_245 : memref<1x1x128xi32, #tpu.memory_space<vmem>> -> memref<128xi32, #tpu.memory_space<vmem>>
    %dma_wait3A_247 = arith.constant 0 : i32
    %dma_wait3A_248 = arith.constant 0 : i32
    %dma_wait3A_249 = tpu.memref_slice %arg2[%arg0, %dma_wait3A_247, %dma_wait3A_248] : memref<2x100096x16xf32, #tpu.memory_space<hbm>> -> memref<1x100096x16xf32, #tpu.memory_space<hbm>>
    %dma_wait3A_250 = tpu.memref_squeeze %dma_wait3A_249 : memref<1x100096x16xf32, #tpu.memory_space<hbm>> -> memref<100096x16xf32, #tpu.memory_space<hbm>>
    %dma_wait3A_251 = arith.constant 0 : i32
    %dma_wait3A_252 = arith.constant 0 : i32
    %dma_wait3A_253 = tpu.memref_slice %dma_wait3A_250[%dma_wait3A_251, %dma_wait3A_252] : memref<100096x16xf32, #tpu.memory_space<hbm>> -> memref<100096x16xf32, #tpu.memory_space<hbm>>
    tpu.wait_indirect_dma semaphore(%arg11 : memref<!tpu.dma_semaphore, #tpu.memory_space<semaphore_mem>>) src(%dma_wait3A_253 : memref<100096x16xf32, #tpu.memory_space<hbm>>) dst(%dma_wait3A_243 : memref<128x16xf32, #tpu.memory_space<vmem>>)
    %dma_wait3A_254 = arith.constant 0 : i32
    %dma_wait3A_255 = arith.constant 3 : i32
    %dma_wait3A_256 = arith.constant 0 : i32
    %dma_wait3A_257 = arith.constant 3 : i32
    %dma_wait3A_258 = arith.constant 0 : i32
    %dma_wait3A_259 = arith.constant 0 : i32
    %dma_wait3A_260 = tpu.memref_slice %arg9[%dma_wait3A_256, %dma_wait3A_257, %dma_wait3A_258, %dma_wait3A_259] : memref<2x6x128x16xf32, #tpu.memory_space<vmem>> -> memref<1x1x128x16xf32, #tpu.memory_space<vmem>>
    %dma_wait3A_261 = tpu.memref_squeeze %dma_wait3A_260 : memref<1x1x128x16xf32, #tpu.memory_space<vmem>> -> memref<128x16xf32, #tpu.memory_space<vmem>>
    %dma_wait3A_262 = arith.constant 0 : i32
    %dma_wait3A_263 = tpu.memref_slice %arg7[%dma_wait3A_254, %dma_wait3A_255, %dma_wait3A_262] : memref<2x6x128xi32, #tpu.memory_space<vmem>> -> memref<1x1x128xi32, #tpu.memory_space<vmem>>
    %dma_wait3A_264 = tpu.memref_squeeze %dma_wait3A_263 : memref<1x1x128xi32, #tpu.memory_space<vmem>> -> memref<128xi32, #tpu.memory_space<vmem>>
    %dma_wait3A_265 = arith.constant 0 : i32
    %dma_wait3A_266 = arith.constant 0 : i32
    %dma_wait3A_267 = tpu.memref_slice %arg2[%arg0, %dma_wait3A_265, %dma_wait3A_266] : memref<2x100096x16xf32, #tpu.memory_space<hbm>> -> memref<1x100096x16xf32, #tpu.memory_space<hbm>>
    %dma_wait3A_268 = tpu.memref_squeeze %dma_wait3A_267 : memref<1x100096x16xf32, #tpu.memory_space<hbm>> -> memref<100096x16xf32, #tpu.memory_space<hbm>>
    %dma_wait3A_269 = arith.constant 0 : i32
    %dma_wait3A_270 = arith.constant 0 : i32
    %dma_wait3A_271 = tpu.memref_slice %dma_wait3A_268[%dma_wait3A_269, %dma_wait3A_270] : memref<100096x16xf32, #tpu.memory_space<hbm>> -> memref<100096x16xf32, #tpu.memory_space<hbm>>
    tpu.wait_indirect_dma semaphore(%arg11 : memref<!tpu.dma_semaphore, #tpu.memory_space<semaphore_mem>>) src(%dma_wait3A_271 : memref<100096x16xf32, #tpu.memory_space<hbm>>) dst(%dma_wait3A_261 : memref<128x16xf32, #tpu.memory_space<vmem>>)
    %dma_wait3A_272 = arith.constant 0 : i32
    %dma_wait3A_273 = arith.constant 4 : i32
    %dma_wait3A_274 = arith.constant 0 : i32
    %dma_wait3A_275 = arith.constant 4 : i32
    %dma_wait3A_276 = arith.constant 0 : i32
    %dma_wait3A_277 = arith.constant 0 : i32
    %dma_wait3A_278 = tpu.memref_slice %arg9[%dma_wait3A_274, %dma_wait3A_275, %dma_wait3A_276, %dma_wait3A_277] : memref<2x6x128x16xf32, #tpu.memory_space<vmem>> -> memref<1x1x128x16xf32, #tpu.memory_space<vmem>>
    %dma_wait3A_279 = tpu.memref_squeeze %dma_wait3A_278 : memref<1x1x128x16xf32, #tpu.memory_space<vmem>> -> memref<128x16xf32, #tpu.memory_space<vmem>>
    %dma_wait3A_280 = arith.constant 0 : i32
    %dma_wait3A_281 = tpu.memref_slice %arg7[%dma_wait3A_272, %dma_wait3A_273, %dma_wait3A_280] : memref<2x6x128xi32, #tpu.memory_space<vmem>> -> memref<1x1x128xi32, #tpu.memory_space<vmem>>
    %dma_wait3A_282 = tpu.memref_squeeze %dma_wait3A_281 : memref<1x1x128xi32, #tpu.memory_space<vmem>> -> memref<128xi32, #tpu.memory_space<vmem>>
    %dma_wait3A_283 = arith.constant 0 : i32
    %dma_wait3A_284 = arith.constant 0 : i32
    %dma_wait3A_285 = tpu.memref_slice %arg2[%arg0, %dma_wait3A_283, %dma_wait3A_284] : memref<2x100096x16xf32, #tpu.memory_space<hbm>> -> memref<1x100096x16xf32, #tpu.memory_space<hbm>>
    %dma_wait3A_286 = tpu.memref_squeeze %dma_wait3A_285 : memref<1x100096x16xf32, #tpu.memory_space<hbm>> -> memref<100096x16xf32, #tpu.memory_space<hbm>>
    %dma_wait3A_287 = arith.constant 0 : i32
    %dma_wait3A_288 = arith.constant 0 : i32
    %dma_wait3A_289 = tpu.memref_slice %dma_wait3A_286[%dma_wait3A_287, %dma_wait3A_288] : memref<100096x16xf32, #tpu.memory_space<hbm>> -> memref<100096x16xf32, #tpu.memory_space<hbm>>
    tpu.wait_indirect_dma semaphore(%arg11 : memref<!tpu.dma_semaphore, #tpu.memory_space<semaphore_mem>>) src(%dma_wait3A_289 : memref<100096x16xf32, #tpu.memory_space<hbm>>) dst(%dma_wait3A_279 : memref<128x16xf32, #tpu.memory_space<vmem>>)
    %dma_wait3A_290 = arith.constant 0 : i32
    %dma_wait3A_291 = arith.constant 5 : i32
    %dma_wait3A_292 = arith.constant 0 : i32
    %dma_wait3A_293 = arith.constant 5 : i32
    %dma_wait3A_294 = arith.constant 0 : i32
    %dma_wait3A_295 = arith.constant 0 : i32
    %dma_wait3A_296 = tpu.memref_slice %arg9[%dma_wait3A_292, %dma_wait3A_293, %dma_wait3A_294, %dma_wait3A_295] : memref<2x6x128x16xf32, #tpu.memory_space<vmem>> -> memref<1x1x128x16xf32, #tpu.memory_space<vmem>>
    %dma_wait3A_297 = tpu.memref_squeeze %dma_wait3A_296 : memref<1x1x128x16xf32, #tpu.memory_space<vmem>> -> memref<128x16xf32, #tpu.memory_space<vmem>>
    %dma_wait3A_298 = arith.constant 0 : i32
    %dma_wait3A_299 = tpu.memref_slice %arg7[%dma_wait3A_290, %dma_wait3A_291, %dma_wait3A_298] : memref<2x6x128xi32, #tpu.memory_space<vmem>> -> memref<1x1x128xi32, #tpu.memory_space<vmem>>
    %dma_wait3A_300 = tpu.memref_squeeze %dma_wait3A_299 : memref<1x1x128xi32, #tpu.memory_space<vmem>> -> memref<128xi32, #tpu.memory_space<vmem>>
    %dma_wait3A_301 = arith.constant 0 : i32
    %dma_wait3A_302 = arith.constant 0 : i32
    %dma_wait3A_303 = tpu.memref_slice %arg2[%arg0, %dma_wait3A_301, %dma_wait3A_302] : memref<2x100096x16xf32, #tpu.memory_space<hbm>> -> memref<1x100096x16xf32, #tpu.memory_space<hbm>>
    %dma_wait3A_304 = tpu.memref_squeeze %dma_wait3A_303 : memref<1x100096x16xf32, #tpu.memory_space<hbm>> -> memref<100096x16xf32, #tpu.memory_space<hbm>>
    %dma_wait3A_305 = arith.constant 0 : i32
    %dma_wait3A_306 = arith.constant 0 : i32
    %dma_wait3A_307 = tpu.memref_slice %dma_wait3A_304[%dma_wait3A_305, %dma_wait3A_306] : memref<100096x16xf32, #tpu.memory_space<hbm>> -> memref<100096x16xf32, #tpu.memory_space<hbm>>
    tpu.wait_indirect_dma semaphore(%arg11 : memref<!tpu.dma_semaphore, #tpu.memory_space<semaphore_mem>>) src(%dma_wait3A_307 : memref<100096x16xf32, #tpu.memory_space<hbm>>) dst(%dma_wait3A_297 : memref<128x16xf32, #tpu.memory_space<vmem>>)
    %dma_start3A_308 = arith.constant 0 : i32
    %dma_start3A_309 = arith.constant 0 : i32
    %dma_start3A_310 = arith.constant 0 : i32
    %dma_start3A_311 = arith.constant 0 : i32
    %dma_start3A_312 = arith.constant 0 : i32
    %dma_start3A_313 = arith.constant 0 : i32
    %dma_start3A_314 = tpu.memref_slice %arg9[%dma_start3A_308, %dma_start3A_309, %dma_start3A_312, %dma_start3A_313] : memref<2x6x128x16xf32, #tpu.memory_space<vmem>> -> memref<1x1x128x16xf32, #tpu.memory_space<vmem>>
    %dma_start3A_315 = tpu.memref_squeeze %dma_start3A_314 : memref<1x1x128x16xf32, #tpu.memory_space<vmem>> -> memref<128x16xf32, #tpu.memory_space<vmem>>
    %dma_start3A_316 = arith.constant 0 : i32
    %dma_start3A_317 = tpu.memref_slice %arg8[%dma_start3A_310, %dma_start3A_311, %dma_start3A_316] : memref<2x6x128xi32, #tpu.memory_space<vmem>> -> memref<1x1x128xi32, #tpu.memory_space<vmem>>
    %dma_start3A_318 = tpu.memref_squeeze %dma_start3A_317 : memref<1x1x128xi32, #tpu.memory_space<vmem>> -> memref<128xi32, #tpu.memory_space<vmem>>
    %dma_start3A_319 = arith.constant 0 : i32
    %dma_start3A_320 = arith.constant 0 : i32
    %dma_start3A_321 = tpu.memref_slice %arg10[%dma_start3A_319, %dma_start3A_320] : memref<100096x16xf32, #tpu.memory_space<vmem_shared>> -> memref<100096x16xf32, #tpu.memory_space<vmem_shared>>
    tpu.enqueue_indirect_dma source(%dma_start3A_315 : memref<128x16xf32, #tpu.memory_space<vmem>>) target(%dma_start3A_321 : memref<100096x16xf32, #tpu.memory_space<vmem_shared>>) offsets(%dma_start3A_318 : memref<128xi32, #tpu.memory_space<vmem>>) semaphore(%arg12 : memref<!tpu.dma_semaphore, #tpu.memory_space<semaphore_mem>>) {add = true}
    %dma_start3A_322 = arith.constant 0 : i32
    %dma_start3A_323 = arith.constant 1 : i32
    %dma_start3A_324 = arith.constant 0 : i32
    %dma_start3A_325 = arith.constant 1 : i32
    %dma_start3A_326 = arith.constant 0 : i32
    %dma_start3A_327 = arith.constant 0 : i32
    %dma_start3A_328 = tpu.memref_slice %arg9[%dma_start3A_322, %dma_start3A_323, %dma_start3A_326, %dma_start3A_327] : memref<2x6x128x16xf32, #tpu.memory_space<vmem>> -> memref<1x1x128x16xf32, #tpu.memory_space<vmem>>
    %dma_start3A_329 = tpu.memref_squeeze %dma_start3A_328 : memref<1x1x128x16xf32, #tpu.memory_space<vmem>> -> memref<128x16xf32, #tpu.memory_space<vmem>>
    %dma_start3A_330 = arith.constant 0 : i32
    %dma_start3A_331 = tpu.memref_slice %arg8[%dma_start3A_324, %dma_start3A_325, %dma_start3A_330] : memref<2x6x128xi32, #tpu.memory_space<vmem>> -> memref<1x1x128xi32, #tpu.memory_space<vmem>>
    %dma_start3A_332 = tpu.memref_squeeze %dma_start3A_331 : memref<1x1x128xi32, #tpu.memory_space<vmem>> -> memref<128xi32, #tpu.memory_space<vmem>>
    %dma_start3A_333 = arith.constant 0 : i32
    %dma_start3A_334 = arith.constant 0 : i32
    %dma_start3A_335 = tpu.memref_slice %arg10[%dma_start3A_333, %dma_start3A_334] : memref<100096x16xf32, #tpu.memory_space<vmem_shared>> -> memref<100096x16xf32, #tpu.memory_space<vmem_shared>>
    tpu.enqueue_indirect_dma source(%dma_start3A_329 : memref<128x16xf32, #tpu.memory_space<vmem>>) target(%dma_start3A_335 : memref<100096x16xf32, #tpu.memory_space<vmem_shared>>) offsets(%dma_start3A_332 : memref<128xi32, #tpu.memory_space<vmem>>) semaphore(%arg12 : memref<!tpu.dma_semaphore, #tpu.memory_space<semaphore_mem>>) {add = true}
    %dma_start3A_336 = arith.constant 0 : i32
    %dma_start3A_337 = arith.constant 2 : i32
    %dma_start3A_338 = arith.constant 0 : i32
    %dma_start3A_339 = arith.constant 2 : i32
    %dma_start3A_340 = arith.constant 0 : i32
    %dma_start3A_341 = arith.constant 0 : i32
    %dma_start3A_342 = tpu.memref_slice %arg9[%dma_start3A_336, %dma_start3A_337, %dma_start3A_340, %dma_start3A_341] : memref<2x6x128x16xf32, #tpu.memory_space<vmem>> -> memref<1x1x128x16xf32, #tpu.memory_space<vmem>>
    %dma_start3A_343 = tpu.memref_squeeze %dma_start3A_342 : memref<1x1x128x16xf32, #tpu.memory_space<vmem>> -> memref<128x16xf32, #tpu.memory_space<vmem>>
    %dma_start3A_344 = arith.constant 0 : i32
    %dma_start3A_345 = tpu.memref_slice %arg8[%dma_start3A_338, %dma_start3A_339, %dma_start3A_344] : memref<2x6x128xi32, #tpu.memory_space<vmem>> -> memref<1x1x128xi32, #tpu.memory_space<vmem>>
    %dma_start3A_346 = tpu.memref_squeeze %dma_start3A_345 : memref<1x1x128xi32, #tpu.memory_space<vmem>> -> memref<128xi32, #tpu.memory_space<vmem>>
    %dma_start3A_347 = arith.constant 0 : i32
    %dma_start3A_348 = arith.constant 0 : i32
    %dma_start3A_349 = tpu.memref_slice %arg10[%dma_start3A_347, %dma_start3A_348] : memref<100096x16xf32, #tpu.memory_space<vmem_shared>> -> memref<100096x16xf32, #tpu.memory_space<vmem_shared>>
    tpu.enqueue_indirect_dma source(%dma_start3A_343 : memref<128x16xf32, #tpu.memory_space<vmem>>) target(%dma_start3A_349 : memref<100096x16xf32, #tpu.memory_space<vmem_shared>>) offsets(%dma_start3A_346 : memref<128xi32, #tpu.memory_space<vmem>>) semaphore(%arg12 : memref<!tpu.dma_semaphore, #tpu.memory_space<semaphore_mem>>) {add = true}
    %dma_start3A_350 = arith.constant 0 : i32
    %dma_start3A_351 = arith.constant 3 : i32
    %dma_start3A_352 = arith.constant 0 : i32
    %dma_start3A_353 = arith.constant 3 : i32
    %dma_start3A_354 = arith.constant 0 : i32
    %dma_start3A_355 = arith.constant 0 : i32
    %dma_start3A_356 = tpu.memref_slice %arg9[%dma_start3A_350, %dma_start3A_351, %dma_start3A_354, %dma_start3A_355] : memref<2x6x128x16xf32, #tpu.memory_space<vmem>> -> memref<1x1x128x16xf32, #tpu.memory_space<vmem>>
    %dma_start3A_357 = tpu.memref_squeeze %dma_start3A_356 : memref<1x1x128x16xf32, #tpu.memory_space<vmem>> -> memref<128x16xf32, #tpu.memory_space<vmem>>
    %dma_start3A_358 = arith.constant 0 : i32
    %dma_start3A_359 = tpu.memref_slice %arg8[%dma_start3A_352, %dma_start3A_353, %dma_start3A_358] : memref<2x6x128xi32, #tpu.memory_space<vmem>> -> memref<1x1x128xi32, #tpu.memory_space<vmem>>
    %dma_start3A_360 = tpu.memref_squeeze %dma_start3A_359 : memref<1x1x128xi32, #tpu.memory_space<vmem>> -> memref<128xi32, #tpu.memory_space<vmem>>
    %dma_start3A_361 = arith.constant 0 : i32
    %dma_start3A_362 = arith.constant 0 : i32
    %dma_start3A_363 = tpu.memref_slice %arg10[%dma_start3A_361, %dma_start3A_362] : memref<100096x16xf32, #tpu.memory_space<vmem_shared>> -> memref<100096x16xf32, #tpu.memory_space<vmem_shared>>
    tpu.enqueue_indirect_dma source(%dma_start3A_357 : memref<128x16xf32, #tpu.memory_space<vmem>>) target(%dma_start3A_363 : memref<100096x16xf32, #tpu.memory_space<vmem_shared>>) offsets(%dma_start3A_360 : memref<128xi32, #tpu.memory_space<vmem>>) semaphore(%arg12 : memref<!tpu.dma_semaphore, #tpu.memory_space<semaphore_mem>>) {add = true}
    %dma_start3A_364 = arith.constant 0 : i32
    %dma_start3A_365 = arith.constant 4 : i32
    %dma_start3A_366 = arith.constant 0 : i32
    %dma_start3A_367 = arith.constant 4 : i32
    %dma_start3A_368 = arith.constant 0 : i32
    %dma_start3A_369 = arith.constant 0 : i32
    %dma_start3A_370 = tpu.memref_slice %arg9[%dma_start3A_364, %dma_start3A_365, %dma_start3A_368, %dma_start3A_369] : memref<2x6x128x16xf32, #tpu.memory_space<vmem>> -> memref<1x1x128x16xf32, #tpu.memory_space<vmem>>
    %dma_start3A_371 = tpu.memref_squeeze %dma_start3A_370 : memref<1x1x128x16xf32, #tpu.memory_space<vmem>> -> memref<128x16xf32, #tpu.memory_space<vmem>>
    %dma_start3A_372 = arith.constant 0 : i32
    %dma_start3A_373 = tpu.memref_slice %arg8[%dma_start3A_366, %dma_start3A_367, %dma_start3A_372] : memref<2x6x128xi32, #tpu.memory_space<vmem>> -> memref<1x1x128xi32, #tpu.memory_space<vmem>>
    %dma_start3A_374 = tpu.memref_squeeze %dma_start3A_373 : memref<1x1x128xi32, #tpu.memory_space<vmem>> -> memref<128xi32, #tpu.memory_space<vmem>>
    %dma_start3A_375 = arith.constant 0 : i32
    %dma_start3A_376 = arith.constant 0 : i32
    %dma_start3A_377 = tpu.memref_slice %arg10[%dma_start3A_375, %dma_start3A_376] : memref<100096x16xf32, #tpu.memory_space<vmem_shared>> -> memref<100096x16xf32, #tpu.memory_space<vmem_shared>>
    tpu.enqueue_indirect_dma source(%dma_start3A_371 : memref<128x16xf32, #tpu.memory_space<vmem>>) target(%dma_start3A_377 : memref<100096x16xf32, #tpu.memory_space<vmem_shared>>) offsets(%dma_start3A_374 : memref<128xi32, #tpu.memory_space<vmem>>) semaphore(%arg12 : memref<!tpu.dma_semaphore, #tpu.memory_space<semaphore_mem>>) {add = true}
    %dma_start3A_378 = arith.constant 0 : i32
    %dma_start3A_379 = arith.constant 5 : i32
    %dma_start3A_380 = arith.constant 0 : i32
    %dma_start3A_381 = arith.constant 5 : i32
    %dma_start3A_382 = arith.constant 0 : i32
    %dma_start3A_383 = arith.constant 0 : i32
    %dma_start3A_384 = tpu.memref_slice %arg9[%dma_start3A_378, %dma_start3A_379, %dma_start3A_382, %dma_start3A_383] : memref<2x6x128x16xf32, #tpu.memory_space<vmem>> -> memref<1x1x128x16xf32, #tpu.memory_space<vmem>>
    %dma_start3A_385 = tpu.memref_squeeze %dma_start3A_384 : memref<1x1x128x16xf32, #tpu.memory_space<vmem>> -> memref<128x16xf32, #tpu.memory_space<vmem>>
    %dma_start3A_386 = arith.constant 0 : i32
    %dma_start3A_387 = tpu.memref_slice %arg8[%dma_start3A_380, %dma_start3A_381, %dma_start3A_386] : memref<2x6x128xi32, #tpu.memory_space<vmem>> -> memref<1x1x128xi32, #tpu.memory_space<vmem>>
    %dma_start3A_388 = tpu.memref_squeeze %dma_start3A_387 : memref<1x1x128xi32, #tpu.memory_space<vmem>> -> memref<128xi32, #tpu.memory_space<vmem>>
    %dma_start3A_389 = arith.constant 0 : i32
    %dma_start3A_390 = arith.constant 0 : i32
    %dma_start3A_391 = tpu.memref_slice %arg10[%dma_start3A_389, %dma_start3A_390] : memref<100096x16xf32, #tpu.memory_space<vmem_shared>> -> memref<100096x16xf32, #tpu.memory_space<vmem_shared>>
    tpu.enqueue_indirect_dma source(%dma_start3A_385 : memref<128x16xf32, #tpu.memory_space<vmem>>) target(%dma_start3A_391 : memref<100096x16xf32, #tpu.memory_space<vmem_shared>>) offsets(%dma_start3A_388 : memref<128xi32, #tpu.memory_space<vmem>>) semaphore(%arg12 : memref<!tpu.dma_semaphore, #tpu.memory_space<semaphore_mem>>) {add = true}
    %dma_wait3A_392 = arith.constant 0 : i32
    %dma_wait3A_393 = arith.constant 0 : i32
    %dma_wait3A_394 = arith.constant 0 : i32
    %dma_wait3A_395 = arith.constant 0 : i32
    %dma_wait3A_396 = arith.constant 0 : i32
    %dma_wait3A_397 = arith.constant 0 : i32
    %dma_wait3A_398 = tpu.memref_slice %arg9[%dma_wait3A_392, %dma_wait3A_393, %dma_wait3A_396, %dma_wait3A_397] : memref<2x6x128x16xf32, #tpu.memory_space<vmem>> -> memref<1x1x128x16xf32, #tpu.memory_space<vmem>>
    %dma_wait3A_399 = tpu.memref_squeeze %dma_wait3A_398 : memref<1x1x128x16xf32, #tpu.memory_space<vmem>> -> memref<128x16xf32, #tpu.memory_space<vmem>>
    %dma_wait3A_400 = arith.constant 0 : i32
    %dma_wait3A_401 = tpu.memref_slice %arg8[%dma_wait3A_394, %dma_wait3A_395, %dma_wait3A_400] : memref<2x6x128xi32, #tpu.memory_space<vmem>> -> memref<1x1x128xi32, #tpu.memory_space<vmem>>
    %dma_wait3A_402 = tpu.memref_squeeze %dma_wait3A_401 : memref<1x1x128xi32, #tpu.memory_space<vmem>> -> memref<128xi32, #tpu.memory_space<vmem>>
    %dma_wait3A_403 = arith.constant 0 : i32
    %dma_wait3A_404 = arith.constant 0 : i32
    %dma_wait3A_405 = tpu.memref_slice %arg10[%dma_wait3A_403, %dma_wait3A_404] : memref<100096x16xf32, #tpu.memory_space<vmem_shared>> -> memref<100096x16xf32, #tpu.memory_space<vmem_shared>>
    tpu.wait_indirect_dma semaphore(%arg12 : memref<!tpu.dma_semaphore, #tpu.memory_space<semaphore_mem>>) src(%dma_wait3A_399 : memref<128x16xf32, #tpu.memory_space<vmem>>) dst(%dma_wait3A_405 : memref<100096x16xf32, #tpu.memory_space<vmem_shared>>)
    %dma_wait3A_406 = arith.constant 0 : i32
    %dma_wait3A_407 = arith.constant 1 : i32
    %dma_wait3A_408 = arith.constant 0 : i32
    %dma_wait3A_409 = arith.constant 1 : i32
    %dma_wait3A_410 = arith.constant 0 : i32
    %dma_wait3A_411 = arith.constant 0 : i32
    %dma_wait3A_412 = tpu.memref_slice %arg9[%dma_wait3A_406, %dma_wait3A_407, %dma_wait3A_410, %dma_wait3A_411] : memref<2x6x128x16xf32, #tpu.memory_space<vmem>> -> memref<1x1x128x16xf32, #tpu.memory_space<vmem>>
    %dma_wait3A_413 = tpu.memref_squeeze %dma_wait3A_412 : memref<1x1x128x16xf32, #tpu.memory_space<vmem>> -> memref<128x16xf32, #tpu.memory_space<vmem>>
    %dma_wait3A_414 = arith.constant 0 : i32
    %dma_wait3A_415 = tpu.memref_slice %arg8[%dma_wait3A_408, %dma_wait3A_409, %dma_wait3A_414] : memref<2x6x128xi32, #tpu.memory_space<vmem>> -> memref<1x1x128xi32, #tpu.memory_space<vmem>>
    %dma_wait3A_416 = tpu.memref_squeeze %dma_wait3A_415 : memref<1x1x128xi32, #tpu.memory_space<vmem>> -> memref<128xi32, #tpu.memory_space<vmem>>
    %dma_wait3A_417 = arith.constant 0 : i32
    %dma_wait3A_418 = arith.constant 0 : i32
    %dma_wait3A_419 = tpu.memref_slice %arg10[%dma_wait3A_417, %dma_wait3A_418] : memref<100096x16xf32, #tpu.memory_space<vmem_shared>> -> memref<100096x16xf32, #tpu.memory_space<vmem_shared>>
    tpu.wait_indirect_dma semaphore(%arg12 : memref<!tpu.dma_semaphore, #tpu.memory_space<semaphore_mem>>) src(%dma_wait3A_413 : memref<128x16xf32, #tpu.memory_space<vmem>>) dst(%dma_wait3A_419 : memref<100096x16xf32, #tpu.memory_space<vmem_shared>>)
    %dma_wait3A_420 = arith.constant 0 : i32
    %dma_wait3A_421 = arith.constant 2 : i32
    %dma_wait3A_422 = arith.constant 0 : i32
    %dma_wait3A_423 = arith.constant 2 : i32
    %dma_wait3A_424 = arith.constant 0 : i32
    %dma_wait3A_425 = arith.constant 0 : i32
    %dma_wait3A_426 = tpu.memref_slice %arg9[%dma_wait3A_420, %dma_wait3A_421, %dma_wait3A_424, %dma_wait3A_425] : memref<2x6x128x16xf32, #tpu.memory_space<vmem>> -> memref<1x1x128x16xf32, #tpu.memory_space<vmem>>
    %dma_wait3A_427 = tpu.memref_squeeze %dma_wait3A_426 : memref<1x1x128x16xf32, #tpu.memory_space<vmem>> -> memref<128x16xf32, #tpu.memory_space<vmem>>
    %dma_wait3A_428 = arith.constant 0 : i32
    %dma_wait3A_429 = tpu.memref_slice %arg8[%dma_wait3A_422, %dma_wait3A_423, %dma_wait3A_428] : memref<2x6x128xi32, #tpu.memory_space<vmem>> -> memref<1x1x128xi32, #tpu.memory_space<vmem>>
    %dma_wait3A_430 = tpu.memref_squeeze %dma_wait3A_429 : memref<1x1x128xi32, #tpu.memory_space<vmem>> -> memref<128xi32, #tpu.memory_space<vmem>>
    %dma_wait3A_431 = arith.constant 0 : i32
    %dma_wait3A_432 = arith.constant 0 : i32
    %dma_wait3A_433 = tpu.memref_slice %arg10[%dma_wait3A_431, %dma_wait3A_432] : memref<100096x16xf32, #tpu.memory_space<vmem_shared>> -> memref<100096x16xf32, #tpu.memory_space<vmem_shared>>
    tpu.wait_indirect_dma semaphore(%arg12 : memref<!tpu.dma_semaphore, #tpu.memory_space<semaphore_mem>>) src(%dma_wait3A_427 : memref<128x16xf32, #tpu.memory_space<vmem>>) dst(%dma_wait3A_433 : memref<100096x16xf32, #tpu.memory_space<vmem_shared>>)
    %dma_wait3A_434 = arith.constant 0 : i32
    %dma_wait3A_435 = arith.constant 3 : i32
    %dma_wait3A_436 = arith.constant 0 : i32
    %dma_wait3A_437 = arith.constant 3 : i32
    %dma_wait3A_438 = arith.constant 0 : i32
    %dma_wait3A_439 = arith.constant 0 : i32
    %dma_wait3A_440 = tpu.memref_slice %arg9[%dma_wait3A_434, %dma_wait3A_435, %dma_wait3A_438, %dma_wait3A_439] : memref<2x6x128x16xf32, #tpu.memory_space<vmem>> -> memref<1x1x128x16xf32, #tpu.memory_space<vmem>>
    %dma_wait3A_441 = tpu.memref_squeeze %dma_wait3A_440 : memref<1x1x128x16xf32, #tpu.memory_space<vmem>> -> memref<128x16xf32, #tpu.memory_space<vmem>>
    %dma_wait3A_442 = arith.constant 0 : i32
    %dma_wait3A_443 = tpu.memref_slice %arg8[%dma_wait3A_436, %dma_wait3A_437, %dma_wait3A_442] : memref<2x6x128xi32, #tpu.memory_space<vmem>> -> memref<1x1x128xi32, #tpu.memory_space<vmem>>
    %dma_wait3A_444 = tpu.memref_squeeze %dma_wait3A_443 : memref<1x1x128xi32, #tpu.memory_space<vmem>> -> memref<128xi32, #tpu.memory_space<vmem>>
    %dma_wait3A_445 = arith.constant 0 : i32
    %dma_wait3A_446 = arith.constant 0 : i32
    %dma_wait3A_447 = tpu.memref_slice %arg10[%dma_wait3A_445, %dma_wait3A_446] : memref<100096x16xf32, #tpu.memory_space<vmem_shared>> -> memref<100096x16xf32, #tpu.memory_space<vmem_shared>>
    tpu.wait_indirect_dma semaphore(%arg12 : memref<!tpu.dma_semaphore, #tpu.memory_space<semaphore_mem>>) src(%dma_wait3A_441 : memref<128x16xf32, #tpu.memory_space<vmem>>) dst(%dma_wait3A_447 : memref<100096x16xf32, #tpu.memory_space<vmem_shared>>)
    %dma_wait3A_448 = arith.constant 0 : i32
    %dma_wait3A_449 = arith.constant 4 : i32
    %dma_wait3A_450 = arith.constant 0 : i32
    %dma_wait3A_451 = arith.constant 4 : i32
    %dma_wait3A_452 = arith.constant 0 : i32
    %dma_wait3A_453 = arith.constant 0 : i32
    %dma_wait3A_454 = tpu.memref_slice %arg9[%dma_wait3A_448, %dma_wait3A_449, %dma_wait3A_452, %dma_wait3A_453] : memref<2x6x128x16xf32, #tpu.memory_space<vmem>> -> memref<1x1x128x16xf32, #tpu.memory_space<vmem>>
    %dma_wait3A_455 = tpu.memref_squeeze %dma_wait3A_454 : memref<1x1x128x16xf32, #tpu.memory_space<vmem>> -> memref<128x16xf32, #tpu.memory_space<vmem>>
    %dma_wait3A_456 = arith.constant 0 : i32
    %dma_wait3A_457 = tpu.memref_slice %arg8[%dma_wait3A_450, %dma_wait3A_451, %dma_wait3A_456] : memref<2x6x128xi32, #tpu.memory_space<vmem>> -> memref<1x1x128xi32, #tpu.memory_space<vmem>>
    %dma_wait3A_458 = tpu.memref_squeeze %dma_wait3A_457 : memref<1x1x128xi32, #tpu.memory_space<vmem>> -> memref<128xi32, #tpu.memory_space<vmem>>
    %dma_wait3A_459 = arith.constant 0 : i32
    %dma_wait3A_460 = arith.constant 0 : i32
    %dma_wait3A_461 = tpu.memref_slice %arg10[%dma_wait3A_459, %dma_wait3A_460] : memref<100096x16xf32, #tpu.memory_space<vmem_shared>> -> memref<100096x16xf32, #tpu.memory_space<vmem_shared>>
    tpu.wait_indirect_dma semaphore(%arg12 : memref<!tpu.dma_semaphore, #tpu.memory_space<semaphore_mem>>) src(%dma_wait3A_455 : memref<128x16xf32, #tpu.memory_space<vmem>>) dst(%dma_wait3A_461 : memref<100096x16xf32, #tpu.memory_space<vmem_shared>>)
    %dma_wait3A_462 = arith.constant 0 : i32
    %dma_wait3A_463 = arith.constant 5 : i32
    %dma_wait3A_464 = arith.constant 0 : i32
    %dma_wait3A_465 = arith.constant 5 : i32
    %dma_wait3A_466 = arith.constant 0 : i32
    %dma_wait3A_467 = arith.constant 0 : i32
    %dma_wait3A_468 = tpu.memref_slice %arg9[%dma_wait3A_462, %dma_wait3A_463, %dma_wait3A_466, %dma_wait3A_467] : memref<2x6x128x16xf32, #tpu.memory_space<vmem>> -> memref<1x1x128x16xf32, #tpu.memory_space<vmem>>
    %dma_wait3A_469 = tpu.memref_squeeze %dma_wait3A_468 : memref<1x1x128x16xf32, #tpu.memory_space<vmem>> -> memref<128x16xf32, #tpu.memory_space<vmem>>
    %dma_wait3A_470 = arith.constant 0 : i32
    %dma_wait3A_471 = tpu.memref_slice %arg8[%dma_wait3A_464, %dma_wait3A_465, %dma_wait3A_470] : memref<2x6x128xi32, #tpu.memory_space<vmem>> -> memref<1x1x128xi32, #tpu.memory_space<vmem>>
    %dma_wait3A_472 = tpu.memref_squeeze %dma_wait3A_471 : memref<1x1x128xi32, #tpu.memory_space<vmem>> -> memref<128xi32, #tpu.memory_space<vmem>>
    %dma_wait3A_473 = arith.constant 0 : i32
    %dma_wait3A_474 = arith.constant 0 : i32
    %dma_wait3A_475 = tpu.memref_slice %arg10[%dma_wait3A_473, %dma_wait3A_474] : memref<100096x16xf32, #tpu.memory_space<vmem_shared>> -> memref<100096x16xf32, #tpu.memory_space<vmem_shared>>
    tpu.wait_indirect_dma semaphore(%arg12 : memref<!tpu.dma_semaphore, #tpu.memory_space<semaphore_mem>>) src(%dma_wait3A_469 : memref<128x16xf32, #tpu.memory_space<vmem>>) dst(%dma_wait3A_475 : memref<100096x16xf32, #tpu.memory_space<vmem_shared>>)
    %barrier3A_476 = arith.constant 0 : index
    tpu.barrier barrier_id(%barrier3A_476)
    "tpu.region"() ({
      %run_scoped3A_477 = tpu.sem_alloc : memref<!tpu.dma_semaphore, #tpu.memory_space<semaphore_mem>>
      %dma_start3A_478 = arith.constant 0 : i32
      %dma_start3A_479 = tpu.memref_slice %arg6[%arg0, %mul3A_0, %dma_start3A_478] : memref<2x100096x16xf32, #tpu.memory_space<hbm>> -> memref<1x6256x16xf32, #tpu.memory_space<hbm>>
      %dma_start3A_480 = tpu.memref_squeeze %dma_start3A_479 : memref<1x6256x16xf32, #tpu.memory_space<hbm>> -> memref<6256x16xf32, #tpu.memory_space<hbm>>
      %dma_start3A_481 = arith.constant 0 : i32
      %dma_start3A_482 = tpu.memref_slice %arg10[%mul3A_0, %dma_start3A_481] : memref<100096x16xf32, #tpu.memory_space<vmem_shared>> -> memref<6256x16xf32, #tpu.memory_space<vmem_shared>>
      tpu.enqueue_dma source(%dma_start3A_482 : memref<6256x16xf32, #tpu.memory_space<vmem_shared>>) target(%dma_start3A_480 : memref<6256x16xf32, #tpu.memory_space<hbm>>) target_semaphore(%run_scoped3A_477 : memref<!tpu.dma_semaphore, #tpu.memory_space<semaphore_mem>>)
      %dma_wait3A_483 = arith.constant 0 : i32
      %dma_wait3A_484 = tpu.memref_slice %arg6[%arg0, %mul3A_0, %dma_wait3A_483] : memref<2x100096x16xf32, #tpu.memory_space<hbm>> -> memref<1x6256x16xf32, #tpu.memory_space<hbm>>
      %dma_wait3A_485 = tpu.memref_squeeze %dma_wait3A_484 : memref<1x6256x16xf32, #tpu.memory_space<hbm>> -> memref<6256x16xf32, #tpu.memory_space<hbm>>
      %dma_wait3A_486 = arith.constant 0 : i32
      %dma_wait3A_487 = tpu.memref_slice %arg10[%mul3A_0, %dma_wait3A_486] : memref<100096x16xf32, #tpu.memory_space<vmem_shared>> -> memref<6256x16xf32, #tpu.memory_space<vmem_shared>>
      tpu.wait_dma2 semaphore(%run_scoped3A_477 : memref<!tpu.dma_semaphore, #tpu.memory_space<semaphore_mem>>) src(%dma_wait3A_487 : memref<6256x16xf32, #tpu.memory_space<vmem_shared>>) dst(%dma_wait3A_485 : memref<6256x16xf32, #tpu.memory_space<hbm>>)
      tpu.yield
    }) : () -> ()
    return
  }
}

module attributes {stable_mosaic.version = 14 : i64} {
  func.func @_dense1_body(%arg0: i32, %arg1: memref<2x512x128xf32, #tpu.memory_space<vmem>>, %arg2: memref<2x512x128xf32, #tpu.memory_space<vmem>>, %arg3: memref<16x64xf32, #tpu.memory_space<vmem>>, %arg4: memref<4x64xf32, #tpu.memory_space<vmem>>, %arg5: memref<16x64xf32, #tpu.memory_space<vmem>>, %arg6: memref<4x64xf32, #tpu.memory_space<vmem>>, %arg7: memref<1x64xf32, #tpu.memory_space<vmem>>, %arg8: memref<1x64xf32, #tpu.memory_space<vmem>>, %arg9: memref<1x64xf32, #tpu.memory_space<vmem>>, %arg10: memref<64x32xf32, #tpu.memory_space<vmem>>, %arg11: memref<64x32xf32, #tpu.memory_space<vmem>>, %arg12: memref<1x32xf32, #tpu.memory_space<vmem>>, %arg13: memref<2x512x128xf32, #tpu.memory_space<vmem>>, %arg14: memref<512x256xf32, #tpu.memory_space<vmem>>) attributes {dimension_semantics = [#tpu.dimension_semantics<arbitrary>], iteration_bounds = array<i64: 25>, scalar_prefetch = 0 : i64, scratch_operands = 0 : i64, tpu.core_type = #tpu.core_type<tc>, window_params = [{transform_indices = @transform_0, window_bounds = array<i64: 2, 512, 128>}, {transform_indices = @transform_1, window_bounds = array<i64: 2, 512, 128>}, {pipeline_mode = #tpu.pipeline_mode<synchronous>, transform_indices = @transform_2, window_bounds = array<i64: 16, 64>}, {pipeline_mode = #tpu.pipeline_mode<synchronous>, transform_indices = @transform_3, window_bounds = array<i64: 4, 64>}, {pipeline_mode = #tpu.pipeline_mode<synchronous>, transform_indices = @transform_4, window_bounds = array<i64: 16, 64>}, {pipeline_mode = #tpu.pipeline_mode<synchronous>, transform_indices = @transform_5, window_bounds = array<i64: 4, 64>}, {pipeline_mode = #tpu.pipeline_mode<synchronous>, transform_indices = @transform_6, window_bounds = array<i64: 1, 64>}, {pipeline_mode = #tpu.pipeline_mode<synchronous>, transform_indices = @transform_7, window_bounds = array<i64: 1, 64>}, {pipeline_mode = #tpu.pipeline_mode<synchronous>, transform_indices = @transform_8, window_bounds = array<i64: 1, 64>}, {pipeline_mode = #tpu.pipeline_mode<synchronous>, transform_indices = @transform_9, window_bounds = array<i64: 64, 32>}, {pipeline_mode = #tpu.pipeline_mode<synchronous>, transform_indices = @transform_10, window_bounds = array<i64: 64, 32>}, {pipeline_mode = #tpu.pipeline_mode<synchronous>, transform_indices = @transform_11, window_bounds = array<i64: 1, 32>}, {transform_indices = @transform_12, window_bounds = array<i64: 2, 512, 128>}, {transform_indices = @transform_13, window_bounds = array<i64: 512, 256>}]} {
    %get3A = arith.constant 0 : index
    %get3A_0 = arith.constant 0 : index
    %get3A_1 = arith.constant 0 : index
    %get3A_2 = vector.load %arg2[%get3A, %get3A_0, %get3A_1] : memref<2x512x128xf32, #tpu.memory_space<vmem>>, vector<1x512x128xf32>
    %get3A_3 = vector.shape_cast %get3A_2 : vector<1x512x128xf32> to vector<512x128xf32>
    %slice3A = vector.extract_strided_slice %get3A_3 {offsets = [0, 0], sizes = [512, 16], strides = [1, 1]} : vector<512x128xf32> to vector<512x16xf32>
    %slice3A_4 = vector.extract_strided_slice %get3A_3 {offsets = [0, 16], sizes = [512, 16], strides = [1, 1]} : vector<512x128xf32> to vector<512x16xf32>
    %slice3A_5 = vector.extract_strided_slice %get3A_3 {offsets = [0, 32], sizes = [512, 16], strides = [1, 1]} : vector<512x128xf32> to vector<512x16xf32>
    %slice3A_6 = vector.extract_strided_slice %get3A_3 {offsets = [0, 48], sizes = [512, 16], strides = [1, 1]} : vector<512x128xf32> to vector<512x16xf32>
    %slice3A_7 = vector.extract_strided_slice %get3A_3 {offsets = [0, 64], sizes = [512, 16], strides = [1, 1]} : vector<512x128xf32> to vector<512x16xf32>
    %slice3A_8 = vector.extract_strided_slice %get3A_3 {offsets = [0, 80], sizes = [512, 16], strides = [1, 1]} : vector<512x128xf32> to vector<512x16xf32>
    %slice3A_9 = vector.extract_strided_slice %get3A_3 {offsets = [0, 96], sizes = [512, 16], strides = [1, 1]} : vector<512x128xf32> to vector<512x16xf32>
    %slice3A_10 = vector.extract_strided_slice %get3A_3 {offsets = [0, 112], sizes = [512, 16], strides = [1, 1]} : vector<512x128xf32> to vector<512x16xf32>
    %concatenate3A = tpu.concatenate %slice3A, %slice3A_4, %slice3A_5, %slice3A_6, %slice3A_7, %slice3A_8, %slice3A_9, %slice3A_10 in 0 : vector<512x16xf32>, vector<512x16xf32>, vector<512x16xf32>, vector<512x16xf32>, vector<512x16xf32>, vector<512x16xf32>, vector<512x16xf32>, vector<512x16xf32> -> vector<4096x16xf32>
    %get3A_11 = arith.constant 1 : index
    %get3A_12 = arith.constant 0 : index
    %get3A_13 = arith.constant 0 : index
    %get3A_14 = vector.load %arg2[%get3A_11, %get3A_12, %get3A_13] : memref<2x512x128xf32, #tpu.memory_space<vmem>>, vector<1x512x128xf32>
    %get3A_15 = vector.shape_cast %get3A_14 : vector<1x512x128xf32> to vector<512x128xf32>
    %slice3A_16 = vector.extract_strided_slice %get3A_15 {offsets = [0, 0], sizes = [512, 16], strides = [1, 1]} : vector<512x128xf32> to vector<512x16xf32>
    %slice3A_17 = vector.extract_strided_slice %get3A_15 {offsets = [0, 16], sizes = [512, 16], strides = [1, 1]} : vector<512x128xf32> to vector<512x16xf32>
    %slice3A_18 = vector.extract_strided_slice %get3A_15 {offsets = [0, 32], sizes = [512, 16], strides = [1, 1]} : vector<512x128xf32> to vector<512x16xf32>
    %slice3A_19 = vector.extract_strided_slice %get3A_15 {offsets = [0, 48], sizes = [512, 16], strides = [1, 1]} : vector<512x128xf32> to vector<512x16xf32>
    %slice3A_20 = vector.extract_strided_slice %get3A_15 {offsets = [0, 64], sizes = [512, 16], strides = [1, 1]} : vector<512x128xf32> to vector<512x16xf32>
    %slice3A_21 = vector.extract_strided_slice %get3A_15 {offsets = [0, 80], sizes = [512, 16], strides = [1, 1]} : vector<512x128xf32> to vector<512x16xf32>
    %slice3A_22 = vector.extract_strided_slice %get3A_15 {offsets = [0, 96], sizes = [512, 16], strides = [1, 1]} : vector<512x128xf32> to vector<512x16xf32>
    %slice3A_23 = vector.extract_strided_slice %get3A_15 {offsets = [0, 112], sizes = [512, 16], strides = [1, 1]} : vector<512x128xf32> to vector<512x16xf32>
    %concatenate3A_24 = tpu.concatenate %slice3A_16, %slice3A_17, %slice3A_18, %slice3A_19, %slice3A_20, %slice3A_21, %slice3A_22, %slice3A_23 in 0 : vector<512x16xf32>, vector<512x16xf32>, vector<512x16xf32>, vector<512x16xf32>, vector<512x16xf32>, vector<512x16xf32>, vector<512x16xf32>, vector<512x16xf32> -> vector<4096x16xf32>
    %get3A_25 = arith.constant 0 : index
    %get3A_26 = arith.constant 0 : index
    %get3A_27 = arith.constant 0 : index
    %get3A_28 = vector.load %arg1[%get3A_25, %get3A_26, %get3A_27] : memref<2x512x128xf32, #tpu.memory_space<vmem>>, vector<1x512x128xf32>
    %get3A_29 = vector.shape_cast %get3A_28 : vector<1x512x128xf32> to vector<512x128xf32>
    %slice3A_30 = vector.extract_strided_slice %get3A_29 {offsets = [0, 0], sizes = [512, 16], strides = [1, 1]} : vector<512x128xf32> to vector<512x16xf32>
    %slice3A_31 = vector.extract_strided_slice %get3A_29 {offsets = [0, 16], sizes = [512, 16], strides = [1, 1]} : vector<512x128xf32> to vector<512x16xf32>
    %slice3A_32 = vector.extract_strided_slice %get3A_29 {offsets = [0, 32], sizes = [512, 16], strides = [1, 1]} : vector<512x128xf32> to vector<512x16xf32>
    %slice3A_33 = vector.extract_strided_slice %get3A_29 {offsets = [0, 48], sizes = [512, 16], strides = [1, 1]} : vector<512x128xf32> to vector<512x16xf32>
    %slice3A_34 = vector.extract_strided_slice %get3A_29 {offsets = [0, 64], sizes = [512, 16], strides = [1, 1]} : vector<512x128xf32> to vector<512x16xf32>
    %slice3A_35 = vector.extract_strided_slice %get3A_29 {offsets = [0, 80], sizes = [512, 16], strides = [1, 1]} : vector<512x128xf32> to vector<512x16xf32>
    %slice3A_36 = vector.extract_strided_slice %get3A_29 {offsets = [0, 96], sizes = [512, 16], strides = [1, 1]} : vector<512x128xf32> to vector<512x16xf32>
    %slice3A_37 = vector.extract_strided_slice %get3A_29 {offsets = [0, 112], sizes = [512, 16], strides = [1, 1]} : vector<512x128xf32> to vector<512x16xf32>
    %concatenate3A_38 = tpu.concatenate %slice3A_30, %slice3A_31, %slice3A_32, %slice3A_33, %slice3A_34, %slice3A_35, %slice3A_36, %slice3A_37 in 0 : vector<512x16xf32>, vector<512x16xf32>, vector<512x16xf32>, vector<512x16xf32>, vector<512x16xf32>, vector<512x16xf32>, vector<512x16xf32>, vector<512x16xf32> -> vector<4096x16xf32>
    %get3A_39 = arith.constant 1 : index
    %get3A_40 = arith.constant 0 : index
    %get3A_41 = arith.constant 0 : index
    %get3A_42 = vector.load %arg1[%get3A_39, %get3A_40, %get3A_41] : memref<2x512x128xf32, #tpu.memory_space<vmem>>, vector<1x512x128xf32>
    %get3A_43 = vector.shape_cast %get3A_42 : vector<1x512x128xf32> to vector<512x128xf32>
    %slice3A_44 = vector.extract_strided_slice %get3A_43 {offsets = [0, 0], sizes = [512, 16], strides = [1, 1]} : vector<512x128xf32> to vector<512x16xf32>
    %slice3A_45 = vector.extract_strided_slice %get3A_43 {offsets = [0, 16], sizes = [512, 16], strides = [1, 1]} : vector<512x128xf32> to vector<512x16xf32>
    %slice3A_46 = vector.extract_strided_slice %get3A_43 {offsets = [0, 32], sizes = [512, 16], strides = [1, 1]} : vector<512x128xf32> to vector<512x16xf32>
    %slice3A_47 = vector.extract_strided_slice %get3A_43 {offsets = [0, 48], sizes = [512, 16], strides = [1, 1]} : vector<512x128xf32> to vector<512x16xf32>
    %slice3A_48 = vector.extract_strided_slice %get3A_43 {offsets = [0, 64], sizes = [512, 16], strides = [1, 1]} : vector<512x128xf32> to vector<512x16xf32>
    %slice3A_49 = vector.extract_strided_slice %get3A_43 {offsets = [0, 80], sizes = [512, 16], strides = [1, 1]} : vector<512x128xf32> to vector<512x16xf32>
    %slice3A_50 = vector.extract_strided_slice %get3A_43 {offsets = [0, 96], sizes = [512, 16], strides = [1, 1]} : vector<512x128xf32> to vector<512x16xf32>
    %slice3A_51 = vector.extract_strided_slice %get3A_43 {offsets = [0, 112], sizes = [512, 16], strides = [1, 1]} : vector<512x128xf32> to vector<512x16xf32>
    %concatenate3A_52 = tpu.concatenate %slice3A_44, %slice3A_45, %slice3A_46, %slice3A_47, %slice3A_48, %slice3A_49, %slice3A_50, %slice3A_51 in 0 : vector<512x16xf32>, vector<512x16xf32>, vector<512x16xf32>, vector<512x16xf32>, vector<512x16xf32>, vector<512x16xf32>, vector<512x16xf32>, vector<512x16xf32> -> vector<4096x16xf32>
    %slice3A_53 = vector.extract_strided_slice %concatenate3A_24 {offsets = [0, 4], sizes = [4096, 1], strides = [1, 1]} : vector<4096x16xf32> to vector<4096x1xf32>
    %max3A = arith.constant 1.000000e+00 : f32
    %max3A_54 = vector.broadcast %max3A : f32 to vector<4096x1xf32>
    %max3A_55 = arith.maximumf %slice3A_53, %max3A_54 : vector<4096x1xf32>
    %div3A = arith.constant 1.000000e+00 : f32
    %div3A_56 = vector.broadcast %div3A : f32 to vector<4096x1xf32>
    %div3A_57 = arith.divf %div3A_56, %max3A_55 : vector<4096x1xf32>
    %mul3A = vector.broadcast %div3A_57 : vector<4096x1xf32> to vector<4096x16xf32>
    %mul3A_58 = arith.mulf %concatenate3A, %mul3A : vector<4096x16xf32>
    %get3A_59 = arith.constant 0 : index
    %get3A_60 = arith.constant 0 : index
    %get3A_61 = vector.load %arg3[%get3A_59, %get3A_60] : memref<16x64xf32, #tpu.memory_space<vmem>>, vector<16x64xf32>
    %dot_general3A = arith.constant dense<0.000000e+00> : vector<4096x64xf32>
    %dot_general3A_62 = tpu.matmul %mul3A_58, %get3A_61, %dot_general3A {dimension_numbers = #tpu.dot_dimension_numbers<[1], [0], [0], [1], [0, 0, 1, 1], [], []>, transpose_lhs_hint = false} : vector<4096x16xf32>, vector<16x64xf32>, vector<4096x64xf32> -> vector<4096x64xf32>
    %slice3A_63 = vector.extract_strided_slice %concatenate3A_24 {offsets = [0, 0], sizes = [4096, 4], strides = [1, 1]} : vector<4096x16xf32> to vector<4096x4xf32>
    %mul3A_64 = vector.broadcast %div3A_57 : vector<4096x1xf32> to vector<4096x4xf32>
    %mul3A_65 = arith.mulf %slice3A_63, %mul3A_64 : vector<4096x4xf32>
    %get3A_66 = arith.constant 0 : index
    %get3A_67 = arith.constant 0 : index
    %get3A_68 = vector.load %arg4[%get3A_66, %get3A_67] : memref<4x64xf32, #tpu.memory_space<vmem>>, vector<4x64xf32>
    %dot_general3A_69 = arith.constant dense<0.000000e+00> : vector<4096x64xf32>
    %dot_general3A_70 = tpu.matmul %mul3A_65, %get3A_68, %dot_general3A_69 {dimension_numbers = #tpu.dot_dimension_numbers<[1], [0], [0], [1], [0, 0, 1, 1], [], []>, transpose_lhs_hint = false} : vector<4096x4xf32>, vector<4x64xf32>, vector<4096x64xf32> -> vector<4096x64xf32>
    %add3A = arith.addf %dot_general3A_62, %dot_general3A_70 : vector<4096x64xf32>
    %get3A_71 = arith.constant 0 : index
    %get3A_72 = arith.constant 0 : index
    %get3A_73 = vector.load %arg5[%get3A_71, %get3A_72] : memref<16x64xf32, #tpu.memory_space<vmem>>, vector<16x64xf32>
    %dot_general3A_74 = arith.constant dense<0.000000e+00> : vector<4096x64xf32>
    %dot_general3A_75 = tpu.matmul %concatenate3A_38, %get3A_73, %dot_general3A_74 {dimension_numbers = #tpu.dot_dimension_numbers<[1], [0], [0], [1], [0, 0, 1, 1], [], []>, transpose_lhs_hint = false} : vector<4096x16xf32>, vector<16x64xf32>, vector<4096x64xf32> -> vector<4096x64xf32>
    %add3A_76 = arith.addf %add3A, %dot_general3A_75 : vector<4096x64xf32>
    %slice3A_77 = vector.extract_strided_slice %concatenate3A_52 {offsets = [0, 0], sizes = [4096, 4], strides = [1, 1]} : vector<4096x16xf32> to vector<4096x4xf32>
    %get3A_78 = arith.constant 0 : index
    %get3A_79 = arith.constant 0 : index
    %get3A_80 = vector.load %arg6[%get3A_78, %get3A_79] : memref<4x64xf32, #tpu.memory_space<vmem>>, vector<4x64xf32>
    %dot_general3A_81 = arith.constant dense<0.000000e+00> : vector<4096x64xf32>
    %dot_general3A_82 = tpu.matmul %slice3A_77, %get3A_80, %dot_general3A_81 {dimension_numbers = #tpu.dot_dimension_numbers<[1], [0], [0], [1], [0, 0, 1, 1], [], []>, transpose_lhs_hint = false} : vector<4096x4xf32>, vector<4x64xf32>, vector<4096x64xf32> -> vector<4096x64xf32>
    %add3A_83 = arith.addf %add3A_76, %dot_general3A_82 : vector<4096x64xf32>
    %get3A_84 = arith.constant 0 : index
    %get3A_85 = arith.constant 0 : index
    %get3A_86 = vector.load %arg7[%get3A_84, %get3A_85] : memref<1x64xf32, #tpu.memory_space<vmem>>, vector<1x64xf32>
    %add3A_87 = vector.broadcast %get3A_86 : vector<1x64xf32> to vector<4096x64xf32>
    %add3A_88 = arith.addf %add3A_83, %add3A_87 : vector<4096x64xf32>
    %get3A_89 = arith.constant 0 : index
    %get3A_90 = arith.constant 0 : index
    %get3A_91 = vector.load %arg8[%get3A_89, %get3A_90] : memref<1x64xf32, #tpu.memory_space<vmem>>, vector<1x64xf32>
    %mul3A_92 = arith.constant 0.999994993 : f32
    %mul3A_93 = vector.broadcast %mul3A_92 : f32 to vector<1x64xf32>
    %mul3A_94 = arith.mulf %get3A_91, %mul3A_93 : vector<1x64xf32>
    %mul3A_95 = vector.broadcast %mul3A_94 : vector<1x64xf32> to vector<4096x64xf32>
    %mul3A_96 = arith.mulf %add3A_88, %mul3A_95 : vector<4096x64xf32>
    %get3A_97 = arith.constant 0 : index
    %get3A_98 = arith.constant 0 : index
    %get3A_99 = vector.load %arg9[%get3A_97, %get3A_98] : memref<1x64xf32, #tpu.memory_space<vmem>>, vector<1x64xf32>
    %add3A_100 = vector.broadcast %get3A_99 : vector<1x64xf32> to vector<4096x64xf32>
    %add3A_101 = arith.addf %mul3A_96, %add3A_100 : vector<4096x64xf32>
    %max3A_102 = arith.constant 0.000000e+00 : f32
    %max3A_103 = vector.broadcast %max3A_102 : f32 to vector<4096x64xf32>
    %max3A_104 = arith.maximumf %add3A_101, %max3A_103 : vector<4096x64xf32>
    %get3A_105 = arith.constant 0 : index
    %get3A_106 = arith.constant 0 : index
    %get3A_107 = vector.load %arg10[%get3A_105, %get3A_106] : memref<64x32xf32, #tpu.memory_space<vmem>>, vector<64x32xf32>
    %dot_general3A_108 = arith.constant dense<0.000000e+00> : vector<4096x32xf32>
    %dot_general3A_109 = tpu.matmul %max3A_104, %get3A_107, %dot_general3A_108 {dimension_numbers = #tpu.dot_dimension_numbers<[1], [0], [0], [1], [0, 0, 1, 1], [], []>, transpose_lhs_hint = false} : vector<4096x64xf32>, vector<64x32xf32>, vector<4096x32xf32> -> vector<4096x32xf32>
    %slice3A_110 = vector.extract_strided_slice %dot_general3A_109 {offsets = [0, 0], sizes = [4096, 16], strides = [1, 1]} : vector<4096x32xf32> to vector<4096x16xf32>
    %slice3A_111 = vector.extract_strided_slice %slice3A_110 {offsets = [0, 0], sizes = [512, 16], strides = [1, 1]} : vector<4096x16xf32> to vector<512x16xf32>
    %slice3A_112 = vector.extract_strided_slice %slice3A_110 {offsets = [512, 0], sizes = [512, 16], strides = [1, 1]} : vector<4096x16xf32> to vector<512x16xf32>
    %slice3A_113 = vector.extract_strided_slice %slice3A_110 {offsets = [1024, 0], sizes = [512, 16], strides = [1, 1]} : vector<4096x16xf32> to vector<512x16xf32>
    %slice3A_114 = vector.extract_strided_slice %slice3A_110 {offsets = [1536, 0], sizes = [512, 16], strides = [1, 1]} : vector<4096x16xf32> to vector<512x16xf32>
    %slice3A_115 = vector.extract_strided_slice %slice3A_110 {offsets = [2048, 0], sizes = [512, 16], strides = [1, 1]} : vector<4096x16xf32> to vector<512x16xf32>
    %slice3A_116 = vector.extract_strided_slice %slice3A_110 {offsets = [2560, 0], sizes = [512, 16], strides = [1, 1]} : vector<4096x16xf32> to vector<512x16xf32>
    %slice3A_117 = vector.extract_strided_slice %slice3A_110 {offsets = [3072, 0], sizes = [512, 16], strides = [1, 1]} : vector<4096x16xf32> to vector<512x16xf32>
    %slice3A_118 = vector.extract_strided_slice %slice3A_110 {offsets = [3584, 0], sizes = [512, 16], strides = [1, 1]} : vector<4096x16xf32> to vector<512x16xf32>
    %concatenate3A_119 = tpu.concatenate %slice3A_111, %slice3A_112, %slice3A_113, %slice3A_114, %slice3A_115, %slice3A_116, %slice3A_117, %slice3A_118 in 1 : vector<512x16xf32>, vector<512x16xf32>, vector<512x16xf32>, vector<512x16xf32>, vector<512x16xf32>, vector<512x16xf32>, vector<512x16xf32>, vector<512x16xf32> -> vector<512x128xf32>
    %swap3A = arith.constant 0 : index
    %swap3A_120 = arith.constant 0 : index
    %swap3A_121 = arith.constant 0 : index
    %swap3A_122 = vector.load %arg13[%swap3A, %swap3A_120, %swap3A_121] : memref<2x512x128xf32, #tpu.memory_space<vmem>>, vector<1x512x128xf32>
    %swap3A_123 = vector.shape_cast %swap3A_122 : vector<1x512x128xf32> to vector<512x128xf32>
    %swap3A_124 = vector.shape_cast %concatenate3A_119 : vector<512x128xf32> to vector<1x512x128xf32>
    tpu.vector_store %arg13[%swap3A, %swap3A_120, %swap3A_121], %swap3A_124 {strides = array<i32>} : memref<2x512x128xf32, #tpu.memory_space<vmem>>, vector<1x512x128xf32>,
    %slice3A_125 = vector.extract_strided_slice %dot_general3A_109 {offsets = [0, 16], sizes = [4096, 16], strides = [1, 1]} : vector<4096x32xf32> to vector<4096x16xf32>
    %slice3A_126 = vector.extract_strided_slice %slice3A_125 {offsets = [0, 0], sizes = [512, 16], strides = [1, 1]} : vector<4096x16xf32> to vector<512x16xf32>
    %slice3A_127 = vector.extract_strided_slice %slice3A_125 {offsets = [512, 0], sizes = [512, 16], strides = [1, 1]} : vector<4096x16xf32> to vector<512x16xf32>
    %slice3A_128 = vector.extract_strided_slice %slice3A_125 {offsets = [1024, 0], sizes = [512, 16], strides = [1, 1]} : vector<4096x16xf32> to vector<512x16xf32>
    %slice3A_129 = vector.extract_strided_slice %slice3A_125 {offsets = [1536, 0], sizes = [512, 16], strides = [1, 1]} : vector<4096x16xf32> to vector<512x16xf32>
    %slice3A_130 = vector.extract_strided_slice %slice3A_125 {offsets = [2048, 0], sizes = [512, 16], strides = [1, 1]} : vector<4096x16xf32> to vector<512x16xf32>
    %slice3A_131 = vector.extract_strided_slice %slice3A_125 {offsets = [2560, 0], sizes = [512, 16], strides = [1, 1]} : vector<4096x16xf32> to vector<512x16xf32>
    %slice3A_132 = vector.extract_strided_slice %slice3A_125 {offsets = [3072, 0], sizes = [512, 16], strides = [1, 1]} : vector<4096x16xf32> to vector<512x16xf32>
    %slice3A_133 = vector.extract_strided_slice %slice3A_125 {offsets = [3584, 0], sizes = [512, 16], strides = [1, 1]} : vector<4096x16xf32> to vector<512x16xf32>
    %concatenate3A_134 = tpu.concatenate %slice3A_126, %slice3A_127, %slice3A_128, %slice3A_129, %slice3A_130, %slice3A_131, %slice3A_132, %slice3A_133 in 1 : vector<512x16xf32>, vector<512x16xf32>, vector<512x16xf32>, vector<512x16xf32>, vector<512x16xf32>, vector<512x16xf32>, vector<512x16xf32>, vector<512x16xf32> -> vector<512x128xf32>
    %swap3A_135 = arith.constant 1 : index
    %swap3A_136 = arith.constant 0 : index
    %swap3A_137 = arith.constant 0 : index
    %swap3A_138 = vector.load %arg13[%swap3A_135, %swap3A_136, %swap3A_137] : memref<2x512x128xf32, #tpu.memory_space<vmem>>, vector<1x512x128xf32>
    %swap3A_139 = vector.shape_cast %swap3A_138 : vector<1x512x128xf32> to vector<512x128xf32>
    %swap3A_140 = vector.shape_cast %concatenate3A_134 : vector<512x128xf32> to vector<1x512x128xf32>
    tpu.vector_store %arg13[%swap3A_135, %swap3A_136, %swap3A_137], %swap3A_140 {strides = array<i32>} : memref<2x512x128xf32, #tpu.memory_space<vmem>>, vector<1x512x128xf32>,
    %get3A_141 = arith.constant 0 : index
    %get3A_142 = arith.constant 0 : index
    %get3A_143 = vector.load %arg11[%get3A_141, %get3A_142] : memref<64x32xf32, #tpu.memory_space<vmem>>, vector<64x32xf32>
    %dot_general3A_144 = arith.constant dense<0.000000e+00> : vector<4096x32xf32>
    %dot_general3A_145 = tpu.matmul %max3A_104, %get3A_143, %dot_general3A_144 {dimension_numbers = #tpu.dot_dimension_numbers<[1], [0], [0], [1], [0, 0, 1, 1], [], []>, transpose_lhs_hint = false} : vector<4096x64xf32>, vector<64x32xf32>, vector<4096x32xf32> -> vector<4096x32xf32>
    %get3A_146 = arith.constant 0 : index
    %get3A_147 = arith.constant 0 : index
    %get3A_148 = vector.load %arg12[%get3A_146, %get3A_147] : memref<1x32xf32, #tpu.memory_space<vmem>>, vector<1x32xf32>
    %add3A_149 = vector.broadcast %get3A_148 : vector<1x32xf32> to vector<4096x32xf32>
    %add3A_150 = arith.addf %dot_general3A_145, %add3A_149 : vector<4096x32xf32>
    %slice3A_151 = vector.extract_strided_slice %add3A_150 {offsets = [0, 0], sizes = [512, 32], strides = [1, 1]} : vector<4096x32xf32> to vector<512x32xf32>
    %slice3A_152 = vector.extract_strided_slice %add3A_150 {offsets = [512, 0], sizes = [512, 32], strides = [1, 1]} : vector<4096x32xf32> to vector<512x32xf32>
    %slice3A_153 = vector.extract_strided_slice %add3A_150 {offsets = [1024, 0], sizes = [512, 32], strides = [1, 1]} : vector<4096x32xf32> to vector<512x32xf32>
    %slice3A_154 = vector.extract_strided_slice %add3A_150 {offsets = [1536, 0], sizes = [512, 32], strides = [1, 1]} : vector<4096x32xf32> to vector<512x32xf32>
    %slice3A_155 = vector.extract_strided_slice %add3A_150 {offsets = [2048, 0], sizes = [512, 32], strides = [1, 1]} : vector<4096x32xf32> to vector<512x32xf32>
    %slice3A_156 = vector.extract_strided_slice %add3A_150 {offsets = [2560, 0], sizes = [512, 32], strides = [1, 1]} : vector<4096x32xf32> to vector<512x32xf32>
    %slice3A_157 = vector.extract_strided_slice %add3A_150 {offsets = [3072, 0], sizes = [512, 32], strides = [1, 1]} : vector<4096x32xf32> to vector<512x32xf32>
    %slice3A_158 = vector.extract_strided_slice %add3A_150 {offsets = [3584, 0], sizes = [512, 32], strides = [1, 1]} : vector<4096x32xf32> to vector<512x32xf32>
    %concatenate3A_159 = tpu.concatenate %slice3A_151, %slice3A_152, %slice3A_153, %slice3A_154, %slice3A_155, %slice3A_156, %slice3A_157, %slice3A_158 in 1 : vector<512x32xf32>, vector<512x32xf32>, vector<512x32xf32>, vector<512x32xf32>, vector<512x32xf32>, vector<512x32xf32>, vector<512x32xf32>, vector<512x32xf32> -> vector<512x256xf32>
    %swap3A_160 = arith.constant 0 : index
    %swap3A_161 = arith.constant 0 : index
    %swap3A_162 = vector.load %arg14[%swap3A_160, %swap3A_161] : memref<512x256xf32, #tpu.memory_space<vmem>>, vector<512x256xf32>
    tpu.vector_store %arg14[%swap3A_160, %swap3A_161], %concatenate3A_159 {strides = array<i32>} : memref<512x256xf32, #tpu.memory_space<vmem>>, vector<512x256xf32>,
    return
  }
  func.func @transform_0(%arg0: i32) -> (i32, i32, i32) {
    %c0_i32 = arith.constant 0 : i32
    %c0_i32_0 = arith.constant 0 : i32
    %c0_i32_1 = arith.constant 0 : i32
    return %c0_i32, %arg0, %c0_i32_0 : i32, i32, i32
  }
  func.func @transform_1(%arg0: i32) -> (i32, i32, i32) {
    %c0_i32 = arith.constant 0 : i32
    %c0_i32_0 = arith.constant 0 : i32
    %c0_i32_1 = arith.constant 0 : i32
    return %c0_i32, %arg0, %c0_i32_0 : i32, i32, i32
  }
  func.func @transform_2(%arg0: i32) -> (i32, i32) {
    %c0_i32 = arith.constant 0 : i32
    %c0_i32_0 = arith.constant 0 : i32
    %c0_i32_1 = arith.constant 0 : i32
    return %c0_i32, %c0_i32_0 : i32, i32
  }
  func.func @transform_3(%arg0: i32) -> (i32, i32) {
    %c0_i32 = arith.constant 0 : i32
    %c0_i32_0 = arith.constant 0 : i32
    %c0_i32_1 = arith.constant 0 : i32
    return %c0_i32, %c0_i32_0 : i32, i32
  }
  func.func @transform_4(%arg0: i32) -> (i32, i32) {
    %c0_i32 = arith.constant 0 : i32
    %c0_i32_0 = arith.constant 0 : i32
    %c0_i32_1 = arith.constant 0 : i32
    return %c0_i32, %c0_i32_0 : i32, i32
  }
  func.func @transform_5(%arg0: i32) -> (i32, i32) {
    %c0_i32 = arith.constant 0 : i32
    %c0_i32_0 = arith.constant 0 : i32
    %c0_i32_1 = arith.constant 0 : i32
    return %c0_i32, %c0_i32_0 : i32, i32
  }
  func.func @transform_6(%arg0: i32) -> (i32, i32) {
    %c0_i32 = arith.constant 0 : i32
    %c0_i32_0 = arith.constant 0 : i32
    %c0_i32_1 = arith.constant 0 : i32
    return %c0_i32, %c0_i32_0 : i32, i32
  }
  func.func @transform_7(%arg0: i32) -> (i32, i32) {
    %c0_i32 = arith.constant 0 : i32
    %c0_i32_0 = arith.constant 0 : i32
    %c0_i32_1 = arith.constant 0 : i32
    return %c0_i32, %c0_i32_0 : i32, i32
  }
  func.func @transform_8(%arg0: i32) -> (i32, i32) {
    %c0_i32 = arith.constant 0 : i32
    %c0_i32_0 = arith.constant 0 : i32
    %c0_i32_1 = arith.constant 0 : i32
    return %c0_i32, %c0_i32_0 : i32, i32
  }
  func.func @transform_9(%arg0: i32) -> (i32, i32) {
    %c0_i32 = arith.constant 0 : i32
    %c0_i32_0 = arith.constant 0 : i32
    %c0_i32_1 = arith.constant 0 : i32
    return %c0_i32, %c0_i32_0 : i32, i32
  }
  func.func @transform_10(%arg0: i32) -> (i32, i32) {
    %c0_i32 = arith.constant 0 : i32
    %c0_i32_0 = arith.constant 0 : i32
    %c0_i32_1 = arith.constant 0 : i32
    return %c0_i32, %c0_i32_0 : i32, i32
  }
  func.func @transform_11(%arg0: i32) -> (i32, i32) {
    %c0_i32 = arith.constant 0 : i32
    %c0_i32_0 = arith.constant 0 : i32
    %c0_i32_1 = arith.constant 0 : i32
    return %c0_i32, %c0_i32_0 : i32, i32
  }
  func.func @transform_12(%arg0: i32) -> (i32, i32, i32) {
    %c0_i32 = arith.constant 0 : i32
    %c0_i32_0 = arith.constant 0 : i32
    %c0_i32_1 = arith.constant 0 : i32
    return %c0_i32, %arg0, %c0_i32_0 : i32, i32, i32
  }
  func.func @transform_13(%arg0: i32) -> (i32, i32) {
    %c0_i32 = arith.constant 0 : i32
    %c0_i32_0 = arith.constant 0 : i32
    return %arg0, %c0_i32 : i32, i32
  }
}

module attributes {stable_mosaic.version = 14 : i64} {
  func.func @_dense2_body(%arg0: i32, %arg1: memref<2x512x128xf32, #tpu.memory_space<vmem>>, %arg2: memref<1x512x128xf32, #tpu.memory_space<vmem>>, %arg3: memref<512x256xf32, #tpu.memory_space<vmem>>, %arg4: memref<1x32xf32, #tpu.memory_space<vmem>>, %arg5: memref<1x32xf32, #tpu.memory_space<vmem>>, %arg6: memref<1x32xf32, #tpu.memory_space<vmem>>, %arg7: memref<1x32xf32, #tpu.memory_space<vmem>>, %arg8: memref<1x32xf32, #tpu.memory_space<vmem>>, %arg9: memref<1x1xf32, #tpu.memory_space<vmem>>, %arg10: memref<512x8xf32, #tpu.memory_space<vmem>>) attributes {dimension_semantics = [#tpu.dimension_semantics<arbitrary>], iteration_bounds = array<i64: 25>, scalar_prefetch = 0 : i64, scratch_operands = 0 : i64, tpu.core_type = #tpu.core_type<tc>, window_params = [{transform_indices = @transform_0, window_bounds = array<i64: 2, 512, 128>}, {transform_indices = @transform_1, window_bounds = array<i64: 1, 512, 128>}, {transform_indices = @transform_2, window_bounds = array<i64: 512, 256>}, {pipeline_mode = #tpu.pipeline_mode<synchronous>, transform_indices = @transform_3, window_bounds = array<i64: 1, 32>}, {pipeline_mode = #tpu.pipeline_mode<synchronous>, transform_indices = @transform_4, window_bounds = array<i64: 1, 32>}, {pipeline_mode = #tpu.pipeline_mode<synchronous>, transform_indices = @transform_5, window_bounds = array<i64: 1, 32>}, {pipeline_mode = #tpu.pipeline_mode<synchronous>, transform_indices = @transform_6, window_bounds = array<i64: 1, 32>}, {pipeline_mode = #tpu.pipeline_mode<synchronous>, transform_indices = @transform_7, window_bounds = array<i64: 1, 32>}, {pipeline_mode = #tpu.pipeline_mode<synchronous>, transform_indices = @transform_8, window_bounds = array<i64: 1, 1>}, {transform_indices = @transform_9, window_bounds = array<i64: 512, 8>}]} {
    %get3A = arith.constant 0 : index
    %get3A_0 = arith.constant 0 : index
    %get3A_1 = arith.constant 0 : index
    %get3A_2 = vector.load %arg1[%get3A, %get3A_0, %get3A_1] : memref<2x512x128xf32, #tpu.memory_space<vmem>>, vector<1x512x128xf32>
    %get3A_3 = vector.shape_cast %get3A_2 : vector<1x512x128xf32> to vector<512x128xf32>
    %slice3A = vector.extract_strided_slice %get3A_3 {offsets = [0, 0], sizes = [512, 16], strides = [1, 1]} : vector<512x128xf32> to vector<512x16xf32>
    %slice3A_4 = vector.extract_strided_slice %get3A_3 {offsets = [0, 16], sizes = [512, 16], strides = [1, 1]} : vector<512x128xf32> to vector<512x16xf32>
    %slice3A_5 = vector.extract_strided_slice %get3A_3 {offsets = [0, 32], sizes = [512, 16], strides = [1, 1]} : vector<512x128xf32> to vector<512x16xf32>
    %slice3A_6 = vector.extract_strided_slice %get3A_3 {offsets = [0, 48], sizes = [512, 16], strides = [1, 1]} : vector<512x128xf32> to vector<512x16xf32>
    %slice3A_7 = vector.extract_strided_slice %get3A_3 {offsets = [0, 64], sizes = [512, 16], strides = [1, 1]} : vector<512x128xf32> to vector<512x16xf32>
    %slice3A_8 = vector.extract_strided_slice %get3A_3 {offsets = [0, 80], sizes = [512, 16], strides = [1, 1]} : vector<512x128xf32> to vector<512x16xf32>
    %slice3A_9 = vector.extract_strided_slice %get3A_3 {offsets = [0, 96], sizes = [512, 16], strides = [1, 1]} : vector<512x128xf32> to vector<512x16xf32>
    %slice3A_10 = vector.extract_strided_slice %get3A_3 {offsets = [0, 112], sizes = [512, 16], strides = [1, 1]} : vector<512x128xf32> to vector<512x16xf32>
    %concatenate3A = tpu.concatenate %slice3A, %slice3A_4, %slice3A_5, %slice3A_6, %slice3A_7, %slice3A_8, %slice3A_9, %slice3A_10 in 0 : vector<512x16xf32>, vector<512x16xf32>, vector<512x16xf32>, vector<512x16xf32>, vector<512x16xf32>, vector<512x16xf32>, vector<512x16xf32>, vector<512x16xf32> -> vector<4096x16xf32>
    %get3A_11 = arith.constant 1 : index
    %get3A_12 = arith.constant 0 : index
    %get3A_13 = arith.constant 0 : index
    %get3A_14 = vector.load %arg1[%get3A_11, %get3A_12, %get3A_13] : memref<2x512x128xf32, #tpu.memory_space<vmem>>, vector<1x512x128xf32>
    %get3A_15 = vector.shape_cast %get3A_14 : vector<1x512x128xf32> to vector<512x128xf32>
    %slice3A_16 = vector.extract_strided_slice %get3A_15 {offsets = [0, 0], sizes = [512, 16], strides = [1, 1]} : vector<512x128xf32> to vector<512x16xf32>
    %slice3A_17 = vector.extract_strided_slice %get3A_15 {offsets = [0, 16], sizes = [512, 16], strides = [1, 1]} : vector<512x128xf32> to vector<512x16xf32>
    %slice3A_18 = vector.extract_strided_slice %get3A_15 {offsets = [0, 32], sizes = [512, 16], strides = [1, 1]} : vector<512x128xf32> to vector<512x16xf32>
    %slice3A_19 = vector.extract_strided_slice %get3A_15 {offsets = [0, 48], sizes = [512, 16], strides = [1, 1]} : vector<512x128xf32> to vector<512x16xf32>
    %slice3A_20 = vector.extract_strided_slice %get3A_15 {offsets = [0, 64], sizes = [512, 16], strides = [1, 1]} : vector<512x128xf32> to vector<512x16xf32>
    %slice3A_21 = vector.extract_strided_slice %get3A_15 {offsets = [0, 80], sizes = [512, 16], strides = [1, 1]} : vector<512x128xf32> to vector<512x16xf32>
    %slice3A_22 = vector.extract_strided_slice %get3A_15 {offsets = [0, 96], sizes = [512, 16], strides = [1, 1]} : vector<512x128xf32> to vector<512x16xf32>
    %slice3A_23 = vector.extract_strided_slice %get3A_15 {offsets = [0, 112], sizes = [512, 16], strides = [1, 1]} : vector<512x128xf32> to vector<512x16xf32>
    %concatenate3A_24 = tpu.concatenate %slice3A_16, %slice3A_17, %slice3A_18, %slice3A_19, %slice3A_20, %slice3A_21, %slice3A_22, %slice3A_23 in 0 : vector<512x16xf32>, vector<512x16xf32>, vector<512x16xf32>, vector<512x16xf32>, vector<512x16xf32>, vector<512x16xf32>, vector<512x16xf32>, vector<512x16xf32> -> vector<4096x16xf32>
    %get3A_25 = arith.constant 0 : index
    %get3A_26 = arith.constant 0 : index
    %get3A_27 = arith.constant 0 : index
    %get3A_28 = vector.load %arg2[%get3A_25, %get3A_26, %get3A_27] : memref<1x512x128xf32, #tpu.memory_space<vmem>>, vector<1x512x128xf32>
    %get3A_29 = vector.shape_cast %get3A_28 : vector<1x512x128xf32> to vector<512x128xf32>
    %slice3A_30 = vector.extract_strided_slice %get3A_29 {offsets = [0, 0], sizes = [512, 16], strides = [1, 1]} : vector<512x128xf32> to vector<512x16xf32>
    %slice3A_31 = vector.extract_strided_slice %get3A_29 {offsets = [0, 16], sizes = [512, 16], strides = [1, 1]} : vector<512x128xf32> to vector<512x16xf32>
    %slice3A_32 = vector.extract_strided_slice %get3A_29 {offsets = [0, 32], sizes = [512, 16], strides = [1, 1]} : vector<512x128xf32> to vector<512x16xf32>
    %slice3A_33 = vector.extract_strided_slice %get3A_29 {offsets = [0, 48], sizes = [512, 16], strides = [1, 1]} : vector<512x128xf32> to vector<512x16xf32>
    %slice3A_34 = vector.extract_strided_slice %get3A_29 {offsets = [0, 64], sizes = [512, 16], strides = [1, 1]} : vector<512x128xf32> to vector<512x16xf32>
    %slice3A_35 = vector.extract_strided_slice %get3A_29 {offsets = [0, 80], sizes = [512, 16], strides = [1, 1]} : vector<512x128xf32> to vector<512x16xf32>
    %slice3A_36 = vector.extract_strided_slice %get3A_29 {offsets = [0, 96], sizes = [512, 16], strides = [1, 1]} : vector<512x128xf32> to vector<512x16xf32>
    %slice3A_37 = vector.extract_strided_slice %get3A_29 {offsets = [0, 112], sizes = [512, 16], strides = [1, 1]} : vector<512x128xf32> to vector<512x16xf32>
    %concatenate3A_38 = tpu.concatenate %slice3A_30, %slice3A_31, %slice3A_32, %slice3A_33, %slice3A_34, %slice3A_35, %slice3A_36, %slice3A_37 in 0 : vector<512x16xf32>, vector<512x16xf32>, vector<512x16xf32>, vector<512x16xf32>, vector<512x16xf32>, vector<512x16xf32>, vector<512x16xf32>, vector<512x16xf32> -> vector<4096x16xf32>
    %get3A_39 = arith.constant 0 : index
    %get3A_40 = arith.constant 0 : index
    %get3A_41 = vector.load %arg3[%get3A_39, %get3A_40] : memref<512x256xf32, #tpu.memory_space<vmem>>, vector<512x256xf32>
    %slice3A_42 = vector.extract_strided_slice %get3A_41 {offsets = [0, 0], sizes = [512, 32], strides = [1, 1]} : vector<512x256xf32> to vector<512x32xf32>
    %slice3A_43 = vector.extract_strided_slice %get3A_41 {offsets = [0, 32], sizes = [512, 32], strides = [1, 1]} : vector<512x256xf32> to vector<512x32xf32>
    %slice3A_44 = vector.extract_strided_slice %get3A_41 {offsets = [0, 64], sizes = [512, 32], strides = [1, 1]} : vector<512x256xf32> to vector<512x32xf32>
    %slice3A_45 = vector.extract_strided_slice %get3A_41 {offsets = [0, 96], sizes = [512, 32], strides = [1, 1]} : vector<512x256xf32> to vector<512x32xf32>
    %slice3A_46 = vector.extract_strided_slice %get3A_41 {offsets = [0, 128], sizes = [512, 32], strides = [1, 1]} : vector<512x256xf32> to vector<512x32xf32>
    %slice3A_47 = vector.extract_strided_slice %get3A_41 {offsets = [0, 160], sizes = [512, 32], strides = [1, 1]} : vector<512x256xf32> to vector<512x32xf32>
    %slice3A_48 = vector.extract_strided_slice %get3A_41 {offsets = [0, 192], sizes = [512, 32], strides = [1, 1]} : vector<512x256xf32> to vector<512x32xf32>
    %slice3A_49 = vector.extract_strided_slice %get3A_41 {offsets = [0, 224], sizes = [512, 32], strides = [1, 1]} : vector<512x256xf32> to vector<512x32xf32>
    %concatenate3A_50 = tpu.concatenate %slice3A_42, %slice3A_43, %slice3A_44, %slice3A_45, %slice3A_46, %slice3A_47, %slice3A_48, %slice3A_49 in 0 : vector<512x32xf32>, vector<512x32xf32>, vector<512x32xf32>, vector<512x32xf32>, vector<512x32xf32>, vector<512x32xf32>, vector<512x32xf32>, vector<512x32xf32> -> vector<4096x32xf32>
    %slice3A_51 = vector.extract_strided_slice %concatenate3A_38 {offsets = [0, 4], sizes = [4096, 1], strides = [1, 1]} : vector<4096x16xf32> to vector<4096x1xf32>
    %max3A = arith.constant 1.000000e+00 : f32
    %max3A_52 = vector.broadcast %max3A : f32 to vector<4096x1xf32>
    %max3A_53 = arith.maximumf %slice3A_51, %max3A_52 : vector<4096x1xf32>
    %div3A = arith.constant 1.000000e+00 : f32
    %div3A_54 = vector.broadcast %div3A : f32 to vector<4096x1xf32>
    %div3A_55 = arith.divf %div3A_54, %max3A_53 : vector<4096x1xf32>
    %concatenate3A_56 = tpu.concatenate %concatenate3A, %concatenate3A_24 in 1 : vector<4096x16xf32>, vector<4096x16xf32> -> vector<4096x32xf32>
    %mul3A = vector.broadcast %div3A_55 : vector<4096x1xf32> to vector<4096x32xf32>
    %mul3A_57 = arith.mulf %concatenate3A_56, %mul3A : vector<4096x32xf32>
    %add3A = arith.addf %mul3A_57, %concatenate3A_50 : vector<4096x32xf32>
    %get3A_58 = arith.constant 0 : index
    %get3A_59 = arith.constant 0 : index
    %get3A_60 = vector.load %arg4[%get3A_58, %get3A_59] : memref<1x32xf32, #tpu.memory_space<vmem>>, vector<1x32xf32>
    %mul3A_61 = arith.constant 0.999994993 : f32
    %mul3A_62 = vector.broadcast %mul3A_61 : f32 to vector<1x32xf32>
    %mul3A_63 = arith.mulf %get3A_60, %mul3A_62 : vector<1x32xf32>
    %mul3A_64 = vector.broadcast %mul3A_63 : vector<1x32xf32> to vector<4096x32xf32>
    %mul3A_65 = arith.mulf %add3A, %mul3A_64 : vector<4096x32xf32>
    %get3A_66 = arith.constant 0 : index
    %get3A_67 = arith.constant 0 : index
    %get3A_68 = vector.load %arg5[%get3A_66, %get3A_67] : memref<1x32xf32, #tpu.memory_space<vmem>>, vector<1x32xf32>
    %add3A_69 = vector.broadcast %get3A_68 : vector<1x32xf32> to vector<4096x32xf32>
    %add3A_70 = arith.addf %mul3A_65, %add3A_69 : vector<4096x32xf32>
    %max3A_71 = arith.constant 0.000000e+00 : f32
    %max3A_72 = vector.broadcast %max3A_71 : f32 to vector<4096x32xf32>
    %max3A_73 = arith.maximumf %add3A_70, %max3A_72 : vector<4096x32xf32>
    %reduce_sum3A = arith.constant dense<0.000000e+00> : vector<4096xf32>
    %reduce_sum3A_74 = vector.multi_reduction <add>, %max3A_73, %reduce_sum3A [1] : vector<4096x32xf32> to vector<4096xf32>
    %broadcast_in_dim3A = vector.shape_cast %reduce_sum3A_74 : vector<4096xf32> to vector<4096x1xf32>
    %div3A_75 = arith.constant 3.200000e+01 : f32
    %div3A_76 = vector.broadcast %div3A_75 : f32 to vector<4096x1xf32>
    %div3A_77 = arith.divf %broadcast_in_dim3A, %div3A_76 : vector<4096x1xf32>
    %get3A_78 = arith.constant 0 : index
    %get3A_79 = arith.constant 0 : index
    %get3A_80 = vector.load %arg6[%get3A_78, %get3A_79] : memref<1x32xf32, #tpu.memory_space<vmem>>, vector<1x32xf32>
    %mul3A_81 = vector.broadcast %div3A_77 : vector<4096x1xf32> to vector<4096x32xf32>
    %mul3A_82 = vector.broadcast %get3A_80 : vector<1x32xf32> to vector<4096x32xf32>
    %mul3A_83 = arith.mulf %mul3A_81, %mul3A_82 : vector<4096x32xf32>
    %get3A_84 = arith.constant 0 : index
    %get3A_85 = arith.constant 0 : index
    %get3A_86 = vector.load %arg7[%get3A_84, %get3A_85] : memref<1x32xf32, #tpu.memory_space<vmem>>, vector<1x32xf32>
    %add3A_87 = vector.broadcast %get3A_86 : vector<1x32xf32> to vector<4096x32xf32>
    %add3A_88 = arith.addf %mul3A_83, %add3A_87 : vector<4096x32xf32>
    %max3A_89 = arith.constant 0.000000e+00 : f32
    %max3A_90 = vector.broadcast %max3A_89 : f32 to vector<4096x32xf32>
    %max3A_91 = arith.maximumf %add3A_88, %max3A_90 : vector<4096x32xf32>
    %get3A_92 = arith.constant 0 : index
    %get3A_93 = arith.constant 0 : index
    %get3A_94 = vector.load %arg8[%get3A_92, %get3A_93] : memref<1x32xf32, #tpu.memory_space<vmem>>, vector<1x32xf32>
    %mul3A_95 = vector.broadcast %get3A_94 : vector<1x32xf32> to vector<4096x32xf32>
    %mul3A_96 = arith.mulf %max3A_91, %mul3A_95 : vector<4096x32xf32>
    %reduce_sum3A_97 = arith.constant dense<0.000000e+00> : vector<4096xf32>
    %reduce_sum3A_98 = vector.multi_reduction <add>, %mul3A_96, %reduce_sum3A_97 [1] : vector<4096x32xf32> to vector<4096xf32>
    %broadcast_in_dim3A_99 = vector.shape_cast %reduce_sum3A_98 : vector<4096xf32> to vector<4096x1xf32>
    %get3A_100 = arith.constant 0 : index
    %get3A_101 = arith.constant 0 : index
    %get3A_102 = vector.load %arg9[%get3A_100, %get3A_101] : memref<1x1xf32, #tpu.memory_space<vmem>>, vector<1x1xf32>
    %add3A_103 = vector.broadcast %get3A_102 : vector<1x1xf32> to vector<4096x1xf32>
    %add3A_104 = arith.addf %broadcast_in_dim3A_99, %add3A_103 : vector<4096x1xf32>
    %slice3A_105 = vector.extract_strided_slice %add3A_104 {offsets = [0, 0], sizes = [512, 1], strides = [1, 1]} : vector<4096x1xf32> to vector<512x1xf32>
    %slice3A_106 = vector.extract_strided_slice %add3A_104 {offsets = [512, 0], sizes = [512, 1], strides = [1, 1]} : vector<4096x1xf32> to vector<512x1xf32>
    %slice3A_107 = vector.extract_strided_slice %add3A_104 {offsets = [1024, 0], sizes = [512, 1], strides = [1, 1]} : vector<4096x1xf32> to vector<512x1xf32>
    %slice3A_108 = vector.extract_strided_slice %add3A_104 {offsets = [1536, 0], sizes = [512, 1], strides = [1, 1]} : vector<4096x1xf32> to vector<512x1xf32>
    %slice3A_109 = vector.extract_strided_slice %add3A_104 {offsets = [2048, 0], sizes = [512, 1], strides = [1, 1]} : vector<4096x1xf32> to vector<512x1xf32>
    %slice3A_110 = vector.extract_strided_slice %add3A_104 {offsets = [2560, 0], sizes = [512, 1], strides = [1, 1]} : vector<4096x1xf32> to vector<512x1xf32>
    %slice3A_111 = vector.extract_strided_slice %add3A_104 {offsets = [3072, 0], sizes = [512, 1], strides = [1, 1]} : vector<4096x1xf32> to vector<512x1xf32>
    %slice3A_112 = vector.extract_strided_slice %add3A_104 {offsets = [3584, 0], sizes = [512, 1], strides = [1, 1]} : vector<4096x1xf32> to vector<512x1xf32>
    %concatenate3A_113 = tpu.concatenate %slice3A_105, %slice3A_106, %slice3A_107, %slice3A_108, %slice3A_109, %slice3A_110, %slice3A_111, %slice3A_112 in 1 : vector<512x1xf32>, vector<512x1xf32>, vector<512x1xf32>, vector<512x1xf32>, vector<512x1xf32>, vector<512x1xf32>, vector<512x1xf32>, vector<512x1xf32> -> vector<512x8xf32>
    %swap3A = arith.constant 0 : index
    %swap3A_114 = arith.constant 0 : index
    %swap3A_115 = vector.load %arg10[%swap3A, %swap3A_114] : memref<512x8xf32, #tpu.memory_space<vmem>>, vector<512x8xf32>
    tpu.vector_store %arg10[%swap3A, %swap3A_114], %concatenate3A_113 {strides = array<i32>} : memref<512x8xf32, #tpu.memory_space<vmem>>, vector<512x8xf32>,
    return
  }
  func.func @transform_0(%arg0: i32) -> (i32, i32, i32) {
    %c0_i32 = arith.constant 0 : i32
    %c0_i32_0 = arith.constant 0 : i32
    %c0_i32_1 = arith.constant 0 : i32
    return %c0_i32, %arg0, %c0_i32_0 : i32, i32, i32
  }
  func.func @transform_1(%arg0: i32) -> (i32, i32, i32) {
    %c1_i32 = arith.constant 1 : i32
    %c0_i32 = arith.constant 0 : i32
    %c0_i32_0 = arith.constant 0 : i32
    return %c1_i32, %arg0, %c0_i32 : i32, i32, i32
  }
  func.func @transform_2(%arg0: i32) -> (i32, i32) {
    %c0_i32 = arith.constant 0 : i32
    %c0_i32_0 = arith.constant 0 : i32
    return %arg0, %c0_i32 : i32, i32
  }
  func.func @transform_3(%arg0: i32) -> (i32, i32) {
    %c0_i32 = arith.constant 0 : i32
    %c0_i32_0 = arith.constant 0 : i32
    %c0_i32_1 = arith.constant 0 : i32
    return %c0_i32, %c0_i32_0 : i32, i32
  }
  func.func @transform_4(%arg0: i32) -> (i32, i32) {
    %c0_i32 = arith.constant 0 : i32
    %c0_i32_0 = arith.constant 0 : i32
    %c0_i32_1 = arith.constant 0 : i32
    return %c0_i32, %c0_i32_0 : i32, i32
  }
  func.func @transform_5(%arg0: i32) -> (i32, i32) {
    %c0_i32 = arith.constant 0 : i32
    %c0_i32_0 = arith.constant 0 : i32
    %c0_i32_1 = arith.constant 0 : i32
    return %c0_i32, %c0_i32_0 : i32, i32
  }
  func.func @transform_6(%arg0: i32) -> (i32, i32) {
    %c0_i32 = arith.constant 0 : i32
    %c0_i32_0 = arith.constant 0 : i32
    %c0_i32_1 = arith.constant 0 : i32
    return %c0_i32, %c0_i32_0 : i32, i32
  }
  func.func @transform_7(%arg0: i32) -> (i32, i32) {
    %c0_i32 = arith.constant 0 : i32
    %c0_i32_0 = arith.constant 0 : i32
    %c0_i32_1 = arith.constant 0 : i32
    return %c0_i32, %c0_i32_0 : i32, i32
  }
  func.func @transform_8(%arg0: i32) -> (i32, i32) {
    %c0_i32 = arith.constant 0 : i32
    %c0_i32_0 = arith.constant 0 : i32
    %c0_i32_1 = arith.constant 0 : i32
    return %c0_i32, %c0_i32_0 : i32, i32
  }
  func.func @transform_9(%arg0: i32) -> (i32, i32) {
    %c0_i32 = arith.constant 0 : i32
    %c0_i32_0 = arith.constant 0 : i32
    return %arg0, %c0_i32 : i32, i32
  }
}

</mosaic_0001>

<sc_bundles>
// kernel: kernel.6.cloned.1.call-start
scs
__scs_entry_jumppad:
0x0: {  	(pc) =	sbr.rel $0x88, $3  }
0x1: {  	(tag) =	ssettag $0x0;
	lr =	simm.s32 $0x1  }
0x2: {  	[smem:$0x3F90] =	sst lr;
	_ =	strace $0xD0000000  }
0x3: {  	_ = 	snop  }
0x4: {  	_ = 	snop  }
0x5: {  	_ = 	snop  }
0x6: {  	_ = 	snop  }
0x7: {  	_ = 	snop  }
__scs_overlays_trampoline_lowered:
0x8: {  	[smem:$0x3F9F] =	sst s0  }
0x9: {  	[smem:$0x3FA0] =	sst s1  }
0xa: {  	[smem:$0x3FA1] =	sst s2  }
0xb: {  	[smem:$0x3FA2] =	sst s3  }
0xc: {  	[smem:$0x3FA3] =	sst s4  }
0xd: {  	[smem:$0x3FA4] =	sst s5  }
0xe: {  	[smem:$0x3FA5] =	sst s6  }
0xf: {  	[smem:$0x3FA6] =	sst s7  }
0x10: {  	[smem:$0x3FA7] =	sst s8  }
0x11: {  	[smem:$0x3FA8] =	sst s9;
	s0 =	simm.s32 @!p0 $0x0  }
0x12: {  	s1 =	sld [smem:$0x3F8E];
	s0 =	simm.s32 @p0 $0x1  }
0x13: {  	[smem:$0x3FA9] =	sst s0;
	s0 =	simm.s32 @!p1 $0x0  }
0x14: {  	s2 =	sld [smem:$0x3F8D];
	s0 =	simm.s32 @p1 $0x1  }
0x15: {  	[smem:$0x3FAA] =	sst s0;
	s0 =	simm.s32 @!p2 $0x0  }
0x16: {  	s3 =	sld [smem:$0x3FDB];
	s0 =	simm.s32 @p2 $0x1  }
0x17: {  	s4 =	simm.s32 $0x1BF5;
	[smem:$0x3FAC] =	sst s0  }
0x18: {  	s0 =	sld [smem:$0x3F8F];
	_ =	swait.ge [sflag:s4], $0x0  }
0x19: {  	s7 =	sld [smem:$0x3F90]  }
0x1a: {  	s8 =	sadd.s32 $0xFFFFE003, lr  }
0x1b: {  	s9 =	sadd.s32 $0xFFFFFEF7, lr;
	s5 =	simm.s32 $0xFFFFFFFF;
	p2 =	slt.u32 s8, $0xFFFFF086  }
0x1c: {  	p1 =	slt.u32 s9, $0xF7A;
	s5 =	simm.s32 @!p2 $0x0  }
0x1d: {  	s5 =	simm.s32 @p1 $0x1;
	p0 =	seq.s32 s7, s2  }
0x1e: {  	s7 =	smul.u32 @!p0 $0xF7A, s2;
	p2 =	seq.s32 @!p0 s5, $0x0  }
0x1f: {  	s9 =	smul.u32 $0xF7A, s1;
	s8 =	simm.s32 @!p0 $0x1BF5;
	p2 =	por !p2, p0  }
0x20: {  	[sflag:s8] =	ssyncset.s32 @!p0 $0xFFFFF086;
	s6 =	sadd.s32 @!p0 s3, s7;
	s7 =	simm.s32 @!p0 $0x108  }
0x21: {  	s3 =	sadd.s32 s3, s9;
	s6 =	sadd.s32 @!p0 $0x88, s6;
	s7 =	simm.s32 @p2 $0x1082  }
0x22: {  	[simem:s7], [sflag:s8] =	dma.local @!p0 [hbm:s6], $0xF7A  }
0x23: {  	s9 =	sor.u32 $0xD0000000, s2;
	s6 =	simm.s32 $0x108;
	_ =	swait.ge @!p0 [sflag:s8], $0x0  }
0x24: {  	s3 =	sadd.s32 $0x88, s3;
	s6 =	simm.s32 @!p1 $0x1082;
	[sflag:s4] =	ssyncset.s32 $0xFFFFF086  }
0x25: {  	[simem:s6], [sflag:s4] =	dma.local [hbm:s3], $0xF7A  }
0x26: {  	[smem:$0x3F90] =	sst s1;
	(tag) =	ssettag s2;
	_ =	strace s9  }
0x27: {  	s1 =	sld [smem:$0x3FA0]  }
0x28: {  	s2 =	sld [smem:$0x3FA1]  }
0x29: {  	s4 =	sld [smem:$0x3FA3]  }
0x2a: {  	p0 =	seq.s32 s5, $0x0;
	s5 =	sld [smem:$0x3FA4]  }
0x2b: {  	s6 =	sld [smem:$0x3FA5]  }
0x2c: {  	s7 =	sld [smem:$0x3FA6]  }
0x2d: {  	s3 =	simm.s32 $0x108;
	s8 =	sld [smem:$0x3FA7]  }
0x2e: {  	s3 =	simm.s32 @!p0 $0x1082;
	s9 =	sld [smem:$0x3FA8]  }
0x2f: {  	lr =	sadd.s32 s0, s3;
	s0 =	sld [smem:$0x3F9F]  }
0x30: {  	s3 =	sld [smem:$0x3FA2]  }
0x31: {  	[smem:$0x3FAB] =	sst s10  }
0x32: {  	s10 =	sld [smem:$0x3FA9];
	_ =	sdelay $0x3  }
0x33: {  	p0 =	seq.s32 s10, $0x1;
	s10 =	sld [smem:$0x3FAB];
	_ =	sdelay $0x3  }
0x34: {  	[smem:$0x3FAB] =	sst s10  }
0x35: {  	s10 =	sld [smem:$0x3FAA];
	_ =	sdelay $0x3  }
0x36: {  	p1 =	seq.s32 s10, $0x1;
	s10 =	sld [smem:$0x3FAB];
	_ =	sdelay $0x3  }
0x37: {  	[smem:$0x3FAB] =	sst s10  }
0x38: {  	s10 =	sld [smem:$0x3FAC]  }
0x39: {  	_ = 	snop;
	(pc) =	sbr.ind lr, $3  }
0x3a: {  	_ = 	snop  }
0x3b: {  	_ = 	snop  }
0x3c: {  	p2 =	seq.s32 s10, $0x1;
	s10 =	sld [smem:$0x3FAB]  }
0x3d: {  	_ =	shalt  }
0x3e: {  	_ =	shalt  }
0x3f: {  	_ =	shalt  }
0x40: {  	_ =	shalt  }
0x41: {  	_ =	shalt  }
0x42: {  	_ =	shalt  }
0x43: {  	_ =	shalt  }
0x44: {  	_ =	shalt  }
0x45: {  	_ =	shalt  }
0x46: {  	_ =	shalt  }
0x47: {  	_ =	shalt  }
0x48: {  	_ =	shalt  }
0x49: {  	_ =	shalt  }
0x4a: {  	_ =	shalt  }
0x4b: {  	_ =	shalt  }
0x4c: {  	_ =	shalt  }
0x4d: {  	_ =	shalt  }
0x4e: {  	_ =	shalt  }
0x4f: {  	_ =	shalt  }
0x50: {  	_ =	shalt  }
0x51: {  	_ =	shalt  }
0x52: {  	_ =	shalt  }
0x53: {  	_ =	shalt  }
0x54: {  	_ =	shalt  }
0x55: {  	_ =	shalt  }
0x56: {  	_ =	shalt  }
0x57: {  	_ =	shalt  }
0x58: {  	_ =	shalt  }
0x59: {  	_ =	shalt  }
0x5a: {  	_ =	shalt  }
0x5b: {  	_ =	shalt  }
0x5c: {  	_ =	shalt  }
0x5d: {  	_ =	shalt  }
0x5e: {  	_ =	shalt  }
0x5f: {  	_ =	shalt  }
0x60: {  	_ =	shalt  }
0x61: {  	_ =	shalt  }
0x62: {  	_ =	shalt  }
0x63: {  	_ =	shalt  }
0x64: {  	_ =	shalt  }
0x65: {  	_ =	shalt  }
0x66: {  	_ =	shalt  }
0x67: {  	_ =	shalt  }
0x68: {  	_ =	shalt  }
0x69: {  	_ =	shalt  }
0x6a: {  	_ =	shalt  }
0x6b: {  	_ =	shalt  }
0x6c: {  	_ =	shalt  }
0x6d: {  	_ =	shalt  }
0x6e: {  	_ =	shalt  }
0x6f: {  	_ =	shalt  }
0x70: {  	_ =	shalt  }
0x71: {  	_ =	shalt  }
0x72: {  	_ =	shalt  }
0x73: {  	_ =	shalt  }
0x74: {  	_ =	shalt  }
0x75: {  	_ =	shalt  }
0x76: {  	_ =	shalt  }
0x77: {  	_ =	shalt  }
0x78: {  	_ =	shalt  }
0x79: {  	_ =	shalt  }
0x7a: {  	_ =	shalt  }
0x7b: {  	_ =	shalt  }
0x7c: {  	_ =	shalt  }
0x7d: {  	_ =	shalt  }
0x7e: {  	_ =	shalt  }
0x7f: {  	_ =	shalt  }
0x80: {  	_ =	shalt  }
0x81: {  	_ =	shalt  }
0x82: {  	_ =	shalt  }
0x83: {  	_ =	shalt  }
0x84: {  	_ =	shalt  }
0x85: {  	_ =	shalt  }
0x86: {  	_ =	shalt  }
0x87: {  	_ =	shalt  }
.Lfunc_end0:
.L_simem_size_0:
called_computation_lowered:
.L_overlay_start_0:
0x88: {  	s2 =	sld [smem:$0x3FD9]  }
0x89: {  	s3 =	sld [smem:$0x3FFE];
	_ =	sdelay $0x1  }
0x8a: {  	s1 =	srdreg.scid  }
0x8b: {  	s0 =	sand.u32 $0x1, s1  }
0x8c: {  	s17 =	sshll.u32 s0, $0xA;
	s2 =	sadd.s32 s3, s2  }
0x8d: {  	s2 =	sadd.s32 s2, s17  }
0x8e: {  	[smem:$0x3FB7] =	sst s2  }
0x8f: {  	_ = 	snop  }
0x90: {  	s2 =	sld [smem:$0x3FD0];
	(tm) =	ssettm $0x1  }
0x91: {  	s18 =	sld [smem:$0x3FFB];
	_ =	sdelay $0x3  }
0x92: {  	_ =	strace s18  }
0x93: {  	s3 =	sld [smem:$0x3FFC];
	_ =	sdelay $0x3  }
0x94: {  	_ =	strace s3  }
0x95: {  	s3 =	sld [smem:$0x3FFD];
	_ =	sdelay $0x3  }
0x96: {  	_ =	strace s3  }
0x97: {  	_ =	strace $0x8FFFFFFF  }
0x98: {  	s19 =	sld [smem:$0x3FDB];
	_ =	sdelay $0x1  }
0x99: {  	s4 =	simm.s32 $_scs_section_size  }
0x9a: {  	s5 =	simm.s32 $_size__tile_overlayer_lowered;
	s6 =	simm.s32 $_tile_overlayer_lowered  }
0x9b: {  	s22 =	simm.s32 $0x1BFF;
	s21 =	sshll.u32 s6, $0x1;
	s3 =	sadd.s32 s4, s19  }
0x9c: {  	s7 =	simm.s32 $0x0;
	s20 =	sshll.u32 s5, $0x1;
	s5 =	sadd.s32 s21, s3  }
0x9d: {  	[timem:s7], [sflag:s22] =	dma.local [hbm:s5], s20  }
0x9e: {  	_ =	swait.ge [sflag:s22], s20  }
0x9f: {  	s4 =	ssub.s32 $0x0, s20;
	[sflag:s22] =	ssyncset.done $0x0  }
0xa0: {  	[sflag:s22] =	ssyncadd.s32 s4;
	_ =	sdelay $0x1  }
0xa1: {  	s23 =	simm.s32 $0x1B8B  }
0xa2: {  	_ =	swait.ge [sflag:s23], $0x1  }
0xa3: {  	[sflag:s23] =	ssyncset.done $0x0  }
0xa4: {  	s25 =	simm.s32 $0x1B8E;
	s24 =	sld [smem:$0x3FFE];
	[sflag:s23] =	ssyncadd.s32 $0xFFFFFFFF  }
0xa5: {  	s26 =	simm.s32 $execute0_lowered;
	[smem:$0x3FD2] =	sst s25  }
0xa6: {  	s5 =	sshll.u32 s26, $0x1;
	_ =	strace $0x80000046;
	[dreg:$0x1] =	wrdreg $0xFFFFFFFF  }
0xa7: {  	s28 =	simm.s32 $_size_execute0_lowered;
	s3 =	sadd.s32 s3, s5;
	[dreg:$0x0] =	wrdreg $0x0  }
0xa8: {  	s5 =	sshll.u32 s28, $0x1;
	[dreg:$0x2] =	wrdreg s3  }
0xa9: {  	[dreg:$0x3] =	wrdreg s5  }
0xaa: {  	[dreg:$0x4] =	wrdreg $0xC0  }
0xab: {  	_ =	task [dreg:s7], $0x5FFFF  }
0xac: {  	[dreg:$0x1] =	wrdreg $0xFFFFFFFF  }
0xad: {  	[dreg:$0x0] =	wrdreg $0x60  }
0xae: {  	[dreg:$0x2] =	wrdreg s24  }
0xaf: {  	[dreg:$0x3] =	wrdreg s2  }
0xb0: {  	[dreg:$0x4] =	wrdreg $0x6C000  }
0xb1: {  	[dreg:$0x5] =	wrdreg $0x9  }
0xb2: {  	_ =	task.clear_ibuf [dreg:s7], $0x6FFFF;
	_ =	strace $0x90000046  }
0xb3: {  	s29 =	simm.s32 $0x9;
	_ =	strace $0x80000048  }
0xb4: {  	_ =	swait.ge [sflag:s29], $0x1  }
0xb5: {  	[sflag:s29] =	ssyncadd.s32 $0xFFFFFFFF  }
0xb6: {  	_ =	strace $0x90000048  }
0xb7: {  	_ =	sfence  }
0xb8: {  	s30 =	sld [smem:$0x0];
	_ =	sdelay $0x2  }
0xb9: {  	s31 =	sshll.u32 s1, $0xD;
	s1 =	sshrl.u32 s1, $0x2  }
0xba: {  	s3 =	sand.u32 $0x4000, s31;
	s1 =	sadd.s32 s1, s30  }
0xbb: {  	s0 =	sor.u32 s3, s0;
	s1 =	sshll.u32 s1, $0x11  }
0xbc: {  	s0 =	sor.u32 s1, s0  }
0xbd: {  	s0 =	sadd.s32 $0x8F2B, s0  }
0xbe: {  	[sflag:s0] =	ssyncadd.remote.s32 $0x1  }
0xbf: {  	_ =	sfence.sel $0xFFFF  }
0xc0: {  	[dreg:$0x0] =	wrdreg $0xFFFFFFFF;
	(pc) =	sbr.abs _section_cstart, $3  }
0xc1: {  	[dreg:$0x1] =	wrdreg $0xFFFFFFFF  }
0xc2: {  	_ =	task.clear_ibuf [dreg:s7], $0x2FFFF;
	_ =	strace $0x9FFFFFFF  }
0xc3: {  	(tm) =	ssettm $0x7FFFFFFF  }
tec
execute0_lowered:
.L_overlay_start_1:
0x0: {  	(tag) =	ssettag $0x1  }
0x1: {  	s0 =	rddreg [dreg:$0x0]  }
0x2: {  	s2 =	rddreg [dreg:$0x2];
	s1 =	srdreg.scid  }
0x3: {  	s4 =	simm.s32 $0x0;
	s9 =	stileid.u32;
	s17 =	simm.s32 $0x380  }
0x4: {  	s18 =	simm.s32 $0x400;
	s19 =	simm.s32 $0x480;
	[smem:$0x7FF] =	sst s4  }
0x5: {  	s20 =	simm.s32 $0x500;
	_ =	strace $0x80000047;
	[dreg:$0x4] =	wrdreg s17  }
0x6: {  	s21 =	simm.s32 $0x580;
	s22 =	simm.s32 $0x980;
	[dreg:$0x5] =	wrdreg s18  }
0x7: {  	s23 =	simm.s32 $0xA00;
	s24 =	simm.s32 $0xA80;
	[dreg:$0x6] =	wrdreg s19  }
0x8: {  	s25 =	simm.s32 $0xB00;
	s26 =	simm.s32 $0xB80;
	[dreg:$0x7] =	wrdreg s20  }
0x9: {  	s28 =	simm.s32 $0x3C00;
	s29 =	simm.s32 $0x4400;
	[dreg:$0x8] =	wrdreg s21  }
0xa: {  	s30 =	simm.s32 $0x4C00;
	s31 =	simm.s32 $0x5400;
	[dreg:$0x9] =	wrdreg s22  }
0xb: {  	s11 =	simm.s32 $0x0;
	s5 =	smul.u32 $0x18700, s9;
	[dreg:$0xa] =	wrdreg s23  }
0xc: {  	s1 =	sand.u32 $0x1, s1;
	s7 =	smul.u32 $0x3120, s9;
	[dreg:$0xb] =	wrdreg s24  }
0xd: {  	s13 =	sshll.u32 s9, $0x6;
	s3 =	smul.u32 $0x187000, s1;
	[dreg:$0xc] =	wrdreg s25  }
0xe: {  	s1 =	ssub.s32 $0x2, s1;
	s9 =	sor.u32 $0x1C03, s13;
	[dreg:$0xd] =	wrdreg s26  }
0xf: {  	s26 =	simm.s32 $0x900;
	s17 =	simm.s32 $0x680;
	s13 =	simm.s32 $0x780  }
0x10: {  	s19 =	simm.s32 $0x2;
	s10 =	sadd.s32 s7, s0;
	s12 =	sshrl.u32 s1, $0x1  }
0x11: {  	s7 =	simm.s32 $0x800;
	[dreg:$0x10] =	wrdreg s9;
	s6 =	sshrl.u32 s3, $0x3  }
0x12: {  	s3 =	sadd.s32 s5, s3;
	s1 =	ssub.s32 s1, s12;
	s5 =	sadd.s32 s5, s2  }
0x13: {  	s14 =	sadd.s32 $0x4800, s10;
	s15 =	sadd.s32 $0x35A00, s10;
	s12 =	simm.s32 $0x3  }
0x14: {  	s8 =	sadd.s32 s6, s0;
	s3 =	sshrl.u32 s3, $0x3;
	[dreg:$0xe] =	wrdreg s14  }
0x15: {  	[dreg:$0xf] =	wrdreg s15;
	s16 =	smax.u32 s1, $0x1;
	s10 =	sshrl.u32 s5, $0x3  }
0x16: {  	s14 =	simm.s32 $0x80;
	s1 =	simm.s32 $0x1;
	s6 =	simm.s32 $0x700  }
0x17: {  	s15 =	simm.s32 $0x880;
	s0 =	sadd.s32 s3, s0;
	[dreg:$0x12] =	wrdreg s16  }
0x18: {  	s8 =	sadd.s32 $0x312800, s8;
	[dreg:$0x13] =	wrdreg s10;
	s0 =	sadd.s32 $0x66C00, s0  }
0x19: {  	s3 =	simm.s32 $0x6400;
	[dreg:$0x11] =	wrdreg s0;
	s0 =	simm.s32 $0x5C00  }
.LBB2_1:
0x1a: {  	[dreg:$0x14] =	wrdreg s11  }
0x1b: {  	s5 =	rddreg [dreg:$0x1]  }
0x1c: {  	[spmem:s10], [sflag:s9] =	dma.local [hbm:s5], $0x30E0  }
0x1d: {  	_ =	swait.ge [sflag:s12], $0x30E0  }
0x1e: {  	[sflag:s12] =	ssyncset.done $0x0  }
0x1f: {  	[sflag:s12] =	ssyncadd.s32 $0xFFFFCF20  }
0x20: {  	[bflag:$0x0] =	sbarrier.arrive $0xFFFF  }
0x21: {  	s9 =	rddreg [dreg:$0xe]  }
0x22: {  	[tilespmem:s4], [sflag:$0x3] =	stream.linear.gather [hbm4b:s9+s4], $0x300, $0x38;
	[tilespmem:$0x1F300] =	vst v63  }
0x23: {  	_ =	swait.ge [sflag:s12], $0x300  }
0x24: {  	[sflag:s12] =	ssyncset.done $0x0  }
0x25: {  	s5 =	simm.s32 $0x600;
	s21 =	rddreg [dreg:$0xf];
	[sflag:s12] =	ssyncadd.s32 $0xFFFFFD00  }
0x26: {  	[tilespmem:s5], [sflag:$0x3] =	stream.linear.gather [hbm4b:s21+s4], $0x300, $0x38;
	[tilespmem:$0x1F300] =	vst v63  }
0x27: {  	_ =	swait.ge [sflag:s12], $0x300  }
0x28: {  	[sflag:s12] =	ssyncset.done $0x0  }
0x29: {  	s11 =	simm.s32 $0xC00;
	[sflag:s12] =	ssyncadd.s32 $0xFFFFFD00  }
0x2a: {  	[tilespmem:s11], [sflag:$0x1] =	stream.indirect.gather [hbm4b:s8+s14], $0x10, s4, s14, $0xb8;
	[tilespmem:$0x1F300] =	vst v63  }
0x2b: {  	s16 =	simm.s32 $0x1400  }
0x2c: {  	[tilespmem:s16], [sflag:$0x1] =	stream.indirect.gather [hbm4b:s8+s14], $0x10, s14, s14, $0xb8;
	[tilespmem:$0x1F300] =	vst v63  }
0x2d: {  	s25 =	simm.s32 $0x100;
	s18 =	simm.s32 $0x1C00  }
0x2e: {  	[tilespmem:s18], [sflag:$0x1] =	stream.indirect.gather [hbm4b:s8+s14], $0x10, s25, s14, $0xb8;
	[tilespmem:$0x1F300] =	vst v63  }
0x2f: {  	s23 =	simm.s32 $0x180;
	s20 =	simm.s32 $0x2400;
	p0 =	por $0x1, $0x1  }
0x30: {  	[tilespmem:s20], [sflag:$0x1] =	stream.indirect.gather [hbm4b:s8+s14], $0x10, s23, s14, $0xb8;
	[tilespmem:$0x1F300] =	vst v63  }
0x31: {  	s24 =	simm.s32 $0x200;
	s22 =	simm.s32 $0x2C00;
	p0 =	por p0, p0  }
0x32: {  	[tilespmem:s22], [sflag:$0x1] =	stream.indirect.gather [hbm4b:s8+s14], $0x10, s24, s14, $0xb8;
	[tilespmem:$0x1F300] =	vst v63  }
0x33: {  	s10 =	simm.s32 @!p0 $0x2;
	s23 =	simm.s32 $0x280;
	s24 =	simm.s32 $0x3400  }
0x34: {  	[tilespmem:s24], [sflag:$0x1] =	stream.indirect.gather [hbm4b:s8+s14], $0x10, s23, s14, $0xb8;
	[tilespmem:$0x1F300] =	vst v63  }
0x35: {  	_ =	swait.ge @!p0 [sflag:s10], $0x800  }
0x36: {  	[sflag:s10] =	ssyncset.done @!p0 $0x0  }
0x37: {  	[sflag:s10] =	ssyncadd.s32 @!p0 $0xFFFFF800  }
0x38: {  	_ =	swait.ge @!p0 [sflag:s10], $0x800  }
0x39: {  	[sflag:s10] =	ssyncset.done @!p0 $0x0  }
0x3a: {  	[sflag:s10] =	ssyncadd.s32 @!p0 $0xFFFFF800  }
0x3b: {  	_ =	swait.ge @!p0 [sflag:s10], $0x800  }
0x3c: {  	[sflag:s10] =	ssyncset.done @!p0 $0x0  }
0x3d: {  	[sflag:s10] =	ssyncadd.s32 @!p0 $0xFFFFF800  }
0x3e: {  	_ =	swait.ge @!p0 [sflag:s10], $0x800  }
0x3f: {  	[sflag:s10] =	ssyncset.done @!p0 $0x0  }
0x40: {  	[sflag:s10] =	ssyncadd.s32 @!p0 $0xFFFFF800  }
0x41: {  	_ =	swait.ge @!p0 [sflag:s10], $0x800  }
0x42: {  	[sflag:s10] =	ssyncset.done @!p0 $0x0  }
0x43: {  	[sflag:s10] =	ssyncadd.s32 @!p0 $0xFFFFF800  }
0x44: {  	_ =	swait.ge @!p0 [sflag:s10], $0x800  }
0x45: {  	s9 =	sadd.s32 $0x0, s9;
	[sflag:s10] =	ssyncset.done @!p0 $0x0  }
0x46: {  	s23 =	simm.s32 $0x300;
	[sflag:s10] =	ssyncadd.s32 @!p0 $0xFFFFF800;
	s10 =	sadd.s32 $0x60, s9  }
0x47: {  	[tilespmem:s23], [sflag:$0x3] =	stream.linear.gather [hbm4b:s10+s4], $0x300, $0x38;
	[tilespmem:$0x1F300] =	vst v63  }
0x48: {  	_ =	swait.ge [sflag:s12], $0x300  }
0x49: {  	s10 =	sadd.s32 $0x0, s21;
	[sflag:s12] =	ssyncset.done $0x0  }
0x4a: {  	s21 =	sadd.s32 $0x60, s10;
	[sflag:s12] =	ssyncadd.s32 $0xFFFFFD00  }
0x4b: {  	[tilespmem:s26], [sflag:$0x3] =	stream.linear.gather [hbm4b:s21+s4], $0x300, $0x38;
	[tilespmem:$0x1F300] =	vst v63  }
0x4c: {  	_ =	swait.ge [sflag:s12], $0x300  }
0x4d: {  	[sflag:s12] =	ssyncset.done $0x0  }
0x4e: {  	[sflag:s12] =	ssyncadd.s32 $0xFFFFFD00  }
0x4f: {  	[tilespmem:s28], [sflag:$0x1] =	stream.indirect.gather [hbm4b:s8+s14], $0x10, s23, s14, $0xb8;
	[tilespmem:$0x1F300] =	vst v63  }
0x50: {  	s21 =	rddreg [dreg:$0x4]  }
0x51: {  	[tilespmem:s29], [sflag:$0x1] =	stream.indirect.gather [hbm4b:s8+s14], $0x10, s21, s14, $0xb8;
	[tilespmem:$0x1F300] =	vst v63  }
0x52: {  	s23 =	rddreg [dreg:$0x5]  }
0x53: {  	[tilespmem:s30], [sflag:$0x1] =	stream.indirect.gather [hbm4b:s8+s14], $0x10, s23, s14, $0xb8;
	[tilespmem:$0x1F300] =	vst v63  }
0x54: {  	s21 =	rddreg [dreg:$0x6]  }
0x55: {  	[tilespmem:s31], [sflag:$0x1] =	stream.indirect.gather [hbm4b:s8+s14], $0x10, s21, s14, $0xb8;
	[tilespmem:$0x1F300] =	vst v63  }
0x56: {  	s23 =	rddreg [dreg:$0x7]  }
0x57: {  	[tilespmem:s0], [sflag:$0x1] =	stream.indirect.gather [hbm4b:s8+s14], $0x10, s23, s14, $0xb8;
	[tilespmem:$0x1F300] =	vst v63  }
0x58: {  	s21 =	rddreg [dreg:$0x8]  }
0x59: {  	[tilespmem:s3], [sflag:$0x1] =	stream.indirect.gather [hbm4b:s8+s14], $0x10, s21, s14, $0xb8;
	[tilespmem:$0x1F300] =	vst v63  }
0x5a: {  	_ =	swait.ge [sflag:s1], $0x800  }
0x5b: {  	[sflag:s1] =	ssyncset.done $0x0  }
0x5c: {  	[sflag:s1] =	ssyncadd.s32 $0xFFFFF800  }
0x5d: {  	_ =	swait.ge [sflag:s1], $0x800  }
0x5e: {  	[sflag:s1] =	ssyncset.done $0x0  }
0x5f: {  	[sflag:s1] =	ssyncadd.s32 $0xFFFFF800  }
0x60: {  	_ =	swait.ge [sflag:s1], $0x800  }
0x61: {  	[sflag:s1] =	ssyncset.done $0x0  }
0x62: {  	[sflag:s1] =	ssyncadd.s32 $0xFFFFF800  }
0x63: {  	_ =	swait.ge [sflag:s1], $0x800  }
0x64: {  	[sflag:s1] =	ssyncset.done $0x0  }
0x65: {  	[sflag:s1] =	ssyncadd.s32 $0xFFFFF800  }
0x66: {  	_ =	swait.ge [sflag:s1], $0x800  }
0x67: {  	[sflag:s1] =	ssyncset.done $0x0  }
0x68: {  	[sflag:s1] =	ssyncadd.s32 $0xFFFFF800  }
0x69: {  	_ =	swait.ge [sflag:s1], $0x800  }
0x6a: {  	[sflag:s1] =	ssyncset.done $0x0  }
0x6b: {  	[sflag:s1] =	ssyncadd.s32 $0xFFFFF800  }
0x6c: {  	[spmem:s2] =	stream.indirect.scatter.add.f32 [tilespmem:s11], [sflag:$0x2], $0x10, s5, s14, $0xb8;
	[tilespmem:$0x1F300] =	vst v63  }
0x6d: {  	_ = 	snop  }
0x6e: {  	[spmem:s2] =	stream.indirect.scatter.add.f32 [tilespmem:s16], [sflag:$0x2], $0x10, s17, s14, $0xb8;
	[tilespmem:$0x1F300] =	vst v63  }
0x6f: {  	_ = 	snop  }
0x70: {  	[spmem:s2] =	stream.indirect.scatter.add.f32 [tilespmem:s18], [sflag:$0x2], $0x10, s6, s14, $0xb8;
	[tilespmem:$0x1F300] =	vst v63  }
0x71: {  	_ = 	snop  }
0x72: {  	[spmem:s2] =	stream.indirect.scatter.add.f32 [tilespmem:s20], [sflag:$0x2], $0x10, s13, s14, $0xb8;
	[tilespmem:$0x1F300] =	vst v63  }
0x73: {  	_ = 	snop  }
0x74: {  	[spmem:s2] =	stream.indirect.scatter.add.f32 [tilespmem:s22], [sflag:$0x2], $0x10, s7, s14, $0xb8;
	[tilespmem:$0x1F300] =	vst v63  }
0x75: {  	_ = 	snop  }
0x76: {  	[spmem:s2] =	stream.indirect.scatter.add.f32 [tilespmem:s24], [sflag:$0x2], $0x10, s15, s14, $0xb8;
	[tilespmem:$0x1F300] =	vst v63  }
0x77: {  	_ =	swait.ge [sflag:s19], $0x800  }
0x78: {  	[sflag:s19] =	ssyncset.done $0x0  }
0x79: {  	[sflag:s19] =	ssyncadd.s32 $0xFFFFF800  }
0x7a: {  	_ =	swait.ge [sflag:s19], $0x800  }
0x7b: {  	[sflag:s19] =	ssyncset.done $0x0  }
0x7c: {  	[sflag:s19] =	ssyncadd.s32 $0xFFFFF800  }
0x7d: {  	_ =	swait.ge [sflag:s19], $0x800  }
0x7e: {  	[sflag:s19] =	ssyncset.done $0x0  }
0x7f: {  	[sflag:s19] =	ssyncadd.s32 $0xFFFFF800  }
0x80: {  	_ =	swait.ge [sflag:s19], $0x800  }
0x81: {  	[sflag:s19] =	ssyncset.done $0x0  }
0x82: {  	[sflag:s19] =	ssyncadd.s32 $0xFFFFF800  }
0x83: {  	_ =	swait.ge [sflag:s19], $0x800  }
0x84: {  	[sflag:s19] =	ssyncset.done $0x0  }
0x85: {  	[sflag:s19] =	ssyncadd.s32 $0xFFFFF800  }
0x86: {  	_ =	swait.ge [sflag:s19], $0x800  }
0x87: {  	[sflag:s19] =	ssyncset.done $0x0  }
0x88: {  	s9 =	sadd.s32 $0xC0, s9;
	[sflag:s19] =	ssyncadd.s32 $0xFFFFF800  }
0x89: {  	[tilespmem:s4], [sflag:$0x3] =	stream.linear.gather [hbm4b:s9+s4], $0x300, $0x38;
	[tilespmem:$0x1F300] =	vst v63  }
0x8a: {  	_ =	swait.ge [sflag:s12], $0x300  }
0x8b: {  	[sflag:s12] =	ssyncset.done $0x0  }
0x8c: {  	s10 =	sadd.s32 $0xC0, s10;
	[sflag:s12] =	ssyncadd.s32 $0xFFFFFD00  }
0x8d: {  	[tilespmem:s5], [sflag:$0x3] =	stream.linear.gather [hbm4b:s10+s4], $0x300, $0x38;
	[tilespmem:$0x1F300] =	vst v63  }
0x8e: {  	_ =	swait.ge [sflag:s12], $0x300  }
0x8f: {  	[sflag:s12] =	ssyncset.done $0x0  }
0x90: {  	[sflag:s12] =	ssyncadd.s32 $0xFFFFFD00  }
0x91: {  	[tilespmem:s11], [sflag:$0x1] =	stream.indirect.gather [hbm4b:s8+s14], $0x10, s4, s14, $0xb8;
	[tilespmem:$0x1F300] =	vst v63  }
0x92: {  	_ = 	snop  }
0x93: {  	[tilespmem:s16], [sflag:$0x1] =	stream.indirect.gather [hbm4b:s8+s14], $0x10, s14, s14, $0xb8;
	[tilespmem:$0x1F300] =	vst v63  }
0x94: {  	_ = 	snop  }
0x95: {  	[tilespmem:s18], [sflag:$0x1] =	stream.indirect.gather [hbm4b:s8+s14], $0x10, s25, s14, $0xb8;
	[tilespmem:$0x1F300] =	vst v63  }
0x96: {  	s18 =	simm.s32 $0x180  }
0x97: {  	[tilespmem:s20], [sflag:$0x1] =	stream.indirect.gather [hbm4b:s8+s14], $0x10, s18, s14, $0xb8;
	[tilespmem:$0x1F300] =	vst v63  }
0x98: {  	s20 =	simm.s32 $0x200  }
0x99: {  	[tilespmem:s22], [sflag:$0x1] =	stream.indirect.gather [hbm4b:s8+s14], $0x10, s20, s14, $0xb8;
	[tilespmem:$0x1F300] =	vst v63  }
0x9a: {  	s21 =	simm.s32 $0x280  }
0x9b: {  	[tilespmem:s24], [sflag:$0x1] =	stream.indirect.gather [hbm4b:s8+s14], $0x10, s21, s14, $0xb8;
	[tilespmem:$0x1F300] =	vst v63  }
0x9c: {  	_ =	swait.ge [sflag:s1], $0x800  }
0x9d: {  	[sflag:s1] =	ssyncset.done $0x0  }
0x9e: {  	[sflag:s1] =	ssyncadd.s32 $0xFFFFF800  }
0x9f: {  	_ =	swait.ge [sflag:s1], $0x800  }
0xa0: {  	[sflag:s1] =	ssyncset.done $0x0  }
0xa1: {  	[sflag:s1] =	ssyncadd.s32 $0xFFFFF800  }
0xa2: {  	_ =	swait.ge [sflag:s1], $0x800  }
0xa3: {  	[sflag:s1] =	ssyncset.done $0x0  }
0xa4: {  	[sflag:s1] =	ssyncadd.s32 $0xFFFFF800  }
0xa5: {  	_ =	swait.ge [sflag:s1], $0x800  }
0xa6: {  	[sflag:s1] =	ssyncset.done $0x0  }
0xa7: {  	[sflag:s1] =	ssyncadd.s32 $0xFFFFF800  }
0xa8: {  	_ =	swait.ge [sflag:s1], $0x800  }
0xa9: {  	[sflag:s1] =	ssyncset.done $0x0  }
0xaa: {  	[sflag:s1] =	ssyncadd.s32 $0xFFFFF800  }
0xab: {  	_ =	swait.ge [sflag:s1], $0x800  }
0xac: {  	[sflag:s1] =	ssyncset.done $0x0  }
0xad: {  	s22 =	rddreg [dreg:$0x9];
	[sflag:s1] =	ssyncadd.s32 $0xFFFFF800  }
0xae: {  	[spmem:s2] =	stream.indirect.scatter.add.f32 [tilespmem:s28], [sflag:$0x2], $0x10, s26, s14, $0xb8;
	[tilespmem:$0x1F300] =	vst v63  }
0xaf: {  	s23 =	rddreg [dreg:$0xa]  }
0xb0: {  	[spmem:s2] =	stream.indirect.scatter.add.f32 [tilespmem:s29], [sflag:$0x2], $0x10, s22, s14, $0xb8;
	[tilespmem:$0x1F300] =	vst v63  }
0xb1: {  	p6 =	por $0x0, $0x0;
	s24 =	rddreg [dreg:$0xb]  }
0xb2: {  	[spmem:s2] =	stream.indirect.scatter.add.f32 [tilespmem:s30], [sflag:$0x2], $0x10, s23, s14, $0xb8;
	[tilespmem:$0x1F300] =	vst v63  }
0xb3: {  	p0 =	por p6, p6;
	s25 =	rddreg [dreg:$0xc]  }
0xb4: {  	[spmem:s2] =	stream.indirect.scatter.add.f32 [tilespmem:s31], [sflag:$0x2], $0x10, s24, s14, $0xb8;
	[tilespmem:$0x1F300] =	vst v63  }
0xb5: {  	s21 =	simm.s32 $0xC0;
	s9 =	rddreg [dreg:$0xd];
	s23 =	simm.s32 $0x180  }
0xb6: {  	[spmem:s2] =	stream.indirect.scatter.add.f32 [tilespmem:s0], [sflag:$0x2], $0x10, s25, s14, $0xb8;
	[tilespmem:$0x1F300] =	vst v63  }
.LBB2_2:
0xb7: {  	[spmem:s2] =	stream.indirect.scatter.add.f32 [tilespmem:s3], [sflag:$0x2], $0x10, s9, s14, $0xb8;
	[tilespmem:$0x1F300] =	vst v63  }
0xb8: {  	s10 =	simm.s32 @!p0 $0x2  }
0xb9: {  	_ =	swait.ge @!p0 [sflag:s10], $0x800  }
0xba: {  	[sflag:s10] =	ssyncset.done @!p0 $0x0  }
0xbb: {  	[sflag:s10] =	ssyncadd.s32 @!p0 $0xFFFFF800  }
0xbc: {  	_ =	swait.ge @!p0 [sflag:s10], $0x800  }
0xbd: {  	[sflag:s10] =	ssyncset.done @!p0 $0x0  }
0xbe: {  	[sflag:s10] =	ssyncadd.s32 @!p0 $0xFFFFF800  }
0xbf: {  	_ =	swait.ge @!p0 [sflag:s10], $0x800  }
0xc0: {  	[sflag:s10] =	ssyncset.done @!p0 $0x0  }
0xc1: {  	[sflag:s10] =	ssyncadd.s32 @!p0 $0xFFFFF800  }
0xc2: {  	_ =	swait.ge @!p0 [sflag:s10], $0x800  }
0xc3: {  	[sflag:s10] =	ssyncset.done @!p0 $0x0  }
0xc4: {  	[sflag:s10] =	ssyncadd.s32 @!p0 $0xFFFFF800  }
0xc5: {  	_ =	swait.ge @!p0 [sflag:s10], $0x800  }
0xc6: {  	[sflag:s10] =	ssyncset.done @!p0 $0x0  }
0xc7: {  	[sflag:s10] =	ssyncadd.s32 @!p0 $0xFFFFF800  }
0xc8: {  	_ =	swait.ge @!p0 [sflag:s10], $0x800  }
0xc9: {  	s22 =	rddreg [dreg:$0xe]  }
0xca: {  	[sflag:s10] =	ssyncset.done @!p0 $0x0;
	s9 =	sadd.s32 s21, s22  }
0xcb: {  	s11 =	simm.s32 $0x300;
	[sflag:s10] =	ssyncadd.s32 @!p0 $0xFFFFF800;
	s24 =	sadd.s32 $0x60, s9  }
0xcc: {  	[tilespmem:s11], [sflag:$0x3] =	stream.linear.gather [hbm4b:s24+s4], $0x300, $0x38;
	[tilespmem:$0x1F300] =	vst v63  }
0xcd: {  	_ =	swait.ge [sflag:s12], $0x300  }
0xce: {  	s25 =	rddreg [dreg:$0xf]  }
0xcf: {  	[sflag:s12] =	ssyncset.done $0x0;
	s10 =	sadd.s32 s21, s25  }
0xd0: {  	[sflag:s12] =	ssyncadd.s32 $0xFFFFFD00;
	s16 =	sadd.s32 $0x60, s10  }
0xd1: {  	[tilespmem:s26], [sflag:$0x3] =	stream.linear.gather [hbm4b:s16+s4], $0x300, $0x38;
	[tilespmem:$0x1F300] =	vst v63  }
0xd2: {  	_ =	swait.ge [sflag:s12], $0x300  }
0xd3: {  	[sflag:s12] =	ssyncset.done $0x0  }
0xd4: {  	[sflag:s12] =	ssyncadd.s32 $0xFFFFFD00  }
0xd5: {  	[tilespmem:s28], [sflag:$0x1] =	stream.indirect.gather [hbm4b:s8+s14], $0x10, s11, s14, $0xb8;
	[tilespmem:$0x1F300] =	vst v63  }
0xd6: {  	s18 =	rddreg [dreg:$0x4]  }
0xd7: {  	[tilespmem:s29], [sflag:$0x1] =	stream.indirect.gather [hbm4b:s8+s14], $0x10, s18, s14, $0xb8;
	[tilespmem:$0x1F300] =	vst v63  }
0xd8: {  	s20 =	rddreg [dreg:$0x5]  }
0xd9: {  	[tilespmem:s30], [sflag:$0x1] =	stream.indirect.gather [hbm4b:s8+s14], $0x10, s20, s14, $0xb8;
	[tilespmem:$0x1F300] =	vst v63  }
0xda: {  	s22 =	rddreg [dreg:$0x6]  }
0xdb: {  	[tilespmem:s31], [sflag:$0x1] =	stream.indirect.gather [hbm4b:s8+s14], $0x10, s22, s14, $0xb8;
	[tilespmem:$0x1F300] =	vst v63  }
0xdc: {  	s24 =	rddreg [dreg:$0x7]  }
0xdd: {  	[tilespmem:s0], [sflag:$0x1] =	stream.indirect.gather [hbm4b:s8+s14], $0x10, s24, s14, $0xb8;
	[tilespmem:$0x1F300] =	vst v63  }
0xde: {  	s25 =	rddreg [dreg:$0x8]  }
0xdf: {  	[tilespmem:s3], [sflag:$0x1] =	stream.indirect.gather [hbm4b:s8+s14], $0x10, s25, s14, $0xb8;
	[tilespmem:$0x1F300] =	vst v63  }
0xe0: {  	_ =	swait.ge [sflag:s1], $0x800  }
0xe1: {  	[sflag:s1] =	ssyncset.done $0x0  }
0xe2: {  	[sflag:s1] =	ssyncadd.s32 $0xFFFFF800  }
0xe3: {  	_ =	swait.ge [sflag:s1], $0x800  }
0xe4: {  	[sflag:s1] =	ssyncset.done $0x0  }
0xe5: {  	[sflag:s1] =	ssyncadd.s32 $0xFFFFF800  }
0xe6: {  	_ =	swait.ge [sflag:s1], $0x800  }
0xe7: {  	[sflag:s1] =	ssyncset.done $0x0  }
0xe8: {  	[sflag:s1] =	ssyncadd.s32 $0xFFFFF800  }
0xe9: {  	_ =	swait.ge [sflag:s1], $0x800  }
0xea: {  	[sflag:s1] =	ssyncset.done $0x0  }
0xeb: {  	[sflag:s1] =	ssyncadd.s32 $0xFFFFF800  }
0xec: {  	_ =	swait.ge [sflag:s1], $0x800  }
0xed: {  	[sflag:s1] =	ssyncset.done $0x0  }
0xee: {  	[sflag:s1] =	ssyncadd.s32 $0xFFFFF800  }
0xef: {  	_ =	swait.ge [sflag:s1], $0x800  }
0xf0: {  	[sflag:s1] =	ssyncset.done $0x0  }
0xf1: {  	s16 =	simm.s32 $0xC00;
	s11 =	simm.s32 $0x600;
	[sflag:s1] =	ssyncadd.s32 $0xFFFFF800  }
0xf2: {  	[spmem:s2] =	stream.indirect.scatter.add.f32 [tilespmem:s16], [sflag:$0x2], $0x10, s11, s14, $0xb8;
	[tilespmem:$0x1F300] =	vst v63  }
0xf3: {  	s18 =	simm.s32 $0x1400  }
0xf4: {  	[spmem:s2] =	stream.indirect.scatter.add.f32 [tilespmem:s18], [sflag:$0x2], $0x10, s17, s14, $0xb8;
	[tilespmem:$0x1F300] =	vst v63  }
0xf5: {  	s20 =	simm.s32 $0x1C00  }
0xf6: {  	[spmem:s2] =	stream.indirect.scatter.add.f32 [tilespmem:s20], [sflag:$0x2], $0x10, s6, s14, $0xb8;
	[tilespmem:$0x1F300] =	vst v63  }
0xf7: {  	s22 =	simm.s32 $0x2400  }
0xf8: {  	[spmem:s2] =	stream.indirect.scatter.add.f32 [tilespmem:s22], [sflag:$0x2], $0x10, s13, s14, $0xb8;
	[tilespmem:$0x1F300] =	vst v63  }
0xf9: {  	s24 =	simm.s32 $0x2C00  }
0xfa: {  	[spmem:s2] =	stream.indirect.scatter.add.f32 [tilespmem:s24], [sflag:$0x2], $0x10, s7, s14, $0xb8;
	[tilespmem:$0x1F300] =	vst v63  }
0xfb: {  	s25 =	simm.s32 $0x3400  }
0xfc: {  	[spmem:s2] =	stream.indirect.scatter.add.f32 [tilespmem:s25], [sflag:$0x2], $0x10, s15, s14, $0xb8;
	[tilespmem:$0x1F300] =	vst v63  }
0xfd: {  	_ =	swait.ge [sflag:s19], $0x800  }
0xfe: {  	[sflag:s19] =	ssyncset.done $0x0  }
0xff: {  	[sflag:s19] =	ssyncadd.s32 $0xFFFFF800  }
0x100: {  	_ =	swait.ge [sflag:s19], $0x800  }
0x101: {  	[sflag:s19] =	ssyncset.done $0x0  }
0x102: {  	[sflag:s19] =	ssyncadd.s32 $0xFFFFF800  }
0x103: {  	_ =	swait.ge [sflag:s19], $0x800  }
0x104: {  	[sflag:s19] =	ssyncset.done $0x0  }
0x105: {  	[sflag:s19] =	ssyncadd.s32 $0xFFFFF800  }
0x106: {  	_ =	swait.ge [sflag:s19], $0x800  }
0x107: {  	[sflag:s19] =	ssyncset.done $0x0  }
0x108: {  	[sflag:s19] =	ssyncadd.s32 $0xFFFFF800  }
0x109: {  	_ =	swait.ge [sflag:s19], $0x800  }
0x10a: {  	[sflag:s19] =	ssyncset.done $0x0  }
0x10b: {  	[sflag:s19] =	ssyncadd.s32 $0xFFFFF800  }
0x10c: {  	_ =	swait.ge [sflag:s19], $0x800  }
0x10d: {  	[sflag:s19] =	ssyncset.done $0x0  }
0x10e: {  	s9 =	sadd.s32 $0xC0, s9;
	[sflag:s19] =	ssyncadd.s32 $0xFFFFF800  }
0x10f: {  	[tilespmem:s4], [sflag:$0x3] =	stream.linear.gather [hbm4b:s9+s4], $0x300, $0x38;
	[tilespmem:$0x1F300] =	vst v63  }
0x110: {  	_ =	swait.ge [sflag:s12], $0x300  }
0x111: {  	[sflag:s12] =	ssyncset.done $0x0  }
0x112: {  	s9 =	sadd.s32 $0xC0, s10;
	[sflag:s12] =	ssyncadd.s32 $0xFFFFFD00  }
0x113: {  	[tilespmem:s11], [sflag:$0x3] =	stream.linear.gather [hbm4b:s9+s4], $0x300, $0x38;
	[tilespmem:$0x1F300] =	vst v63  }
0x114: {  	_ =	swait.ge [sflag:s12], $0x300  }
0x115: {  	[sflag:s12] =	ssyncset.done $0x0  }
0x116: {  	[sflag:s12] =	ssyncadd.s32 $0xFFFFFD00  }
0x117: {  	[tilespmem:s16], [sflag:$0x1] =	stream.indirect.gather [hbm4b:s8+s14], $0x10, s4, s14, $0xb8;
	[tilespmem:$0x1F300] =	vst v63  }
0x118: {  	_ = 	snop  }
0x119: {  	[tilespmem:s18], [sflag:$0x1] =	stream.indirect.gather [hbm4b:s8+s14], $0x10, s14, s14, $0xb8;
	[tilespmem:$0x1F300] =	vst v63  }
0x11a: {  	s10 =	simm.s32 $0x100  }
0x11b: {  	[tilespmem:s20], [sflag:$0x1] =	stream.indirect.gather [hbm4b:s8+s14], $0x10, s10, s14, $0xb8;
	[tilespmem:$0x1F300] =	vst v63  }
0x11c: {  	s11 =	simm.s32 $0x180  }
0x11d: {  	[tilespmem:s22], [sflag:$0x1] =	stream.indirect.gather [hbm4b:s8+s14], $0x10, s11, s14, $0xb8;
	[tilespmem:$0x1F300] =	vst v63  }
0x11e: {  	s16 =	simm.s32 $0x200  }
0x11f: {  	[tilespmem:s24], [sflag:$0x1] =	stream.indirect.gather [hbm4b:s8+s14], $0x10, s16, s14, $0xb8;
	[tilespmem:$0x1F300] =	vst v63  }
0x120: {  	s18 =	simm.s32 $0x280  }
0x121: {  	[tilespmem:s25], [sflag:$0x1] =	stream.indirect.gather [hbm4b:s8+s14], $0x10, s18, s14, $0xb8;
	[tilespmem:$0x1F300] =	vst v63  }
0x122: {  	_ =	swait.ge [sflag:s1], $0x800  }
0x123: {  	[sflag:s1] =	ssyncset.done $0x0  }
0x124: {  	[sflag:s1] =	ssyncadd.s32 $0xFFFFF800  }
0x125: {  	_ =	swait.ge [sflag:s1], $0x800  }
0x126: {  	[sflag:s1] =	ssyncset.done $0x0  }
0x127: {  	[sflag:s1] =	ssyncadd.s32 $0xFFFFF800  }
0x128: {  	_ =	swait.ge [sflag:s1], $0x800  }
0x129: {  	[sflag:s1] =	ssyncset.done $0x0  }
0x12a: {  	[sflag:s1] =	ssyncadd.s32 $0xFFFFF800  }
0x12b: {  	_ =	swait.ge [sflag:s1], $0x800  }
0x12c: {  	[sflag:s1] =	ssyncset.done $0x0  }
0x12d: {  	[sflag:s1] =	ssyncadd.s32 $0xFFFFF800  }
0x12e: {  	_ =	swait.ge [sflag:s1], $0x800  }
0x12f: {  	[sflag:s1] =	ssyncset.done $0x0  }
0x130: {  	[sflag:s1] =	ssyncadd.s32 $0xFFFFF800  }
0x131: {  	_ =	swait.ge [sflag:s1], $0x800  }
0x132: {  	[sflag:s1] =	ssyncset.done $0x0  }
0x133: {  	[sflag:s1] =	ssyncadd.s32 $0xFFFFF800  }
0x134: {  	[spmem:s2] =	stream.indirect.scatter.add.f32 [tilespmem:s28], [sflag:$0x2], $0x10, s26, s14, $0xb8;
	[tilespmem:$0x1F300] =	vst v63  }
0x135: {  	s5 =	smov.u32 s23;
	s23 =	sadd.s32 $0xC0, s23;
	s20 =	rddreg [dreg:$0x9]  }
0x136: {  	[spmem:s2] =	stream.indirect.scatter.add.f32 [tilespmem:s29], [sflag:$0x2], $0x10, s20, s14, $0xb8;
	[tilespmem:$0x1F300] =	vst v63  }
0x137: {  	p1 =	sne.s32 s23, $0x30C0;
	s22 =	rddreg [dreg:$0xa]  }
0x138: {  	[spmem:s2] =	stream.indirect.scatter.add.f32 [tilespmem:s30], [sflag:$0x2], $0x10, s22, s14, $0xb8;
	[tilespmem:$0x1F300] =	vst v63  }
.Ltmp0:
0x139: {  	s24 =	rddreg [dreg:$0xb];
	(pc) =	sbr.rel @p1 .LBB2_2-.Ltmp0, $4  }
0x13a: {  	p2 =	seq.s32 s5, $0x0;
	s25 =	rddreg [dreg:$0xc]  }
0x13b: {  	[spmem:s2] =	stream.indirect.scatter.add.f32 [tilespmem:s31], [sflag:$0x2], $0x10, s24, s14, $0xb8;
	[tilespmem:$0x1F300] =	vst v63  }
0x13c: {  	p0 =	por p2, p2;
	s21 =	smov.u32 s5;
	s9 =	rddreg [dreg:$0xd]  }
0x13d: {  	[spmem:s2] =	stream.indirect.scatter.add.f32 [tilespmem:s0], [sflag:$0x2], $0x10, s25, s14, $0xb8;
	[tilespmem:$0x1F300] =	vst v63  }
0x13e: {  	[spmem:s2] =	stream.indirect.scatter.add.f32 [tilespmem:s3], [sflag:$0x2], $0x10, s9, s14, $0xb8;
	[tilespmem:$0x1F300] =	vst v63  }
0x13f: {  	s5 =	simm.s32 @!p0 $0x2  }
0x140: {  	_ =	swait.ge @!p0 [sflag:s5], $0x800  }
0x141: {  	[sflag:s5] =	ssyncset.done @!p0 $0x0  }
0x142: {  	[sflag:s5] =	ssyncadd.s32 @!p0 $0xFFFFF800  }
0x143: {  	_ =	swait.ge @!p0 [sflag:s5], $0x800  }
0x144: {  	[sflag:s5] =	ssyncset.done @!p0 $0x0  }
0x145: {  	[sflag:s5] =	ssyncadd.s32 @!p0 $0xFFFFF800  }
0x146: {  	_ =	swait.ge @!p0 [sflag:s5], $0x800  }
0x147: {  	[sflag:s5] =	ssyncset.done @!p0 $0x0  }
0x148: {  	[sflag:s5] =	ssyncadd.s32 @!p0 $0xFFFFF800  }
0x149: {  	_ =	swait.ge @!p0 [sflag:s5], $0x800  }
0x14a: {  	[sflag:s5] =	ssyncset.done @!p0 $0x0  }
0x14b: {  	[sflag:s5] =	ssyncadd.s32 @!p0 $0xFFFFF800  }
0x14c: {  	_ =	swait.ge @!p0 [sflag:s5], $0x800  }
0x14d: {  	[sflag:s5] =	ssyncset.done @!p0 $0x0  }
0x14e: {  	[sflag:s5] =	ssyncadd.s32 @!p0 $0xFFFFF800  }
0x14f: {  	_ =	swait.ge @!p0 [sflag:s5], $0x800  }
0x150: {  	s6 =	rddreg [dreg:$0xe]  }
0x151: {  	[sflag:s5] =	ssyncset.done @!p0 $0x0;
	s25 =	sadd.s32 s21, s6  }
0x152: {  	s18 =	simm.s32 $0x300;
	[sflag:s5] =	ssyncadd.s32 @!p0 $0xFFFFF800;
	s17 =	sadd.s32 $0x60, s25  }
0x153: {  	[tilespmem:s18], [sflag:$0x3] =	stream.linear.gather [hbm4b:s17+s4], $0x300, $0x38;
	[tilespmem:$0x1F300] =	vst v63  }
0x154: {  	_ =	swait.ge [sflag:s12], $0x300  }
0x155: {  	s20 =	rddreg [dreg:$0xf]  }
0x156: {  	[sflag:s12] =	ssyncset.done $0x0;
	s10 =	sadd.s32 s21, s20  }
0x157: {  	[sflag:s12] =	ssyncadd.s32 $0xFFFFFD00;
	s5 =	sadd.s32 $0x60, s10  }
0x158: {  	[tilespmem:s26], [sflag:$0x3] =	stream.linear.gather [hbm4b:s5+s4], $0x300, $0x38;
	[tilespmem:$0x1F300] =	vst v63  }
0x159: {  	_ =	swait.ge [sflag:s12], $0x300  }
0x15a: {  	[sflag:s12] =	ssyncset.done $0x0  }
0x15b: {  	[sflag:s12] =	ssyncadd.s32 $0xFFFFFD00  }
0x15c: {  	[tilespmem:s28], [sflag:$0x1] =	stream.indirect.gather [hbm4b:s8+s14], $0x10, s18, s14, $0xb8;
	[tilespmem:$0x1F300] =	vst v63  }
0x15d: {  	s21 =	rddreg [dreg:$0x4]  }
0x15e: {  	[tilespmem:s29], [sflag:$0x1] =	stream.indirect.gather [hbm4b:s8+s14], $0x10, s21, s14, $0xb8;
	[tilespmem:$0x1F300] =	vst v63  }
0x15f: {  	s11 =	rddreg [dreg:$0x5]  }
0x160: {  	[tilespmem:s30], [sflag:$0x1] =	stream.indirect.gather [hbm4b:s8+s14], $0x10, s11, s14, $0xb8;
	[tilespmem:$0x1F300] =	vst v63  }
0x161: {  	s22 =	rddreg [dreg:$0x6]  }
0x162: {  	[tilespmem:s31], [sflag:$0x1] =	stream.indirect.gather [hbm4b:s8+s14], $0x10, s22, s14, $0xb8;
	[tilespmem:$0x1F300] =	vst v63  }
0x163: {  	s23 =	rddreg [dreg:$0x7]  }
0x164: {  	[tilespmem:s0], [sflag:$0x1] =	stream.indirect.gather [hbm4b:s8+s14], $0x10, s23, s14, $0xb8;
	[tilespmem:$0x1F300] =	vst v63  }
0x165: {  	s24 =	rddreg [dreg:$0x8]  }
0x166: {  	[tilespmem:s3], [sflag:$0x1] =	stream.indirect.gather [hbm4b:s8+s14], $0x10, s24, s14, $0xb8;
	[tilespmem:$0x1F300] =	vst v63  }
0x167: {  	_ =	swait.ge [sflag:s1], $0x800  }
0x168: {  	[sflag:s1] =	ssyncset.done $0x0  }
0x169: {  	[sflag:s1] =	ssyncadd.s32 $0xFFFFF800  }
0x16a: {  	_ =	swait.ge [sflag:s1], $0x800  }
0x16b: {  	[sflag:s1] =	ssyncset.done $0x0  }
0x16c: {  	[sflag:s1] =	ssyncadd.s32 $0xFFFFF800  }
0x16d: {  	_ =	swait.ge [sflag:s1], $0x800  }
0x16e: {  	[sflag:s1] =	ssyncset.done $0x0  }
0x16f: {  	[sflag:s1] =	ssyncadd.s32 $0xFFFFF800  }
0x170: {  	_ =	swait.ge [sflag:s1], $0x800  }
0x171: {  	[sflag:s1] =	ssyncset.done $0x0  }
0x172: {  	[sflag:s1] =	ssyncadd.s32 $0xFFFFF800  }
0x173: {  	_ =	swait.ge [sflag:s1], $0x800  }
0x174: {  	[sflag:s1] =	ssyncset.done $0x0  }
0x175: {  	[sflag:s1] =	ssyncadd.s32 $0xFFFFF800  }
0x176: {  	_ =	swait.ge [sflag:s1], $0x800  }
0x177: {  	[sflag:s1] =	ssyncset.done $0x0  }
0x178: {  	s7 =	simm.s32 $0xC00;
	s6 =	simm.s32 $0x600;
	[sflag:s1] =	ssyncadd.s32 $0xFFFFF800  }
0x179: {  	[spmem:s2] =	stream.indirect.scatter.add.f32 [tilespmem:s7], [sflag:$0x2], $0x10, s6, s14, $0xb8;
	[tilespmem:$0x1F300] =	vst v63  }
0x17a: {  	s13 =	simm.s32 $0x1400;
	s11 =	simm.s32 $0x680  }
0x17b: {  	[spmem:s2] =	stream.indirect.scatter.add.f32 [tilespmem:s13], [sflag:$0x2], $0x10, s11, s14, $0xb8;
	[tilespmem:$0x1F300] =	vst v63  }
0x17c: {  	s15 =	simm.s32 $0x1C00;
	s21 =	simm.s32 $0x700  }
0x17d: {  	[spmem:s2] =	stream.indirect.scatter.add.f32 [tilespmem:s15], [sflag:$0x2], $0x10, s21, s14, $0xb8;
	[tilespmem:$0x1F300] =	vst v63  }
0x17e: {  	s16 =	simm.s32 $0x2400;
	s23 =	simm.s32 $0x780  }
0x17f: {  	[spmem:s2] =	stream.indirect.scatter.add.f32 [tilespmem:s16], [sflag:$0x2], $0x10, s23, s14, $0xb8;
	[tilespmem:$0x1F300] =	vst v63  }
0x180: {  	s18 =	simm.s32 $0x2C00;
	s22 =	simm.s32 $0x800  }
0x181: {  	[spmem:s2] =	stream.indirect.scatter.add.f32 [tilespmem:s18], [sflag:$0x2], $0x10, s22, s14, $0xb8;
	[tilespmem:$0x1F300] =	vst v63  }
0x182: {  	s20 =	simm.s32 $0x3400;
	s24 =	simm.s32 $0x880  }
0x183: {  	[spmem:s2] =	stream.indirect.scatter.add.f32 [tilespmem:s20], [sflag:$0x2], $0x10, s24, s14, $0xb8;
	[tilespmem:$0x1F300] =	vst v63  }
0x184: {  	_ =	swait.ge [sflag:s19], $0x800  }
0x185: {  	[sflag:s19] =	ssyncset.done $0x0  }
0x186: {  	[sflag:s19] =	ssyncadd.s32 $0xFFFFF800  }
0x187: {  	_ =	swait.ge [sflag:s19], $0x800  }
0x188: {  	[sflag:s19] =	ssyncset.done $0x0  }
0x189: {  	[sflag:s19] =	ssyncadd.s32 $0xFFFFF800  }
0x18a: {  	_ =	swait.ge [sflag:s19], $0x800  }
0x18b: {  	[sflag:s19] =	ssyncset.done $0x0  }
0x18c: {  	[sflag:s19] =	ssyncadd.s32 $0xFFFFF800  }
0x18d: {  	_ =	swait.ge [sflag:s19], $0x800  }
0x18e: {  	[sflag:s19] =	ssyncset.done $0x0  }
0x18f: {  	[sflag:s19] =	ssyncadd.s32 $0xFFFFF800  }
0x190: {  	_ =	swait.ge [sflag:s19], $0x800  }
0x191: {  	[sflag:s19] =	ssyncset.done $0x0  }
0x192: {  	[sflag:s19] =	ssyncadd.s32 $0xFFFFF800  }
0x193: {  	_ =	swait.ge [sflag:s19], $0x800  }
0x194: {  	[sflag:s19] =	ssyncset.done $0x0  }
0x195: {  	s25 =	sadd.s32 $0xC0, s25;
	[sflag:s19] =	ssyncadd.s32 $0xFFFFF800  }
0x196: {  	[tilespmem:s4], [sflag:$0x3] =	stream.linear.gather [hbm4b:s25+s4], $0x300, $0x38;
	[tilespmem:$0x1F300] =	vst v63  }
0x197: {  	_ =	swait.ge [sflag:s12], $0x300  }
0x198: {  	[sflag:s12] =	ssyncset.done $0x0  }
0x199: {  	s9 =	sadd.s32 $0xC0, s10;
	[sflag:s12] =	ssyncadd.s32 $0xFFFFFD00  }
0x19a: {  	[tilespmem:s6], [sflag:$0x3] =	stream.linear.gather [hbm4b:s9+s4], $0x300, $0x38;
	[tilespmem:$0x1F300] =	vst v63  }
0x19b: {  	_ =	swait.ge [sflag:s12], $0x300  }
0x19c: {  	[sflag:s12] =	ssyncset.done $0x0  }
0x19d: {  	[sflag:s12] =	ssyncadd.s32 $0xFFFFFD00  }
0x19e: {  	[tilespmem:s7], [sflag:$0x1] =	stream.indirect.gather [hbm4b:s8+s14], $0x10, s4, s14, $0xb8;
	[tilespmem:$0x1F300] =	vst v63  }
0x19f: {  	_ = 	snop  }
0x1a0: {  	[tilespmem:s13], [sflag:$0x1] =	stream.indirect.gather [hbm4b:s8+s14], $0x10, s14, s14, $0xb8;
	[tilespmem:$0x1F300] =	vst v63  }
0x1a1: {  	s10 =	simm.s32 $0x100  }
0x1a2: {  	[tilespmem:s15], [sflag:$0x1] =	stream.indirect.gather [hbm4b:s8+s14], $0x10, s10, s14, $0xb8;
	[tilespmem:$0x1F300] =	vst v63  }
0x1a3: {  	s17 =	simm.s32 $0x180  }
0x1a4: {  	[tilespmem:s16], [sflag:$0x1] =	stream.indirect.gather [hbm4b:s8+s14], $0x10, s17, s14, $0xb8;
	[tilespmem:$0x1F300] =	vst v63  }
0x1a5: {  	s25 =	simm.s32 $0x200  }
0x1a6: {  	[tilespmem:s18], [sflag:$0x1] =	stream.indirect.gather [hbm4b:s8+s14], $0x10, s25, s14, $0xb8;
	[tilespmem:$0x1F300] =	vst v63  }
0x1a7: {  	s9 =	simm.s32 $0x280  }
0x1a8: {  	[tilespmem:s20], [sflag:$0x1] =	stream.indirect.gather [hbm4b:s8+s14], $0x10, s9, s14, $0xb8;
	[tilespmem:$0x1F300] =	vst v63  }
0x1a9: {  	_ =	swait.ge [sflag:s1], $0x800  }
0x1aa: {  	[sflag:s1] =	ssyncset.done $0x0  }
0x1ab: {  	[sflag:s1] =	ssyncadd.s32 $0xFFFFF800  }
0x1ac: {  	_ =	swait.ge [sflag:s1], $0x800  }
0x1ad: {  	[sflag:s1] =	ssyncset.done $0x0  }
0x1ae: {  	[sflag:s1] =	ssyncadd.s32 $0xFFFFF800  }
0x1af: {  	_ =	swait.ge [sflag:s1], $0x800  }
0x1b0: {  	[sflag:s1] =	ssyncset.done $0x0  }
0x1b1: {  	[sflag:s1] =	ssyncadd.s32 $0xFFFFF800  }
0x1b2: {  	_ =	swait.ge [sflag:s1], $0x800  }
0x1b3: {  	[sflag:s1] =	ssyncset.done $0x0  }
0x1b4: {  	[sflag:s1] =	ssyncadd.s32 $0xFFFFF800  }
0x1b5: {  	_ =	swait.ge [sflag:s1], $0x800  }
0x1b6: {  	[sflag:s1] =	ssyncset.done $0x0  }
0x1b7: {  	[sflag:s1] =	ssyncadd.s32 $0xFFFFF800  }
0x1b8: {  	_ =	swait.ge [sflag:s1], $0x800  }
0x1b9: {  	[sflag:s1] =	ssyncset.done $0x0  }
0x1ba: {  	[sflag:s1] =	ssyncadd.s32 $0xFFFFF800  }
0x1bb: {  	[spmem:s2] =	stream.indirect.scatter.add.f32 [tilespmem:s28], [sflag:$0x2], $0x10, s26, s14, $0xb8;
	[tilespmem:$0x1F300] =	vst v63  }
0x1bc: {  	s10 =	rddreg [dreg:$0x9]  }
0x1bd: {  	[spmem:s2] =	stream.indirect.scatter.add.f32 [tilespmem:s29], [sflag:$0x2], $0x10, s10, s14, $0xb8;
	[tilespmem:$0x1F300] =	vst v63  }
0x1be: {  	s17 =	rddreg [dreg:$0xa]  }
0x1bf: {  	[spmem:s2] =	stream.indirect.scatter.add.f32 [tilespmem:s30], [sflag:$0x2], $0x10, s17, s14, $0xb8;
	[tilespmem:$0x1F300] =	vst v63  }
0x1c0: {  	s25 =	rddreg [dreg:$0xb]  }
0x1c1: {  	[spmem:s2] =	stream.indirect.scatter.add.f32 [tilespmem:s31], [sflag:$0x2], $0x10, s25, s14, $0xb8;
	[tilespmem:$0x1F300] =	vst v63  }
0x1c2: {  	s10 =	rddreg [dreg:$0xc]  }
0x1c3: {  	[spmem:s2] =	stream.indirect.scatter.add.f32 [tilespmem:s0], [sflag:$0x2], $0x10, s10, s14, $0xb8;
	[tilespmem:$0x1F300] =	vst v63  }
0x1c4: {  	s17 =	rddreg [dreg:$0xd]  }
0x1c5: {  	[spmem:s2] =	stream.indirect.scatter.add.f32 [tilespmem:s3], [sflag:$0x2], $0x10, s17, s14, $0xb8;
	[tilespmem:$0x1F300] =	vst v63  }
0x1c6: {  	_ =	swait.ge [sflag:s19], $0x800  }
0x1c7: {  	[sflag:s19] =	ssyncset.done $0x0  }
0x1c8: {  	[sflag:s19] =	ssyncadd.s32 $0xFFFFF800  }
0x1c9: {  	_ =	swait.ge [sflag:s19], $0x800  }
0x1ca: {  	[sflag:s19] =	ssyncset.done $0x0  }
0x1cb: {  	[sflag:s19] =	ssyncadd.s32 $0xFFFFF800  }
0x1cc: {  	_ =	swait.ge [sflag:s19], $0x800  }
0x1cd: {  	[sflag:s19] =	ssyncset.done $0x0  }
0x1ce: {  	[sflag:s19] =	ssyncadd.s32 $0xFFFFF800  }
0x1cf: {  	_ =	swait.ge [sflag:s19], $0x800  }
0x1d0: {  	[sflag:s19] =	ssyncset.done $0x0  }
0x1d1: {  	[sflag:s19] =	ssyncadd.s32 $0xFFFFF800  }
0x1d2: {  	_ =	swait.ge [sflag:s19], $0x800  }
0x1d3: {  	[sflag:s19] =	ssyncset.done $0x0  }
0x1d4: {  	[sflag:s19] =	ssyncadd.s32 $0xFFFFF800  }
0x1d5: {  	_ =	swait.ge [sflag:s19], $0x800  }
0x1d6: {  	[sflag:s19] =	ssyncset.done $0x0  }
0x1d7: {  	[sflag:s19] =	ssyncadd.s32 $0xFFFFF800  }
0x1d8: {  	_ =	swait.ge [sflag:s1], $0x800  }
0x1d9: {  	[sflag:s1] =	ssyncset.done $0x0  }
0x1da: {  	[sflag:s1] =	ssyncadd.s32 $0xFFFFF800  }
0x1db: {  	_ =	swait.ge [sflag:s1], $0x800  }
0x1dc: {  	[sflag:s1] =	ssyncset.done $0x0  }
0x1dd: {  	[sflag:s1] =	ssyncadd.s32 $0xFFFFF800  }
0x1de: {  	_ =	swait.ge [sflag:s1], $0x800  }
0x1df: {  	[sflag:s1] =	ssyncset.done $0x0  }
0x1e0: {  	[sflag:s1] =	ssyncadd.s32 $0xFFFFF800  }
0x1e1: {  	_ =	swait.ge [sflag:s1], $0x800  }
0x1e2: {  	[sflag:s1] =	ssyncset.done $0x0  }
0x1e3: {  	[sflag:s1] =	ssyncadd.s32 $0xFFFFF800  }
0x1e4: {  	_ =	swait.ge [sflag:s1], $0x800  }
0x1e5: {  	[sflag:s1] =	ssyncset.done $0x0  }
0x1e6: {  	[sflag:s1] =	ssyncadd.s32 $0xFFFFF800  }
0x1e7: {  	_ =	swait.ge [sflag:s1], $0x800  }
0x1e8: {  	[sflag:s1] =	ssyncset.done $0x0  }
0x1e9: {  	[sflag:s1] =	ssyncadd.s32 $0xFFFFF800  }
0x1ea: {  	[spmem:s2] =	stream.indirect.scatter.add.f32 [tilespmem:s7], [sflag:$0x2], $0x10, s6, s14, $0xb8;
	[tilespmem:$0x1F300] =	vst v63  }
0x1eb: {  	_ = 	snop  }
0x1ec: {  	[spmem:s2] =	stream.indirect.scatter.add.f32 [tilespmem:s13], [sflag:$0x2], $0x10, s11, s14, $0xb8;
	[tilespmem:$0x1F300] =	vst v63  }
0x1ed: {  	_ = 	snop  }
0x1ee: {  	[spmem:s2] =	stream.indirect.scatter.add.f32 [tilespmem:s15], [sflag:$0x2], $0x10, s21, s14, $0xb8;
	[tilespmem:$0x1F300] =	vst v63  }
0x1ef: {  	_ = 	snop  }
0x1f0: {  	[spmem:s2] =	stream.indirect.scatter.add.f32 [tilespmem:s16], [sflag:$0x2], $0x10, s23, s14, $0xb8;
	[tilespmem:$0x1F300] =	vst v63  }
0x1f1: {  	_ = 	snop  }
0x1f2: {  	[spmem:s2] =	stream.indirect.scatter.add.f32 [tilespmem:s18], [sflag:$0x2], $0x10, s22, s14, $0xb8;
	[tilespmem:$0x1F300] =	vst v63  }
0x1f3: {  	_ = 	snop  }
0x1f4: {  	[spmem:s2] =	stream.indirect.scatter.add.f32 [tilespmem:s20], [sflag:$0x2], $0x10, s24, s14, $0xb8;
	[tilespmem:$0x1F300] =	vst v63  }
0x1f5: {  	_ =	swait.ge [sflag:s19], $0x800  }
0x1f6: {  	[sflag:s19] =	ssyncset.done $0x0  }
0x1f7: {  	[sflag:s19] =	ssyncadd.s32 $0xFFFFF800  }
0x1f8: {  	_ =	swait.ge [sflag:s19], $0x800  }
0x1f9: {  	[sflag:s19] =	ssyncset.done $0x0  }
0x1fa: {  	[sflag:s19] =	ssyncadd.s32 $0xFFFFF800  }
0x1fb: {  	_ =	swait.ge [sflag:s19], $0x800  }
0x1fc: {  	[sflag:s19] =	ssyncset.done $0x0  }
0x1fd: {  	[sflag:s19] =	ssyncadd.s32 $0xFFFFF800  }
0x1fe: {  	_ =	swait.ge [sflag:s19], $0x800  }
0x1ff: {  	[sflag:s19] =	ssyncset.done $0x0  }
0x200: {  	[sflag:s19] =	ssyncadd.s32 $0xFFFFF800  }
0x201: {  	_ =	swait.ge [sflag:s19], $0x800  }
0x202: {  	[sflag:s19] =	ssyncset.done $0x0  }
0x203: {  	[sflag:s19] =	ssyncadd.s32 $0xFFFFF800  }
0x204: {  	_ =	swait.ge [sflag:s19], $0x800  }
0x205: {  	[sflag:s19] =	ssyncset.done $0x0  }
0x206: {  	[sflag:s19] =	ssyncadd.s32 $0xFFFFF800  }
0x207: {  	[bflag:$0x0] =	sbarrier.arrive $0xFFFF  }
0x208: {  	s9 =	rddreg [dreg:$0x10]  }
0x209: {  	s23 =	rddreg [dreg:$0x11]  }
0x20a: {  	s10 =	rddreg [dreg:$0x13]  }
0x20b: {  	[hbm:s23], [sflag:s9] =	dma.local [spmem:s10], $0x30E0  }
0x20c: {  	_ =	swait.ge [sflag:s12], $0x30E0  }
0x20d: {  	s24 =	rddreg [dreg:$0x14]  }
0x20e: {  	s25 =	rddreg [dreg:$0x12];
	s11 =	sadd.s32 $0x1, s24  }
0x20f: {  	p0 =	sne.s32 s11, s25  }
.Ltmp1:
0x210: {  	_ = 	snop;
	(pc) =	sbr.rel @p0 .LBB2_1-.Ltmp1, $4  }
0x211: {  	_ = 	snop  }
0x212: {  	s17 =	simm.s32 $0x680  }
0x213: {  	s6 =	simm.s32 $0x700;
	s7 =	simm.s32 $0x800;
	[sflag:s12] =	ssyncset.done $0x0  }
0x214: {  	s13 =	simm.s32 $0x780;
	s15 =	simm.s32 $0x880;
	[sflag:s12] =	ssyncadd.s32 $0xFFFFCF20  }
0x215: {  	_ =	sfence.sel $0x180000  }
0x216: {  	[bflag:$0x0] =	sbarrier.arrive $0xFFFF  }
0x217: {  	_ =	strace $0x90000047  }
0x218: {  	s0 =	stileid.u32;
	[bflag:$0x2] =	sbarrier.arrive $0xFFFF  }
0x219: {  	p0 =	sne.s32 s0, $0x0;
	s0 =	rddreg [dreg:$0x3]  }
0x21a: {  	s0 =	sadd.s32 @!p0 $0x100000, s0  }
0x21b: {  	[sflag:s0] =	ssyncadd.tile.s32 @!p0 $0x1;
	_ =	shalt  }
.Lfunc_end2:
_tile_overlayer_lowered:
.L_overlay_start_2:
0x21c: {  	(tag) =	ssettag $0x2  }
0x21d: {  	s0 =	rddreg [dreg:$0x0];
	s2 =	stileid.u32  }
0x21e: {  	s1 =	rddreg [dreg:$0x1];
	p0 =	sne.s32 s2, $0x0  }
0x21f: {  	s3 =	rddreg [dreg:$0x2];
	[bflag:$0x3] =	sbarrier.arrive $0xFFFF;
	s2 =	simm.s32 @!p0 $0x1C03  }
0x220: {  	[timem:s3], [sflag:s2] =	dma.local @!p0 [hbm:s0], s1  }
0x221: {  	s0 =	simm.s32 @!p0 $0x3  }
0x222: {  	_ =	swait.ge @!p0 [sflag:s0], s1  }
0x223: {  	s1 =	ssub.s32 @!p0 $0x0, s1;
	[sflag:s0] =	ssyncset.done @!p0 $0x0  }
0x224: {  	[sflag:s0] =	ssyncadd.s32 @!p0 s1  }
0x225: {  	[bflag:$0x3] =	sbarrier.arrive $0xFFFF  }
0x226: {  	_ =	shalt  }

// kernel: kernel.9.cloned.1.call-start
scs
__scs_entry_jumppad:
0x0: {  	(pc) =	sbr.rel $0x88, $3  }
0x1: {  	(tag) =	ssettag $0x0;
	lr =	simm.s32 $0x1  }
0x2: {  	[smem:$0x3F90] =	sst lr;
	_ =	strace $0xD0000000  }
0x3: {  	_ = 	snop  }
0x4: {  	_ = 	snop  }
0x5: {  	_ = 	snop  }
0x6: {  	_ = 	snop  }
0x7: {  	_ = 	snop  }
__scs_overlays_trampoline_lowered:
0x8: {  	[smem:$0x3F9F] =	sst s0  }
0x9: {  	[smem:$0x3FA0] =	sst s1  }
0xa: {  	[smem:$0x3FA1] =	sst s2  }
0xb: {  	[smem:$0x3FA2] =	sst s3  }
0xc: {  	[smem:$0x3FA3] =	sst s4  }
0xd: {  	[smem:$0x3FA4] =	sst s5  }
0xe: {  	[smem:$0x3FA5] =	sst s6  }
0xf: {  	[smem:$0x3FA6] =	sst s7  }
0x10: {  	[smem:$0x3FA7] =	sst s8  }
0x11: {  	[smem:$0x3FA8] =	sst s9;
	s0 =	simm.s32 @!p0 $0x0  }
0x12: {  	s1 =	sld [smem:$0x3F8E];
	s0 =	simm.s32 @p0 $0x1  }
0x13: {  	[smem:$0x3FA9] =	sst s0;
	s0 =	simm.s32 @!p1 $0x0  }
0x14: {  	s2 =	sld [smem:$0x3F8D];
	s0 =	simm.s32 @p1 $0x1  }
0x15: {  	[smem:$0x3FAA] =	sst s0;
	s0 =	simm.s32 @!p2 $0x0  }
0x16: {  	s3 =	sld [smem:$0x3FDB];
	s0 =	simm.s32 @p2 $0x1  }
0x17: {  	s4 =	simm.s32 $0x1BF5;
	[smem:$0x3FAC] =	sst s0  }
0x18: {  	s0 =	sld [smem:$0x3F8F];
	_ =	swait.ge [sflag:s4], $0x0  }
0x19: {  	s7 =	sld [smem:$0x3F90]  }
0x1a: {  	s8 =	sadd.s32 $0xFFFFE003, lr  }
0x1b: {  	s9 =	sadd.s32 $0xFFFFFEF7, lr;
	s5 =	simm.s32 $0xFFFFFFFF;
	p2 =	slt.u32 s8, $0xFFFFF086  }
0x1c: {  	p1 =	slt.u32 s9, $0xF7A;
	s5 =	simm.s32 @!p2 $0x0  }
0x1d: {  	s5 =	simm.s32 @p1 $0x1;
	p0 =	seq.s32 s7, s2  }
0x1e: {  	s7 =	smul.u32 @!p0 $0xF7A, s2;
	p2 =	seq.s32 @!p0 s5, $0x0  }
0x1f: {  	s9 =	smul.u32 $0xF7A, s1;
	s8 =	simm.s32 @!p0 $0x1BF5;
	p2 =	por !p2, p0  }
0x20: {  	[sflag:s8] =	ssyncset.s32 @!p0 $0xFFFFF086;
	s6 =	sadd.s32 @!p0 s3, s7;
	s7 =	simm.s32 @!p0 $0x108  }
0x21: {  	s3 =	sadd.s32 s3, s9;
	s6 =	sadd.s32 @!p0 $0x88, s6;
	s7 =	simm.s32 @p2 $0x1082  }
0x22: {  	[simem:s7], [sflag:s8] =	dma.local @!p0 [hbm:s6], $0xF7A  }
0x23: {  	s9 =	sor.u32 $0xD0000000, s2;
	s6 =	simm.s32 $0x108;
	_ =	swait.ge @!p0 [sflag:s8], $0x0  }
0x24: {  	s3 =	sadd.s32 $0x88, s3;
	s6 =	simm.s32 @!p1 $0x1082;
	[sflag:s4] =	ssyncset.s32 $0xFFFFF086  }
0x25: {  	[simem:s6], [sflag:s4] =	dma.local [hbm:s3], $0xF7A  }
0x26: {  	[smem:$0x3F90] =	sst s1;
	(tag) =	ssettag s2;
	_ =	strace s9  }
0x27: {  	s1 =	sld [smem:$0x3FA0]  }
0x28: {  	s2 =	sld [smem:$0x3FA1]  }
0x29: {  	s4 =	sld [smem:$0x3FA3]  }
0x2a: {  	p0 =	seq.s32 s5, $0x0;
	s5 =	sld [smem:$0x3FA4]  }
0x2b: {  	s6 =	sld [smem:$0x3FA5]  }
0x2c: {  	s7 =	sld [smem:$0x3FA6]  }
0x2d: {  	s3 =	simm.s32 $0x108;
	s8 =	sld [smem:$0x3FA7]  }
0x2e: {  	s3 =	simm.s32 @!p0 $0x1082;
	s9 =	sld [smem:$0x3FA8]  }
0x2f: {  	lr =	sadd.s32 s0, s3;
	s0 =	sld [smem:$0x3F9F]  }
0x30: {  	s3 =	sld [smem:$0x3FA2]  }
0x31: {  	[smem:$0x3FAB] =	sst s10  }
0x32: {  	s10 =	sld [smem:$0x3FA9];
	_ =	sdelay $0x3  }
0x33: {  	p0 =	seq.s32 s10, $0x1;
	s10 =	sld [smem:$0x3FAB];
	_ =	sdelay $0x3  }
0x34: {  	[smem:$0x3FAB] =	sst s10  }
0x35: {  	s10 =	sld [smem:$0x3FAA];
	_ =	sdelay $0x3  }
0x36: {  	p1 =	seq.s32 s10, $0x1;
	s10 =	sld [smem:$0x3FAB];
	_ =	sdelay $0x3  }
0x37: {  	[smem:$0x3FAB] =	sst s10  }
0x38: {  	s10 =	sld [smem:$0x3FAC]  }
0x39: {  	_ = 	snop;
	(pc) =	sbr.ind lr, $3  }
0x3a: {  	_ = 	snop  }
0x3b: {  	_ = 	snop  }
0x3c: {  	p2 =	seq.s32 s10, $0x1;
	s10 =	sld [smem:$0x3FAB]  }
0x3d: {  	_ =	shalt  }
0x3e: {  	_ =	shalt  }
0x3f: {  	_ =	shalt  }
0x40: {  	_ =	shalt  }
0x41: {  	_ =	shalt  }
0x42: {  	_ =	shalt  }
0x43: {  	_ =	shalt  }
0x44: {  	_ =	shalt  }
0x45: {  	_ =	shalt  }
0x46: {  	_ =	shalt  }
0x47: {  	_ =	shalt  }
0x48: {  	_ =	shalt  }
0x49: {  	_ =	shalt  }
0x4a: {  	_ =	shalt  }
0x4b: {  	_ =	shalt  }
0x4c: {  	_ =	shalt  }
0x4d: {  	_ =	shalt  }
0x4e: {  	_ =	shalt  }
0x4f: {  	_ =	shalt  }
0x50: {  	_ =	shalt  }
0x51: {  	_ =	shalt  }
0x52: {  	_ =	shalt  }
0x53: {  	_ =	shalt  }
0x54: {  	_ =	shalt  }
0x55: {  	_ =	shalt  }
0x56: {  	_ =	shalt  }
0x57: {  	_ =	shalt  }
0x58: {  	_ =	shalt  }
0x59: {  	_ =	shalt  }
0x5a: {  	_ =	shalt  }
0x5b: {  	_ =	shalt  }
0x5c: {  	_ =	shalt  }
0x5d: {  	_ =	shalt  }
0x5e: {  	_ =	shalt  }
0x5f: {  	_ =	shalt  }
0x60: {  	_ =	shalt  }
0x61: {  	_ =	shalt  }
0x62: {  	_ =	shalt  }
0x63: {  	_ =	shalt  }
0x64: {  	_ =	shalt  }
0x65: {  	_ =	shalt  }
0x66: {  	_ =	shalt  }
0x67: {  	_ =	shalt  }
0x68: {  	_ =	shalt  }
0x69: {  	_ =	shalt  }
0x6a: {  	_ =	shalt  }
0x6b: {  	_ =	shalt  }
0x6c: {  	_ =	shalt  }
0x6d: {  	_ =	shalt  }
0x6e: {  	_ =	shalt  }
0x6f: {  	_ =	shalt  }
0x70: {  	_ =	shalt  }
0x71: {  	_ =	shalt  }
0x72: {  	_ =	shalt  }
0x73: {  	_ =	shalt  }
0x74: {  	_ =	shalt  }
0x75: {  	_ =	shalt  }
0x76: {  	_ =	shalt  }
0x77: {  	_ =	shalt  }
0x78: {  	_ =	shalt  }
0x79: {  	_ =	shalt  }
0x7a: {  	_ =	shalt  }
0x7b: {  	_ =	shalt  }
0x7c: {  	_ =	shalt  }
0x7d: {  	_ =	shalt  }
0x7e: {  	_ =	shalt  }
0x7f: {  	_ =	shalt  }
0x80: {  	_ =	shalt  }
0x81: {  	_ =	shalt  }
0x82: {  	_ =	shalt  }
0x83: {  	_ =	shalt  }
0x84: {  	_ =	shalt  }
0x85: {  	_ =	shalt  }
0x86: {  	_ =	shalt  }
0x87: {  	_ =	shalt  }
.Lfunc_end0:
.L_simem_size_0:
called_computation.1_lowered:
.L_overlay_start_0:
0x88: {  	s2 =	sld [smem:$0x3FD9]  }
0x89: {  	s3 =	sld [smem:$0x3FFE];
	_ =	sdelay $0x1  }
0x8a: {  	s1 =	srdreg.scid  }
0x8b: {  	s0 =	sand.u32 $0x1, s1  }
0x8c: {  	s17 =	sshll.u32 s0, $0xA;
	s2 =	sadd.s32 s3, s2  }
0x8d: {  	s2 =	sadd.s32 s2, s17  }
0x8e: {  	[smem:$0x3FB7] =	sst s2  }
0x8f: {  	_ = 	snop  }
0x90: {  	s2 =	sld [smem:$0x3FD0];
	(tm) =	ssettm $0x1  }
0x91: {  	s18 =	sld [smem:$0x3FFB];
	_ =	sdelay $0x3  }
0x92: {  	_ =	strace s18  }
0x93: {  	s3 =	sld [smem:$0x3FFC];
	_ =	sdelay $0x3  }
0x94: {  	_ =	strace s3  }
0x95: {  	s3 =	sld [smem:$0x3FFD];
	_ =	sdelay $0x3  }
0x96: {  	_ =	strace s3  }
0x97: {  	_ =	strace $0x8FFFFFFF  }
0x98: {  	s19 =	sld [smem:$0x3FDB];
	_ =	sdelay $0x1  }
0x99: {  	s4 =	simm.s32 $_scs_section_size  }
0x9a: {  	s5 =	simm.s32 $_size__tile_overlayer_lowered;
	s6 =	simm.s32 $_tile_overlayer_lowered  }
0x9b: {  	s22 =	simm.s32 $0x1BFF;
	s21 =	sshll.u32 s6, $0x1;
	s3 =	sadd.s32 s4, s19  }
0x9c: {  	s7 =	simm.s32 $0x0;
	s20 =	sshll.u32 s5, $0x1;
	s5 =	sadd.s32 s21, s3  }
0x9d: {  	[timem:s7], [sflag:s22] =	dma.local [hbm:s5], s20  }
0x9e: {  	_ =	swait.ge [sflag:s22], s20  }
0x9f: {  	s4 =	ssub.s32 $0x0, s20;
	[sflag:s22] =	ssyncset.done $0x0  }
0xa0: {  	[sflag:s22] =	ssyncadd.s32 s4;
	_ =	sdelay $0x1  }
0xa1: {  	s23 =	simm.s32 $0x1B8B  }
0xa2: {  	_ =	swait.ge [sflag:s23], $0x1  }
0xa3: {  	[sflag:s23] =	ssyncset.done $0x0  }
0xa4: {  	s25 =	simm.s32 $0x1B8E;
	s24 =	sld [smem:$0x3FFE];
	[sflag:s23] =	ssyncadd.s32 $0xFFFFFFFF  }
0xa5: {  	s26 =	simm.s32 $execute0_lowered;
	[smem:$0x3FD2] =	sst s25  }
0xa6: {  	s5 =	sshll.u32 s26, $0x1;
	_ =	strace $0x80000049;
	[dreg:$0x1] =	wrdreg $0xFFFFFFFF  }
0xa7: {  	s28 =	simm.s32 $_size_execute0_lowered;
	s3 =	sadd.s32 s3, s5;
	[dreg:$0x0] =	wrdreg $0x0  }
0xa8: {  	s5 =	sshll.u32 s28, $0x1;
	[dreg:$0x2] =	wrdreg s3  }
0xa9: {  	[dreg:$0x3] =	wrdreg s5  }
0xaa: {  	[dreg:$0x4] =	wrdreg $0xC0  }
0xab: {  	_ =	task [dreg:s7], $0x5FFFF  }
0xac: {  	[dreg:$0x1] =	wrdreg $0xFFFFFFFF  }
0xad: {  	[dreg:$0x0] =	wrdreg $0x60  }
0xae: {  	[dreg:$0x2] =	wrdreg s24  }
0xaf: {  	[dreg:$0x3] =	wrdreg s2  }
0xb0: {  	[dreg:$0x4] =	wrdreg $0x6C000  }
0xb1: {  	[dreg:$0x5] =	wrdreg $0x9  }
0xb2: {  	_ =	task.clear_ibuf [dreg:s7], $0x6FFFF;
	_ =	strace $0x90000049  }
0xb3: {  	s29 =	simm.s32 $0x9;
	_ =	strace $0x8000004B  }
0xb4: {  	_ =	swait.ge [sflag:s29], $0x1  }
0xb5: {  	[sflag:s29] =	ssyncadd.s32 $0xFFFFFFFF  }
0xb6: {  	_ =	strace $0x9000004B  }
0xb7: {  	_ =	sfence  }
0xb8: {  	s30 =	sld [smem:$0x0];
	_ =	sdelay $0x2  }
0xb9: {  	s31 =	sshll.u32 s1, $0xD;
	s1 =	sshrl.u32 s1, $0x2  }
0xba: {  	s3 =	sand.u32 $0x4000, s31;
	s1 =	sadd.s32 s1, s30  }
0xbb: {  	s0 =	sor.u32 s3, s0;
	s1 =	sshll.u32 s1, $0x11  }
0xbc: {  	s0 =	sor.u32 s1, s0  }
0xbd: {  	s0 =	sadd.s32 $0x8F2B, s0  }
0xbe: {  	[sflag:s0] =	ssyncadd.remote.s32 $0x1  }
0xbf: {  	_ =	sfence.sel $0xFFFF  }
0xc0: {  	[dreg:$0x0] =	wrdreg $0xFFFFFFFF;
	(pc) =	sbr.abs _section_cstart, $3  }
0xc1: {  	[dreg:$0x1] =	wrdreg $0xFFFFFFFF  }
0xc2: {  	_ =	task.clear_ibuf [dreg:s7], $0x2FFFF;
	_ =	strace $0x9FFFFFFF  }
0xc3: {  	(tm) =	ssettm $0x7FFFFFFF  }
tec
execute0_lowered:
.L_overlay_start_1:
0x0: {  	(tag) =	ssettag $0x1  }
0x1: {  	s0 =	rddreg [dreg:$0x0]  }
0x2: {  	s2 =	rddreg [dreg:$0x2];
	s1 =	srdreg.scid  }
0x3: {  	s4 =	simm.s32 $0x0;
	s9 =	stileid.u32;
	s17 =	simm.s32 $0x380  }
0x4: {  	s18 =	simm.s32 $0x400;
	s19 =	simm.s32 $0x480;
	[smem:$0x7FF] =	sst s4  }
0x5: {  	s20 =	simm.s32 $0x500;
	_ =	strace $0x8000004A;
	[dreg:$0x4] =	wrdreg s17  }
0x6: {  	s21 =	simm.s32 $0x580;
	s22 =	simm.s32 $0x980;
	[dreg:$0x5] =	wrdreg s18  }
0x7: {  	s23 =	simm.s32 $0xA00;
	s24 =	simm.s32 $0xA80;
	[dreg:$0x6] =	wrdreg s19  }
0x8: {  	s25 =	simm.s32 $0xB00;
	s26 =	simm.s32 $0xB80;
	[dreg:$0x7] =	wrdreg s20  }
0x9: {  	s28 =	simm.s32 $0x3C00;
	s29 =	simm.s32 $0x4400;
	[dreg:$0x8] =	wrdreg s21  }
0xa: {  	s30 =	simm.s32 $0x4C00;
	s31 =	simm.s32 $0x5400;
	[dreg:$0x9] =	wrdreg s22  }
0xb: {  	s11 =	simm.s32 $0x0;
	s5 =	smul.u32 $0x18700, s9;
	[dreg:$0xa] =	wrdreg s23  }
0xc: {  	s1 =	sand.u32 $0x1, s1;
	s7 =	smul.u32 $0x3120, s9;
	[dreg:$0xb] =	wrdreg s24  }
0xd: {  	s13 =	sshll.u32 s9, $0x6;
	s3 =	smul.u32 $0x187000, s1;
	[dreg:$0xc] =	wrdreg s25  }
0xe: {  	s1 =	ssub.s32 $0x2, s1;
	s9 =	sor.u32 $0x1C03, s13;
	[dreg:$0xd] =	wrdreg s26  }
0xf: {  	s26 =	simm.s32 $0x900;
	s17 =	simm.s32 $0x680;
	s13 =	simm.s32 $0x780  }
0x10: {  	s19 =	simm.s32 $0x2;
	s10 =	sadd.s32 s7, s0;
	s12 =	sshrl.u32 s1, $0x1  }
0x11: {  	s7 =	simm.s32 $0x800;
	[dreg:$0x10] =	wrdreg s9;
	s6 =	sshrl.u32 s3, $0x3  }
0x12: {  	s3 =	sadd.s32 s5, s3;
	s1 =	ssub.s32 s1, s12;
	s5 =	sadd.s32 s5, s2  }
0x13: {  	s14 =	sadd.s32 $0x4800, s10;
	s15 =	sadd.s32 $0x35A00, s10;
	s12 =	simm.s32 $0x3  }
0x14: {  	s8 =	sadd.s32 s6, s0;
	s3 =	sshrl.u32 s3, $0x3;
	[dreg:$0xe] =	wrdreg s14  }
0x15: {  	[dreg:$0xf] =	wrdreg s15;
	s16 =	smax.u32 s1, $0x1;
	s10 =	sshrl.u32 s5, $0x3  }
0x16: {  	s14 =	simm.s32 $0x80;
	s1 =	simm.s32 $0x1;
	s6 =	simm.s32 $0x700  }
0x17: {  	s15 =	simm.s32 $0x880;
	s0 =	sadd.s32 s3, s0;
	[dreg:$0x12] =	wrdreg s16  }
0x18: {  	s8 =	sadd.s32 $0xC8800, s8;
	[dreg:$0x13] =	wrdreg s10;
	s0 =	sadd.s32 $0x18E400, s0  }
0x19: {  	s3 =	simm.s32 $0x6400;
	[dreg:$0x11] =	wrdreg s0;
	s0 =	simm.s32 $0x5C00  }
.LBB2_1:
0x1a: {  	[dreg:$0x14] =	wrdreg s11  }
0x1b: {  	s5 =	rddreg [dreg:$0x1]  }
0x1c: {  	[spmem:s10], [sflag:s9] =	dma.local [hbm:s5], $0x30E0  }
0x1d: {  	_ =	swait.ge [sflag:s12], $0x30E0  }
0x1e: {  	[sflag:s12] =	ssyncset.done $0x0  }
0x1f: {  	[sflag:s12] =	ssyncadd.s32 $0xFFFFCF20  }
0x20: {  	[bflag:$0x0] =	sbarrier.arrive $0xFFFF  }
0x21: {  	s9 =	rddreg [dreg:$0xe]  }
0x22: {  	[tilespmem:s4], [sflag:$0x3] =	stream.linear.gather [hbm4b:s9+s4], $0x300, $0x38;
	[tilespmem:$0x1F300] =	vst v63  }
0x23: {  	_ =	swait.ge [sflag:s12], $0x300  }
0x24: {  	[sflag:s12] =	ssyncset.done $0x0  }
0x25: {  	s5 =	simm.s32 $0x600;
	s21 =	rddreg [dreg:$0xf];
	[sflag:s12] =	ssyncadd.s32 $0xFFFFFD00  }
0x26: {  	[tilespmem:s5], [sflag:$0x3] =	stream.linear.gather [hbm4b:s21+s4], $0x300, $0x38;
	[tilespmem:$0x1F300] =	vst v63  }
0x27: {  	_ =	swait.ge [sflag:s12], $0x300  }
0x28: {  	[sflag:s12] =	ssyncset.done $0x0  }
0x29: {  	s11 =	simm.s32 $0xC00;
	[sflag:s12] =	ssyncadd.s32 $0xFFFFFD00  }
0x2a: {  	[tilespmem:s11], [sflag:$0x1] =	stream.indirect.gather [hbm4b:s8+s14], $0x10, s4, s14, $0xb8;
	[tilespmem:$0x1F300] =	vst v63  }
0x2b: {  	s16 =	simm.s32 $0x1400  }
0x2c: {  	[tilespmem:s16], [sflag:$0x1] =	stream.indirect.gather [hbm4b:s8+s14], $0x10, s14, s14, $0xb8;
	[tilespmem:$0x1F300] =	vst v63  }
0x2d: {  	s25 =	simm.s32 $0x100;
	s18 =	simm.s32 $0x1C00  }
0x2e: {  	[tilespmem:s18], [sflag:$0x1] =	stream.indirect.gather [hbm4b:s8+s14], $0x10, s25, s14, $0xb8;
	[tilespmem:$0x1F300] =	vst v63  }
0x2f: {  	s23 =	simm.s32 $0x180;
	s20 =	simm.s32 $0x2400;
	p0 =	por $0x1, $0x1  }
0x30: {  	[tilespmem:s20], [sflag:$0x1] =	stream.indirect.gather [hbm4b:s8+s14], $0x10, s23, s14, $0xb8;
	[tilespmem:$0x1F300] =	vst v63  }
0x31: {  	s24 =	simm.s32 $0x200;
	s22 =	simm.s32 $0x2C00;
	p0 =	por p0, p0  }
0x32: {  	[tilespmem:s22], [sflag:$0x1] =	stream.indirect.gather [hbm4b:s8+s14], $0x10, s24, s14, $0xb8;
	[tilespmem:$0x1F300] =	vst v63  }
0x33: {  	s10 =	simm.s32 @!p0 $0x2;
	s23 =	simm.s32 $0x280;
	s24 =	simm.s32 $0x3400  }
0x34: {  	[tilespmem:s24], [sflag:$0x1] =	stream.indirect.gather [hbm4b:s8+s14], $0x10, s23, s14, $0xb8;
	[tilespmem:$0x1F300] =	vst v63  }
0x35: {  	_ =	swait.ge @!p0 [sflag:s10], $0x800  }
0x36: {  	[sflag:s10] =	ssyncset.done @!p0 $0x0  }
0x37: {  	[sflag:s10] =	ssyncadd.s32 @!p0 $0xFFFFF800  }
0x38: {  	_ =	swait.ge @!p0 [sflag:s10], $0x800  }
0x39: {  	[sflag:s10] =	ssyncset.done @!p0 $0x0  }
0x3a: {  	[sflag:s10] =	ssyncadd.s32 @!p0 $0xFFFFF800  }
0x3b: {  	_ =	swait.ge @!p0 [sflag:s10], $0x800  }
0x3c: {  	[sflag:s10] =	ssyncset.done @!p0 $0x0  }
0x3d: {  	[sflag:s10] =	ssyncadd.s32 @!p0 $0xFFFFF800  }
0x3e: {  	_ =	swait.ge @!p0 [sflag:s10], $0x800  }
0x3f: {  	[sflag:s10] =	ssyncset.done @!p0 $0x0  }
0x40: {  	[sflag:s10] =	ssyncadd.s32 @!p0 $0xFFFFF800  }
0x41: {  	_ =	swait.ge @!p0 [sflag:s10], $0x800  }
0x42: {  	[sflag:s10] =	ssyncset.done @!p0 $0x0  }
0x43: {  	[sflag:s10] =	ssyncadd.s32 @!p0 $0xFFFFF800  }
0x44: {  	_ =	swait.ge @!p0 [sflag:s10], $0x800  }
0x45: {  	s9 =	sadd.s32 $0x0, s9;
	[sflag:s10] =	ssyncset.done @!p0 $0x0  }
0x46: {  	s23 =	simm.s32 $0x300;
	[sflag:s10] =	ssyncadd.s32 @!p0 $0xFFFFF800;
	s10 =	sadd.s32 $0x60, s9  }
0x47: {  	[tilespmem:s23], [sflag:$0x3] =	stream.linear.gather [hbm4b:s10+s4], $0x300, $0x38;
	[tilespmem:$0x1F300] =	vst v63  }
0x48: {  	_ =	swait.ge [sflag:s12], $0x300  }
0x49: {  	s10 =	sadd.s32 $0x0, s21;
	[sflag:s12] =	ssyncset.done $0x0  }
0x4a: {  	s21 =	sadd.s32 $0x60, s10;
	[sflag:s12] =	ssyncadd.s32 $0xFFFFFD00  }
0x4b: {  	[tilespmem:s26], [sflag:$0x3] =	stream.linear.gather [hbm4b:s21+s4], $0x300, $0x38;
	[tilespmem:$0x1F300] =	vst v63  }
0x4c: {  	_ =	swait.ge [sflag:s12], $0x300  }
0x4d: {  	[sflag:s12] =	ssyncset.done $0x0  }
0x4e: {  	[sflag:s12] =	ssyncadd.s32 $0xFFFFFD00  }
0x4f: {  	[tilespmem:s28], [sflag:$0x1] =	stream.indirect.gather [hbm4b:s8+s14], $0x10, s23, s14, $0xb8;
	[tilespmem:$0x1F300] =	vst v63  }
0x50: {  	s21 =	rddreg [dreg:$0x4]  }
0x51: {  	[tilespmem:s29], [sflag:$0x1] =	stream.indirect.gather [hbm4b:s8+s14], $0x10, s21, s14, $0xb8;
	[tilespmem:$0x1F300] =	vst v63  }
0x52: {  	s23 =	rddreg [dreg:$0x5]  }
0x53: {  	[tilespmem:s30], [sflag:$0x1] =	stream.indirect.gather [hbm4b:s8+s14], $0x10, s23, s14, $0xb8;
	[tilespmem:$0x1F300] =	vst v63  }
0x54: {  	s21 =	rddreg [dreg:$0x6]  }
0x55: {  	[tilespmem:s31], [sflag:$0x1] =	stream.indirect.gather [hbm4b:s8+s14], $0x10, s21, s14, $0xb8;
	[tilespmem:$0x1F300] =	vst v63  }
0x56: {  	s23 =	rddreg [dreg:$0x7]  }
0x57: {  	[tilespmem:s0], [sflag:$0x1] =	stream.indirect.gather [hbm4b:s8+s14], $0x10, s23, s14, $0xb8;
	[tilespmem:$0x1F300] =	vst v63  }
0x58: {  	s21 =	rddreg [dreg:$0x8]  }
0x59: {  	[tilespmem:s3], [sflag:$0x1] =	stream.indirect.gather [hbm4b:s8+s14], $0x10, s21, s14, $0xb8;
	[tilespmem:$0x1F300] =	vst v63  }
0x5a: {  	_ =	swait.ge [sflag:s1], $0x800  }
0x5b: {  	[sflag:s1] =	ssyncset.done $0x0  }
0x5c: {  	[sflag:s1] =	ssyncadd.s32 $0xFFFFF800  }
0x5d: {  	_ =	swait.ge [sflag:s1], $0x800  }
0x5e: {  	[sflag:s1] =	ssyncset.done $0x0  }
0x5f: {  	[sflag:s1] =	ssyncadd.s32 $0xFFFFF800  }
0x60: {  	_ =	swait.ge [sflag:s1], $0x800  }
0x61: {  	[sflag:s1] =	ssyncset.done $0x0  }
0x62: {  	[sflag:s1] =	ssyncadd.s32 $0xFFFFF800  }
0x63: {  	_ =	swait.ge [sflag:s1], $0x800  }
0x64: {  	[sflag:s1] =	ssyncset.done $0x0  }
0x65: {  	[sflag:s1] =	ssyncadd.s32 $0xFFFFF800  }
0x66: {  	_ =	swait.ge [sflag:s1], $0x800  }
0x67: {  	[sflag:s1] =	ssyncset.done $0x0  }
0x68: {  	[sflag:s1] =	ssyncadd.s32 $0xFFFFF800  }
0x69: {  	_ =	swait.ge [sflag:s1], $0x800  }
0x6a: {  	[sflag:s1] =	ssyncset.done $0x0  }
0x6b: {  	[sflag:s1] =	ssyncadd.s32 $0xFFFFF800  }
0x6c: {  	[spmem:s2] =	stream.indirect.scatter.add.f32 [tilespmem:s11], [sflag:$0x2], $0x10, s5, s14, $0xb8;
	[tilespmem:$0x1F300] =	vst v63  }
0x6d: {  	_ = 	snop  }
0x6e: {  	[spmem:s2] =	stream.indirect.scatter.add.f32 [tilespmem:s16], [sflag:$0x2], $0x10, s17, s14, $0xb8;
	[tilespmem:$0x1F300] =	vst v63  }
0x6f: {  	_ = 	snop  }
0x70: {  	[spmem:s2] =	stream.indirect.scatter.add.f32 [tilespmem:s18], [sflag:$0x2], $0x10, s6, s14, $0xb8;
	[tilespmem:$0x1F300] =	vst v63  }
0x71: {  	_ = 	snop  }
0x72: {  	[spmem:s2] =	stream.indirect.scatter.add.f32 [tilespmem:s20], [sflag:$0x2], $0x10, s13, s14, $0xb8;
	[tilespmem:$0x1F300] =	vst v63  }
0x73: {  	_ = 	snop  }
0x74: {  	[spmem:s2] =	stream.indirect.scatter.add.f32 [tilespmem:s22], [sflag:$0x2], $0x10, s7, s14, $0xb8;
	[tilespmem:$0x1F300] =	vst v63  }
0x75: {  	_ = 	snop  }
0x76: {  	[spmem:s2] =	stream.indirect.scatter.add.f32 [tilespmem:s24], [sflag:$0x2], $0x10, s15, s14, $0xb8;
	[tilespmem:$0x1F300] =	vst v63  }
0x77: {  	_ =	swait.ge [sflag:s19], $0x800  }
0x78: {  	[sflag:s19] =	ssyncset.done $0x0  }
0x79: {  	[sflag:s19] =	ssyncadd.s32 $0xFFFFF800  }
0x7a: {  	_ =	swait.ge [sflag:s19], $0x800  }
0x7b: {  	[sflag:s19] =	ssyncset.done $0x0  }
0x7c: {  	[sflag:s19] =	ssyncadd.s32 $0xFFFFF800  }
0x7d: {  	_ =	swait.ge [sflag:s19], $0x800  }
0x7e: {  	[sflag:s19] =	ssyncset.done $0x0  }
0x7f: {  	[sflag:s19] =	ssyncadd.s32 $0xFFFFF800  }
0x80: {  	_ =	swait.ge [sflag:s19], $0x800  }
0x81: {  	[sflag:s19] =	ssyncset.done $0x0  }
0x82: {  	[sflag:s19] =	ssyncadd.s32 $0xFFFFF800  }
0x83: {  	_ =	swait.ge [sflag:s19], $0x800  }
0x84: {  	[sflag:s19] =	ssyncset.done $0x0  }
0x85: {  	[sflag:s19] =	ssyncadd.s32 $0xFFFFF800  }
0x86: {  	_ =	swait.ge [sflag:s19], $0x800  }
0x87: {  	[sflag:s19] =	ssyncset.done $0x0  }
0x88: {  	s9 =	sadd.s32 $0xC0, s9;
	[sflag:s19] =	ssyncadd.s32 $0xFFFFF800  }
0x89: {  	[tilespmem:s4], [sflag:$0x3] =	stream.linear.gather [hbm4b:s9+s4], $0x300, $0x38;
	[tilespmem:$0x1F300] =	vst v63  }
0x8a: {  	_ =	swait.ge [sflag:s12], $0x300  }
0x8b: {  	[sflag:s12] =	ssyncset.done $0x0  }
0x8c: {  	s10 =	sadd.s32 $0xC0, s10;
	[sflag:s12] =	ssyncadd.s32 $0xFFFFFD00  }
0x8d: {  	[tilespmem:s5], [sflag:$0x3] =	stream.linear.gather [hbm4b:s10+s4], $0x300, $0x38;
	[tilespmem:$0x1F300] =	vst v63  }
0x8e: {  	_ =	swait.ge [sflag:s12], $0x300  }
0x8f: {  	[sflag:s12] =	ssyncset.done $0x0  }
0x90: {  	[sflag:s12] =	ssyncadd.s32 $0xFFFFFD00  }
0x91: {  	[tilespmem:s11], [sflag:$0x1] =	stream.indirect.gather [hbm4b:s8+s14], $0x10, s4, s14, $0xb8;
	[tilespmem:$0x1F300] =	vst v63  }
0x92: {  	_ = 	snop  }
0x93: {  	[tilespmem:s16], [sflag:$0x1] =	stream.indirect.gather [hbm4b:s8+s14], $0x10, s14, s14, $0xb8;
	[tilespmem:$0x1F300] =	vst v63  }
0x94: {  	_ = 	snop  }
0x95: {  	[tilespmem:s18], [sflag:$0x1] =	stream.indirect.gather [hbm4b:s8+s14], $0x10, s25, s14, $0xb8;
	[tilespmem:$0x1F300] =	vst v63  }
0x96: {  	s18 =	simm.s32 $0x180  }
0x97: {  	[tilespmem:s20], [sflag:$0x1] =	stream.indirect.gather [hbm4b:s8+s14], $0x10, s18, s14, $0xb8;
	[tilespmem:$0x1F300] =	vst v63  }
0x98: {  	s20 =	simm.s32 $0x200  }
0x99: {  	[tilespmem:s22], [sflag:$0x1] =	stream.indirect.gather [hbm4b:s8+s14], $0x10, s20, s14, $0xb8;
	[tilespmem:$0x1F300] =	vst v63  }
0x9a: {  	s21 =	simm.s32 $0x280  }
0x9b: {  	[tilespmem:s24], [sflag:$0x1] =	stream.indirect.gather [hbm4b:s8+s14], $0x10, s21, s14, $0xb8;
	[tilespmem:$0x1F300] =	vst v63  }
0x9c: {  	_ =	swait.ge [sflag:s1], $0x800  }
0x9d: {  	[sflag:s1] =	ssyncset.done $0x0  }
0x9e: {  	[sflag:s1] =	ssyncadd.s32 $0xFFFFF800  }
0x9f: {  	_ =	swait.ge [sflag:s1], $0x800  }
0xa0: {  	[sflag:s1] =	ssyncset.done $0x0  }
0xa1: {  	[sflag:s1] =	ssyncadd.s32 $0xFFFFF800  }
0xa2: {  	_ =	swait.ge [sflag:s1], $0x800  }
0xa3: {  	[sflag:s1] =	ssyncset.done $0x0  }
0xa4: {  	[sflag:s1] =	ssyncadd.s32 $0xFFFFF800  }
0xa5: {  	_ =	swait.ge [sflag:s1], $0x800  }
0xa6: {  	[sflag:s1] =	ssyncset.done $0x0  }
0xa7: {  	[sflag:s1] =	ssyncadd.s32 $0xFFFFF800  }
0xa8: {  	_ =	swait.ge [sflag:s1], $0x800  }
0xa9: {  	[sflag:s1] =	ssyncset.done $0x0  }
0xaa: {  	[sflag:s1] =	ssyncadd.s32 $0xFFFFF800  }
0xab: {  	_ =	swait.ge [sflag:s1], $0x800  }
0xac: {  	[sflag:s1] =	ssyncset.done $0x0  }
0xad: {  	s22 =	rddreg [dreg:$0x9];
	[sflag:s1] =	ssyncadd.s32 $0xFFFFF800  }
0xae: {  	[spmem:s2] =	stream.indirect.scatter.add.f32 [tilespmem:s28], [sflag:$0x2], $0x10, s26, s14, $0xb8;
	[tilespmem:$0x1F300] =	vst v63  }
0xaf: {  	s23 =	rddreg [dreg:$0xa]  }
0xb0: {  	[spmem:s2] =	stream.indirect.scatter.add.f32 [tilespmem:s29], [sflag:$0x2], $0x10, s22, s14, $0xb8;
	[tilespmem:$0x1F300] =	vst v63  }
0xb1: {  	p6 =	por $0x0, $0x0;
	s24 =	rddreg [dreg:$0xb]  }
0xb2: {  	[spmem:s2] =	stream.indirect.scatter.add.f32 [tilespmem:s30], [sflag:$0x2], $0x10, s23, s14, $0xb8;
	[tilespmem:$0x1F300] =	vst v63  }
0xb3: {  	p0 =	por p6, p6;
	s25 =	rddreg [dreg:$0xc]  }
0xb4: {  	[spmem:s2] =	stream.indirect.scatter.add.f32 [tilespmem:s31], [sflag:$0x2], $0x10, s24, s14, $0xb8;
	[tilespmem:$0x1F300] =	vst v63  }
0xb5: {  	s21 =	simm.s32 $0xC0;
	s9 =	rddreg [dreg:$0xd];
	s23 =	simm.s32 $0x180  }
0xb6: {  	[spmem:s2] =	stream.indirect.scatter.add.f32 [tilespmem:s0], [sflag:$0x2], $0x10, s25, s14, $0xb8;
	[tilespmem:$0x1F300] =	vst v63  }
.LBB2_2:
0xb7: {  	[spmem:s2] =	stream.indirect.scatter.add.f32 [tilespmem:s3], [sflag:$0x2], $0x10, s9, s14, $0xb8;
	[tilespmem:$0x1F300] =	vst v63  }
0xb8: {  	s10 =	simm.s32 @!p0 $0x2  }
0xb9: {  	_ =	swait.ge @!p0 [sflag:s10], $0x800  }
0xba: {  	[sflag:s10] =	ssyncset.done @!p0 $0x0  }
0xbb: {  	[sflag:s10] =	ssyncadd.s32 @!p0 $0xFFFFF800  }
0xbc: {  	_ =	swait.ge @!p0 [sflag:s10], $0x800  }
0xbd: {  	[sflag:s10] =	ssyncset.done @!p0 $0x0  }
0xbe: {  	[sflag:s10] =	ssyncadd.s32 @!p0 $0xFFFFF800  }
0xbf: {  	_ =	swait.ge @!p0 [sflag:s10], $0x800  }
0xc0: {  	[sflag:s10] =	ssyncset.done @!p0 $0x0  }
0xc1: {  	[sflag:s10] =	ssyncadd.s32 @!p0 $0xFFFFF800  }
0xc2: {  	_ =	swait.ge @!p0 [sflag:s10], $0x800  }
0xc3: {  	[sflag:s10] =	ssyncset.done @!p0 $0x0  }
0xc4: {  	[sflag:s10] =	ssyncadd.s32 @!p0 $0xFFFFF800  }
0xc5: {  	_ =	swait.ge @!p0 [sflag:s10], $0x800  }
0xc6: {  	[sflag:s10] =	ssyncset.done @!p0 $0x0  }
0xc7: {  	[sflag:s10] =	ssyncadd.s32 @!p0 $0xFFFFF800  }
0xc8: {  	_ =	swait.ge @!p0 [sflag:s10], $0x800  }
0xc9: {  	s22 =	rddreg [dreg:$0xe]  }
0xca: {  	[sflag:s10] =	ssyncset.done @!p0 $0x0;
	s9 =	sadd.s32 s21, s22  }
0xcb: {  	s11 =	simm.s32 $0x300;
	[sflag:s10] =	ssyncadd.s32 @!p0 $0xFFFFF800;
	s24 =	sadd.s32 $0x60, s9  }
0xcc: {  	[tilespmem:s11], [sflag:$0x3] =	stream.linear.gather [hbm4b:s24+s4], $0x300, $0x38;
	[tilespmem:$0x1F300] =	vst v63  }
0xcd: {  	_ =	swait.ge [sflag:s12], $0x300  }
0xce: {  	s25 =	rddreg [dreg:$0xf]  }
0xcf: {  	[sflag:s12] =	ssyncset.done $0x0;
	s10 =	sadd.s32 s21, s25  }
0xd0: {  	[sflag:s12] =	ssyncadd.s32 $0xFFFFFD00;
	s16 =	sadd.s32 $0x60, s10  }
0xd1: {  	[tilespmem:s26], [sflag:$0x3] =	stream.linear.gather [hbm4b:s16+s4], $0x300, $0x38;
	[tilespmem:$0x1F300] =	vst v63  }
0xd2: {  	_ =	swait.ge [sflag:s12], $0x300  }
0xd3: {  	[sflag:s12] =	ssyncset.done $0x0  }
0xd4: {  	[sflag:s12] =	ssyncadd.s32 $0xFFFFFD00  }
0xd5: {  	[tilespmem:s28], [sflag:$0x1] =	stream.indirect.gather [hbm4b:s8+s14], $0x10, s11, s14, $0xb8;
	[tilespmem:$0x1F300] =	vst v63  }
0xd6: {  	s18 =	rddreg [dreg:$0x4]  }
0xd7: {  	[tilespmem:s29], [sflag:$0x1] =	stream.indirect.gather [hbm4b:s8+s14], $0x10, s18, s14, $0xb8;
	[tilespmem:$0x1F300] =	vst v63  }
0xd8: {  	s20 =	rddreg [dreg:$0x5]  }
0xd9: {  	[tilespmem:s30], [sflag:$0x1] =	stream.indirect.gather [hbm4b:s8+s14], $0x10, s20, s14, $0xb8;
	[tilespmem:$0x1F300] =	vst v63  }
0xda: {  	s22 =	rddreg [dreg:$0x6]  }
0xdb: {  	[tilespmem:s31], [sflag:$0x1] =	stream.indirect.gather [hbm4b:s8+s14], $0x10, s22, s14, $0xb8;
	[tilespmem:$0x1F300] =	vst v63  }
0xdc: {  	s24 =	rddreg [dreg:$0x7]  }
0xdd: {  	[tilespmem:s0], [sflag:$0x1] =	stream.indirect.gather [hbm4b:s8+s14], $0x10, s24, s14, $0xb8;
	[tilespmem:$0x1F300] =	vst v63  }
0xde: {  	s25 =	rddreg [dreg:$0x8]  }
0xdf: {  	[tilespmem:s3], [sflag:$0x1] =	stream.indirect.gather [hbm4b:s8+s14], $0x10, s25, s14, $0xb8;
	[tilespmem:$0x1F300] =	vst v63  }
0xe0: {  	_ =	swait.ge [sflag:s1], $0x800  }
0xe1: {  	[sflag:s1] =	ssyncset.done $0x0  }
0xe2: {  	[sflag:s1] =	ssyncadd.s32 $0xFFFFF800  }
0xe3: {  	_ =	swait.ge [sflag:s1], $0x800  }
0xe4: {  	[sflag:s1] =	ssyncset.done $0x0  }
0xe5: {  	[sflag:s1] =	ssyncadd.s32 $0xFFFFF800  }
0xe6: {  	_ =	swait.ge [sflag:s1], $0x800  }
0xe7: {  	[sflag:s1] =	ssyncset.done $0x0  }
0xe8: {  	[sflag:s1] =	ssyncadd.s32 $0xFFFFF800  }
0xe9: {  	_ =	swait.ge [sflag:s1], $0x800  }
0xea: {  	[sflag:s1] =	ssyncset.done $0x0  }
0xeb: {  	[sflag:s1] =	ssyncadd.s32 $0xFFFFF800  }
0xec: {  	_ =	swait.ge [sflag:s1], $0x800  }
0xed: {  	[sflag:s1] =	ssyncset.done $0x0  }
0xee: {  	[sflag:s1] =	ssyncadd.s32 $0xFFFFF800  }
0xef: {  	_ =	swait.ge [sflag:s1], $0x800  }
0xf0: {  	[sflag:s1] =	ssyncset.done $0x0  }
0xf1: {  	s16 =	simm.s32 $0xC00;
	s11 =	simm.s32 $0x600;
	[sflag:s1] =	ssyncadd.s32 $0xFFFFF800  }
0xf2: {  	[spmem:s2] =	stream.indirect.scatter.add.f32 [tilespmem:s16], [sflag:$0x2], $0x10, s11, s14, $0xb8;
	[tilespmem:$0x1F300] =	vst v63  }
0xf3: {  	s18 =	simm.s32 $0x1400  }
0xf4: {  	[spmem:s2] =	stream.indirect.scatter.add.f32 [tilespmem:s18], [sflag:$0x2], $0x10, s17, s14, $0xb8;
	[tilespmem:$0x1F300] =	vst v63  }
0xf5: {  	s20 =	simm.s32 $0x1C00  }
0xf6: {  	[spmem:s2] =	stream.indirect.scatter.add.f32 [tilespmem:s20], [sflag:$0x2], $0x10, s6, s14, $0xb8;
	[tilespmem:$0x1F300] =	vst v63  }
0xf7: {  	s22 =	simm.s32 $0x2400  }
0xf8: {  	[spmem:s2] =	stream.indirect.scatter.add.f32 [tilespmem:s22], [sflag:$0x2], $0x10, s13, s14, $0xb8;
	[tilespmem:$0x1F300] =	vst v63  }
0xf9: {  	s24 =	simm.s32 $0x2C00  }
0xfa: {  	[spmem:s2] =	stream.indirect.scatter.add.f32 [tilespmem:s24], [sflag:$0x2], $0x10, s7, s14, $0xb8;
	[tilespmem:$0x1F300] =	vst v63  }
0xfb: {  	s25 =	simm.s32 $0x3400  }
0xfc: {  	[spmem:s2] =	stream.indirect.scatter.add.f32 [tilespmem:s25], [sflag:$0x2], $0x10, s15, s14, $0xb8;
	[tilespmem:$0x1F300] =	vst v63  }
0xfd: {  	_ =	swait.ge [sflag:s19], $0x800  }
0xfe: {  	[sflag:s19] =	ssyncset.done $0x0  }
0xff: {  	[sflag:s19] =	ssyncadd.s32 $0xFFFFF800  }
0x100: {  	_ =	swait.ge [sflag:s19], $0x800  }
0x101: {  	[sflag:s19] =	ssyncset.done $0x0  }
0x102: {  	[sflag:s19] =	ssyncadd.s32 $0xFFFFF800  }
0x103: {  	_ =	swait.ge [sflag:s19], $0x800  }
0x104: {  	[sflag:s19] =	ssyncset.done $0x0  }
0x105: {  	[sflag:s19] =	ssyncadd.s32 $0xFFFFF800  }
0x106: {  	_ =	swait.ge [sflag:s19], $0x800  }
0x107: {  	[sflag:s19] =	ssyncset.done $0x0  }
0x108: {  	[sflag:s19] =	ssyncadd.s32 $0xFFFFF800  }
0x109: {  	_ =	swait.ge [sflag:s19], $0x800  }
0x10a: {  	[sflag:s19] =	ssyncset.done $0x0  }
0x10b: {  	[sflag:s19] =	ssyncadd.s32 $0xFFFFF800  }
0x10c: {  	_ =	swait.ge [sflag:s19], $0x800  }
0x10d: {  	[sflag:s19] =	ssyncset.done $0x0  }
0x10e: {  	s9 =	sadd.s32 $0xC0, s9;
	[sflag:s19] =	ssyncadd.s32 $0xFFFFF800  }
0x10f: {  	[tilespmem:s4], [sflag:$0x3] =	stream.linear.gather [hbm4b:s9+s4], $0x300, $0x38;
	[tilespmem:$0x1F300] =	vst v63  }
0x110: {  	_ =	swait.ge [sflag:s12], $0x300  }
0x111: {  	[sflag:s12] =	ssyncset.done $0x0  }
0x112: {  	s9 =	sadd.s32 $0xC0, s10;
	[sflag:s12] =	ssyncadd.s32 $0xFFFFFD00  }
0x113: {  	[tilespmem:s11], [sflag:$0x3] =	stream.linear.gather [hbm4b:s9+s4], $0x300, $0x38;
	[tilespmem:$0x1F300] =	vst v63  }
0x114: {  	_ =	swait.ge [sflag:s12], $0x300  }
0x115: {  	[sflag:s12] =	ssyncset.done $0x0  }
0x116: {  	[sflag:s12] =	ssyncadd.s32 $0xFFFFFD00  }
0x117: {  	[tilespmem:s16], [sflag:$0x1] =	stream.indirect.gather [hbm4b:s8+s14], $0x10, s4, s14, $0xb8;
	[tilespmem:$0x1F300] =	vst v63  }
0x118: {  	_ = 	snop  }
0x119: {  	[tilespmem:s18], [sflag:$0x1] =	stream.indirect.gather [hbm4b:s8+s14], $0x10, s14, s14, $0xb8;
	[tilespmem:$0x1F300] =	vst v63  }
0x11a: {  	s10 =	simm.s32 $0x100  }
0x11b: {  	[tilespmem:s20], [sflag:$0x1] =	stream.indirect.gather [hbm4b:s8+s14], $0x10, s10, s14, $0xb8;
	[tilespmem:$0x1F300] =	vst v63  }
0x11c: {  	s11 =	simm.s32 $0x180  }
0x11d: {  	[tilespmem:s22], [sflag:$0x1] =	stream.indirect.gather [hbm4b:s8+s14], $0x10, s11, s14, $0xb8;
	[tilespmem:$0x1F300] =	vst v63  }
0x11e: {  	s16 =	simm.s32 $0x200  }
0x11f: {  	[tilespmem:s24], [sflag:$0x1] =	stream.indirect.gather [hbm4b:s8+s14], $0x10, s16, s14, $0xb8;
	[tilespmem:$0x1F300] =	vst v63  }
0x120: {  	s18 =	simm.s32 $0x280  }
0x121: {  	[tilespmem:s25], [sflag:$0x1] =	stream.indirect.gather [hbm4b:s8+s14], $0x10, s18, s14, $0xb8;
	[tilespmem:$0x1F300] =	vst v63  }
0x122: {  	_ =	swait.ge [sflag:s1], $0x800  }
0x123: {  	[sflag:s1] =	ssyncset.done $0x0  }
0x124: {  	[sflag:s1] =	ssyncadd.s32 $0xFFFFF800  }
0x125: {  	_ =	swait.ge [sflag:s1], $0x800  }
0x126: {  	[sflag:s1] =	ssyncset.done $0x0  }
0x127: {  	[sflag:s1] =	ssyncadd.s32 $0xFFFFF800  }
0x128: {  	_ =	swait.ge [sflag:s1], $0x800  }
0x129: {  	[sflag:s1] =	ssyncset.done $0x0  }
0x12a: {  	[sflag:s1] =	ssyncadd.s32 $0xFFFFF800  }
0x12b: {  	_ =	swait.ge [sflag:s1], $0x800  }
0x12c: {  	[sflag:s1] =	ssyncset.done $0x0  }
0x12d: {  	[sflag:s1] =	ssyncadd.s32 $0xFFFFF800  }
0x12e: {  	_ =	swait.ge [sflag:s1], $0x800  }
0x12f: {  	[sflag:s1] =	ssyncset.done $0x0  }
0x130: {  	[sflag:s1] =	ssyncadd.s32 $0xFFFFF800  }
0x131: {  	_ =	swait.ge [sflag:s1], $0x800  }
0x132: {  	[sflag:s1] =	ssyncset.done $0x0  }
0x133: {  	[sflag:s1] =	ssyncadd.s32 $0xFFFFF800  }
0x134: {  	[spmem:s2] =	stream.indirect.scatter.add.f32 [tilespmem:s28], [sflag:$0x2], $0x10, s26, s14, $0xb8;
	[tilespmem:$0x1F300] =	vst v63  }
0x135: {  	s5 =	smov.u32 s23;
	s23 =	sadd.s32 $0xC0, s23;
	s20 =	rddreg [dreg:$0x9]  }
0x136: {  	[spmem:s2] =	stream.indirect.scatter.add.f32 [tilespmem:s29], [sflag:$0x2], $0x10, s20, s14, $0xb8;
	[tilespmem:$0x1F300] =	vst v63  }
0x137: {  	p1 =	sne.s32 s23, $0x30C0;
	s22 =	rddreg [dreg:$0xa]  }
0x138: {  	[spmem:s2] =	stream.indirect.scatter.add.f32 [tilespmem:s30], [sflag:$0x2], $0x10, s22, s14, $0xb8;
	[tilespmem:$0x1F300] =	vst v63  }
.Ltmp0:
0x139: {  	s24 =	rddreg [dreg:$0xb];
	(pc) =	sbr.rel @p1 .LBB2_2-.Ltmp0, $4  }
0x13a: {  	p2 =	seq.s32 s5, $0x0;
	s25 =	rddreg [dreg:$0xc]  }
0x13b: {  	[spmem:s2] =	stream.indirect.scatter.add.f32 [tilespmem:s31], [sflag:$0x2], $0x10, s24, s14, $0xb8;
	[tilespmem:$0x1F300] =	vst v63  }
0x13c: {  	p0 =	por p2, p2;
	s21 =	smov.u32 s5;
	s9 =	rddreg [dreg:$0xd]  }
0x13d: {  	[spmem:s2] =	stream.indirect.scatter.add.f32 [tilespmem:s0], [sflag:$0x2], $0x10, s25, s14, $0xb8;
	[tilespmem:$0x1F300] =	vst v63  }
0x13e: {  	[spmem:s2] =	stream.indirect.scatter.add.f32 [tilespmem:s3], [sflag:$0x2], $0x10, s9, s14, $0xb8;
	[tilespmem:$0x1F300] =	vst v63  }
0x13f: {  	s5 =	simm.s32 @!p0 $0x2  }
0x140: {  	_ =	swait.ge @!p0 [sflag:s5], $0x800  }
0x141: {  	[sflag:s5] =	ssyncset.done @!p0 $0x0  }
0x142: {  	[sflag:s5] =	ssyncadd.s32 @!p0 $0xFFFFF800  }
0x143: {  	_ =	swait.ge @!p0 [sflag:s5], $0x800  }
0x144: {  	[sflag:s5] =	ssyncset.done @!p0 $0x0  }
0x145: {  	[sflag:s5] =	ssyncadd.s32 @!p0 $0xFFFFF800  }
0x146: {  	_ =	swait.ge @!p0 [sflag:s5], $0x800  }
0x147: {  	[sflag:s5] =	ssyncset.done @!p0 $0x0  }
0x148: {  	[sflag:s5] =	ssyncadd.s32 @!p0 $0xFFFFF800  }
0x149: {  	_ =	swait.ge @!p0 [sflag:s5], $0x800  }
0x14a: {  	[sflag:s5] =	ssyncset.done @!p0 $0x0  }
0x14b: {  	[sflag:s5] =	ssyncadd.s32 @!p0 $0xFFFFF800  }
0x14c: {  	_ =	swait.ge @!p0 [sflag:s5], $0x800  }
0x14d: {  	[sflag:s5] =	ssyncset.done @!p0 $0x0  }
0x14e: {  	[sflag:s5] =	ssyncadd.s32 @!p0 $0xFFFFF800  }
0x14f: {  	_ =	swait.ge @!p0 [sflag:s5], $0x800  }
0x150: {  	s6 =	rddreg [dreg:$0xe]  }
0x151: {  	[sflag:s5] =	ssyncset.done @!p0 $0x0;
	s25 =	sadd.s32 s21, s6  }
0x152: {  	s18 =	simm.s32 $0x300;
	[sflag:s5] =	ssyncadd.s32 @!p0 $0xFFFFF800;
	s17 =	sadd.s32 $0x60, s25  }
0x153: {  	[tilespmem:s18], [sflag:$0x3] =	stream.linear.gather [hbm4b:s17+s4], $0x300, $0x38;
	[tilespmem:$0x1F300] =	vst v63  }
0x154: {  	_ =	swait.ge [sflag:s12], $0x300  }
0x155: {  	s20 =	rddreg [dreg:$0xf]  }
0x156: {  	[sflag:s12] =	ssyncset.done $0x0;
	s10 =	sadd.s32 s21, s20  }
0x157: {  	[sflag:s12] =	ssyncadd.s32 $0xFFFFFD00;
	s5 =	sadd.s32 $0x60, s10  }
0x158: {  	[tilespmem:s26], [sflag:$0x3] =	stream.linear.gather [hbm4b:s5+s4], $0x300, $0x38;
	[tilespmem:$0x1F300] =	vst v63  }
0x159: {  	_ =	swait.ge [sflag:s12], $0x300  }
0x15a: {  	[sflag:s12] =	ssyncset.done $0x0  }
0x15b: {  	[sflag:s12] =	ssyncadd.s32 $0xFFFFFD00  }
0x15c: {  	[tilespmem:s28], [sflag:$0x1] =	stream.indirect.gather [hbm4b:s8+s14], $0x10, s18, s14, $0xb8;
	[tilespmem:$0x1F300] =	vst v63  }
0x15d: {  	s21 =	rddreg [dreg:$0x4]  }
0x15e: {  	[tilespmem:s29], [sflag:$0x1] =	stream.indirect.gather [hbm4b:s8+s14], $0x10, s21, s14, $0xb8;
	[tilespmem:$0x1F300] =	vst v63  }
0x15f: {  	s11 =	rddreg [dreg:$0x5]  }
0x160: {  	[tilespmem:s30], [sflag:$0x1] =	stream.indirect.gather [hbm4b:s8+s14], $0x10, s11, s14, $0xb8;
	[tilespmem:$0x1F300] =	vst v63  }
0x161: {  	s22 =	rddreg [dreg:$0x6]  }
0x162: {  	[tilespmem:s31], [sflag:$0x1] =	stream.indirect.gather [hbm4b:s8+s14], $0x10, s22, s14, $0xb8;
	[tilespmem:$0x1F300] =	vst v63  }
0x163: {  	s23 =	rddreg [dreg:$0x7]  }
0x164: {  	[tilespmem:s0], [sflag:$0x1] =	stream.indirect.gather [hbm4b:s8+s14], $0x10, s23, s14, $0xb8;
	[tilespmem:$0x1F300] =	vst v63  }
0x165: {  	s24 =	rddreg [dreg:$0x8]  }
0x166: {  	[tilespmem:s3], [sflag:$0x1] =	stream.indirect.gather [hbm4b:s8+s14], $0x10, s24, s14, $0xb8;
	[tilespmem:$0x1F300] =	vst v63  }
0x167: {  	_ =	swait.ge [sflag:s1], $0x800  }
0x168: {  	[sflag:s1] =	ssyncset.done $0x0  }
0x169: {  	[sflag:s1] =	ssyncadd.s32 $0xFFFFF800  }
0x16a: {  	_ =	swait.ge [sflag:s1], $0x800  }
0x16b: {  	[sflag:s1] =	ssyncset.done $0x0  }
0x16c: {  	[sflag:s1] =	ssyncadd.s32 $0xFFFFF800  }
0x16d: {  	_ =	swait.ge [sflag:s1], $0x800  }
0x16e: {  	[sflag:s1] =	ssyncset.done $0x0  }
0x16f: {  	[sflag:s1] =	ssyncadd.s32 $0xFFFFF800  }
0x170: {  	_ =	swait.ge [sflag:s1], $0x800  }
0x171: {  	[sflag:s1] =	ssyncset.done $0x0  }
0x172: {  	[sflag:s1] =	ssyncadd.s32 $0xFFFFF800  }
0x173: {  	_ =	swait.ge [sflag:s1], $0x800  }
0x174: {  	[sflag:s1] =	ssyncset.done $0x0  }
0x175: {  	[sflag:s1] =	ssyncadd.s32 $0xFFFFF800  }
0x176: {  	_ =	swait.ge [sflag:s1], $0x800  }
0x177: {  	[sflag:s1] =	ssyncset.done $0x0  }
0x178: {  	s7 =	simm.s32 $0xC00;
	s6 =	simm.s32 $0x600;
	[sflag:s1] =	ssyncadd.s32 $0xFFFFF800  }
0x179: {  	[spmem:s2] =	stream.indirect.scatter.add.f32 [tilespmem:s7], [sflag:$0x2], $0x10, s6, s14, $0xb8;
	[tilespmem:$0x1F300] =	vst v63  }
0x17a: {  	s13 =	simm.s32 $0x1400;
	s11 =	simm.s32 $0x680  }
0x17b: {  	[spmem:s2] =	stream.indirect.scatter.add.f32 [tilespmem:s13], [sflag:$0x2], $0x10, s11, s14, $0xb8;
	[tilespmem:$0x1F300] =	vst v63  }
0x17c: {  	s15 =	simm.s32 $0x1C00;
	s21 =	simm.s32 $0x700  }
0x17d: {  	[spmem:s2] =	stream.indirect.scatter.add.f32 [tilespmem:s15], [sflag:$0x2], $0x10, s21, s14, $0xb8;
	[tilespmem:$0x1F300] =	vst v63  }
0x17e: {  	s16 =	simm.s32 $0x2400;
	s23 =	simm.s32 $0x780  }
0x17f: {  	[spmem:s2] =	stream.indirect.scatter.add.f32 [tilespmem:s16], [sflag:$0x2], $0x10, s23, s14, $0xb8;
	[tilespmem:$0x1F300] =	vst v63  }
0x180: {  	s18 =	simm.s32 $0x2C00;
	s22 =	simm.s32 $0x800  }
0x181: {  	[spmem:s2] =	stream.indirect.scatter.add.f32 [tilespmem:s18], [sflag:$0x2], $0x10, s22, s14, $0xb8;
	[tilespmem:$0x1F300] =	vst v63  }
0x182: {  	s20 =	simm.s32 $0x3400;
	s24 =	simm.s32 $0x880  }
0x183: {  	[spmem:s2] =	stream.indirect.scatter.add.f32 [tilespmem:s20], [sflag:$0x2], $0x10, s24, s14, $0xb8;
	[tilespmem:$0x1F300] =	vst v63  }
0x184: {  	_ =	swait.ge [sflag:s19], $0x800  }
0x185: {  	[sflag:s19] =	ssyncset.done $0x0  }
0x186: {  	[sflag:s19] =	ssyncadd.s32 $0xFFFFF800  }
0x187: {  	_ =	swait.ge [sflag:s19], $0x800  }
0x188: {  	[sflag:s19] =	ssyncset.done $0x0  }
0x189: {  	[sflag:s19] =	ssyncadd.s32 $0xFFFFF800  }
0x18a: {  	_ =	swait.ge [sflag:s19], $0x800  }
0x18b: {  	[sflag:s19] =	ssyncset.done $0x0  }
0x18c: {  	[sflag:s19] =	ssyncadd.s32 $0xFFFFF800  }
0x18d: {  	_ =	swait.ge [sflag:s19], $0x800  }
0x18e: {  	[sflag:s19] =	ssyncset.done $0x0  }
0x18f: {  	[sflag:s19] =	ssyncadd.s32 $0xFFFFF800  }
0x190: {  	_ =	swait.ge [sflag:s19], $0x800  }
0x191: {  	[sflag:s19] =	ssyncset.done $0x0  }
0x192: {  	[sflag:s19] =	ssyncadd.s32 $0xFFFFF800  }
0x193: {  	_ =	swait.ge [sflag:s19], $0x800  }
0x194: {  	[sflag:s19] =	ssyncset.done $0x0  }
0x195: {  	s25 =	sadd.s32 $0xC0, s25;
	[sflag:s19] =	ssyncadd.s32 $0xFFFFF800  }
0x196: {  	[tilespmem:s4], [sflag:$0x3] =	stream.linear.gather [hbm4b:s25+s4], $0x300, $0x38;
	[tilespmem:$0x1F300] =	vst v63  }
0x197: {  	_ =	swait.ge [sflag:s12], $0x300  }
0x198: {  	[sflag:s12] =	ssyncset.done $0x0  }
0x199: {  	s9 =	sadd.s32 $0xC0, s10;
	[sflag:s12] =	ssyncadd.s32 $0xFFFFFD00  }
0x19a: {  	[tilespmem:s6], [sflag:$0x3] =	stream.linear.gather [hbm4b:s9+s4], $0x300, $0x38;
	[tilespmem:$0x1F300] =	vst v63  }
0x19b: {  	_ =	swait.ge [sflag:s12], $0x300  }
0x19c: {  	[sflag:s12] =	ssyncset.done $0x0  }
0x19d: {  	[sflag:s12] =	ssyncadd.s32 $0xFFFFFD00  }
0x19e: {  	[tilespmem:s7], [sflag:$0x1] =	stream.indirect.gather [hbm4b:s8+s14], $0x10, s4, s14, $0xb8;
	[tilespmem:$0x1F300] =	vst v63  }
0x19f: {  	_ = 	snop  }
0x1a0: {  	[tilespmem:s13], [sflag:$0x1] =	stream.indirect.gather [hbm4b:s8+s14], $0x10, s14, s14, $0xb8;
	[tilespmem:$0x1F300] =	vst v63  }
0x1a1: {  	s10 =	simm.s32 $0x100  }
0x1a2: {  	[tilespmem:s15], [sflag:$0x1] =	stream.indirect.gather [hbm4b:s8+s14], $0x10, s10, s14, $0xb8;
	[tilespmem:$0x1F300] =	vst v63  }
0x1a3: {  	s17 =	simm.s32 $0x180  }
0x1a4: {  	[tilespmem:s16], [sflag:$0x1] =	stream.indirect.gather [hbm4b:s8+s14], $0x10, s17, s14, $0xb8;
	[tilespmem:$0x1F300] =	vst v63  }
0x1a5: {  	s25 =	simm.s32 $0x200  }
0x1a6: {  	[tilespmem:s18], [sflag:$0x1] =	stream.indirect.gather [hbm4b:s8+s14], $0x10, s25, s14, $0xb8;
	[tilespmem:$0x1F300] =	vst v63  }
0x1a7: {  	s9 =	simm.s32 $0x280  }
0x1a8: {  	[tilespmem:s20], [sflag:$0x1] =	stream.indirect.gather [hbm4b:s8+s14], $0x10, s9, s14, $0xb8;
	[tilespmem:$0x1F300] =	vst v63  }
0x1a9: {  	_ =	swait.ge [sflag:s1], $0x800  }
0x1aa: {  	[sflag:s1] =	ssyncset.done $0x0  }
0x1ab: {  	[sflag:s1] =	ssyncadd.s32 $0xFFFFF800  }
0x1ac: {  	_ =	swait.ge [sflag:s1], $0x800  }
0x1ad: {  	[sflag:s1] =	ssyncset.done $0x0  }
0x1ae: {  	[sflag:s1] =	ssyncadd.s32 $0xFFFFF800  }
0x1af: {  	_ =	swait.ge [sflag:s1], $0x800  }
0x1b0: {  	[sflag:s1] =	ssyncset.done $0x0  }
0x1b1: {  	[sflag:s1] =	ssyncadd.s32 $0xFFFFF800  }
0x1b2: {  	_ =	swait.ge [sflag:s1], $0x800  }
0x1b3: {  	[sflag:s1] =	ssyncset.done $0x0  }
0x1b4: {  	[sflag:s1] =	ssyncadd.s32 $0xFFFFF800  }
0x1b5: {  	_ =	swait.ge [sflag:s1], $0x800  }
0x1b6: {  	[sflag:s1] =	ssyncset.done $0x0  }
0x1b7: {  	[sflag:s1] =	ssyncadd.s32 $0xFFFFF800  }
0x1b8: {  	_ =	swait.ge [sflag:s1], $0x800  }
0x1b9: {  	[sflag:s1] =	ssyncset.done $0x0  }
0x1ba: {  	[sflag:s1] =	ssyncadd.s32 $0xFFFFF800  }
0x1bb: {  	[spmem:s2] =	stream.indirect.scatter.add.f32 [tilespmem:s28], [sflag:$0x2], $0x10, s26, s14, $0xb8;
	[tilespmem:$0x1F300] =	vst v63  }
0x1bc: {  	s10 =	rddreg [dreg:$0x9]  }
0x1bd: {  	[spmem:s2] =	stream.indirect.scatter.add.f32 [tilespmem:s29], [sflag:$0x2], $0x10, s10, s14, $0xb8;
	[tilespmem:$0x1F300] =	vst v63  }
0x1be: {  	s17 =	rddreg [dreg:$0xa]  }
0x1bf: {  	[spmem:s2] =	stream.indirect.scatter.add.f32 [tilespmem:s30], [sflag:$0x2], $0x10, s17, s14, $0xb8;
	[tilespmem:$0x1F300] =	vst v63  }
0x1c0: {  	s25 =	rddreg [dreg:$0xb]  }
0x1c1: {  	[spmem:s2] =	stream.indirect.scatter.add.f32 [tilespmem:s31], [sflag:$0x2], $0x10, s25, s14, $0xb8;
	[tilespmem:$0x1F300] =	vst v63  }
0x1c2: {  	s10 =	rddreg [dreg:$0xc]  }
0x1c3: {  	[spmem:s2] =	stream.indirect.scatter.add.f32 [tilespmem:s0], [sflag:$0x2], $0x10, s10, s14, $0xb8;
	[tilespmem:$0x1F300] =	vst v63  }
0x1c4: {  	s17 =	rddreg [dreg:$0xd]  }
0x1c5: {  	[spmem:s2] =	stream.indirect.scatter.add.f32 [tilespmem:s3], [sflag:$0x2], $0x10, s17, s14, $0xb8;
	[tilespmem:$0x1F300] =	vst v63  }
0x1c6: {  	_ =	swait.ge [sflag:s19], $0x800  }
0x1c7: {  	[sflag:s19] =	ssyncset.done $0x0  }
0x1c8: {  	[sflag:s19] =	ssyncadd.s32 $0xFFFFF800  }
0x1c9: {  	_ =	swait.ge [sflag:s19], $0x800  }
0x1ca: {  	[sflag:s19] =	ssyncset.done $0x0  }
0x1cb: {  	[sflag:s19] =	ssyncadd.s32 $0xFFFFF800  }
0x1cc: {  	_ =	swait.ge [sflag:s19], $0x800  }
0x1cd: {  	[sflag:s19] =	ssyncset.done $0x0  }
0x1ce: {  	[sflag:s19] =	ssyncadd.s32 $0xFFFFF800  }
0x1cf: {  	_ =	swait.ge [sflag:s19], $0x800  }
0x1d0: {  	[sflag:s19] =	ssyncset.done $0x0  }
0x1d1: {  	[sflag:s19] =	ssyncadd.s32 $0xFFFFF800  }
0x1d2: {  	_ =	swait.ge [sflag:s19], $0x800  }
0x1d3: {  	[sflag:s19] =	ssyncset.done $0x0  }
0x1d4: {  	[sflag:s19] =	ssyncadd.s32 $0xFFFFF800  }
0x1d5: {  	_ =	swait.ge [sflag:s19], $0x800  }
0x1d6: {  	[sflag:s19] =	ssyncset.done $0x0  }
0x1d7: {  	[sflag:s19] =	ssyncadd.s32 $0xFFFFF800  }
0x1d8: {  	_ =	swait.ge [sflag:s1], $0x800  }
0x1d9: {  	[sflag:s1] =	ssyncset.done $0x0  }
0x1da: {  	[sflag:s1] =	ssyncadd.s32 $0xFFFFF800  }
0x1db: {  	_ =	swait.ge [sflag:s1], $0x800  }
0x1dc: {  	[sflag:s1] =	ssyncset.done $0x0  }
0x1dd: {  	[sflag:s1] =	ssyncadd.s32 $0xFFFFF800  }
0x1de: {  	_ =	swait.ge [sflag:s1], $0x800  }
0x1df: {  	[sflag:s1] =	ssyncset.done $0x0  }
0x1e0: {  	[sflag:s1] =	ssyncadd.s32 $0xFFFFF800  }
0x1e1: {  	_ =	swait.ge [sflag:s1], $0x800  }
0x1e2: {  	[sflag:s1] =	ssyncset.done $0x0  }
0x1e3: {  	[sflag:s1] =	ssyncadd.s32 $0xFFFFF800  }
0x1e4: {  	_ =	swait.ge [sflag:s1], $0x800  }
0x1e5: {  	[sflag:s1] =	ssyncset.done $0x0  }
0x1e6: {  	[sflag:s1] =	ssyncadd.s32 $0xFFFFF800  }
0x1e7: {  	_ =	swait.ge [sflag:s1], $0x800  }
0x1e8: {  	[sflag:s1] =	ssyncset.done $0x0  }
0x1e9: {  	[sflag:s1] =	ssyncadd.s32 $0xFFFFF800  }
0x1ea: {  	[spmem:s2] =	stream.indirect.scatter.add.f32 [tilespmem:s7], [sflag:$0x2], $0x10, s6, s14, $0xb8;
	[tilespmem:$0x1F300] =	vst v63  }
0x1eb: {  	_ = 	snop  }
0x1ec: {  	[spmem:s2] =	stream.indirect.scatter.add.f32 [tilespmem:s13], [sflag:$0x2], $0x10, s11, s14, $0xb8;
	[tilespmem:$0x1F300] =	vst v63  }
0x1ed: {  	_ = 	snop  }
0x1ee: {  	[spmem:s2] =	stream.indirect.scatter.add.f32 [tilespmem:s15], [sflag:$0x2], $0x10, s21, s14, $0xb8;
	[tilespmem:$0x1F300] =	vst v63  }
0x1ef: {  	_ = 	snop  }
0x1f0: {  	[spmem:s2] =	stream.indirect.scatter.add.f32 [tilespmem:s16], [sflag:$0x2], $0x10, s23, s14, $0xb8;
	[tilespmem:$0x1F300] =	vst v63  }
0x1f1: {  	_ = 	snop  }
0x1f2: {  	[spmem:s2] =	stream.indirect.scatter.add.f32 [tilespmem:s18], [sflag:$0x2], $0x10, s22, s14, $0xb8;
	[tilespmem:$0x1F300] =	vst v63  }
0x1f3: {  	_ = 	snop  }
0x1f4: {  	[spmem:s2] =	stream.indirect.scatter.add.f32 [tilespmem:s20], [sflag:$0x2], $0x10, s24, s14, $0xb8;
	[tilespmem:$0x1F300] =	vst v63  }
0x1f5: {  	_ =	swait.ge [sflag:s19], $0x800  }
0x1f6: {  	[sflag:s19] =	ssyncset.done $0x0  }
0x1f7: {  	[sflag:s19] =	ssyncadd.s32 $0xFFFFF800  }
0x1f8: {  	_ =	swait.ge [sflag:s19], $0x800  }
0x1f9: {  	[sflag:s19] =	ssyncset.done $0x0  }
0x1fa: {  	[sflag:s19] =	ssyncadd.s32 $0xFFFFF800  }
0x1fb: {  	_ =	swait.ge [sflag:s19], $0x800  }
0x1fc: {  	[sflag:s19] =	ssyncset.done $0x0  }
0x1fd: {  	[sflag:s19] =	ssyncadd.s32 $0xFFFFF800  }
0x1fe: {  	_ =	swait.ge [sflag:s19], $0x800  }
0x1ff: {  	[sflag:s19] =	ssyncset.done $0x0  }
0x200: {  	[sflag:s19] =	ssyncadd.s32 $0xFFFFF800  }
0x201: {  	_ =	swait.ge [sflag:s19], $0x800  }
0x202: {  	[sflag:s19] =	ssyncset.done $0x0  }
0x203: {  	[sflag:s19] =	ssyncadd.s32 $0xFFFFF800  }
0x204: {  	_ =	swait.ge [sflag:s19], $0x800  }
0x205: {  	[sflag:s19] =	ssyncset.done $0x0  }
0x206: {  	[sflag:s19] =	ssyncadd.s32 $0xFFFFF800  }
0x207: {  	[bflag:$0x0] =	sbarrier.arrive $0xFFFF  }
0x208: {  	s9 =	rddreg [dreg:$0x10]  }
0x209: {  	s23 =	rddreg [dreg:$0x11]  }
0x20a: {  	s10 =	rddreg [dreg:$0x13]  }
0x20b: {  	[hbm:s23], [sflag:s9] =	dma.local [spmem:s10], $0x30E0  }
0x20c: {  	_ =	swait.ge [sflag:s12], $0x30E0  }
0x20d: {  	s24 =	rddreg [dreg:$0x14]  }
0x20e: {  	s25 =	rddreg [dreg:$0x12];
	s11 =	sadd.s32 $0x1, s24  }
0x20f: {  	p0 =	sne.s32 s11, s25  }
.Ltmp1:
0x210: {  	_ = 	snop;
	(pc) =	sbr.rel @p0 .LBB2_1-.Ltmp1, $4  }
0x211: {  	_ = 	snop  }
0x212: {  	s17 =	simm.s32 $0x680  }
0x213: {  	s6 =	simm.s32 $0x700;
	s7 =	simm.s32 $0x800;
	[sflag:s12] =	ssyncset.done $0x0  }
0x214: {  	s13 =	simm.s32 $0x780;
	s15 =	simm.s32 $0x880;
	[sflag:s12] =	ssyncadd.s32 $0xFFFFCF20  }
0x215: {  	_ =	sfence.sel $0x180000  }
0x216: {  	[bflag:$0x0] =	sbarrier.arrive $0xFFFF  }
0x217: {  	_ =	strace $0x9000004A  }
0x218: {  	s0 =	stileid.u32;
	[bflag:$0x2] =	sbarrier.arrive $0xFFFF  }
0x219: {  	p0 =	sne.s32 s0, $0x0;
	s0 =	rddreg [dreg:$0x3]  }
0x21a: {  	s0 =	sadd.s32 @!p0 $0x100000, s0  }
0x21b: {  	[sflag:s0] =	ssyncadd.tile.s32 @!p0 $0x1;
	_ =	shalt  }
.Lfunc_end2:
_tile_overlayer_lowered:
.L_overlay_start_2:
0x21c: {  	(tag) =	ssettag $0x2  }
0x21d: {  	s0 =	rddreg [dreg:$0x0];
	s2 =	stileid.u32  }
0x21e: {  	s1 =	rddreg [dreg:$0x1];
	p0 =	sne.s32 s2, $0x0  }
0x21f: {  	s3 =	rddreg [dreg:$0x2];
	[bflag:$0x3] =	sbarrier.arrive $0xFFFF;
	s2 =	simm.s32 @!p0 $0x1C03  }
0x220: {  	[timem:s3], [sflag:s2] =	dma.local @!p0 [hbm:s0], s1  }
0x221: {  	s0 =	simm.s32 @!p0 $0x3  }
0x222: {  	_ =	swait.ge @!p0 [sflag:s0], s1  }
0x223: {  	s1 =	ssub.s32 @!p0 $0x0, s1;
	[sflag:s0] =	ssyncset.done @!p0 $0x0  }
0x224: {  	[sflag:s0] =	ssyncadd.s32 @!p0 s1  }
0x225: {  	[bflag:$0x3] =	sbarrier.arrive $0xFFFF  }
0x226: {  	_ =	shalt  }

</sc_bundles>
